<compile_context>
chip_gen: v7x
topology: tpu7x:2x2x1
jax: 0.10.2.dev20260603
libtpu: 0.0.44.dev20260713+nightly
codegen_flags: <defaults>
</compile_context>

<pallas_src>
import functools

import jax
import jax.numpy as jnp
from jax import lax
from jax.experimental import pallas as pl
from jax.experimental.pallas import tpu as pltpu
from jax.experimental.pallas import tpu_sc as plsc

NC = 2
NS = 16
NW = NC * NS
L = 16

B = 80
ZC = 80

_SC_PARAMS = pltpu.CompilerParams(use_tc_tiling_on_sc=False)


def _zero_2d(ref, nrows, ncols):
    z = jnp.zeros((L,), jnp.float32)

    def row(r, _):
        def col(c, __):
            ref[r, pl.ds(c * L, L)] = z
            return 0

        return lax.fori_loop(0, ncols // L, col, 0)

    lax.fori_loop(0, nrows, row, 0)


def _fill_2d(ref, nrows, ncols, value):
    v = jnp.full((L,), value, jnp.float32)

    def row(r, _):
        def col(c, __):
            ref[r, pl.ds(c * L, L)] = v
            return 0

        return lax.fori_loop(0, ncols // L, col, 0)

    lax.fori_loop(0, nrows, row, 0)


def _make_sc_deg(n_pad, nb):
    rps = n_pad // NS
    mesh = plsc.VectorSubcoreMesh(core_axis_name="c", subcore_axis_name="s")

    def body(ei_hbm, deg_out, dst_v, ones_v, deg_sh, sem):
        c = lax.axis_index("c")
        s = lax.axis_index("s")
        wid = c * NS + s
        row0 = s * rps

        pltpu.sync_copy(ei_hbm.at[1, wid], dst_v)
        _zero_2d(ones_v, B, L)
        for k in range(rps // ZC):
            pltpu.sync_copy(ones_v.at[pl.ds(0, ZC)],
                            deg_sh.at[pl.ds(row0 + k * ZC, ZC)])
        _fill_2d(ones_v, B, L, 1.0)
        plsc.subcore_barrier()

        def fire(j, _):
            pltpu.async_copy(ones_v, deg_sh.at[dst_v.at[j]], sem, add=True)
            return 0

        lax.fori_loop(0, nb, fire, 0)

        def drain(j, _):
            pltpu.make_async_copy(ones_v, deg_sh.at[dst_v.at[j]], sem).wait()
            return 0

        lax.fori_loop(0, nb, drain, 0)
        plsc.subcore_barrier()
        pltpu.sync_copy(deg_sh.at[pl.ds(row0, rps)],
                        deg_out.at[c, pl.ds(row0, rps)])

    return pl.kernel(
        body,
        out_type=jax.ShapeDtypeStruct((NC, n_pad, L), jnp.float32),
        mesh=mesh,
        scratch_types=[
            pltpu.VMEM((nb, B), jnp.int32),
            pltpu.VMEM((B, L), jnp.float32),
            pltpu.VMEM_SHARED((n_pad, L), jnp.float32),
            pltpu.SemaphoreType.DMA,
        ],
        compiler_params=_SC_PARAMS,
    )


def _make_sc_scatter5(n_pad, d, nb, col_split=False):
    assert nb % 5 == 0 and nb >= 15
    rps = n_pad // NS
    mesh = plsc.VectorSubcoreMesh(core_axis_name="c", subcore_axis_name="s")

    def body(p_hbm, ei_hbm, acc_out,
             src_v, dst_v, r0, r1, r2, r3, r4,
             acc_sh, g0, g1, g2, g3, g4, s0, s1, s2, s3, s4):
        bufs = (r0, r1, r2, r3, r4)
        gsems = (g0, g1, g2, g3, g4)
        ssems = (s0, s1, s2, s3, s4)
        c = lax.axis_index("c")
        s = lax.axis_index("s")
        row0 = s * rps

        if col_split:
            pltpu.sync_copy(ei_hbm.at[0, s], src_v)
            pltpu.sync_copy(ei_hbm.at[1, s], dst_v)
            nbv, bv = src_v.shape

            def fix_row(r, _):
                def fix_col(k, __):
                    sl = src_v[r, pl.ds(k * L, L)]
                    src_v[r, pl.ds(k * L, L)] = sl * 2 + c
                    return 0

                return lax.fori_loop(0, bv // L, fix_col, 0)

            lax.fori_loop(0, nbv, fix_row, 0)
            pv = p_hbm
        else:
            wid = c * NS + s
            pltpu.sync_copy(ei_hbm.at[0, wid], src_v)
            pltpu.sync_copy(ei_hbm.at[1, wid], dst_v)
            pv = p_hbm

        _zero_2d(r0, B, d)
        for k in range(rps // ZC):
            pltpu.sync_copy(r0.at[pl.ds(0, ZC)],
                            acc_sh.at[pl.ds(row0 + k * ZC, ZC)])
        plsc.subcore_barrier()

        def gather(j, kb):
            pltpu.async_copy(pv.at[src_v.at[j]], bufs[kb], gsems[kb])

        def wait_gather(j, kb):
            pltpu.make_async_copy(pv.at[src_v.at[j]], bufs[kb],
                                  gsems[kb]).wait()

        def scatter(j, kb):
            pltpu.async_copy(bufs[kb], acc_sh.at[dst_v.at[j]], ssems[kb],
                             add=True)

        def wait_scatter(j, kb):
            pltpu.make_async_copy(bufs[kb], acc_sh.at[dst_v.at[j]],
                                  ssems[kb]).wait()

        gather(0, 0)
        gather(1, 1)

        for kb in range(5):
            if kb >= 3:
                wait_scatter(kb - 3, (kb - 3) % 5)
            gather(kb + 2, (kb + 2) % 5)
            wait_gather(kb, kb)
            scatter(kb, kb)

        def group(m, _):
            j0 = m * 5
            for kb in range(5):
                j = j0 + kb
                wait_scatter(j - 3, (kb + 2) % 5)
                gather(j + 2, (kb + 2) % 5)
                wait_gather(j, kb)
                scatter(j, kb)
            return 0

        lax.fori_loop(1, nb // 5 - 1, group, 0)

        jl = nb - 5
        for kb in range(5):
            j = jl + kb
            wait_scatter(j - 3, (kb + 2) % 5)
            if j + 2 <= nb - 1:
                gather(j + 2, (kb + 2) % 5)
            wait_gather(j, kb)
            scatter(j, kb)
        for j in range(nb - 3, nb):
            wait_scatter(j, j % 5)

        plsc.subcore_barrier()
        pltpu.sync_copy(acc_sh.at[pl.ds(row0, rps)],
                        acc_out.at[c, pl.ds(row0, rps)])

    return pl.kernel(
        body,
        out_type=jax.ShapeDtypeStruct((NC, n_pad, d), jnp.float32),
        mesh=mesh,
        scratch_types=(
            [pltpu.VMEM((nb, B), jnp.int32)] * 2
            + [pltpu.VMEM((B, d), jnp.float32)] * 5
            + [pltpu.VMEM_SHARED((n_pad, d), jnp.float32)]
            + [pltpu.SemaphoreType.DMA] * 10
        ),
        compiler_params=_SC_PARAMS,
    )


def _mm_in_body(x_ref, wl_ref, wr_ref, b_ref, p_ref, q_ref):
    x = x_ref[...]
    p_ref[...] = jnp.dot(x, wl_ref[...], precision=lax.Precision.HIGHEST,
                         preferred_element_type=jnp.float32)
    q_ref[...] = jnp.dot(x, wr_ref[...], precision=lax.Precision.HIGHEST,
                         preferred_element_type=jnp.float32) + b_ref[...]


def _mid_body(a_ref, dg_ref, q1_ref, wl_ref, wr_ref, b2_ref, p2_ref, q2_ref):
    acc = jnp.concatenate([a_ref[0], a_ref[1]], axis=1)
    deg = dg_ref[0, :, 0:1] + dg_ref[1, :, 0:1]
    inv = 1.0 / jnp.maximum(deg, 1.0)
    h = jnp.maximum(acc * inv + q1_ref[...], 0.0)
    p2_ref[...] = jnp.dot(h, wl_ref[...], precision=lax.Precision.HIGHEST,
                          preferred_element_type=jnp.float32)
    q2_ref[...] = jnp.dot(h, wr_ref[...], precision=lax.Precision.HIGHEST,
                          preferred_element_type=jnp.float32) + b2_ref[...]


def _out_body(n_classes, a_ref, dg_ref, q2_ref, o_ref):
    acc = a_ref[0] + a_ref[1]
    deg = dg_ref[0, :, 0:1] + dg_ref[1, :, 0:1]
    inv = 1.0 / jnp.maximum(deg, 1.0)
    logits = acc * inv + q2_ref[...]
    col = lax.broadcasted_iota(jnp.int32, logits.shape, 1)
    logits = jnp.where(col < n_classes, logits, -1e30)
    m = jnp.max(logits, axis=1, keepdims=True)
    lse = jnp.log(jnp.sum(jnp.exp(logits - m), axis=1, keepdims=True)) + m
    o_ref[...] = (logits - lse)[:, :n_classes]


def kernel(x, edge_index, W1_l, b1, W1_r, W2_l, b2, W2_r):
    n, d_in = x.shape
    d_hid = W1_l.shape[1]
    d_out = W2_l.shape[1]
    e = edge_index.shape[1]

    n_pad = ((n + NS * B - 1) // (NS * B)) * (NS * B)
    d2 = ((d_out + L - 1) // L) * L
    ew = e // NW
    nb = (ew + B - 1) // B
    ew_pad = nb * B

    assert ew_pad == ew, "edge count must divide evenly into blocks"
    nbt = (e // NS) // B
    eif = edge_index.astype(jnp.int32)
    ei = eif.reshape(2, NW, nb, B)
    ei16 = eif.reshape(2, NS, nbt, B)
    d_half = d_hid // 2

    W2_lp = jnp.pad(W2_l, ((0, 0), (0, d2 - d_out)))
    W2_rp = jnp.pad(W2_r, ((0, 0), (0, d2 - d_out)))
    b2p = jnp.pad(b2, (0, d2 - d_out)).reshape(1, d2)

    rows = 2000
    grid = (n // rows,)

    deg = _make_sc_deg(n_pad, nb)(ei)

    p1, q1 = pl.pallas_call(
        _mm_in_body,
        grid=grid,
        in_specs=[
            pl.BlockSpec((rows, d_in), lambda i: (i, 0)),
            pl.BlockSpec((d_in, d_hid), lambda i: (0, 0)),
            pl.BlockSpec((d_in, d_hid), lambda i: (0, 0)),
            pl.BlockSpec((1, d_hid), lambda i: (0, 0)),
        ],
        out_specs=[
            pl.BlockSpec((rows, d_hid), lambda i: (i, 0)),
            pl.BlockSpec((rows, d_hid), lambda i: (i, 0)),
        ],
        out_shape=[
            jax.ShapeDtypeStruct((n, d_hid), jnp.float32),
            jax.ShapeDtypeStruct((n, d_hid), jnp.float32),
        ],
    )(x, W1_l, W1_r, b1.reshape(1, d_hid))

    acc1 = _make_sc_scatter5(n_pad, d_half, nbt, col_split=True)(
        p1.reshape(2 * n, d_half), ei16)

    p2, q2 = pl.pallas_call(
        _mid_body,
        grid=grid,
        in_specs=[
            pl.BlockSpec((NC, rows, d_half), lambda i: (0, i, 0)),
            pl.BlockSpec((NC, rows, L), lambda i: (0, i, 0)),
            pl.BlockSpec((rows, d_hid), lambda i: (i, 0)),
            pl.BlockSpec((d_hid, d2), lambda i: (0, 0)),
            pl.BlockSpec((d_hid, d2), lambda i: (0, 0)),
            pl.BlockSpec((1, d2), lambda i: (0, 0)),
        ],
        out_specs=[
            pl.BlockSpec((rows, d2), lambda i: (i, 0)),
            pl.BlockSpec((rows, d2), lambda i: (i, 0)),
        ],
        out_shape=[
            jax.ShapeDtypeStruct((n, d2), jnp.float32),
            jax.ShapeDtypeStruct((n, d2), jnp.float32),
        ],
    )(acc1, deg, q1, W2_lp, W2_rp, b2p)

    acc2 = _make_sc_scatter5(n_pad, d2, nb)(p2, ei)

    out = pl.pallas_call(
        functools.partial(_out_body, d_out),
        grid=grid,
        in_specs=[
            pl.BlockSpec((NC, rows, d2), lambda i: (0, i, 0)),
            pl.BlockSpec((NC, rows, L), lambda i: (0, i, 0)),
            pl.BlockSpec((rows, d2), lambda i: (i, 0)),
        ],
        out_specs=pl.BlockSpec((rows, d_out), lambda i: (i, 0)),
        out_shape=jax.ShapeDtypeStruct((n, d_out), jnp.float32),
    )(acc2, deg, q2)

    return out

# --- scband reference (transcript-rebuilt; emitter-appended) ---
"""Pipeline reference for scband-net-68375879352646 (READ-ONLY COPY).

The authoritative reference and input builder live on the scoring server;
editing this copy changes nothing except your own understanding.
"""

import jax, jax.numpy as jnp
import numpy as np

N = 10000
E = 320000
D_IN = 128
D_HID = 128
D_OUT = 41


def setup_inputs(seed: int = 0) -> dict:
    key = jax.random.key(seed)
    ks = jax.random.split(key, 8)
    x = jax.random.normal(ks[0], (N, D_IN), dtype=jnp.float32)
    edge_index = jax.random.randint(ks[1], (2, E), 0, N, dtype=jnp.int64)
    s1 = 1.0 / np.sqrt(D_IN)
    s2 = 1.0 / np.sqrt(D_HID)
    W1_l = jax.random.uniform(ks[2], (D_IN, D_HID), jnp.float32, -s1, s1)
    b1 = jax.random.uniform(ks[3], (D_HID,), jnp.float32, -s1, s1)
    W1_r = jax.random.uniform(ks[4], (D_IN, D_HID), jnp.float32, -s1, s1)
    W2_l = jax.random.uniform(ks[5], (D_HID, D_OUT), jnp.float32, -s2, s2)
    b2 = jax.random.uniform(ks[6], (D_OUT,), jnp.float32, -s2, s2)
    W2_r = jax.random.uniform(ks[7], (D_HID, D_OUT), jnp.float32, -s2, s2)
    return {"x": x, "edge_index": edge_index, "W1_l": W1_l, "b1": b1, "W1_r": W1_r, "W2_l": W2_l, "b2": b2, "W2_r": W2_r}


def _sage_conv(x, edge_index, W_l, b_l, W_r):
    # PyG SAGEConv (mean aggr): out = lin_l(mean_j x_j) + lin_r(x_i)
    src = edge_index[0]
    dst = edge_index[1]
    msg = jnp.take(x, src, axis=0)
    agg = jax.ops.segment_sum(msg, dst, num_segments=x.shape[0])
    deg = jax.ops.segment_sum(jnp.ones((src.shape[0],), dtype=x.dtype), dst, num_segments=x.shape[0])
    agg = agg / jnp.clip(deg, 1.0, None)[:, None]
    return agg @ W_l + b_l + x @ W_r


def reference(x, edge_index, W1_l, b1, W1_r, W2_l, b2, W2_r):
    h = _sage_conv(x, edge_index, W1_l, b1, W1_r)
    h = jax.nn.relu(h)
    # dropout is identity in eval mode (training=False)
    h = _sage_conv(h, edge_index, W2_l, b2, W2_r)
    return jax.nn.log_softmax(h, axis=-1)

if __name__ == "__main__":
    import jax
    _d = setup_inputs()
    print(jax.jit(kernel)(*tuple(_d.values())))

</pallas_src>

<mosaic_0001>
#map = affine_map<(d0, d1) -> (0, 0, 0, 0)>
#map1 = affine_map<(d0, d1) -> (0, 0, 0)>
module attributes {stable_mosaic.version = 14 : i64} {
  func.func @body(%arg0: i32, %arg1: i32, %arg2: memref<2x32x125x80xi32, #tpu.memory_space<hbm>>, %arg3: memref<2x10240x16xf32, #tpu.memory_space<hbm>>, %arg4: memref<125x80xi32, #tpu.memory_space<vmem>>, %arg5: memref<80x16xf32, #tpu.memory_space<vmem>>, %arg6: memref<10240x16xf32, #tpu.memory_space<vmem_shared>>, %arg7: memref<!tpu.dma_semaphore, #tpu.memory_space<semaphore_mem>>) attributes {dimension_semantics = [#tpu.dimension_semantics<core_parallel>, #tpu.dimension_semantics<subcore_parallel>], iteration_bounds = array<i64: 2, 16>, scalar_prefetch = 0 : i64, scratch_operands = 4 : i64, tpu.core_type = #tpu.core_type<sc_vector_subcore>, window_params = [{transform_indices = #map}, {transform_indices = #map1}]} {
    %mul3A = arith.constant 16 : i32
    %mul3A_0 = arith.muli %arg0, %mul3A : i32
    %add3A = arith.addi %mul3A_0, %arg1 : i32
    %mul3A_1 = arith.constant 640 : i32
    %mul3A_2 = arith.muli %arg1, %mul3A_1 : i32
    %run_scoped3A = arith.constant 1 : i32
    "tpu.region"() ({
      %run_scoped3A_50 = tpu.sem_alloc : memref<!tpu.dma_semaphore, #tpu.memory_space<semaphore_mem>>
      %dma_start3A = arith.constant 0 : i32
      %dma_start3A_51 = arith.constant 0 : i32
      %dma_start3A_52 = tpu.memref_slice %arg2[%run_scoped3A, %add3A, %dma_start3A, %dma_start3A_51] : memref<2x32x125x80xi32, #tpu.memory_space<hbm>> -> memref<1x1x125x80xi32, #tpu.memory_space<hbm>>
      %dma_start3A_53 = tpu.memref_squeeze %dma_start3A_52 : memref<1x1x125x80xi32, #tpu.memory_space<hbm>> -> memref<125x80xi32, #tpu.memory_space<hbm>>
      %dma_start3A_54 = arith.constant 0 : i32
      %dma_start3A_55 = arith.constant 0 : i32
      %dma_start3A_56 = tpu.memref_slice %arg2[%run_scoped3A, %add3A, %dma_start3A_54, %dma_start3A_55] : memref<2x32x125x80xi32, #tpu.memory_space<hbm>> -> memref<1x1x125x80xi32, #tpu.memory_space<hbm>>
      %dma_start3A_57 = tpu.memref_squeeze %dma_start3A_56 : memref<1x1x125x80xi32, #tpu.memory_space<hbm>> -> memref<125x80xi32, #tpu.memory_space<hbm>>
      tpu.enqueue_dma source(%dma_start3A_57 : memref<125x80xi32, #tpu.memory_space<hbm>>) target(%arg4 : memref<125x80xi32, #tpu.memory_space<vmem>>) target_semaphore(%run_scoped3A_50 : memref<!tpu.dma_semaphore, #tpu.memory_space<semaphore_mem>>)
      %dma_wait3A = arith.constant 0 : i32
      %dma_wait3A_58 = arith.constant 0 : i32
      %dma_wait3A_59 = tpu.memref_slice %arg2[%run_scoped3A, %add3A, %dma_wait3A, %dma_wait3A_58] : memref<2x32x125x80xi32, #tpu.memory_space<hbm>> -> memref<1x1x125x80xi32, #tpu.memory_space<hbm>>
      %dma_wait3A_60 = tpu.memref_squeeze %dma_wait3A_59 : memref<1x1x125x80xi32, #tpu.memory_space<hbm>> -> memref<125x80xi32, #tpu.memory_space<hbm>>
      %dma_wait3A_61 = arith.constant 0 : i32
      %dma_wait3A_62 = arith.constant 0 : i32
      %dma_wait3A_63 = tpu.memref_slice %arg2[%run_scoped3A, %add3A, %dma_wait3A_61, %dma_wait3A_62] : memref<2x32x125x80xi32, #tpu.memory_space<hbm>> -> memref<1x1x125x80xi32, #tpu.memory_space<hbm>>
      %dma_wait3A_64 = tpu.memref_squeeze %dma_wait3A_63 : memref<1x1x125x80xi32, #tpu.memory_space<hbm>> -> memref<125x80xi32, #tpu.memory_space<hbm>>
      tpu.wait_dma2 semaphore(%run_scoped3A_50 : memref<!tpu.dma_semaphore, #tpu.memory_space<semaphore_mem>>) src(%dma_wait3A_64 : memref<125x80xi32, #tpu.memory_space<hbm>>) dst(%arg4 : memref<125x80xi32, #tpu.memory_space<vmem>>)
      tpu.yield
    }) : () -> ()
    %broadcast_in_dim3A = arith.constant 0.000000e+00 : f32
    %broadcast_in_dim3A_3 = vector.broadcast %broadcast_in_dim3A : f32 to vector<16xf32>
    %scan3A = arith.constant 0 : i32
    %scan3A_4 = arith.constant 0 : i32
    %scan3A_5 = arith.constant 80 : i32
    %scan3A_6 = arith.addi %scan3A_4, %scan3A_5 : i32
    %scan3A_7 = arith.constant 1 : i32
    %scan3A_8 = scf.for %scan3A_50 = %scan3A_4 to %scan3A_6 step %scan3A_7 iter_args(%scan3A_51 = %scan3A) -> (i32)  : i32 {
      %scan3A_52 = arith.constant 0 : i32
      %scan3A_53 = arith.constant 0 : i32
      %mul3A_54 = arith.constant 16 : i32
      %mul3A_55 = arith.muli %scan3A_53, %mul3A_54 : i32
      %swap3A = arith.index_cast %scan3A_50 : i32 to index
      %swap3A_56 = arith.index_cast %mul3A_55 : i32 to index
      %swap3A_57 = tpu.vector_load %arg5[%swap3A, %swap3A_56] {strides = array<i32>} : memref<80x16xf32, #tpu.memory_space<vmem>>, vector<1x16xf32>,
      %swap3A_58 = vector.shape_cast %swap3A_57 : vector<1x16xf32> to vector<16xf32>
      %swap3A_59 = vector.shape_cast %broadcast_in_dim3A_3 : vector<16xf32> to vector<1x16xf32>
      tpu.vector_store %arg5[%swap3A, %swap3A_56], %swap3A_59 {strides = array<i32>} : memref<80x16xf32, #tpu.memory_space<vmem>>, vector<1x16xf32>,
      %scan3A_60 = arith.constant 0 : i32
      %scan3A_61 = arith.constant 1 : i32
      scf.yield %scan3A_60 : i32
    }
    %scan3A_9 = arith.constant 80 : i32
    %add3A_10 = arith.constant 0 : i32
    %add3A_11 = arith.addi %mul3A_2, %add3A_10 : i32
    "tpu.region"() ({
      %run_scoped3A_50 = tpu.sem_alloc : memref<!tpu.dma_semaphore, #tpu.memory_space<semaphore_mem>>
      %dma_start3A = arith.constant 0 : i32
      %dma_start3A_51 = arith.constant 0 : i32
      %dma_start3A_52 = tpu.memref_slice %arg5[%dma_start3A, %dma_start3A_51] : memref<80x16xf32, #tpu.memory_space<vmem>> -> memref<80x16xf32, #tpu.memory_space<vmem>>
      %dma_start3A_53 = arith.constant 0 : i32
      %dma_start3A_54 = tpu.memref_slice %arg6[%add3A_11, %dma_start3A_53] : memref<10240x16xf32, #tpu.memory_space<vmem_shared>> -> memref<80x16xf32, #tpu.memory_space<vmem_shared>>
      %dma_start3A_55 = arith.constant 0 : i32
      %dma_start3A_56 = tpu.memref_slice %arg6[%add3A_11, %dma_start3A_55] : memref<10240x16xf32, #tpu.memory_space<vmem_shared>> -> memref<80x16xf32, #tpu.memory_space<vmem_shared>>
      %dma_start3A_57 = arith.constant 0 : i32
      %dma_start3A_58 = arith.constant 0 : i32
      %dma_start3A_59 = tpu.memref_slice %arg5[%dma_start3A_57, %dma_start3A_58] : memref<80x16xf32, #tpu.memory_space<vmem>> -> memref<80x16xf32, #tpu.memory_space<vmem>>
      tpu.enqueue_dma source(%dma_start3A_59 : memref<80x16xf32, #tpu.memory_space<vmem>>) target(%dma_start3A_56 : memref<80x16xf32, #tpu.memory_space<vmem_shared>>) target_semaphore(%run_scoped3A_50 : memref<!tpu.dma_semaphore, #tpu.memory_space<semaphore_mem>>)
      %dma_wait3A = arith.constant 0 : i32
      %dma_wait3A_60 = arith.constant 0 : i32
      %dma_wait3A_61 = tpu.memref_slice %arg5[%dma_wait3A, %dma_wait3A_60] : memref<80x16xf32, #tpu.memory_space<vmem>> -> memref<80x16xf32, #tpu.memory_space<vmem>>
      %dma_wait3A_62 = arith.constant 0 : i32
      %dma_wait3A_63 = tpu.memref_slice %arg6[%add3A_11, %dma_wait3A_62] : memref<10240x16xf32, #tpu.memory_space<vmem_shared>> -> memref<80x16xf32, #tpu.memory_space<vmem_shared>>
      %dma_wait3A_64 = arith.constant 0 : i32
      %dma_wait3A_65 = tpu.memref_slice %arg6[%add3A_11, %dma_wait3A_64] : memref<10240x16xf32, #tpu.memory_space<vmem_shared>> -> memref<80x16xf32, #tpu.memory_space<vmem_shared>>
      %dma_wait3A_66 = arith.constant 0 : i32
      %dma_wait3A_67 = arith.constant 0 : i32
      %dma_wait3A_68 = tpu.memref_slice %arg5[%dma_wait3A_66, %dma_wait3A_67] : memref<80x16xf32, #tpu.memory_space<vmem>> -> memref<80x16xf32, #tpu.memory_space<vmem>>
      tpu.wait_dma2 semaphore(%run_scoped3A_50 : memref<!tpu.dma_semaphore, #tpu.memory_space<semaphore_mem>>) src(%dma_wait3A_68 : memref<80x16xf32, #tpu.memory_space<vmem>>) dst(%dma_wait3A_65 : memref<80x16xf32, #tpu.memory_space<vmem_shared>>)
      tpu.yield
    }) : () -> ()
    %add3A_12 = arith.constant 80 : i32
    %add3A_13 = arith.addi %mul3A_2, %add3A_12 : i32
    "tpu.region"() ({
      %run_scoped3A_50 = tpu.sem_alloc : memref<!tpu.dma_semaphore, #tpu.memory_space<semaphore_mem>>
      %dma_start3A = arith.constant 0 : i32
      %dma_start3A_51 = arith.constant 0 : i32
      %dma_start3A_52 = tpu.memref_slice %arg5[%dma_start3A, %dma_start3A_51] : memref<80x16xf32, #tpu.memory_space<vmem>> -> memref<80x16xf32, #tpu.memory_space<vmem>>
      %dma_start3A_53 = arith.constant 0 : i32
      %dma_start3A_54 = tpu.memref_slice %arg6[%add3A_13, %dma_start3A_53] : memref<10240x16xf32, #tpu.memory_space<vmem_shared>> -> memref<80x16xf32, #tpu.memory_space<vmem_shared>>
      %dma_start3A_55 = arith.constant 0 : i32
      %dma_start3A_56 = tpu.memref_slice %arg6[%add3A_13, %dma_start3A_55] : memref<10240x16xf32, #tpu.memory_space<vmem_shared>> -> memref<80x16xf32, #tpu.memory_space<vmem_shared>>
      %dma_start3A_57 = arith.constant 0 : i32
      %dma_start3A_58 = arith.constant 0 : i32
      %dma_start3A_59 = tpu.memref_slice %arg5[%dma_start3A_57, %dma_start3A_58] : memref<80x16xf32, #tpu.memory_space<vmem>> -> memref<80x16xf32, #tpu.memory_space<vmem>>
      tpu.enqueue_dma source(%dma_start3A_59 : memref<80x16xf32, #tpu.memory_space<vmem>>) target(%dma_start3A_56 : memref<80x16xf32, #tpu.memory_space<vmem_shared>>) target_semaphore(%run_scoped3A_50 : memref<!tpu.dma_semaphore, #tpu.memory_space<semaphore_mem>>)
      %dma_wait3A = arith.constant 0 : i32
      %dma_wait3A_60 = arith.constant 0 : i32
      %dma_wait3A_61 = tpu.memref_slice %arg5[%dma_wait3A, %dma_wait3A_60] : memref<80x16xf32, #tpu.memory_space<vmem>> -> memref<80x16xf32, #tpu.memory_space<vmem>>
      %dma_wait3A_62 = arith.constant 0 : i32
      %dma_wait3A_63 = tpu.memref_slice %arg6[%add3A_13, %dma_wait3A_62] : memref<10240x16xf32, #tpu.memory_space<vmem_shared>> -> memref<80x16xf32, #tpu.memory_space<vmem_shared>>
      %dma_wait3A_64 = arith.constant 0 : i32
      %dma_wait3A_65 = tpu.memref_slice %arg6[%add3A_13, %dma_wait3A_64] : memref<10240x16xf32, #tpu.memory_space<vmem_shared>> -> memref<80x16xf32, #tpu.memory_space<vmem_shared>>
      %dma_wait3A_66 = arith.constant 0 : i32
      %dma_wait3A_67 = arith.constant 0 : i32
      %dma_wait3A_68 = tpu.memref_slice %arg5[%dma_wait3A_66, %dma_wait3A_67] : memref<80x16xf32, #tpu.memory_space<vmem>> -> memref<80x16xf32, #tpu.memory_space<vmem>>
      tpu.wait_dma2 semaphore(%run_scoped3A_50 : memref<!tpu.dma_semaphore, #tpu.memory_space<semaphore_mem>>) src(%dma_wait3A_68 : memref<80x16xf32, #tpu.memory_space<vmem>>) dst(%dma_wait3A_65 : memref<80x16xf32, #tpu.memory_space<vmem_shared>>)
      tpu.yield
    }) : () -> ()
    %add3A_14 = arith.constant 160 : i32
    %add3A_15 = arith.addi %mul3A_2, %add3A_14 : i32
    "tpu.region"() ({
      %run_scoped3A_50 = tpu.sem_alloc : memref<!tpu.dma_semaphore, #tpu.memory_space<semaphore_mem>>
      %dma_start3A = arith.constant 0 : i32
      %dma_start3A_51 = arith.constant 0 : i32
      %dma_start3A_52 = tpu.memref_slice %arg5[%dma_start3A, %dma_start3A_51] : memref<80x16xf32, #tpu.memory_space<vmem>> -> memref<80x16xf32, #tpu.memory_space<vmem>>
      %dma_start3A_53 = arith.constant 0 : i32
      %dma_start3A_54 = tpu.memref_slice %arg6[%add3A_15, %dma_start3A_53] : memref<10240x16xf32, #tpu.memory_space<vmem_shared>> -> memref<80x16xf32, #tpu.memory_space<vmem_shared>>
      %dma_start3A_55 = arith.constant 0 : i32
      %dma_start3A_56 = tpu.memref_slice %arg6[%add3A_15, %dma_start3A_55] : memref<10240x16xf32, #tpu.memory_space<vmem_shared>> -> memref<80x16xf32, #tpu.memory_space<vmem_shared>>
      %dma_start3A_57 = arith.constant 0 : i32
      %dma_start3A_58 = arith.constant 0 : i32
      %dma_start3A_59 = tpu.memref_slice %arg5[%dma_start3A_57, %dma_start3A_58] : memref<80x16xf32, #tpu.memory_space<vmem>> -> memref<80x16xf32, #tpu.memory_space<vmem>>
      tpu.enqueue_dma source(%dma_start3A_59 : memref<80x16xf32, #tpu.memory_space<vmem>>) target(%dma_start3A_56 : memref<80x16xf32, #tpu.memory_space<vmem_shared>>) target_semaphore(%run_scoped3A_50 : memref<!tpu.dma_semaphore, #tpu.memory_space<semaphore_mem>>)
      %dma_wait3A = arith.constant 0 : i32
      %dma_wait3A_60 = arith.constant 0 : i32
      %dma_wait3A_61 = tpu.memref_slice %arg5[%dma_wait3A, %dma_wait3A_60] : memref<80x16xf32, #tpu.memory_space<vmem>> -> memref<80x16xf32, #tpu.memory_space<vmem>>
      %dma_wait3A_62 = arith.constant 0 : i32
      %dma_wait3A_63 = tpu.memref_slice %arg6[%add3A_15, %dma_wait3A_62] : memref<10240x16xf32, #tpu.memory_space<vmem_shared>> -> memref<80x16xf32, #tpu.memory_space<vmem_shared>>
      %dma_wait3A_64 = arith.constant 0 : i32
      %dma_wait3A_65 = tpu.memref_slice %arg6[%add3A_15, %dma_wait3A_64] : memref<10240x16xf32, #tpu.memory_space<vmem_shared>> -> memref<80x16xf32, #tpu.memory_space<vmem_shared>>
      %dma_wait3A_66 = arith.constant 0 : i32
      %dma_wait3A_67 = arith.constant 0 : i32
      %dma_wait3A_68 = tpu.memref_slice %arg5[%dma_wait3A_66, %dma_wait3A_67] : memref<80x16xf32, #tpu.memory_space<vmem>> -> memref<80x16xf32, #tpu.memory_space<vmem>>
      tpu.wait_dma2 semaphore(%run_scoped3A_50 : memref<!tpu.dma_semaphore, #tpu.memory_space<semaphore_mem>>) src(%dma_wait3A_68 : memref<80x16xf32, #tpu.memory_space<vmem>>) dst(%dma_wait3A_65 : memref<80x16xf32, #tpu.memory_space<vmem_shared>>)
      tpu.yield
    }) : () -> ()
    %add3A_16 = arith.constant 240 : i32
    %add3A_17 = arith.addi %mul3A_2, %add3A_16 : i32
    "tpu.region"() ({
      %run_scoped3A_50 = tpu.sem_alloc : memref<!tpu.dma_semaphore, #tpu.memory_space<semaphore_mem>>
      %dma_start3A = arith.constant 0 : i32
      %dma_start3A_51 = arith.constant 0 : i32
      %dma_start3A_52 = tpu.memref_slice %arg5[%dma_start3A, %dma_start3A_51] : memref<80x16xf32, #tpu.memory_space<vmem>> -> memref<80x16xf32, #tpu.memory_space<vmem>>
      %dma_start3A_53 = arith.constant 0 : i32
      %dma_start3A_54 = tpu.memref_slice %arg6[%add3A_17, %dma_start3A_53] : memref<10240x16xf32, #tpu.memory_space<vmem_shared>> -> memref<80x16xf32, #tpu.memory_space<vmem_shared>>
      %dma_start3A_55 = arith.constant 0 : i32
      %dma_start3A_56 = tpu.memref_slice %arg6[%add3A_17, %dma_start3A_55] : memref<10240x16xf32, #tpu.memory_space<vmem_shared>> -> memref<80x16xf32, #tpu.memory_space<vmem_shared>>
      %dma_start3A_57 = arith.constant 0 : i32
      %dma_start3A_58 = arith.constant 0 : i32
      %dma_start3A_59 = tpu.memref_slice %arg5[%dma_start3A_57, %dma_start3A_58] : memref<80x16xf32, #tpu.memory_space<vmem>> -> memref<80x16xf32, #tpu.memory_space<vmem>>
      tpu.enqueue_dma source(%dma_start3A_59 : memref<80x16xf32, #tpu.memory_space<vmem>>) target(%dma_start3A_56 : memref<80x16xf32, #tpu.memory_space<vmem_shared>>) target_semaphore(%run_scoped3A_50 : memref<!tpu.dma_semaphore, #tpu.memory_space<semaphore_mem>>)
      %dma_wait3A = arith.constant 0 : i32
      %dma_wait3A_60 = arith.constant 0 : i32
      %dma_wait3A_61 = tpu.memref_slice %arg5[%dma_wait3A, %dma_wait3A_60] : memref<80x16xf32, #tpu.memory_space<vmem>> -> memref<80x16xf32, #tpu.memory_space<vmem>>
      %dma_wait3A_62 = arith.constant 0 : i32
      %dma_wait3A_63 = tpu.memref_slice %arg6[%add3A_17, %dma_wait3A_62] : memref<10240x16xf32, #tpu.memory_space<vmem_shared>> -> memref<80x16xf32, #tpu.memory_space<vmem_shared>>
      %dma_wait3A_64 = arith.constant 0 : i32
      %dma_wait3A_65 = tpu.memref_slice %arg6[%add3A_17, %dma_wait3A_64] : memref<10240x16xf32, #tpu.memory_space<vmem_shared>> -> memref<80x16xf32, #tpu.memory_space<vmem_shared>>
      %dma_wait3A_66 = arith.constant 0 : i32
      %dma_wait3A_67 = arith.constant 0 : i32
      %dma_wait3A_68 = tpu.memref_slice %arg5[%dma_wait3A_66, %dma_wait3A_67] : memref<80x16xf32, #tpu.memory_space<vmem>> -> memref<80x16xf32, #tpu.memory_space<vmem>>
      tpu.wait_dma2 semaphore(%run_scoped3A_50 : memref<!tpu.dma_semaphore, #tpu.memory_space<semaphore_mem>>) src(%dma_wait3A_68 : memref<80x16xf32, #tpu.memory_space<vmem>>) dst(%dma_wait3A_65 : memref<80x16xf32, #tpu.memory_space<vmem_shared>>)
      tpu.yield
    }) : () -> ()
    %add3A_18 = arith.constant 320 : i32
    %add3A_19 = arith.addi %mul3A_2, %add3A_18 : i32
    "tpu.region"() ({
      %run_scoped3A_50 = tpu.sem_alloc : memref<!tpu.dma_semaphore, #tpu.memory_space<semaphore_mem>>
      %dma_start3A = arith.constant 0 : i32
      %dma_start3A_51 = arith.constant 0 : i32
      %dma_start3A_52 = tpu.memref_slice %arg5[%dma_start3A, %dma_start3A_51] : memref<80x16xf32, #tpu.memory_space<vmem>> -> memref<80x16xf32, #tpu.memory_space<vmem>>
      %dma_start3A_53 = arith.constant 0 : i32
      %dma_start3A_54 = tpu.memref_slice %arg6[%add3A_19, %dma_start3A_53] : memref<10240x16xf32, #tpu.memory_space<vmem_shared>> -> memref<80x16xf32, #tpu.memory_space<vmem_shared>>
      %dma_start3A_55 = arith.constant 0 : i32
      %dma_start3A_56 = tpu.memref_slice %arg6[%add3A_19, %dma_start3A_55] : memref<10240x16xf32, #tpu.memory_space<vmem_shared>> -> memref<80x16xf32, #tpu.memory_space<vmem_shared>>
      %dma_start3A_57 = arith.constant 0 : i32
      %dma_start3A_58 = arith.constant 0 : i32
      %dma_start3A_59 = tpu.memref_slice %arg5[%dma_start3A_57, %dma_start3A_58] : memref<80x16xf32, #tpu.memory_space<vmem>> -> memref<80x16xf32, #tpu.memory_space<vmem>>
      tpu.enqueue_dma source(%dma_start3A_59 : memref<80x16xf32, #tpu.memory_space<vmem>>) target(%dma_start3A_56 : memref<80x16xf32, #tpu.memory_space<vmem_shared>>) target_semaphore(%run_scoped3A_50 : memref<!tpu.dma_semaphore, #tpu.memory_space<semaphore_mem>>)
      %dma_wait3A = arith.constant 0 : i32
      %dma_wait3A_60 = arith.constant 0 : i32
      %dma_wait3A_61 = tpu.memref_slice %arg5[%dma_wait3A, %dma_wait3A_60] : memref<80x16xf32, #tpu.memory_space<vmem>> -> memref<80x16xf32, #tpu.memory_space<vmem>>
      %dma_wait3A_62 = arith.constant 0 : i32
      %dma_wait3A_63 = tpu.memref_slice %arg6[%add3A_19, %dma_wait3A_62] : memref<10240x16xf32, #tpu.memory_space<vmem_shared>> -> memref<80x16xf32, #tpu.memory_space<vmem_shared>>
      %dma_wait3A_64 = arith.constant 0 : i32
      %dma_wait3A_65 = tpu.memref_slice %arg6[%add3A_19, %dma_wait3A_64] : memref<10240x16xf32, #tpu.memory_space<vmem_shared>> -> memref<80x16xf32, #tpu.memory_space<vmem_shared>>
      %dma_wait3A_66 = arith.constant 0 : i32
      %dma_wait3A_67 = arith.constant 0 : i32
      %dma_wait3A_68 = tpu.memref_slice %arg5[%dma_wait3A_66, %dma_wait3A_67] : memref<80x16xf32, #tpu.memory_space<vmem>> -> memref<80x16xf32, #tpu.memory_space<vmem>>
      tpu.wait_dma2 semaphore(%run_scoped3A_50 : memref<!tpu.dma_semaphore, #tpu.memory_space<semaphore_mem>>) src(%dma_wait3A_68 : memref<80x16xf32, #tpu.memory_space<vmem>>) dst(%dma_wait3A_65 : memref<80x16xf32, #tpu.memory_space<vmem_shared>>)
      tpu.yield
    }) : () -> ()
    %add3A_20 = arith.constant 400 : i32
    %add3A_21 = arith.addi %mul3A_2, %add3A_20 : i32
    "tpu.region"() ({
      %run_scoped3A_50 = tpu.sem_alloc : memref<!tpu.dma_semaphore, #tpu.memory_space<semaphore_mem>>
      %dma_start3A = arith.constant 0 : i32
      %dma_start3A_51 = arith.constant 0 : i32
      %dma_start3A_52 = tpu.memref_slice %arg5[%dma_start3A, %dma_start3A_51] : memref<80x16xf32, #tpu.memory_space<vmem>> -> memref<80x16xf32, #tpu.memory_space<vmem>>
      %dma_start3A_53 = arith.constant 0 : i32
      %dma_start3A_54 = tpu.memref_slice %arg6[%add3A_21, %dma_start3A_53] : memref<10240x16xf32, #tpu.memory_space<vmem_shared>> -> memref<80x16xf32, #tpu.memory_space<vmem_shared>>
      %dma_start3A_55 = arith.constant 0 : i32
      %dma_start3A_56 = tpu.memref_slice %arg6[%add3A_21, %dma_start3A_55] : memref<10240x16xf32, #tpu.memory_space<vmem_shared>> -> memref<80x16xf32, #tpu.memory_space<vmem_shared>>
      %dma_start3A_57 = arith.constant 0 : i32
      %dma_start3A_58 = arith.constant 0 : i32
      %dma_start3A_59 = tpu.memref_slice %arg5[%dma_start3A_57, %dma_start3A_58] : memref<80x16xf32, #tpu.memory_space<vmem>> -> memref<80x16xf32, #tpu.memory_space<vmem>>
      tpu.enqueue_dma source(%dma_start3A_59 : memref<80x16xf32, #tpu.memory_space<vmem>>) target(%dma_start3A_56 : memref<80x16xf32, #tpu.memory_space<vmem_shared>>) target_semaphore(%run_scoped3A_50 : memref<!tpu.dma_semaphore, #tpu.memory_space<semaphore_mem>>)
      %dma_wait3A = arith.constant 0 : i32
      %dma_wait3A_60 = arith.constant 0 : i32
      %dma_wait3A_61 = tpu.memref_slice %arg5[%dma_wait3A, %dma_wait3A_60] : memref<80x16xf32, #tpu.memory_space<vmem>> -> memref<80x16xf32, #tpu.memory_space<vmem>>
      %dma_wait3A_62 = arith.constant 0 : i32
      %dma_wait3A_63 = tpu.memref_slice %arg6[%add3A_21, %dma_wait3A_62] : memref<10240x16xf32, #tpu.memory_space<vmem_shared>> -> memref<80x16xf32, #tpu.memory_space<vmem_shared>>
      %dma_wait3A_64 = arith.constant 0 : i32
      %dma_wait3A_65 = tpu.memref_slice %arg6[%add3A_21, %dma_wait3A_64] : memref<10240x16xf32, #tpu.memory_space<vmem_shared>> -> memref<80x16xf32, #tpu.memory_space<vmem_shared>>
      %dma_wait3A_66 = arith.constant 0 : i32
      %dma_wait3A_67 = arith.constant 0 : i32
      %dma_wait3A_68 = tpu.memref_slice %arg5[%dma_wait3A_66, %dma_wait3A_67] : memref<80x16xf32, #tpu.memory_space<vmem>> -> memref<80x16xf32, #tpu.memory_space<vmem>>
      tpu.wait_dma2 semaphore(%run_scoped3A_50 : memref<!tpu.dma_semaphore, #tpu.memory_space<semaphore_mem>>) src(%dma_wait3A_68 : memref<80x16xf32, #tpu.memory_space<vmem>>) dst(%dma_wait3A_65 : memref<80x16xf32, #tpu.memory_space<vmem_shared>>)
      tpu.yield
    }) : () -> ()
    %add3A_22 = arith.constant 480 : i32
    %add3A_23 = arith.addi %mul3A_2, %add3A_22 : i32
    "tpu.region"() ({
      %run_scoped3A_50 = tpu.sem_alloc : memref<!tpu.dma_semaphore, #tpu.memory_space<semaphore_mem>>
      %dma_start3A = arith.constant 0 : i32
      %dma_start3A_51 = arith.constant 0 : i32
      %dma_start3A_52 = tpu.memref_slice %arg5[%dma_start3A, %dma_start3A_51] : memref<80x16xf32, #tpu.memory_space<vmem>> -> memref<80x16xf32, #tpu.memory_space<vmem>>
      %dma_start3A_53 = arith.constant 0 : i32
      %dma_start3A_54 = tpu.memref_slice %arg6[%add3A_23, %dma_start3A_53] : memref<10240x16xf32, #tpu.memory_space<vmem_shared>> -> memref<80x16xf32, #tpu.memory_space<vmem_shared>>
      %dma_start3A_55 = arith.constant 0 : i32
      %dma_start3A_56 = tpu.memref_slice %arg6[%add3A_23, %dma_start3A_55] : memref<10240x16xf32, #tpu.memory_space<vmem_shared>> -> memref<80x16xf32, #tpu.memory_space<vmem_shared>>
      %dma_start3A_57 = arith.constant 0 : i32
      %dma_start3A_58 = arith.constant 0 : i32
      %dma_start3A_59 = tpu.memref_slice %arg5[%dma_start3A_57, %dma_start3A_58] : memref<80x16xf32, #tpu.memory_space<vmem>> -> memref<80x16xf32, #tpu.memory_space<vmem>>
      tpu.enqueue_dma source(%dma_start3A_59 : memref<80x16xf32, #tpu.memory_space<vmem>>) target(%dma_start3A_56 : memref<80x16xf32, #tpu.memory_space<vmem_shared>>) target_semaphore(%run_scoped3A_50 : memref<!tpu.dma_semaphore, #tpu.memory_space<semaphore_mem>>)
      %dma_wait3A = arith.constant 0 : i32
      %dma_wait3A_60 = arith.constant 0 : i32
      %dma_wait3A_61 = tpu.memref_slice %arg5[%dma_wait3A, %dma_wait3A_60] : memref<80x16xf32, #tpu.memory_space<vmem>> -> memref<80x16xf32, #tpu.memory_space<vmem>>
      %dma_wait3A_62 = arith.constant 0 : i32
      %dma_wait3A_63 = tpu.memref_slice %arg6[%add3A_23, %dma_wait3A_62] : memref<10240x16xf32, #tpu.memory_space<vmem_shared>> -> memref<80x16xf32, #tpu.memory_space<vmem_shared>>
      %dma_wait3A_64 = arith.constant 0 : i32
      %dma_wait3A_65 = tpu.memref_slice %arg6[%add3A_23, %dma_wait3A_64] : memref<10240x16xf32, #tpu.memory_space<vmem_shared>> -> memref<80x16xf32, #tpu.memory_space<vmem_shared>>
      %dma_wait3A_66 = arith.constant 0 : i32
      %dma_wait3A_67 = arith.constant 0 : i32
      %dma_wait3A_68 = tpu.memref_slice %arg5[%dma_wait3A_66, %dma_wait3A_67] : memref<80x16xf32, #tpu.memory_space<vmem>> -> memref<80x16xf32, #tpu.memory_space<vmem>>
      tpu.wait_dma2 semaphore(%run_scoped3A_50 : memref<!tpu.dma_semaphore, #tpu.memory_space<semaphore_mem>>) src(%dma_wait3A_68 : memref<80x16xf32, #tpu.memory_space<vmem>>) dst(%dma_wait3A_65 : memref<80x16xf32, #tpu.memory_space<vmem_shared>>)
      tpu.yield
    }) : () -> ()
    %add3A_24 = arith.constant 560 : i32
    %add3A_25 = arith.addi %mul3A_2, %add3A_24 : i32
    "tpu.region"() ({
      %run_scoped3A_50 = tpu.sem_alloc : memref<!tpu.dma_semaphore, #tpu.memory_space<semaphore_mem>>
      %dma_start3A = arith.constant 0 : i32
      %dma_start3A_51 = arith.constant 0 : i32
      %dma_start3A_52 = tpu.memref_slice %arg5[%dma_start3A, %dma_start3A_51] : memref<80x16xf32, #tpu.memory_space<vmem>> -> memref<80x16xf32, #tpu.memory_space<vmem>>
      %dma_start3A_53 = arith.constant 0 : i32
      %dma_start3A_54 = tpu.memref_slice %arg6[%add3A_25, %dma_start3A_53] : memref<10240x16xf32, #tpu.memory_space<vmem_shared>> -> memref<80x16xf32, #tpu.memory_space<vmem_shared>>
      %dma_start3A_55 = arith.constant 0 : i32
      %dma_start3A_56 = tpu.memref_slice %arg6[%add3A_25, %dma_start3A_55] : memref<10240x16xf32, #tpu.memory_space<vmem_shared>> -> memref<80x16xf32, #tpu.memory_space<vmem_shared>>
      %dma_start3A_57 = arith.constant 0 : i32
      %dma_start3A_58 = arith.constant 0 : i32
      %dma_start3A_59 = tpu.memref_slice %arg5[%dma_start3A_57, %dma_start3A_58] : memref<80x16xf32, #tpu.memory_space<vmem>> -> memref<80x16xf32, #tpu.memory_space<vmem>>
      tpu.enqueue_dma source(%dma_start3A_59 : memref<80x16xf32, #tpu.memory_space<vmem>>) target(%dma_start3A_56 : memref<80x16xf32, #tpu.memory_space<vmem_shared>>) target_semaphore(%run_scoped3A_50 : memref<!tpu.dma_semaphore, #tpu.memory_space<semaphore_mem>>)
      %dma_wait3A = arith.constant 0 : i32
      %dma_wait3A_60 = arith.constant 0 : i32
      %dma_wait3A_61 = tpu.memref_slice %arg5[%dma_wait3A, %dma_wait3A_60] : memref<80x16xf32, #tpu.memory_space<vmem>> -> memref<80x16xf32, #tpu.memory_space<vmem>>
      %dma_wait3A_62 = arith.constant 0 : i32
      %dma_wait3A_63 = tpu.memref_slice %arg6[%add3A_25, %dma_wait3A_62] : memref<10240x16xf32, #tpu.memory_space<vmem_shared>> -> memref<80x16xf32, #tpu.memory_space<vmem_shared>>
      %dma_wait3A_64 = arith.constant 0 : i32
      %dma_wait3A_65 = tpu.memref_slice %arg6[%add3A_25, %dma_wait3A_64] : memref<10240x16xf32, #tpu.memory_space<vmem_shared>> -> memref<80x16xf32, #tpu.memory_space<vmem_shared>>
      %dma_wait3A_66 = arith.constant 0 : i32
      %dma_wait3A_67 = arith.constant 0 : i32
      %dma_wait3A_68 = tpu.memref_slice %arg5[%dma_wait3A_66, %dma_wait3A_67] : memref<80x16xf32, #tpu.memory_space<vmem>> -> memref<80x16xf32, #tpu.memory_space<vmem>>
      tpu.wait_dma2 semaphore(%run_scoped3A_50 : memref<!tpu.dma_semaphore, #tpu.memory_space<semaphore_mem>>) src(%dma_wait3A_68 : memref<80x16xf32, #tpu.memory_space<vmem>>) dst(%dma_wait3A_65 : memref<80x16xf32, #tpu.memory_space<vmem_shared>>)
      tpu.yield
    }) : () -> ()
    %broadcast_in_dim3A_26 = arith.constant 1.000000e+00 : f32
    %broadcast_in_dim3A_27 = vector.broadcast %broadcast_in_dim3A_26 : f32 to vector<16xf32>
    %scan3A_28 = arith.constant 0 : i32
    %scan3A_29 = arith.constant 0 : i32
    %scan3A_30 = arith.constant 80 : i32
    %scan3A_31 = arith.addi %scan3A_29, %scan3A_30 : i32
    %scan3A_32 = arith.constant 1 : i32
    %scan3A_33 = scf.for %scan3A_50 = %scan3A_29 to %scan3A_31 step %scan3A_32 iter_args(%scan3A_51 = %scan3A_28) -> (i32)  : i32 {
      %scan3A_52 = arith.constant 0 : i32
      %scan3A_53 = arith.constant 0 : i32
      %mul3A_54 = arith.constant 16 : i32
      %mul3A_55 = arith.muli %scan3A_53, %mul3A_54 : i32
      %swap3A = arith.index_cast %scan3A_50 : i32 to index
      %swap3A_56 = arith.index_cast %mul3A_55 : i32 to index
      %swap3A_57 = tpu.vector_load %arg5[%swap3A, %swap3A_56] {strides = array<i32>} : memref<80x16xf32, #tpu.memory_space<vmem>>, vector<1x16xf32>,
      %swap3A_58 = vector.shape_cast %swap3A_57 : vector<1x16xf32> to vector<16xf32>
      %swap3A_59 = vector.shape_cast %broadcast_in_dim3A_27 : vector<16xf32> to vector<1x16xf32>
      tpu.vector_store %arg5[%swap3A, %swap3A_56], %swap3A_59 {strides = array<i32>} : memref<80x16xf32, #tpu.memory_space<vmem>>, vector<1x16xf32>,
      %scan3A_60 = arith.constant 0 : i32
      %scan3A_61 = arith.constant 1 : i32
      scf.yield %scan3A_60 : i32
    }
    %scan3A_34 = arith.constant 80 : i32
    %barrier3A = arith.constant 0 : index
    tpu.barrier barrier_id(%barrier3A)
    %scan3A_35 = arith.constant 0 : i32
    %scan3A_36 = arith.constant 0 : i32
    %scan3A_37 = arith.constant 125 : i32
    %scan3A_38 = arith.addi %scan3A_36, %scan3A_37 : i32
    %scan3A_39 = arith.constant 1 : i32
    %scan3A_40 = scf.for %scan3A_50 = %scan3A_36 to %scan3A_38 step %scan3A_39 iter_args(%scan3A_51 = %scan3A_35) -> (i32)  : i32 {
      %dma_start3A = arith.constant 0 : i32
      %dma_start3A_52 = tpu.memref_slice %arg4[%scan3A_50, %dma_start3A] : memref<125x80xi32, #tpu.memory_space<vmem>> -> memref<1x80xi32, #tpu.memory_space<vmem>>
      %dma_start3A_53 = tpu.memref_squeeze %dma_start3A_52 : memref<1x80xi32, #tpu.memory_space<vmem>> -> memref<80xi32, #tpu.memory_space<vmem>>
      %dma_start3A_54 = arith.constant 0 : i32
      %dma_start3A_55 = arith.constant 0 : i32
      %dma_start3A_56 = tpu.memref_slice %arg6[%dma_start3A_54, %dma_start3A_55] : memref<10240x16xf32, #tpu.memory_space<vmem_shared>> -> memref<10240x16xf32, #tpu.memory_space<vmem_shared>>
      tpu.enqueue_indirect_dma source(%arg5 : memref<80x16xf32, #tpu.memory_space<vmem>>) target(%dma_start3A_56 : memref<10240x16xf32, #tpu.memory_space<vmem_shared>>) offsets(%dma_start3A_53 : memref<80xi32, #tpu.memory_space<vmem>>) semaphore(%arg7 : memref<!tpu.dma_semaphore, #tpu.memory_space<semaphore_mem>>) {add = true}
      %scan3A_57 = arith.constant 0 : i32
      scf.yield %scan3A_57 : i32
    }
    %scan3A_41 = arith.constant 125 : i32
    %scan3A_42 = arith.constant 0 : i32
    %scan3A_43 = arith.constant 0 : i32
    %scan3A_44 = arith.constant 125 : i32
    %scan3A_45 = arith.addi %scan3A_43, %scan3A_44 : i32
    %scan3A_46 = arith.constant 1 : i32
    %scan3A_47 = scf.for %scan3A_50 = %scan3A_43 to %scan3A_45 step %scan3A_46 iter_args(%scan3A_51 = %scan3A_42) -> (i32)  : i32 {
      %dma_wait3A = arith.constant 0 : i32
      %dma_wait3A_52 = tpu.memref_slice %arg4[%scan3A_50, %dma_wait3A] : memref<125x80xi32, #tpu.memory_space<vmem>> -> memref<1x80xi32, #tpu.memory_space<vmem>>
      %dma_wait3A_53 = tpu.memref_squeeze %dma_wait3A_52 : memref<1x80xi32, #tpu.memory_space<vmem>> -> memref<80xi32, #tpu.memory_space<vmem>>
      %dma_wait3A_54 = arith.constant 0 : i32
      %dma_wait3A_55 = arith.constant 0 : i32
      %dma_wait3A_56 = tpu.memref_slice %arg6[%dma_wait3A_54, %dma_wait3A_55] : memref<10240x16xf32, #tpu.memory_space<vmem_shared>> -> memref<10240x16xf32, #tpu.memory_space<vmem_shared>>
      tpu.wait_indirect_dma semaphore(%arg7 : memref<!tpu.dma_semaphore, #tpu.memory_space<semaphore_mem>>) src(%arg5 : memref<80x16xf32, #tpu.memory_space<vmem>>) dst(%dma_wait3A_56 : memref<10240x16xf32, #tpu.memory_space<vmem_shared>>)
      %scan3A_57 = arith.constant 0 : i32
      scf.yield %scan3A_57 : i32
    }
    %scan3A_48 = arith.constant 125 : i32
    %barrier3A_49 = arith.constant 0 : index
    tpu.barrier barrier_id(%barrier3A_49)
    "tpu.region"() ({
      %run_scoped3A_50 = tpu.sem_alloc : memref<!tpu.dma_semaphore, #tpu.memory_space<semaphore_mem>>
      %dma_start3A = arith.constant 0 : i32
      %dma_start3A_51 = tpu.memref_slice %arg3[%arg0, %mul3A_2, %dma_start3A] : memref<2x10240x16xf32, #tpu.memory_space<hbm>> -> memref<1x640x16xf32, #tpu.memory_space<hbm>>
      %dma_start3A_52 = tpu.memref_squeeze %dma_start3A_51 : memref<1x640x16xf32, #tpu.memory_space<hbm>> -> memref<640x16xf32, #tpu.memory_space<hbm>>
      %dma_start3A_53 = arith.constant 0 : i32
      %dma_start3A_54 = tpu.memref_slice %arg6[%mul3A_2, %dma_start3A_53] : memref<10240x16xf32, #tpu.memory_space<vmem_shared>> -> memref<640x16xf32, #tpu.memory_space<vmem_shared>>
      tpu.enqueue_dma source(%dma_start3A_54 : memref<640x16xf32, #tpu.memory_space<vmem_shared>>) target(%dma_start3A_52 : memref<640x16xf32, #tpu.memory_space<hbm>>) target_semaphore(%run_scoped3A_50 : memref<!tpu.dma_semaphore, #tpu.memory_space<semaphore_mem>>)
      %dma_wait3A = arith.constant 0 : i32
      %dma_wait3A_55 = tpu.memref_slice %arg3[%arg0, %mul3A_2, %dma_wait3A] : memref<2x10240x16xf32, #tpu.memory_space<hbm>> -> memref<1x640x16xf32, #tpu.memory_space<hbm>>
      %dma_wait3A_56 = tpu.memref_squeeze %dma_wait3A_55 : memref<1x640x16xf32, #tpu.memory_space<hbm>> -> memref<640x16xf32, #tpu.memory_space<hbm>>
      %dma_wait3A_57 = arith.constant 0 : i32
      %dma_wait3A_58 = tpu.memref_slice %arg6[%mul3A_2, %dma_wait3A_57] : memref<10240x16xf32, #tpu.memory_space<vmem_shared>> -> memref<640x16xf32, #tpu.memory_space<vmem_shared>>
      tpu.wait_dma2 semaphore(%run_scoped3A_50 : memref<!tpu.dma_semaphore, #tpu.memory_space<semaphore_mem>>) src(%dma_wait3A_58 : memref<640x16xf32, #tpu.memory_space<vmem_shared>>) dst(%dma_wait3A_56 : memref<640x16xf32, #tpu.memory_space<hbm>>)
      tpu.yield
    }) : () -> ()
    return
  }
}

#map = affine_map<(d0, d1) -> (0, 0)>
#map1 = affine_map<(d0, d1) -> (0, 0, 0, 0)>
#map2 = affine_map<(d0, d1) -> (0, 0, 0)>
module attributes {stable_mosaic.version = 14 : i64} {
  func.func @body(%arg0: i32, %arg1: i32, %arg2: memref<10000x48xf32, #tpu.memory_space<hbm>>, %arg3: memref<2x32x125x80xi32, #tpu.memory_space<hbm>>, %arg4: memref<2x10240x48xf32, #tpu.memory_space<hbm>>, %arg5: memref<125x80xi32, #tpu.memory_space<vmem>>, %arg6: memref<125x80xi32, #tpu.memory_space<vmem>>, %arg7: memref<80x48xf32, #tpu.memory_space<vmem>>, %arg8: memref<80x48xf32, #tpu.memory_space<vmem>>, %arg9: memref<80x48xf32, #tpu.memory_space<vmem>>, %arg10: memref<80x48xf32, #tpu.memory_space<vmem>>, %arg11: memref<80x48xf32, #tpu.memory_space<vmem>>, %arg12: memref<10240x48xf32, #tpu.memory_space<vmem_shared>>, %arg13: memref<!tpu.dma_semaphore, #tpu.memory_space<semaphore_mem>>, %arg14: memref<!tpu.dma_semaphore, #tpu.memory_space<semaphore_mem>>, %arg15: memref<!tpu.dma_semaphore, #tpu.memory_space<semaphore_mem>>, %arg16: memref<!tpu.dma_semaphore, #tpu.memory_space<semaphore_mem>>, %arg17: memref<!tpu.dma_semaphore, #tpu.memory_space<semaphore_mem>>, %arg18: memref<!tpu.dma_semaphore, #tpu.memory_space<semaphore_mem>>, %arg19: memref<!tpu.dma_semaphore, #tpu.memory_space<semaphore_mem>>, %arg20: memref<!tpu.dma_semaphore, #tpu.memory_space<semaphore_mem>>, %arg21: memref<!tpu.dma_semaphore, #tpu.memory_space<semaphore_mem>>, %arg22: memref<!tpu.dma_semaphore, #tpu.memory_space<semaphore_mem>>) attributes {dimension_semantics = [#tpu.dimension_semantics<core_parallel>, #tpu.dimension_semantics<subcore_parallel>], iteration_bounds = array<i64: 2, 16>, scalar_prefetch = 0 : i64, scratch_operands = 18 : i64, tpu.core_type = #tpu.core_type<sc_vector_subcore>, window_params = [{transform_indices = #map}, {transform_indices = #map1}, {transform_indices = #map2}]} {
    %mul3A = arith.constant 640 : i32
    %mul3A_0 = arith.muli %arg1, %mul3A : i32
    %mul3A_1 = arith.constant 16 : i32
    %mul3A_2 = arith.muli %arg0, %mul3A_1 : i32
    %add3A = arith.addi %mul3A_2, %arg1 : i32
    %run_scoped3A = arith.constant 0 : i32
    "tpu.region"() ({
      %run_scoped3A_313 = tpu.sem_alloc : memref<!tpu.dma_semaphore, #tpu.memory_space<semaphore_mem>>
      %dma_start3A_314 = arith.constant 0 : i32
      %dma_start3A_315 = arith.constant 0 : i32
      %dma_start3A_316 = tpu.memref_slice %arg3[%run_scoped3A, %add3A, %dma_start3A_314, %dma_start3A_315] : memref<2x32x125x80xi32, #tpu.memory_space<hbm>> -> memref<1x1x125x80xi32, #tpu.memory_space<hbm>>
      %dma_start3A_317 = tpu.memref_squeeze %dma_start3A_316 : memref<1x1x125x80xi32, #tpu.memory_space<hbm>> -> memref<125x80xi32, #tpu.memory_space<hbm>>
      %dma_start3A_318 = arith.constant 0 : i32
      %dma_start3A_319 = arith.constant 0 : i32
      %dma_start3A_320 = tpu.memref_slice %arg3[%run_scoped3A, %add3A, %dma_start3A_318, %dma_start3A_319] : memref<2x32x125x80xi32, #tpu.memory_space<hbm>> -> memref<1x1x125x80xi32, #tpu.memory_space<hbm>>
      %dma_start3A_321 = tpu.memref_squeeze %dma_start3A_320 : memref<1x1x125x80xi32, #tpu.memory_space<hbm>> -> memref<125x80xi32, #tpu.memory_space<hbm>>
      tpu.enqueue_dma source(%dma_start3A_321 : memref<125x80xi32, #tpu.memory_space<hbm>>) target(%arg5 : memref<125x80xi32, #tpu.memory_space<vmem>>) target_semaphore(%run_scoped3A_313 : memref<!tpu.dma_semaphore, #tpu.memory_space<semaphore_mem>>)
      %dma_wait3A_322 = arith.constant 0 : i32
      %dma_wait3A_323 = arith.constant 0 : i32
      %dma_wait3A_324 = tpu.memref_slice %arg3[%run_scoped3A, %add3A, %dma_wait3A_322, %dma_wait3A_323] : memref<2x32x125x80xi32, #tpu.memory_space<hbm>> -> memref<1x1x125x80xi32, #tpu.memory_space<hbm>>
      %dma_wait3A_325 = tpu.memref_squeeze %dma_wait3A_324 : memref<1x1x125x80xi32, #tpu.memory_space<hbm>> -> memref<125x80xi32, #tpu.memory_space<hbm>>
      %dma_wait3A_326 = arith.constant 0 : i32
      %dma_wait3A_327 = arith.constant 0 : i32
      %dma_wait3A_328 = tpu.memref_slice %arg3[%run_scoped3A, %add3A, %dma_wait3A_326, %dma_wait3A_327] : memref<2x32x125x80xi32, #tpu.memory_space<hbm>> -> memref<1x1x125x80xi32, #tpu.memory_space<hbm>>
      %dma_wait3A_329 = tpu.memref_squeeze %dma_wait3A_328 : memref<1x1x125x80xi32, #tpu.memory_space<hbm>> -> memref<125x80xi32, #tpu.memory_space<hbm>>
      tpu.wait_dma2 semaphore(%run_scoped3A_313 : memref<!tpu.dma_semaphore, #tpu.memory_space<semaphore_mem>>) src(%dma_wait3A_329 : memref<125x80xi32, #tpu.memory_space<hbm>>) dst(%arg5 : memref<125x80xi32, #tpu.memory_space<vmem>>)
      tpu.yield
    }) : () -> ()
    %run_scoped3A_3 = arith.constant 1 : i32
    "tpu.region"() ({
      %run_scoped3A_313 = tpu.sem_alloc : memref<!tpu.dma_semaphore, #tpu.memory_space<semaphore_mem>>
      %dma_start3A_314 = arith.constant 0 : i32
      %dma_start3A_315 = arith.constant 0 : i32
      %dma_start3A_316 = tpu.memref_slice %arg3[%run_scoped3A_3, %add3A, %dma_start3A_314, %dma_start3A_315] : memref<2x32x125x80xi32, #tpu.memory_space<hbm>> -> memref<1x1x125x80xi32, #tpu.memory_space<hbm>>
      %dma_start3A_317 = tpu.memref_squeeze %dma_start3A_316 : memref<1x1x125x80xi32, #tpu.memory_space<hbm>> -> memref<125x80xi32, #tpu.memory_space<hbm>>
      %dma_start3A_318 = arith.constant 0 : i32
      %dma_start3A_319 = arith.constant 0 : i32
      %dma_start3A_320 = tpu.memref_slice %arg3[%run_scoped3A_3, %add3A, %dma_start3A_318, %dma_start3A_319] : memref<2x32x125x80xi32, #tpu.memory_space<hbm>> -> memref<1x1x125x80xi32, #tpu.memory_space<hbm>>
      %dma_start3A_321 = tpu.memref_squeeze %dma_start3A_320 : memref<1x1x125x80xi32, #tpu.memory_space<hbm>> -> memref<125x80xi32, #tpu.memory_space<hbm>>
      tpu.enqueue_dma source(%dma_start3A_321 : memref<125x80xi32, #tpu.memory_space<hbm>>) target(%arg6 : memref<125x80xi32, #tpu.memory_space<vmem>>) target_semaphore(%run_scoped3A_313 : memref<!tpu.dma_semaphore, #tpu.memory_space<semaphore_mem>>)
      %dma_wait3A_322 = arith.constant 0 : i32
      %dma_wait3A_323 = arith.constant 0 : i32
      %dma_wait3A_324 = tpu.memref_slice %arg3[%run_scoped3A_3, %add3A, %dma_wait3A_322, %dma_wait3A_323] : memref<2x32x125x80xi32, #tpu.memory_space<hbm>> -> memref<1x1x125x80xi32, #tpu.memory_space<hbm>>
      %dma_wait3A_325 = tpu.memref_squeeze %dma_wait3A_324 : memref<1x1x125x80xi32, #tpu.memory_space<hbm>> -> memref<125x80xi32, #tpu.memory_space<hbm>>
      %dma_wait3A_326 = arith.constant 0 : i32
      %dma_wait3A_327 = arith.constant 0 : i32
      %dma_wait3A_328 = tpu.memref_slice %arg3[%run_scoped3A_3, %add3A, %dma_wait3A_326, %dma_wait3A_327] : memref<2x32x125x80xi32, #tpu.memory_space<hbm>> -> memref<1x1x125x80xi32, #tpu.memory_space<hbm>>
      %dma_wait3A_329 = tpu.memref_squeeze %dma_wait3A_328 : memref<1x1x125x80xi32, #tpu.memory_space<hbm>> -> memref<125x80xi32, #tpu.memory_space<hbm>>
      tpu.wait_dma2 semaphore(%run_scoped3A_313 : memref<!tpu.dma_semaphore, #tpu.memory_space<semaphore_mem>>) src(%dma_wait3A_329 : memref<125x80xi32, #tpu.memory_space<hbm>>) dst(%arg6 : memref<125x80xi32, #tpu.memory_space<vmem>>)
      tpu.yield
    }) : () -> ()
    %broadcast_in_dim3A = arith.constant 0.000000e+00 : f32
    %broadcast_in_dim3A_4 = vector.broadcast %broadcast_in_dim3A : f32 to vector<16xf32>
    %scan3A = arith.constant 0 : i32
    %scan3A_5 = arith.constant 0 : i32
    %scan3A_6 = arith.constant 80 : i32
    %scan3A_7 = arith.addi %scan3A_5, %scan3A_6 : i32
    %scan3A_8 = arith.constant 1 : i32
    %scan3A_9 = scf.for %scan3A_313 = %scan3A_5 to %scan3A_7 step %scan3A_8 iter_args(%scan3A_314 = %scan3A) -> (i32)  : i32 {
      %scan3A_315 = arith.constant 0 : i32
      %scan3A_316 = arith.constant 0 : i32
      %scan3A_317 = arith.constant 3 : i32
      %scan3A_318 = arith.addi %scan3A_316, %scan3A_317 : i32
      %scan3A_319 = arith.constant 1 : i32
      %scan3A_320 = scf.for %scan3A_322 = %scan3A_316 to %scan3A_318 step %scan3A_319 iter_args(%scan3A_323 = %scan3A_315) -> (i32)  : i32 {
        %mul3A_324 = arith.constant 16 : i32
        %mul3A_325 = arith.muli %scan3A_322, %mul3A_324 : i32
        %swap3A = arith.index_cast %scan3A_313 : i32 to index
        %swap3A_326 = arith.index_cast %mul3A_325 : i32 to index
        %swap3A_327 = tpu.vector_load %arg7[%swap3A, %swap3A_326] {strides = array<i32>} : memref<80x48xf32, #tpu.memory_space<vmem>>, vector<1x16xf32>,
        %swap3A_328 = vector.shape_cast %swap3A_327 : vector<1x16xf32> to vector<16xf32>
        %swap3A_329 = vector.shape_cast %broadcast_in_dim3A_4 : vector<16xf32> to vector<1x16xf32>
        tpu.vector_store %arg7[%swap3A, %swap3A_326], %swap3A_329 {strides = array<i32>} : memref<80x48xf32, #tpu.memory_space<vmem>>, vector<1x16xf32>,
        %scan3A_330 = arith.constant 0 : i32
        scf.yield %scan3A_330 : i32
      }
      %scan3A_321 = arith.constant 3 : i32
      scf.yield %scan3A_320 : i32
    }
    %scan3A_10 = arith.constant 80 : i32
    %add3A_11 = arith.constant 0 : i32
    %add3A_12 = arith.addi %mul3A_0, %add3A_11 : i32
    "tpu.region"() ({
      %run_scoped3A_313 = tpu.sem_alloc : memref<!tpu.dma_semaphore, #tpu.memory_space<semaphore_mem>>
      %dma_start3A_314 = arith.constant 0 : i32
      %dma_start3A_315 = arith.constant 0 : i32
      %dma_start3A_316 = tpu.memref_slice %arg7[%dma_start3A_314, %dma_start3A_315] : memref<80x48xf32, #tpu.memory_space<vmem>> -> memref<80x48xf32, #tpu.memory_space<vmem>>
      %dma_start3A_317 = arith.constant 0 : i32
      %dma_start3A_318 = tpu.memref_slice %arg12[%add3A_12, %dma_start3A_317] : memref<10240x48xf32, #tpu.memory_space<vmem_shared>> -> memref<80x48xf32, #tpu.memory_space<vmem_shared>>
      %dma_start3A_319 = arith.constant 0 : i32
      %dma_start3A_320 = tpu.memref_slice %arg12[%add3A_12, %dma_start3A_319] : memref<10240x48xf32, #tpu.memory_space<vmem_shared>> -> memref<80x48xf32, #tpu.memory_space<vmem_shared>>
      %dma_start3A_321 = arith.constant 0 : i32
      %dma_start3A_322 = arith.constant 0 : i32
      %dma_start3A_323 = tpu.memref_slice %arg7[%dma_start3A_321, %dma_start3A_322] : memref<80x48xf32, #tpu.memory_space<vmem>> -> memref<80x48xf32, #tpu.memory_space<vmem>>
      tpu.enqueue_dma source(%dma_start3A_323 : memref<80x48xf32, #tpu.memory_space<vmem>>) target(%dma_start3A_320 : memref<80x48xf32, #tpu.memory_space<vmem_shared>>) target_semaphore(%run_scoped3A_313 : memref<!tpu.dma_semaphore, #tpu.memory_space<semaphore_mem>>)
      %dma_wait3A_324 = arith.constant 0 : i32
      %dma_wait3A_325 = arith.constant 0 : i32
      %dma_wait3A_326 = tpu.memref_slice %arg7[%dma_wait3A_324, %dma_wait3A_325] : memref<80x48xf32, #tpu.memory_space<vmem>> -> memref<80x48xf32, #tpu.memory_space<vmem>>
      %dma_wait3A_327 = arith.constant 0 : i32
      %dma_wait3A_328 = tpu.memref_slice %arg12[%add3A_12, %dma_wait3A_327] : memref<10240x48xf32, #tpu.memory_space<vmem_shared>> -> memref<80x48xf32, #tpu.memory_space<vmem_shared>>
      %dma_wait3A_329 = arith.constant 0 : i32
      %dma_wait3A_330 = tpu.memref_slice %arg12[%add3A_12, %dma_wait3A_329] : memref<10240x48xf32, #tpu.memory_space<vmem_shared>> -> memref<80x48xf32, #tpu.memory_space<vmem_shared>>
      %dma_wait3A_331 = arith.constant 0 : i32
      %dma_wait3A_332 = arith.constant 0 : i32
      %dma_wait3A_333 = tpu.memref_slice %arg7[%dma_wait3A_331, %dma_wait3A_332] : memref<80x48xf32, #tpu.memory_space<vmem>> -> memref<80x48xf32, #tpu.memory_space<vmem>>
      tpu.wait_dma2 semaphore(%run_scoped3A_313 : memref<!tpu.dma_semaphore, #tpu.memory_space<semaphore_mem>>) src(%dma_wait3A_333 : memref<80x48xf32, #tpu.memory_space<vmem>>) dst(%dma_wait3A_330 : memref<80x48xf32, #tpu.memory_space<vmem_shared>>)
      tpu.yield
    }) : () -> ()
    %add3A_13 = arith.constant 80 : i32
    %add3A_14 = arith.addi %mul3A_0, %add3A_13 : i32
    "tpu.region"() ({
      %run_scoped3A_313 = tpu.sem_alloc : memref<!tpu.dma_semaphore, #tpu.memory_space<semaphore_mem>>
      %dma_start3A_314 = arith.constant 0 : i32
      %dma_start3A_315 = arith.constant 0 : i32
      %dma_start3A_316 = tpu.memref_slice %arg7[%dma_start3A_314, %dma_start3A_315] : memref<80x48xf32, #tpu.memory_space<vmem>> -> memref<80x48xf32, #tpu.memory_space<vmem>>
      %dma_start3A_317 = arith.constant 0 : i32
      %dma_start3A_318 = tpu.memref_slice %arg12[%add3A_14, %dma_start3A_317] : memref<10240x48xf32, #tpu.memory_space<vmem_shared>> -> memref<80x48xf32, #tpu.memory_space<vmem_shared>>
      %dma_start3A_319 = arith.constant 0 : i32
      %dma_start3A_320 = tpu.memref_slice %arg12[%add3A_14, %dma_start3A_319] : memref<10240x48xf32, #tpu.memory_space<vmem_shared>> -> memref<80x48xf32, #tpu.memory_space<vmem_shared>>
      %dma_start3A_321 = arith.constant 0 : i32
      %dma_start3A_322 = arith.constant 0 : i32
      %dma_start3A_323 = tpu.memref_slice %arg7[%dma_start3A_321, %dma_start3A_322] : memref<80x48xf32, #tpu.memory_space<vmem>> -> memref<80x48xf32, #tpu.memory_space<vmem>>
      tpu.enqueue_dma source(%dma_start3A_323 : memref<80x48xf32, #tpu.memory_space<vmem>>) target(%dma_start3A_320 : memref<80x48xf32, #tpu.memory_space<vmem_shared>>) target_semaphore(%run_scoped3A_313 : memref<!tpu.dma_semaphore, #tpu.memory_space<semaphore_mem>>)
      %dma_wait3A_324 = arith.constant 0 : i32
      %dma_wait3A_325 = arith.constant 0 : i32
      %dma_wait3A_326 = tpu.memref_slice %arg7[%dma_wait3A_324, %dma_wait3A_325] : memref<80x48xf32, #tpu.memory_space<vmem>> -> memref<80x48xf32, #tpu.memory_space<vmem>>
      %dma_wait3A_327 = arith.constant 0 : i32
      %dma_wait3A_328 = tpu.memref_slice %arg12[%add3A_14, %dma_wait3A_327] : memref<10240x48xf32, #tpu.memory_space<vmem_shared>> -> memref<80x48xf32, #tpu.memory_space<vmem_shared>>
      %dma_wait3A_329 = arith.constant 0 : i32
      %dma_wait3A_330 = tpu.memref_slice %arg12[%add3A_14, %dma_wait3A_329] : memref<10240x48xf32, #tpu.memory_space<vmem_shared>> -> memref<80x48xf32, #tpu.memory_space<vmem_shared>>
      %dma_wait3A_331 = arith.constant 0 : i32
      %dma_wait3A_332 = arith.constant 0 : i32
      %dma_wait3A_333 = tpu.memref_slice %arg7[%dma_wait3A_331, %dma_wait3A_332] : memref<80x48xf32, #tpu.memory_space<vmem>> -> memref<80x48xf32, #tpu.memory_space<vmem>>
      tpu.wait_dma2 semaphore(%run_scoped3A_313 : memref<!tpu.dma_semaphore, #tpu.memory_space<semaphore_mem>>) src(%dma_wait3A_333 : memref<80x48xf32, #tpu.memory_space<vmem>>) dst(%dma_wait3A_330 : memref<80x48xf32, #tpu.memory_space<vmem_shared>>)
      tpu.yield
    }) : () -> ()
    %add3A_15 = arith.constant 160 : i32
    %add3A_16 = arith.addi %mul3A_0, %add3A_15 : i32
    "tpu.region"() ({
      %run_scoped3A_313 = tpu.sem_alloc : memref<!tpu.dma_semaphore, #tpu.memory_space<semaphore_mem>>
      %dma_start3A_314 = arith.constant 0 : i32
      %dma_start3A_315 = arith.constant 0 : i32
      %dma_start3A_316 = tpu.memref_slice %arg7[%dma_start3A_314, %dma_start3A_315] : memref<80x48xf32, #tpu.memory_space<vmem>> -> memref<80x48xf32, #tpu.memory_space<vmem>>
      %dma_start3A_317 = arith.constant 0 : i32
      %dma_start3A_318 = tpu.memref_slice %arg12[%add3A_16, %dma_start3A_317] : memref<10240x48xf32, #tpu.memory_space<vmem_shared>> -> memref<80x48xf32, #tpu.memory_space<vmem_shared>>
      %dma_start3A_319 = arith.constant 0 : i32
      %dma_start3A_320 = tpu.memref_slice %arg12[%add3A_16, %dma_start3A_319] : memref<10240x48xf32, #tpu.memory_space<vmem_shared>> -> memref<80x48xf32, #tpu.memory_space<vmem_shared>>
      %dma_start3A_321 = arith.constant 0 : i32
      %dma_start3A_322 = arith.constant 0 : i32
      %dma_start3A_323 = tpu.memref_slice %arg7[%dma_start3A_321, %dma_start3A_322] : memref<80x48xf32, #tpu.memory_space<vmem>> -> memref<80x48xf32, #tpu.memory_space<vmem>>
      tpu.enqueue_dma source(%dma_start3A_323 : memref<80x48xf32, #tpu.memory_space<vmem>>) target(%dma_start3A_320 : memref<80x48xf32, #tpu.memory_space<vmem_shared>>) target_semaphore(%run_scoped3A_313 : memref<!tpu.dma_semaphore, #tpu.memory_space<semaphore_mem>>)
      %dma_wait3A_324 = arith.constant 0 : i32
      %dma_wait3A_325 = arith.constant 0 : i32
      %dma_wait3A_326 = tpu.memref_slice %arg7[%dma_wait3A_324, %dma_wait3A_325] : memref<80x48xf32, #tpu.memory_space<vmem>> -> memref<80x48xf32, #tpu.memory_space<vmem>>
      %dma_wait3A_327 = arith.constant 0 : i32
      %dma_wait3A_328 = tpu.memref_slice %arg12[%add3A_16, %dma_wait3A_327] : memref<10240x48xf32, #tpu.memory_space<vmem_shared>> -> memref<80x48xf32, #tpu.memory_space<vmem_shared>>
      %dma_wait3A_329 = arith.constant 0 : i32
      %dma_wait3A_330 = tpu.memref_slice %arg12[%add3A_16, %dma_wait3A_329] : memref<10240x48xf32, #tpu.memory_space<vmem_shared>> -> memref<80x48xf32, #tpu.memory_space<vmem_shared>>
      %dma_wait3A_331 = arith.constant 0 : i32
      %dma_wait3A_332 = arith.constant 0 : i32
      %dma_wait3A_333 = tpu.memref_slice %arg7[%dma_wait3A_331, %dma_wait3A_332] : memref<80x48xf32, #tpu.memory_space<vmem>> -> memref<80x48xf32, #tpu.memory_space<vmem>>
      tpu.wait_dma2 semaphore(%run_scoped3A_313 : memref<!tpu.dma_semaphore, #tpu.memory_space<semaphore_mem>>) src(%dma_wait3A_333 : memref<80x48xf32, #tpu.memory_space<vmem>>) dst(%dma_wait3A_330 : memref<80x48xf32, #tpu.memory_space<vmem_shared>>)
      tpu.yield
    }) : () -> ()
    %add3A_17 = arith.constant 240 : i32
    %add3A_18 = arith.addi %mul3A_0, %add3A_17 : i32
    "tpu.region"() ({
      %run_scoped3A_313 = tpu.sem_alloc : memref<!tpu.dma_semaphore, #tpu.memory_space<semaphore_mem>>
      %dma_start3A_314 = arith.constant 0 : i32
      %dma_start3A_315 = arith.constant 0 : i32
      %dma_start3A_316 = tpu.memref_slice %arg7[%dma_start3A_314, %dma_start3A_315] : memref<80x48xf32, #tpu.memory_space<vmem>> -> memref<80x48xf32, #tpu.memory_space<vmem>>
      %dma_start3A_317 = arith.constant 0 : i32
      %dma_start3A_318 = tpu.memref_slice %arg12[%add3A_18, %dma_start3A_317] : memref<10240x48xf32, #tpu.memory_space<vmem_shared>> -> memref<80x48xf32, #tpu.memory_space<vmem_shared>>
      %dma_start3A_319 = arith.constant 0 : i32
      %dma_start3A_320 = tpu.memref_slice %arg12[%add3A_18, %dma_start3A_319] : memref<10240x48xf32, #tpu.memory_space<vmem_shared>> -> memref<80x48xf32, #tpu.memory_space<vmem_shared>>
      %dma_start3A_321 = arith.constant 0 : i32
      %dma_start3A_322 = arith.constant 0 : i32
      %dma_start3A_323 = tpu.memref_slice %arg7[%dma_start3A_321, %dma_start3A_322] : memref<80x48xf32, #tpu.memory_space<vmem>> -> memref<80x48xf32, #tpu.memory_space<vmem>>
      tpu.enqueue_dma source(%dma_start3A_323 : memref<80x48xf32, #tpu.memory_space<vmem>>) target(%dma_start3A_320 : memref<80x48xf32, #tpu.memory_space<vmem_shared>>) target_semaphore(%run_scoped3A_313 : memref<!tpu.dma_semaphore, #tpu.memory_space<semaphore_mem>>)
      %dma_wait3A_324 = arith.constant 0 : i32
      %dma_wait3A_325 = arith.constant 0 : i32
      %dma_wait3A_326 = tpu.memref_slice %arg7[%dma_wait3A_324, %dma_wait3A_325] : memref<80x48xf32, #tpu.memory_space<vmem>> -> memref<80x48xf32, #tpu.memory_space<vmem>>
      %dma_wait3A_327 = arith.constant 0 : i32
      %dma_wait3A_328 = tpu.memref_slice %arg12[%add3A_18, %dma_wait3A_327] : memref<10240x48xf32, #tpu.memory_space<vmem_shared>> -> memref<80x48xf32, #tpu.memory_space<vmem_shared>>
      %dma_wait3A_329 = arith.constant 0 : i32
      %dma_wait3A_330 = tpu.memref_slice %arg12[%add3A_18, %dma_wait3A_329] : memref<10240x48xf32, #tpu.memory_space<vmem_shared>> -> memref<80x48xf32, #tpu.memory_space<vmem_shared>>
      %dma_wait3A_331 = arith.constant 0 : i32
      %dma_wait3A_332 = arith.constant 0 : i32
      %dma_wait3A_333 = tpu.memref_slice %arg7[%dma_wait3A_331, %dma_wait3A_332] : memref<80x48xf32, #tpu.memory_space<vmem>> -> memref<80x48xf32, #tpu.memory_space<vmem>>
      tpu.wait_dma2 semaphore(%run_scoped3A_313 : memref<!tpu.dma_semaphore, #tpu.memory_space<semaphore_mem>>) src(%dma_wait3A_333 : memref<80x48xf32, #tpu.memory_space<vmem>>) dst(%dma_wait3A_330 : memref<80x48xf32, #tpu.memory_space<vmem_shared>>)
      tpu.yield
    }) : () -> ()
    %add3A_19 = arith.constant 320 : i32
    %add3A_20 = arith.addi %mul3A_0, %add3A_19 : i32
    "tpu.region"() ({
      %run_scoped3A_313 = tpu.sem_alloc : memref<!tpu.dma_semaphore, #tpu.memory_space<semaphore_mem>>
      %dma_start3A_314 = arith.constant 0 : i32
      %dma_start3A_315 = arith.constant 0 : i32
      %dma_start3A_316 = tpu.memref_slice %arg7[%dma_start3A_314, %dma_start3A_315] : memref<80x48xf32, #tpu.memory_space<vmem>> -> memref<80x48xf32, #tpu.memory_space<vmem>>
      %dma_start3A_317 = arith.constant 0 : i32
      %dma_start3A_318 = tpu.memref_slice %arg12[%add3A_20, %dma_start3A_317] : memref<10240x48xf32, #tpu.memory_space<vmem_shared>> -> memref<80x48xf32, #tpu.memory_space<vmem_shared>>
      %dma_start3A_319 = arith.constant 0 : i32
      %dma_start3A_320 = tpu.memref_slice %arg12[%add3A_20, %dma_start3A_319] : memref<10240x48xf32, #tpu.memory_space<vmem_shared>> -> memref<80x48xf32, #tpu.memory_space<vmem_shared>>
      %dma_start3A_321 = arith.constant 0 : i32
      %dma_start3A_322 = arith.constant 0 : i32
      %dma_start3A_323 = tpu.memref_slice %arg7[%dma_start3A_321, %dma_start3A_322] : memref<80x48xf32, #tpu.memory_space<vmem>> -> memref<80x48xf32, #tpu.memory_space<vmem>>
      tpu.enqueue_dma source(%dma_start3A_323 : memref<80x48xf32, #tpu.memory_space<vmem>>) target(%dma_start3A_320 : memref<80x48xf32, #tpu.memory_space<vmem_shared>>) target_semaphore(%run_scoped3A_313 : memref<!tpu.dma_semaphore, #tpu.memory_space<semaphore_mem>>)
      %dma_wait3A_324 = arith.constant 0 : i32
      %dma_wait3A_325 = arith.constant 0 : i32
      %dma_wait3A_326 = tpu.memref_slice %arg7[%dma_wait3A_324, %dma_wait3A_325] : memref<80x48xf32, #tpu.memory_space<vmem>> -> memref<80x48xf32, #tpu.memory_space<vmem>>
      %dma_wait3A_327 = arith.constant 0 : i32
      %dma_wait3A_328 = tpu.memref_slice %arg12[%add3A_20, %dma_wait3A_327] : memref<10240x48xf32, #tpu.memory_space<vmem_shared>> -> memref<80x48xf32, #tpu.memory_space<vmem_shared>>
      %dma_wait3A_329 = arith.constant 0 : i32
      %dma_wait3A_330 = tpu.memref_slice %arg12[%add3A_20, %dma_wait3A_329] : memref<10240x48xf32, #tpu.memory_space<vmem_shared>> -> memref<80x48xf32, #tpu.memory_space<vmem_shared>>
      %dma_wait3A_331 = arith.constant 0 : i32
      %dma_wait3A_332 = arith.constant 0 : i32
      %dma_wait3A_333 = tpu.memref_slice %arg7[%dma_wait3A_331, %dma_wait3A_332] : memref<80x48xf32, #tpu.memory_space<vmem>> -> memref<80x48xf32, #tpu.memory_space<vmem>>
      tpu.wait_dma2 semaphore(%run_scoped3A_313 : memref<!tpu.dma_semaphore, #tpu.memory_space<semaphore_mem>>) src(%dma_wait3A_333 : memref<80x48xf32, #tpu.memory_space<vmem>>) dst(%dma_wait3A_330 : memref<80x48xf32, #tpu.memory_space<vmem_shared>>)
      tpu.yield
    }) : () -> ()
    %add3A_21 = arith.constant 400 : i32
    %add3A_22 = arith.addi %mul3A_0, %add3A_21 : i32
    "tpu.region"() ({
      %run_scoped3A_313 = tpu.sem_alloc : memref<!tpu.dma_semaphore, #tpu.memory_space<semaphore_mem>>
      %dma_start3A_314 = arith.constant 0 : i32
      %dma_start3A_315 = arith.constant 0 : i32
      %dma_start3A_316 = tpu.memref_slice %arg7[%dma_start3A_314, %dma_start3A_315] : memref<80x48xf32, #tpu.memory_space<vmem>> -> memref<80x48xf32, #tpu.memory_space<vmem>>
      %dma_start3A_317 = arith.constant 0 : i32
      %dma_start3A_318 = tpu.memref_slice %arg12[%add3A_22, %dma_start3A_317] : memref<10240x48xf32, #tpu.memory_space<vmem_shared>> -> memref<80x48xf32, #tpu.memory_space<vmem_shared>>
      %dma_start3A_319 = arith.constant 0 : i32
      %dma_start3A_320 = tpu.memref_slice %arg12[%add3A_22, %dma_start3A_319] : memref<10240x48xf32, #tpu.memory_space<vmem_shared>> -> memref<80x48xf32, #tpu.memory_space<vmem_shared>>
      %dma_start3A_321 = arith.constant 0 : i32
      %dma_start3A_322 = arith.constant 0 : i32
      %dma_start3A_323 = tpu.memref_slice %arg7[%dma_start3A_321, %dma_start3A_322] : memref<80x48xf32, #tpu.memory_space<vmem>> -> memref<80x48xf32, #tpu.memory_space<vmem>>
      tpu.enqueue_dma source(%dma_start3A_323 : memref<80x48xf32, #tpu.memory_space<vmem>>) target(%dma_start3A_320 : memref<80x48xf32, #tpu.memory_space<vmem_shared>>) target_semaphore(%run_scoped3A_313 : memref<!tpu.dma_semaphore, #tpu.memory_space<semaphore_mem>>)
      %dma_wait3A_324 = arith.constant 0 : i32
      %dma_wait3A_325 = arith.constant 0 : i32
      %dma_wait3A_326 = tpu.memref_slice %arg7[%dma_wait3A_324, %dma_wait3A_325] : memref<80x48xf32, #tpu.memory_space<vmem>> -> memref<80x48xf32, #tpu.memory_space<vmem>>
      %dma_wait3A_327 = arith.constant 0 : i32
      %dma_wait3A_328 = tpu.memref_slice %arg12[%add3A_22, %dma_wait3A_327] : memref<10240x48xf32, #tpu.memory_space<vmem_shared>> -> memref<80x48xf32, #tpu.memory_space<vmem_shared>>
      %dma_wait3A_329 = arith.constant 0 : i32
      %dma_wait3A_330 = tpu.memref_slice %arg12[%add3A_22, %dma_wait3A_329] : memref<10240x48xf32, #tpu.memory_space<vmem_shared>> -> memref<80x48xf32, #tpu.memory_space<vmem_shared>>
      %dma_wait3A_331 = arith.constant 0 : i32
      %dma_wait3A_332 = arith.constant 0 : i32
      %dma_wait3A_333 = tpu.memref_slice %arg7[%dma_wait3A_331, %dma_wait3A_332] : memref<80x48xf32, #tpu.memory_space<vmem>> -> memref<80x48xf32, #tpu.memory_space<vmem>>
      tpu.wait_dma2 semaphore(%run_scoped3A_313 : memref<!tpu.dma_semaphore, #tpu.memory_space<semaphore_mem>>) src(%dma_wait3A_333 : memref<80x48xf32, #tpu.memory_space<vmem>>) dst(%dma_wait3A_330 : memref<80x48xf32, #tpu.memory_space<vmem_shared>>)
      tpu.yield
    }) : () -> ()
    %add3A_23 = arith.constant 480 : i32
    %add3A_24 = arith.addi %mul3A_0, %add3A_23 : i32
    "tpu.region"() ({
      %run_scoped3A_313 = tpu.sem_alloc : memref<!tpu.dma_semaphore, #tpu.memory_space<semaphore_mem>>
      %dma_start3A_314 = arith.constant 0 : i32
      %dma_start3A_315 = arith.constant 0 : i32
      %dma_start3A_316 = tpu.memref_slice %arg7[%dma_start3A_314, %dma_start3A_315] : memref<80x48xf32, #tpu.memory_space<vmem>> -> memref<80x48xf32, #tpu.memory_space<vmem>>
      %dma_start3A_317 = arith.constant 0 : i32
      %dma_start3A_318 = tpu.memref_slice %arg12[%add3A_24, %dma_start3A_317] : memref<10240x48xf32, #tpu.memory_space<vmem_shared>> -> memref<80x48xf32, #tpu.memory_space<vmem_shared>>
      %dma_start3A_319 = arith.constant 0 : i32
      %dma_start3A_320 = tpu.memref_slice %arg12[%add3A_24, %dma_start3A_319] : memref<10240x48xf32, #tpu.memory_space<vmem_shared>> -> memref<80x48xf32, #tpu.memory_space<vmem_shared>>
      %dma_start3A_321 = arith.constant 0 : i32
      %dma_start3A_322 = arith.constant 0 : i32
      %dma_start3A_323 = tpu.memref_slice %arg7[%dma_start3A_321, %dma_start3A_322] : memref<80x48xf32, #tpu.memory_space<vmem>> -> memref<80x48xf32, #tpu.memory_space<vmem>>
      tpu.enqueue_dma source(%dma_start3A_323 : memref<80x48xf32, #tpu.memory_space<vmem>>) target(%dma_start3A_320 : memref<80x48xf32, #tpu.memory_space<vmem_shared>>) target_semaphore(%run_scoped3A_313 : memref<!tpu.dma_semaphore, #tpu.memory_space<semaphore_mem>>)
      %dma_wait3A_324 = arith.constant 0 : i32
      %dma_wait3A_325 = arith.constant 0 : i32
      %dma_wait3A_326 = tpu.memref_slice %arg7[%dma_wait3A_324, %dma_wait3A_325] : memref<80x48xf32, #tpu.memory_space<vmem>> -> memref<80x48xf32, #tpu.memory_space<vmem>>
      %dma_wait3A_327 = arith.constant 0 : i32
      %dma_wait3A_328 = tpu.memref_slice %arg12[%add3A_24, %dma_wait3A_327] : memref<10240x48xf32, #tpu.memory_space<vmem_shared>> -> memref<80x48xf32, #tpu.memory_space<vmem_shared>>
      %dma_wait3A_329 = arith.constant 0 : i32
      %dma_wait3A_330 = tpu.memref_slice %arg12[%add3A_24, %dma_wait3A_329] : memref<10240x48xf32, #tpu.memory_space<vmem_shared>> -> memref<80x48xf32, #tpu.memory_space<vmem_shared>>
      %dma_wait3A_331 = arith.constant 0 : i32
      %dma_wait3A_332 = arith.constant 0 : i32
      %dma_wait3A_333 = tpu.memref_slice %arg7[%dma_wait3A_331, %dma_wait3A_332] : memref<80x48xf32, #tpu.memory_space<vmem>> -> memref<80x48xf32, #tpu.memory_space<vmem>>
      tpu.wait_dma2 semaphore(%run_scoped3A_313 : memref<!tpu.dma_semaphore, #tpu.memory_space<semaphore_mem>>) src(%dma_wait3A_333 : memref<80x48xf32, #tpu.memory_space<vmem>>) dst(%dma_wait3A_330 : memref<80x48xf32, #tpu.memory_space<vmem_shared>>)
      tpu.yield
    }) : () -> ()
    %add3A_25 = arith.constant 560 : i32
    %add3A_26 = arith.addi %mul3A_0, %add3A_25 : i32
    "tpu.region"() ({
      %run_scoped3A_313 = tpu.sem_alloc : memref<!tpu.dma_semaphore, #tpu.memory_space<semaphore_mem>>
      %dma_start3A_314 = arith.constant 0 : i32
      %dma_start3A_315 = arith.constant 0 : i32
      %dma_start3A_316 = tpu.memref_slice %arg7[%dma_start3A_314, %dma_start3A_315] : memref<80x48xf32, #tpu.memory_space<vmem>> -> memref<80x48xf32, #tpu.memory_space<vmem>>
      %dma_start3A_317 = arith.constant 0 : i32
      %dma_start3A_318 = tpu.memref_slice %arg12[%add3A_26, %dma_start3A_317] : memref<10240x48xf32, #tpu.memory_space<vmem_shared>> -> memref<80x48xf32, #tpu.memory_space<vmem_shared>>
      %dma_start3A_319 = arith.constant 0 : i32
      %dma_start3A_320 = tpu.memref_slice %arg12[%add3A_26, %dma_start3A_319] : memref<10240x48xf32, #tpu.memory_space<vmem_shared>> -> memref<80x48xf32, #tpu.memory_space<vmem_shared>>
      %dma_start3A_321 = arith.constant 0 : i32
      %dma_start3A_322 = arith.constant 0 : i32
      %dma_start3A_323 = tpu.memref_slice %arg7[%dma_start3A_321, %dma_start3A_322] : memref<80x48xf32, #tpu.memory_space<vmem>> -> memref<80x48xf32, #tpu.memory_space<vmem>>
      tpu.enqueue_dma source(%dma_start3A_323 : memref<80x48xf32, #tpu.memory_space<vmem>>) target(%dma_start3A_320 : memref<80x48xf32, #tpu.memory_space<vmem_shared>>) target_semaphore(%run_scoped3A_313 : memref<!tpu.dma_semaphore, #tpu.memory_space<semaphore_mem>>)
      %dma_wait3A_324 = arith.constant 0 : i32
      %dma_wait3A_325 = arith.constant 0 : i32
      %dma_wait3A_326 = tpu.memref_slice %arg7[%dma_wait3A_324, %dma_wait3A_325] : memref<80x48xf32, #tpu.memory_space<vmem>> -> memref<80x48xf32, #tpu.memory_space<vmem>>
      %dma_wait3A_327 = arith.constant 0 : i32
      %dma_wait3A_328 = tpu.memref_slice %arg12[%add3A_26, %dma_wait3A_327] : memref<10240x48xf32, #tpu.memory_space<vmem_shared>> -> memref<80x48xf32, #tpu.memory_space<vmem_shared>>
      %dma_wait3A_329 = arith.constant 0 : i32
      %dma_wait3A_330 = tpu.memref_slice %arg12[%add3A_26, %dma_wait3A_329] : memref<10240x48xf32, #tpu.memory_space<vmem_shared>> -> memref<80x48xf32, #tpu.memory_space<vmem_shared>>
      %dma_wait3A_331 = arith.constant 0 : i32
      %dma_wait3A_332 = arith.constant 0 : i32
      %dma_wait3A_333 = tpu.memref_slice %arg7[%dma_wait3A_331, %dma_wait3A_332] : memref<80x48xf32, #tpu.memory_space<vmem>> -> memref<80x48xf32, #tpu.memory_space<vmem>>
      tpu.wait_dma2 semaphore(%run_scoped3A_313 : memref<!tpu.dma_semaphore, #tpu.memory_space<semaphore_mem>>) src(%dma_wait3A_333 : memref<80x48xf32, #tpu.memory_space<vmem>>) dst(%dma_wait3A_330 : memref<80x48xf32, #tpu.memory_space<vmem_shared>>)
      tpu.yield
    }) : () -> ()
    %barrier3A = arith.constant 0 : index
    tpu.barrier barrier_id(%barrier3A)
    %dma_start3A = arith.constant 0 : i32
    %dma_start3A_27 = arith.constant 0 : i32
    %dma_start3A_28 = tpu.memref_slice %arg5[%dma_start3A, %dma_start3A_27] : memref<125x80xi32, #tpu.memory_space<vmem>> -> memref<1x80xi32, #tpu.memory_space<vmem>>
    %dma_start3A_29 = tpu.memref_squeeze %dma_start3A_28 : memref<1x80xi32, #tpu.memory_space<vmem>> -> memref<80xi32, #tpu.memory_space<vmem>>
    %dma_start3A_30 = arith.constant 0 : i32
    %dma_start3A_31 = arith.constant 0 : i32
    %dma_start3A_32 = tpu.memref_slice %arg2[%dma_start3A_30, %dma_start3A_31] : memref<10000x48xf32, #tpu.memory_space<hbm>> -> memref<10000x48xf32, #tpu.memory_space<hbm>>
    tpu.enqueue_indirect_dma source(%dma_start3A_32 : memref<10000x48xf32, #tpu.memory_space<hbm>>) target(%arg7 : memref<80x48xf32, #tpu.memory_space<vmem>>) offsets(%dma_start3A_29 : memref<80xi32, #tpu.memory_space<vmem>>) semaphore(%arg13 : memref<!tpu.dma_semaphore, #tpu.memory_space<semaphore_mem>>)
    %dma_start3A_33 = arith.constant 1 : i32
    %dma_start3A_34 = arith.constant 0 : i32
    %dma_start3A_35 = tpu.memref_slice %arg5[%dma_start3A_33, %dma_start3A_34] : memref<125x80xi32, #tpu.memory_space<vmem>> -> memref<1x80xi32, #tpu.memory_space<vmem>>
    %dma_start3A_36 = tpu.memref_squeeze %dma_start3A_35 : memref<1x80xi32, #tpu.memory_space<vmem>> -> memref<80xi32, #tpu.memory_space<vmem>>
    %dma_start3A_37 = arith.constant 0 : i32
    %dma_start3A_38 = arith.constant 0 : i32
    %dma_start3A_39 = tpu.memref_slice %arg2[%dma_start3A_37, %dma_start3A_38] : memref<10000x48xf32, #tpu.memory_space<hbm>> -> memref<10000x48xf32, #tpu.memory_space<hbm>>
    tpu.enqueue_indirect_dma source(%dma_start3A_39 : memref<10000x48xf32, #tpu.memory_space<hbm>>) target(%arg8 : memref<80x48xf32, #tpu.memory_space<vmem>>) offsets(%dma_start3A_36 : memref<80xi32, #tpu.memory_space<vmem>>) semaphore(%arg14 : memref<!tpu.dma_semaphore, #tpu.memory_space<semaphore_mem>>)
    %dma_start3A_40 = arith.constant 2 : i32
    %dma_start3A_41 = arith.constant 0 : i32
    %dma_start3A_42 = tpu.memref_slice %arg5[%dma_start3A_40, %dma_start3A_41] : memref<125x80xi32, #tpu.memory_space<vmem>> -> memref<1x80xi32, #tpu.memory_space<vmem>>
    %dma_start3A_43 = tpu.memref_squeeze %dma_start3A_42 : memref<1x80xi32, #tpu.memory_space<vmem>> -> memref<80xi32, #tpu.memory_space<vmem>>
    %dma_start3A_44 = arith.constant 0 : i32
    %dma_start3A_45 = arith.constant 0 : i32
    %dma_start3A_46 = tpu.memref_slice %arg2[%dma_start3A_44, %dma_start3A_45] : memref<10000x48xf32, #tpu.memory_space<hbm>> -> memref<10000x48xf32, #tpu.memory_space<hbm>>
    tpu.enqueue_indirect_dma source(%dma_start3A_46 : memref<10000x48xf32, #tpu.memory_space<hbm>>) target(%arg9 : memref<80x48xf32, #tpu.memory_space<vmem>>) offsets(%dma_start3A_43 : memref<80xi32, #tpu.memory_space<vmem>>) semaphore(%arg15 : memref<!tpu.dma_semaphore, #tpu.memory_space<semaphore_mem>>)
    %dma_wait3A = arith.constant 0 : i32
    %dma_wait3A_47 = arith.constant 0 : i32
    %dma_wait3A_48 = tpu.memref_slice %arg5[%dma_wait3A, %dma_wait3A_47] : memref<125x80xi32, #tpu.memory_space<vmem>> -> memref<1x80xi32, #tpu.memory_space<vmem>>
    %dma_wait3A_49 = tpu.memref_squeeze %dma_wait3A_48 : memref<1x80xi32, #tpu.memory_space<vmem>> -> memref<80xi32, #tpu.memory_space<vmem>>
    %dma_wait3A_50 = arith.constant 0 : i32
    %dma_wait3A_51 = arith.constant 0 : i32
    %dma_wait3A_52 = tpu.memref_slice %arg2[%dma_wait3A_50, %dma_wait3A_51] : memref<10000x48xf32, #tpu.memory_space<hbm>> -> memref<10000x48xf32, #tpu.memory_space<hbm>>
    tpu.wait_indirect_dma semaphore(%arg13 : memref<!tpu.dma_semaphore, #tpu.memory_space<semaphore_mem>>) src(%dma_wait3A_52 : memref<10000x48xf32, #tpu.memory_space<hbm>>) dst(%arg7 : memref<80x48xf32, #tpu.memory_space<vmem>>)
    %dma_start3A_53 = arith.constant 0 : i32
    %dma_start3A_54 = arith.constant 0 : i32
    %dma_start3A_55 = tpu.memref_slice %arg6[%dma_start3A_53, %dma_start3A_54] : memref<125x80xi32, #tpu.memory_space<vmem>> -> memref<1x80xi32, #tpu.memory_space<vmem>>
    %dma_start3A_56 = tpu.memref_squeeze %dma_start3A_55 : memref<1x80xi32, #tpu.memory_space<vmem>> -> memref<80xi32, #tpu.memory_space<vmem>>
    %dma_start3A_57 = arith.constant 0 : i32
    %dma_start3A_58 = arith.constant 0 : i32
    %dma_start3A_59 = tpu.memref_slice %arg12[%dma_start3A_57, %dma_start3A_58] : memref<10240x48xf32, #tpu.memory_space<vmem_shared>> -> memref<10240x48xf32, #tpu.memory_space<vmem_shared>>
    tpu.enqueue_indirect_dma source(%arg7 : memref<80x48xf32, #tpu.memory_space<vmem>>) target(%dma_start3A_59 : memref<10240x48xf32, #tpu.memory_space<vmem_shared>>) offsets(%dma_start3A_56 : memref<80xi32, #tpu.memory_space<vmem>>) semaphore(%arg18 : memref<!tpu.dma_semaphore, #tpu.memory_space<semaphore_mem>>) {add = true}
    %dma_start3A_60 = arith.constant 3 : i32
    %dma_start3A_61 = arith.constant 0 : i32
    %dma_start3A_62 = tpu.memref_slice %arg5[%dma_start3A_60, %dma_start3A_61] : memref<125x80xi32, #tpu.memory_space<vmem>> -> memref<1x80xi32, #tpu.memory_space<vmem>>
    %dma_start3A_63 = tpu.memref_squeeze %dma_start3A_62 : memref<1x80xi32, #tpu.memory_space<vmem>> -> memref<80xi32, #tpu.memory_space<vmem>>
    %dma_start3A_64 = arith.constant 0 : i32
    %dma_start3A_65 = arith.constant 0 : i32
    %dma_start3A_66 = tpu.memref_slice %arg2[%dma_start3A_64, %dma_start3A_65] : memref<10000x48xf32, #tpu.memory_space<hbm>> -> memref<10000x48xf32, #tpu.memory_space<hbm>>
    tpu.enqueue_indirect_dma source(%dma_start3A_66 : memref<10000x48xf32, #tpu.memory_space<hbm>>) target(%arg10 : memref<80x48xf32, #tpu.memory_space<vmem>>) offsets(%dma_start3A_63 : memref<80xi32, #tpu.memory_space<vmem>>) semaphore(%arg16 : memref<!tpu.dma_semaphore, #tpu.memory_space<semaphore_mem>>)
    %dma_wait3A_67 = arith.constant 1 : i32
    %dma_wait3A_68 = arith.constant 0 : i32
    %dma_wait3A_69 = tpu.memref_slice %arg5[%dma_wait3A_67, %dma_wait3A_68] : memref<125x80xi32, #tpu.memory_space<vmem>> -> memref<1x80xi32, #tpu.memory_space<vmem>>
    %dma_wait3A_70 = tpu.memref_squeeze %dma_wait3A_69 : memref<1x80xi32, #tpu.memory_space<vmem>> -> memref<80xi32, #tpu.memory_space<vmem>>
    %dma_wait3A_71 = arith.constant 0 : i32
    %dma_wait3A_72 = arith.constant 0 : i32
    %dma_wait3A_73 = tpu.memref_slice %arg2[%dma_wait3A_71, %dma_wait3A_72] : memref<10000x48xf32, #tpu.memory_space<hbm>> -> memref<10000x48xf32, #tpu.memory_space<hbm>>
    tpu.wait_indirect_dma semaphore(%arg14 : memref<!tpu.dma_semaphore, #tpu.memory_space<semaphore_mem>>) src(%dma_wait3A_73 : memref<10000x48xf32, #tpu.memory_space<hbm>>) dst(%arg8 : memref<80x48xf32, #tpu.memory_space<vmem>>)
    %dma_start3A_74 = arith.constant 1 : i32
    %dma_start3A_75 = arith.constant 0 : i32
    %dma_start3A_76 = tpu.memref_slice %arg6[%dma_start3A_74, %dma_start3A_75] : memref<125x80xi32, #tpu.memory_space<vmem>> -> memref<1x80xi32, #tpu.memory_space<vmem>>
    %dma_start3A_77 = tpu.memref_squeeze %dma_start3A_76 : memref<1x80xi32, #tpu.memory_space<vmem>> -> memref<80xi32, #tpu.memory_space<vmem>>
    %dma_start3A_78 = arith.constant 0 : i32
    %dma_start3A_79 = arith.constant 0 : i32
    %dma_start3A_80 = tpu.memref_slice %arg12[%dma_start3A_78, %dma_start3A_79] : memref<10240x48xf32, #tpu.memory_space<vmem_shared>> -> memref<10240x48xf32, #tpu.memory_space<vmem_shared>>
    tpu.enqueue_indirect_dma source(%arg8 : memref<80x48xf32, #tpu.memory_space<vmem>>) target(%dma_start3A_80 : memref<10240x48xf32, #tpu.memory_space<vmem_shared>>) offsets(%dma_start3A_77 : memref<80xi32, #tpu.memory_space<vmem>>) semaphore(%arg19 : memref<!tpu.dma_semaphore, #tpu.memory_space<semaphore_mem>>) {add = true}
    %dma_start3A_81 = arith.constant 4 : i32
    %dma_start3A_82 = arith.constant 0 : i32
    %dma_start3A_83 = tpu.memref_slice %arg5[%dma_start3A_81, %dma_start3A_82] : memref<125x80xi32, #tpu.memory_space<vmem>> -> memref<1x80xi32, #tpu.memory_space<vmem>>
    %dma_start3A_84 = tpu.memref_squeeze %dma_start3A_83 : memref<1x80xi32, #tpu.memory_space<vmem>> -> memref<80xi32, #tpu.memory_space<vmem>>
    %dma_start3A_85 = arith.constant 0 : i32
    %dma_start3A_86 = arith.constant 0 : i32
    %dma_start3A_87 = tpu.memref_slice %arg2[%dma_start3A_85, %dma_start3A_86] : memref<10000x48xf32, #tpu.memory_space<hbm>> -> memref<10000x48xf32, #tpu.memory_space<hbm>>
    tpu.enqueue_indirect_dma source(%dma_start3A_87 : memref<10000x48xf32, #tpu.memory_space<hbm>>) target(%arg11 : memref<80x48xf32, #tpu.memory_space<vmem>>) offsets(%dma_start3A_84 : memref<80xi32, #tpu.memory_space<vmem>>) semaphore(%arg17 : memref<!tpu.dma_semaphore, #tpu.memory_space<semaphore_mem>>)
    %dma_wait3A_88 = arith.constant 2 : i32
    %dma_wait3A_89 = arith.constant 0 : i32
    %dma_wait3A_90 = tpu.memref_slice %arg5[%dma_wait3A_88, %dma_wait3A_89] : memref<125x80xi32, #tpu.memory_space<vmem>> -> memref<1x80xi32, #tpu.memory_space<vmem>>
    %dma_wait3A_91 = tpu.memref_squeeze %dma_wait3A_90 : memref<1x80xi32, #tpu.memory_space<vmem>> -> memref<80xi32, #tpu.memory_space<vmem>>
    %dma_wait3A_92 = arith.constant 0 : i32
    %dma_wait3A_93 = arith.constant 0 : i32
    %dma_wait3A_94 = tpu.memref_slice %arg2[%dma_wait3A_92, %dma_wait3A_93] : memref<10000x48xf32, #tpu.memory_space<hbm>> -> memref<10000x48xf32, #tpu.memory_space<hbm>>
    tpu.wait_indirect_dma semaphore(%arg15 : memref<!tpu.dma_semaphore, #tpu.memory_space<semaphore_mem>>) src(%dma_wait3A_94 : memref<10000x48xf32, #tpu.memory_space<hbm>>) dst(%arg9 : memref<80x48xf32, #tpu.memory_space<vmem>>)
    %dma_start3A_95 = arith.constant 2 : i32
    %dma_start3A_96 = arith.constant 0 : i32
    %dma_start3A_97 = tpu.memref_slice %arg6[%dma_start3A_95, %dma_start3A_96] : memref<125x80xi32, #tpu.memory_space<vmem>> -> memref<1x80xi32, #tpu.memory_space<vmem>>
    %dma_start3A_98 = tpu.memref_squeeze %dma_start3A_97 : memref<1x80xi32, #tpu.memory_space<vmem>> -> memref<80xi32, #tpu.memory_space<vmem>>
    %dma_start3A_99 = arith.constant 0 : i32
    %dma_start3A_100 = arith.constant 0 : i32
    %dma_start3A_101 = tpu.memref_slice %arg12[%dma_start3A_99, %dma_start3A_100] : memref<10240x48xf32, #tpu.memory_space<vmem_shared>> -> memref<10240x48xf32, #tpu.memory_space<vmem_shared>>
    tpu.enqueue_indirect_dma source(%arg9 : memref<80x48xf32, #tpu.memory_space<vmem>>) target(%dma_start3A_101 : memref<10240x48xf32, #tpu.memory_space<vmem_shared>>) offsets(%dma_start3A_98 : memref<80xi32, #tpu.memory_space<vmem>>) semaphore(%arg20 : memref<!tpu.dma_semaphore, #tpu.memory_space<semaphore_mem>>) {add = true}
    %dma_wait3A_102 = arith.constant 0 : i32
    %dma_wait3A_103 = arith.constant 0 : i32
    %dma_wait3A_104 = tpu.memref_slice %arg6[%dma_wait3A_102, %dma_wait3A_103] : memref<125x80xi32, #tpu.memory_space<vmem>> -> memref<1x80xi32, #tpu.memory_space<vmem>>
    %dma_wait3A_105 = tpu.memref_squeeze %dma_wait3A_104 : memref<1x80xi32, #tpu.memory_space<vmem>> -> memref<80xi32, #tpu.memory_space<vmem>>
    %dma_wait3A_106 = arith.constant 0 : i32
    %dma_wait3A_107 = arith.constant 0 : i32
    %dma_wait3A_108 = tpu.memref_slice %arg12[%dma_wait3A_106, %dma_wait3A_107] : memref<10240x48xf32, #tpu.memory_space<vmem_shared>> -> memref<10240x48xf32, #tpu.memory_space<vmem_shared>>
    tpu.wait_indirect_dma semaphore(%arg18 : memref<!tpu.dma_semaphore, #tpu.memory_space<semaphore_mem>>) src(%arg7 : memref<80x48xf32, #tpu.memory_space<vmem>>) dst(%dma_wait3A_108 : memref<10240x48xf32, #tpu.memory_space<vmem_shared>>)
    %dma_start3A_109 = arith.constant 5 : i32
    %dma_start3A_110 = arith.constant 0 : i32
    %dma_start3A_111 = tpu.memref_slice %arg5[%dma_start3A_109, %dma_start3A_110] : memref<125x80xi32, #tpu.memory_space<vmem>> -> memref<1x80xi32, #tpu.memory_space<vmem>>
    %dma_start3A_112 = tpu.memref_squeeze %dma_start3A_111 : memref<1x80xi32, #tpu.memory_space<vmem>> -> memref<80xi32, #tpu.memory_space<vmem>>
    %dma_start3A_113 = arith.constant 0 : i32
    %dma_start3A_114 = arith.constant 0 : i32
    %dma_start3A_115 = tpu.memref_slice %arg2[%dma_start3A_113, %dma_start3A_114] : memref<10000x48xf32, #tpu.memory_space<hbm>> -> memref<10000x48xf32, #tpu.memory_space<hbm>>
    tpu.enqueue_indirect_dma source(%dma_start3A_115 : memref<10000x48xf32, #tpu.memory_space<hbm>>) target(%arg7 : memref<80x48xf32, #tpu.memory_space<vmem>>) offsets(%dma_start3A_112 : memref<80xi32, #tpu.memory_space<vmem>>) semaphore(%arg13 : memref<!tpu.dma_semaphore, #tpu.memory_space<semaphore_mem>>)
    %dma_wait3A_116 = arith.constant 3 : i32
    %dma_wait3A_117 = arith.constant 0 : i32
    %dma_wait3A_118 = tpu.memref_slice %arg5[%dma_wait3A_116, %dma_wait3A_117] : memref<125x80xi32, #tpu.memory_space<vmem>> -> memref<1x80xi32, #tpu.memory_space<vmem>>
    %dma_wait3A_119 = tpu.memref_squeeze %dma_wait3A_118 : memref<1x80xi32, #tpu.memory_space<vmem>> -> memref<80xi32, #tpu.memory_space<vmem>>
    %dma_wait3A_120 = arith.constant 0 : i32
    %dma_wait3A_121 = arith.constant 0 : i32
    %dma_wait3A_122 = tpu.memref_slice %arg2[%dma_wait3A_120, %dma_wait3A_121] : memref<10000x48xf32, #tpu.memory_space<hbm>> -> memref<10000x48xf32, #tpu.memory_space<hbm>>
    tpu.wait_indirect_dma semaphore(%arg16 : memref<!tpu.dma_semaphore, #tpu.memory_space<semaphore_mem>>) src(%dma_wait3A_122 : memref<10000x48xf32, #tpu.memory_space<hbm>>) dst(%arg10 : memref<80x48xf32, #tpu.memory_space<vmem>>)
    %dma_start3A_123 = arith.constant 3 : i32
    %dma_start3A_124 = arith.constant 0 : i32
    %dma_start3A_125 = tpu.memref_slice %arg6[%dma_start3A_123, %dma_start3A_124] : memref<125x80xi32, #tpu.memory_space<vmem>> -> memref<1x80xi32, #tpu.memory_space<vmem>>
    %dma_start3A_126 = tpu.memref_squeeze %dma_start3A_125 : memref<1x80xi32, #tpu.memory_space<vmem>> -> memref<80xi32, #tpu.memory_space<vmem>>
    %dma_start3A_127 = arith.constant 0 : i32
    %dma_start3A_128 = arith.constant 0 : i32
    %dma_start3A_129 = tpu.memref_slice %arg12[%dma_start3A_127, %dma_start3A_128] : memref<10240x48xf32, #tpu.memory_space<vmem_shared>> -> memref<10240x48xf32, #tpu.memory_space<vmem_shared>>
    tpu.enqueue_indirect_dma source(%arg10 : memref<80x48xf32, #tpu.memory_space<vmem>>) target(%dma_start3A_129 : memref<10240x48xf32, #tpu.memory_space<vmem_shared>>) offsets(%dma_start3A_126 : memref<80xi32, #tpu.memory_space<vmem>>) semaphore(%arg21 : memref<!tpu.dma_semaphore, #tpu.memory_space<semaphore_mem>>) {add = true}
    %dma_wait3A_130 = arith.constant 1 : i32
    %dma_wait3A_131 = arith.constant 0 : i32
    %dma_wait3A_132 = tpu.memref_slice %arg6[%dma_wait3A_130, %dma_wait3A_131] : memref<125x80xi32, #tpu.memory_space<vmem>> -> memref<1x80xi32, #tpu.memory_space<vmem>>
    %dma_wait3A_133 = tpu.memref_squeeze %dma_wait3A_132 : memref<1x80xi32, #tpu.memory_space<vmem>> -> memref<80xi32, #tpu.memory_space<vmem>>
    %dma_wait3A_134 = arith.constant 0 : i32
    %dma_wait3A_135 = arith.constant 0 : i32
    %dma_wait3A_136 = tpu.memref_slice %arg12[%dma_wait3A_134, %dma_wait3A_135] : memref<10240x48xf32, #tpu.memory_space<vmem_shared>> -> memref<10240x48xf32, #tpu.memory_space<vmem_shared>>
    tpu.wait_indirect_dma semaphore(%arg19 : memref<!tpu.dma_semaphore, #tpu.memory_space<semaphore_mem>>) src(%arg8 : memref<80x48xf32, #tpu.memory_space<vmem>>) dst(%dma_wait3A_136 : memref<10240x48xf32, #tpu.memory_space<vmem_shared>>)
    %dma_start3A_137 = arith.constant 6 : i32
    %dma_start3A_138 = arith.constant 0 : i32
    %dma_start3A_139 = tpu.memref_slice %arg5[%dma_start3A_137, %dma_start3A_138] : memref<125x80xi32, #tpu.memory_space<vmem>> -> memref<1x80xi32, #tpu.memory_space<vmem>>
    %dma_start3A_140 = tpu.memref_squeeze %dma_start3A_139 : memref<1x80xi32, #tpu.memory_space<vmem>> -> memref<80xi32, #tpu.memory_space<vmem>>
    %dma_start3A_141 = arith.constant 0 : i32
    %dma_start3A_142 = arith.constant 0 : i32
    %dma_start3A_143 = tpu.memref_slice %arg2[%dma_start3A_141, %dma_start3A_142] : memref<10000x48xf32, #tpu.memory_space<hbm>> -> memref<10000x48xf32, #tpu.memory_space<hbm>>
    tpu.enqueue_indirect_dma source(%dma_start3A_143 : memref<10000x48xf32, #tpu.memory_space<hbm>>) target(%arg8 : memref<80x48xf32, #tpu.memory_space<vmem>>) offsets(%dma_start3A_140 : memref<80xi32, #tpu.memory_space<vmem>>) semaphore(%arg14 : memref<!tpu.dma_semaphore, #tpu.memory_space<semaphore_mem>>)
    %dma_wait3A_144 = arith.constant 4 : i32
    %dma_wait3A_145 = arith.constant 0 : i32
    %dma_wait3A_146 = tpu.memref_slice %arg5[%dma_wait3A_144, %dma_wait3A_145] : memref<125x80xi32, #tpu.memory_space<vmem>> -> memref<1x80xi32, #tpu.memory_space<vmem>>
    %dma_wait3A_147 = tpu.memref_squeeze %dma_wait3A_146 : memref<1x80xi32, #tpu.memory_space<vmem>> -> memref<80xi32, #tpu.memory_space<vmem>>
    %dma_wait3A_148 = arith.constant 0 : i32
    %dma_wait3A_149 = arith.constant 0 : i32
    %dma_wait3A_150 = tpu.memref_slice %arg2[%dma_wait3A_148, %dma_wait3A_149] : memref<10000x48xf32, #tpu.memory_space<hbm>> -> memref<10000x48xf32, #tpu.memory_space<hbm>>
    tpu.wait_indirect_dma semaphore(%arg17 : memref<!tpu.dma_semaphore, #tpu.memory_space<semaphore_mem>>) src(%dma_wait3A_150 : memref<10000x48xf32, #tpu.memory_space<hbm>>) dst(%arg11 : memref<80x48xf32, #tpu.memory_space<vmem>>)
    %dma_start3A_151 = arith.constant 4 : i32
    %dma_start3A_152 = arith.constant 0 : i32
    %dma_start3A_153 = tpu.memref_slice %arg6[%dma_start3A_151, %dma_start3A_152] : memref<125x80xi32, #tpu.memory_space<vmem>> -> memref<1x80xi32, #tpu.memory_space<vmem>>
    %dma_start3A_154 = tpu.memref_squeeze %dma_start3A_153 : memref<1x80xi32, #tpu.memory_space<vmem>> -> memref<80xi32, #tpu.memory_space<vmem>>
    %dma_start3A_155 = arith.constant 0 : i32
    %dma_start3A_156 = arith.constant 0 : i32
    %dma_start3A_157 = tpu.memref_slice %arg12[%dma_start3A_155, %dma_start3A_156] : memref<10240x48xf32, #tpu.memory_space<vmem_shared>> -> memref<10240x48xf32, #tpu.memory_space<vmem_shared>>
    tpu.enqueue_indirect_dma source(%arg11 : memref<80x48xf32, #tpu.memory_space<vmem>>) target(%dma_start3A_157 : memref<10240x48xf32, #tpu.memory_space<vmem_shared>>) offsets(%dma_start3A_154 : memref<80xi32, #tpu.memory_space<vmem>>) semaphore(%arg22 : memref<!tpu.dma_semaphore, #tpu.memory_space<semaphore_mem>>) {add = true}
    %scan3A_158 = arith.constant 0 : i32
    %scan3A_159 = arith.constant 1 : i32
    %scan3A_160 = arith.constant 23 : i32
    %scan3A_161 = arith.addi %scan3A_159, %scan3A_160 : i32
    %scan3A_162 = arith.constant 1 : i32
    %scan3A_163 = scf.for %scan3A_313 = %scan3A_159 to %scan3A_161 step %scan3A_162 iter_args(%scan3A_314 = %scan3A_158) -> (i32)  : i32 {
      %mul3A_315 = arith.constant 5 : i32
      %mul3A_316 = arith.muli %scan3A_313, %mul3A_315 : i32
      %add3A_317 = arith.constant 0 : i32
      %add3A_318 = arith.addi %mul3A_316, %add3A_317 : i32
      %sub3A = arith.constant 3 : i32
      %sub3A_319 = arith.subi %add3A_318, %sub3A : i32
      %dma_wait3A_320 = arith.constant 0 : i32
      %dma_wait3A_321 = tpu.memref_slice %arg6[%sub3A_319, %dma_wait3A_320] : memref<125x80xi32, #tpu.memory_space<vmem>> -> memref<1x80xi32, #tpu.memory_space<vmem>>
      %dma_wait3A_322 = tpu.memref_squeeze %dma_wait3A_321 : memref<1x80xi32, #tpu.memory_space<vmem>> -> memref<80xi32, #tpu.memory_space<vmem>>
      %dma_wait3A_323 = arith.constant 0 : i32
      %dma_wait3A_324 = arith.constant 0 : i32
      %dma_wait3A_325 = tpu.memref_slice %arg12[%dma_wait3A_323, %dma_wait3A_324] : memref<10240x48xf32, #tpu.memory_space<vmem_shared>> -> memref<10240x48xf32, #tpu.memory_space<vmem_shared>>
      tpu.wait_indirect_dma semaphore(%arg20 : memref<!tpu.dma_semaphore, #tpu.memory_space<semaphore_mem>>) src(%arg9 : memref<80x48xf32, #tpu.memory_space<vmem>>) dst(%dma_wait3A_325 : memref<10240x48xf32, #tpu.memory_space<vmem_shared>>)
      %add3A_326 = arith.constant 2 : i32
      %add3A_327 = arith.addi %add3A_318, %add3A_326 : i32
      %dma_start3A_328 = arith.constant 0 : i32
      %dma_start3A_329 = tpu.memref_slice %arg5[%add3A_327, %dma_start3A_328] : memref<125x80xi32, #tpu.memory_space<vmem>> -> memref<1x80xi32, #tpu.memory_space<vmem>>
      %dma_start3A_330 = tpu.memref_squeeze %dma_start3A_329 : memref<1x80xi32, #tpu.memory_space<vmem>> -> memref<80xi32, #tpu.memory_space<vmem>>
      %dma_start3A_331 = arith.constant 0 : i32
      %dma_start3A_332 = arith.constant 0 : i32
      %dma_start3A_333 = tpu.memref_slice %arg2[%dma_start3A_331, %dma_start3A_332] : memref<10000x48xf32, #tpu.memory_space<hbm>> -> memref<10000x48xf32, #tpu.memory_space<hbm>>
      tpu.enqueue_indirect_dma source(%dma_start3A_333 : memref<10000x48xf32, #tpu.memory_space<hbm>>) target(%arg9 : memref<80x48xf32, #tpu.memory_space<vmem>>) offsets(%dma_start3A_330 : memref<80xi32, #tpu.memory_space<vmem>>) semaphore(%arg15 : memref<!tpu.dma_semaphore, #tpu.memory_space<semaphore_mem>>)
      %dma_wait3A_334 = arith.constant 0 : i32
      %dma_wait3A_335 = tpu.memref_slice %arg5[%add3A_318, %dma_wait3A_334] : memref<125x80xi32, #tpu.memory_space<vmem>> -> memref<1x80xi32, #tpu.memory_space<vmem>>
      %dma_wait3A_336 = tpu.memref_squeeze %dma_wait3A_335 : memref<1x80xi32, #tpu.memory_space<vmem>> -> memref<80xi32, #tpu.memory_space<vmem>>
      %dma_wait3A_337 = arith.constant 0 : i32
      %dma_wait3A_338 = arith.constant 0 : i32
      %dma_wait3A_339 = tpu.memref_slice %arg2[%dma_wait3A_337, %dma_wait3A_338] : memref<10000x48xf32, #tpu.memory_space<hbm>> -> memref<10000x48xf32, #tpu.memory_space<hbm>>
      tpu.wait_indirect_dma semaphore(%arg13 : memref<!tpu.dma_semaphore, #tpu.memory_space<semaphore_mem>>) src(%dma_wait3A_339 : memref<10000x48xf32, #tpu.memory_space<hbm>>) dst(%arg7 : memref<80x48xf32, #tpu.memory_space<vmem>>)
      %dma_start3A_340 = arith.constant 0 : i32
      %dma_start3A_341 = tpu.memref_slice %arg6[%add3A_318, %dma_start3A_340] : memref<125x80xi32, #tpu.memory_space<vmem>> -> memref<1x80xi32, #tpu.memory_space<vmem>>
      %dma_start3A_342 = tpu.memref_squeeze %dma_start3A_341 : memref<1x80xi32, #tpu.memory_space<vmem>> -> memref<80xi32, #tpu.memory_space<vmem>>
      %dma_start3A_343 = arith.constant 0 : i32
      %dma_start3A_344 = arith.constant 0 : i32
      %dma_start3A_345 = tpu.memref_slice %arg12[%dma_start3A_343, %dma_start3A_344] : memref<10240x48xf32, #tpu.memory_space<vmem_shared>> -> memref<10240x48xf32, #tpu.memory_space<vmem_shared>>
      tpu.enqueue_indirect_dma source(%arg7 : memref<80x48xf32, #tpu.memory_space<vmem>>) target(%dma_start3A_345 : memref<10240x48xf32, #tpu.memory_space<vmem_shared>>) offsets(%dma_start3A_342 : memref<80xi32, #tpu.memory_space<vmem>>) semaphore(%arg18 : memref<!tpu.dma_semaphore, #tpu.memory_space<semaphore_mem>>) {add = true}
      %add3A_346 = arith.constant 1 : i32
      %add3A_347 = arith.addi %mul3A_316, %add3A_346 : i32
      %sub3A_348 = arith.constant 3 : i32
      %sub3A_349 = arith.subi %add3A_347, %sub3A_348 : i32
      %dma_wait3A_350 = arith.constant 0 : i32
      %dma_wait3A_351 = tpu.memref_slice %arg6[%sub3A_349, %dma_wait3A_350] : memref<125x80xi32, #tpu.memory_space<vmem>> -> memref<1x80xi32, #tpu.memory_space<vmem>>
      %dma_wait3A_352 = tpu.memref_squeeze %dma_wait3A_351 : memref<1x80xi32, #tpu.memory_space<vmem>> -> memref<80xi32, #tpu.memory_space<vmem>>
      %dma_wait3A_353 = arith.constant 0 : i32
      %dma_wait3A_354 = arith.constant 0 : i32
      %dma_wait3A_355 = tpu.memref_slice %arg12[%dma_wait3A_353, %dma_wait3A_354] : memref<10240x48xf32, #tpu.memory_space<vmem_shared>> -> memref<10240x48xf32, #tpu.memory_space<vmem_shared>>
      tpu.wait_indirect_dma semaphore(%arg21 : memref<!tpu.dma_semaphore, #tpu.memory_space<semaphore_mem>>) src(%arg10 : memref<80x48xf32, #tpu.memory_space<vmem>>) dst(%dma_wait3A_355 : memref<10240x48xf32, #tpu.memory_space<vmem_shared>>)
      %add3A_356 = arith.constant 2 : i32
      %add3A_357 = arith.addi %add3A_347, %add3A_356 : i32
      %dma_start3A_358 = arith.constant 0 : i32
      %dma_start3A_359 = tpu.memref_slice %arg5[%add3A_357, %dma_start3A_358] : memref<125x80xi32, #tpu.memory_space<vmem>> -> memref<1x80xi32, #tpu.memory_space<vmem>>
      %dma_start3A_360 = tpu.memref_squeeze %dma_start3A_359 : memref<1x80xi32, #tpu.memory_space<vmem>> -> memref<80xi32, #tpu.memory_space<vmem>>
      %dma_start3A_361 = arith.constant 0 : i32
      %dma_start3A_362 = arith.constant 0 : i32
      %dma_start3A_363 = tpu.memref_slice %arg2[%dma_start3A_361, %dma_start3A_362] : memref<10000x48xf32, #tpu.memory_space<hbm>> -> memref<10000x48xf32, #tpu.memory_space<hbm>>
      tpu.enqueue_indirect_dma source(%dma_start3A_363 : memref<10000x48xf32, #tpu.memory_space<hbm>>) target(%arg10 : memref<80x48xf32, #tpu.memory_space<vmem>>) offsets(%dma_start3A_360 : memref<80xi32, #tpu.memory_space<vmem>>) semaphore(%arg16 : memref<!tpu.dma_semaphore, #tpu.memory_space<semaphore_mem>>)
      %dma_wait3A_364 = arith.constant 0 : i32
      %dma_wait3A_365 = tpu.memref_slice %arg5[%add3A_347, %dma_wait3A_364] : memref<125x80xi32, #tpu.memory_space<vmem>> -> memref<1x80xi32, #tpu.memory_space<vmem>>
      %dma_wait3A_366 = tpu.memref_squeeze %dma_wait3A_365 : memref<1x80xi32, #tpu.memory_space<vmem>> -> memref<80xi32, #tpu.memory_space<vmem>>
      %dma_wait3A_367 = arith.constant 0 : i32
      %dma_wait3A_368 = arith.constant 0 : i32
      %dma_wait3A_369 = tpu.memref_slice %arg2[%dma_wait3A_367, %dma_wait3A_368] : memref<10000x48xf32, #tpu.memory_space<hbm>> -> memref<10000x48xf32, #tpu.memory_space<hbm>>
      tpu.wait_indirect_dma semaphore(%arg14 : memref<!tpu.dma_semaphore, #tpu.memory_space<semaphore_mem>>) src(%dma_wait3A_369 : memref<10000x48xf32, #tpu.memory_space<hbm>>) dst(%arg8 : memref<80x48xf32, #tpu.memory_space<vmem>>)
      %dma_start3A_370 = arith.constant 0 : i32
      %dma_start3A_371 = tpu.memref_slice %arg6[%add3A_347, %dma_start3A_370] : memref<125x80xi32, #tpu.memory_space<vmem>> -> memref<1x80xi32, #tpu.memory_space<vmem>>
      %dma_start3A_372 = tpu.memref_squeeze %dma_start3A_371 : memref<1x80xi32, #tpu.memory_space<vmem>> -> memref<80xi32, #tpu.memory_space<vmem>>
      %dma_start3A_373 = arith.constant 0 : i32
      %dma_start3A_374 = arith.constant 0 : i32
      %dma_start3A_375 = tpu.memref_slice %arg12[%dma_start3A_373, %dma_start3A_374] : memref<10240x48xf32, #tpu.memory_space<vmem_shared>> -> memref<10240x48xf32, #tpu.memory_space<vmem_shared>>
      tpu.enqueue_indirect_dma source(%arg8 : memref<80x48xf32, #tpu.memory_space<vmem>>) target(%dma_start3A_375 : memref<10240x48xf32, #tpu.memory_space<vmem_shared>>) offsets(%dma_start3A_372 : memref<80xi32, #tpu.memory_space<vmem>>) semaphore(%arg19 : memref<!tpu.dma_semaphore, #tpu.memory_space<semaphore_mem>>) {add = true}
      %add3A_376 = arith.constant 2 : i32
      %add3A_377 = arith.addi %mul3A_316, %add3A_376 : i32
      %sub3A_378 = arith.constant 3 : i32
      %sub3A_379 = arith.subi %add3A_377, %sub3A_378 : i32
      %dma_wait3A_380 = arith.constant 0 : i32
      %dma_wait3A_381 = tpu.memref_slice %arg6[%sub3A_379, %dma_wait3A_380] : memref<125x80xi32, #tpu.memory_space<vmem>> -> memref<1x80xi32, #tpu.memory_space<vmem>>
      %dma_wait3A_382 = tpu.memref_squeeze %dma_wait3A_381 : memref<1x80xi32, #tpu.memory_space<vmem>> -> memref<80xi32, #tpu.memory_space<vmem>>
      %dma_wait3A_383 = arith.constant 0 : i32
      %dma_wait3A_384 = arith.constant 0 : i32
      %dma_wait3A_385 = tpu.memref_slice %arg12[%dma_wait3A_383, %dma_wait3A_384] : memref<10240x48xf32, #tpu.memory_space<vmem_shared>> -> memref<10240x48xf32, #tpu.memory_space<vmem_shared>>
      tpu.wait_indirect_dma semaphore(%arg22 : memref<!tpu.dma_semaphore, #tpu.memory_space<semaphore_mem>>) src(%arg11 : memref<80x48xf32, #tpu.memory_space<vmem>>) dst(%dma_wait3A_385 : memref<10240x48xf32, #tpu.memory_space<vmem_shared>>)
      %add3A_386 = arith.constant 2 : i32
      %add3A_387 = arith.addi %add3A_377, %add3A_386 : i32
      %dma_start3A_388 = arith.constant 0 : i32
      %dma_start3A_389 = tpu.memref_slice %arg5[%add3A_387, %dma_start3A_388] : memref<125x80xi32, #tpu.memory_space<vmem>> -> memref<1x80xi32, #tpu.memory_space<vmem>>
      %dma_start3A_390 = tpu.memref_squeeze %dma_start3A_389 : memref<1x80xi32, #tpu.memory_space<vmem>> -> memref<80xi32, #tpu.memory_space<vmem>>
      %dma_start3A_391 = arith.constant 0 : i32
      %dma_start3A_392 = arith.constant 0 : i32
      %dma_start3A_393 = tpu.memref_slice %arg2[%dma_start3A_391, %dma_start3A_392] : memref<10000x48xf32, #tpu.memory_space<hbm>> -> memref<10000x48xf32, #tpu.memory_space<hbm>>
      tpu.enqueue_indirect_dma source(%dma_start3A_393 : memref<10000x48xf32, #tpu.memory_space<hbm>>) target(%arg11 : memref<80x48xf32, #tpu.memory_space<vmem>>) offsets(%dma_start3A_390 : memref<80xi32, #tpu.memory_space<vmem>>) semaphore(%arg17 : memref<!tpu.dma_semaphore, #tpu.memory_space<semaphore_mem>>)
      %dma_wait3A_394 = arith.constant 0 : i32
      %dma_wait3A_395 = tpu.memref_slice %arg5[%add3A_377, %dma_wait3A_394] : memref<125x80xi32, #tpu.memory_space<vmem>> -> memref<1x80xi32, #tpu.memory_space<vmem>>
      %dma_wait3A_396 = tpu.memref_squeeze %dma_wait3A_395 : memref<1x80xi32, #tpu.memory_space<vmem>> -> memref<80xi32, #tpu.memory_space<vmem>>
      %dma_wait3A_397 = arith.constant 0 : i32
      %dma_wait3A_398 = arith.constant 0 : i32
      %dma_wait3A_399 = tpu.memref_slice %arg2[%dma_wait3A_397, %dma_wait3A_398] : memref<10000x48xf32, #tpu.memory_space<hbm>> -> memref<10000x48xf32, #tpu.memory_space<hbm>>
      tpu.wait_indirect_dma semaphore(%arg15 : memref<!tpu.dma_semaphore, #tpu.memory_space<semaphore_mem>>) src(%dma_wait3A_399 : memref<10000x48xf32, #tpu.memory_space<hbm>>) dst(%arg9 : memref<80x48xf32, #tpu.memory_space<vmem>>)
      %dma_start3A_400 = arith.constant 0 : i32
      %dma_start3A_401 = tpu.memref_slice %arg6[%add3A_377, %dma_start3A_400] : memref<125x80xi32, #tpu.memory_space<vmem>> -> memref<1x80xi32, #tpu.memory_space<vmem>>
      %dma_start3A_402 = tpu.memref_squeeze %dma_start3A_401 : memref<1x80xi32, #tpu.memory_space<vmem>> -> memref<80xi32, #tpu.memory_space<vmem>>
      %dma_start3A_403 = arith.constant 0 : i32
      %dma_start3A_404 = arith.constant 0 : i32
      %dma_start3A_405 = tpu.memref_slice %arg12[%dma_start3A_403, %dma_start3A_404] : memref<10240x48xf32, #tpu.memory_space<vmem_shared>> -> memref<10240x48xf32, #tpu.memory_space<vmem_shared>>
      tpu.enqueue_indirect_dma source(%arg9 : memref<80x48xf32, #tpu.memory_space<vmem>>) target(%dma_start3A_405 : memref<10240x48xf32, #tpu.memory_space<vmem_shared>>) offsets(%dma_start3A_402 : memref<80xi32, #tpu.memory_space<vmem>>) semaphore(%arg20 : memref<!tpu.dma_semaphore, #tpu.memory_space<semaphore_mem>>) {add = true}
      %add3A_406 = arith.constant 3 : i32
      %add3A_407 = arith.addi %mul3A_316, %add3A_406 : i32
      %sub3A_408 = arith.constant 3 : i32
      %sub3A_409 = arith.subi %add3A_407, %sub3A_408 : i32
      %dma_wait3A_410 = arith.constant 0 : i32
      %dma_wait3A_411 = tpu.memref_slice %arg6[%sub3A_409, %dma_wait3A_410] : memref<125x80xi32, #tpu.memory_space<vmem>> -> memref<1x80xi32, #tpu.memory_space<vmem>>
      %dma_wait3A_412 = tpu.memref_squeeze %dma_wait3A_411 : memref<1x80xi32, #tpu.memory_space<vmem>> -> memref<80xi32, #tpu.memory_space<vmem>>
      %dma_wait3A_413 = arith.constant 0 : i32
      %dma_wait3A_414 = arith.constant 0 : i32
      %dma_wait3A_415 = tpu.memref_slice %arg12[%dma_wait3A_413, %dma_wait3A_414] : memref<10240x48xf32, #tpu.memory_space<vmem_shared>> -> memref<10240x48xf32, #tpu.memory_space<vmem_shared>>
      tpu.wait_indirect_dma semaphore(%arg18 : memref<!tpu.dma_semaphore, #tpu.memory_space<semaphore_mem>>) src(%arg7 : memref<80x48xf32, #tpu.memory_space<vmem>>) dst(%dma_wait3A_415 : memref<10240x48xf32, #tpu.memory_space<vmem_shared>>)
      %add3A_416 = arith.constant 2 : i32
      %add3A_417 = arith.addi %add3A_407, %add3A_416 : i32
      %dma_start3A_418 = arith.constant 0 : i32
      %dma_start3A_419 = tpu.memref_slice %arg5[%add3A_417, %dma_start3A_418] : memref<125x80xi32, #tpu.memory_space<vmem>> -> memref<1x80xi32, #tpu.memory_space<vmem>>
      %dma_start3A_420 = tpu.memref_squeeze %dma_start3A_419 : memref<1x80xi32, #tpu.memory_space<vmem>> -> memref<80xi32, #tpu.memory_space<vmem>>
      %dma_start3A_421 = arith.constant 0 : i32
      %dma_start3A_422 = arith.constant 0 : i32
      %dma_start3A_423 = tpu.memref_slice %arg2[%dma_start3A_421, %dma_start3A_422] : memref<10000x48xf32, #tpu.memory_space<hbm>> -> memref<10000x48xf32, #tpu.memory_space<hbm>>
      tpu.enqueue_indirect_dma source(%dma_start3A_423 : memref<10000x48xf32, #tpu.memory_space<hbm>>) target(%arg7 : memref<80x48xf32, #tpu.memory_space<vmem>>) offsets(%dma_start3A_420 : memref<80xi32, #tpu.memory_space<vmem>>) semaphore(%arg13 : memref<!tpu.dma_semaphore, #tpu.memory_space<semaphore_mem>>)
      %dma_wait3A_424 = arith.constant 0 : i32
      %dma_wait3A_425 = tpu.memref_slice %arg5[%add3A_407, %dma_wait3A_424] : memref<125x80xi32, #tpu.memory_space<vmem>> -> memref<1x80xi32, #tpu.memory_space<vmem>>
      %dma_wait3A_426 = tpu.memref_squeeze %dma_wait3A_425 : memref<1x80xi32, #tpu.memory_space<vmem>> -> memref<80xi32, #tpu.memory_space<vmem>>
      %dma_wait3A_427 = arith.constant 0 : i32
      %dma_wait3A_428 = arith.constant 0 : i32
      %dma_wait3A_429 = tpu.memref_slice %arg2[%dma_wait3A_427, %dma_wait3A_428] : memref<10000x48xf32, #tpu.memory_space<hbm>> -> memref<10000x48xf32, #tpu.memory_space<hbm>>
      tpu.wait_indirect_dma semaphore(%arg16 : memref<!tpu.dma_semaphore, #tpu.memory_space<semaphore_mem>>) src(%dma_wait3A_429 : memref<10000x48xf32, #tpu.memory_space<hbm>>) dst(%arg10 : memref<80x48xf32, #tpu.memory_space<vmem>>)
      %dma_start3A_430 = arith.constant 0 : i32
      %dma_start3A_431 = tpu.memref_slice %arg6[%add3A_407, %dma_start3A_430] : memref<125x80xi32, #tpu.memory_space<vmem>> -> memref<1x80xi32, #tpu.memory_space<vmem>>
      %dma_start3A_432 = tpu.memref_squeeze %dma_start3A_431 : memref<1x80xi32, #tpu.memory_space<vmem>> -> memref<80xi32, #tpu.memory_space<vmem>>
      %dma_start3A_433 = arith.constant 0 : i32
      %dma_start3A_434 = arith.constant 0 : i32
      %dma_start3A_435 = tpu.memref_slice %arg12[%dma_start3A_433, %dma_start3A_434] : memref<10240x48xf32, #tpu.memory_space<vmem_shared>> -> memref<10240x48xf32, #tpu.memory_space<vmem_shared>>
      tpu.enqueue_indirect_dma source(%arg10 : memref<80x48xf32, #tpu.memory_space<vmem>>) target(%dma_start3A_435 : memref<10240x48xf32, #tpu.memory_space<vmem_shared>>) offsets(%dma_start3A_432 : memref<80xi32, #tpu.memory_space<vmem>>) semaphore(%arg21 : memref<!tpu.dma_semaphore, #tpu.memory_space<semaphore_mem>>) {add = true}
      %add3A_436 = arith.constant 4 : i32
      %add3A_437 = arith.addi %mul3A_316, %add3A_436 : i32
      %sub3A_438 = arith.constant 3 : i32
      %sub3A_439 = arith.subi %add3A_437, %sub3A_438 : i32
      %dma_wait3A_440 = arith.constant 0 : i32
      %dma_wait3A_441 = tpu.memref_slice %arg6[%sub3A_439, %dma_wait3A_440] : memref<125x80xi32, #tpu.memory_space<vmem>> -> memref<1x80xi32, #tpu.memory_space<vmem>>
      %dma_wait3A_442 = tpu.memref_squeeze %dma_wait3A_441 : memref<1x80xi32, #tpu.memory_space<vmem>> -> memref<80xi32, #tpu.memory_space<vmem>>
      %dma_wait3A_443 = arith.constant 0 : i32
      %dma_wait3A_444 = arith.constant 0 : i32
      %dma_wait3A_445 = tpu.memref_slice %arg12[%dma_wait3A_443, %dma_wait3A_444] : memref<10240x48xf32, #tpu.memory_space<vmem_shared>> -> memref<10240x48xf32, #tpu.memory_space<vmem_shared>>
      tpu.wait_indirect_dma semaphore(%arg19 : memref<!tpu.dma_semaphore, #tpu.memory_space<semaphore_mem>>) src(%arg8 : memref<80x48xf32, #tpu.memory_space<vmem>>) dst(%dma_wait3A_445 : memref<10240x48xf32, #tpu.memory_space<vmem_shared>>)
      %add3A_446 = arith.constant 2 : i32
      %add3A_447 = arith.addi %add3A_437, %add3A_446 : i32
      %dma_start3A_448 = arith.constant 0 : i32
      %dma_start3A_449 = tpu.memref_slice %arg5[%add3A_447, %dma_start3A_448] : memref<125x80xi32, #tpu.memory_space<vmem>> -> memref<1x80xi32, #tpu.memory_space<vmem>>
      %dma_start3A_450 = tpu.memref_squeeze %dma_start3A_449 : memref<1x80xi32, #tpu.memory_space<vmem>> -> memref<80xi32, #tpu.memory_space<vmem>>
      %dma_start3A_451 = arith.constant 0 : i32
      %dma_start3A_452 = arith.constant 0 : i32
      %dma_start3A_453 = tpu.memref_slice %arg2[%dma_start3A_451, %dma_start3A_452] : memref<10000x48xf32, #tpu.memory_space<hbm>> -> memref<10000x48xf32, #tpu.memory_space<hbm>>
      tpu.enqueue_indirect_dma source(%dma_start3A_453 : memref<10000x48xf32, #tpu.memory_space<hbm>>) target(%arg8 : memref<80x48xf32, #tpu.memory_space<vmem>>) offsets(%dma_start3A_450 : memref<80xi32, #tpu.memory_space<vmem>>) semaphore(%arg14 : memref<!tpu.dma_semaphore, #tpu.memory_space<semaphore_mem>>)
      %dma_wait3A_454 = arith.constant 0 : i32
      %dma_wait3A_455 = tpu.memref_slice %arg5[%add3A_437, %dma_wait3A_454] : memref<125x80xi32, #tpu.memory_space<vmem>> -> memref<1x80xi32, #tpu.memory_space<vmem>>
      %dma_wait3A_456 = tpu.memref_squeeze %dma_wait3A_455 : memref<1x80xi32, #tpu.memory_space<vmem>> -> memref<80xi32, #tpu.memory_space<vmem>>
      %dma_wait3A_457 = arith.constant 0 : i32
      %dma_wait3A_458 = arith.constant 0 : i32
      %dma_wait3A_459 = tpu.memref_slice %arg2[%dma_wait3A_457, %dma_wait3A_458] : memref<10000x48xf32, #tpu.memory_space<hbm>> -> memref<10000x48xf32, #tpu.memory_space<hbm>>
      tpu.wait_indirect_dma semaphore(%arg17 : memref<!tpu.dma_semaphore, #tpu.memory_space<semaphore_mem>>) src(%dma_wait3A_459 : memref<10000x48xf32, #tpu.memory_space<hbm>>) dst(%arg11 : memref<80x48xf32, #tpu.memory_space<vmem>>)
      %dma_start3A_460 = arith.constant 0 : i32
      %dma_start3A_461 = tpu.memref_slice %arg6[%add3A_437, %dma_start3A_460] : memref<125x80xi32, #tpu.memory_space<vmem>> -> memref<1x80xi32, #tpu.memory_space<vmem>>
      %dma_start3A_462 = tpu.memref_squeeze %dma_start3A_461 : memref<1x80xi32, #tpu.memory_space<vmem>> -> memref<80xi32, #tpu.memory_space<vmem>>
      %dma_start3A_463 = arith.constant 0 : i32
      %dma_start3A_464 = arith.constant 0 : i32
      %dma_start3A_465 = tpu.memref_slice %arg12[%dma_start3A_463, %dma_start3A_464] : memref<10240x48xf32, #tpu.memory_space<vmem_shared>> -> memref<10240x48xf32, #tpu.memory_space<vmem_shared>>
      tpu.enqueue_indirect_dma source(%arg11 : memref<80x48xf32, #tpu.memory_space<vmem>>) target(%dma_start3A_465 : memref<10240x48xf32, #tpu.memory_space<vmem_shared>>) offsets(%dma_start3A_462 : memref<80xi32, #tpu.memory_space<vmem>>) semaphore(%arg22 : memref<!tpu.dma_semaphore, #tpu.memory_space<semaphore_mem>>) {add = true}
      %scan3A_466 = arith.constant 0 : i32
      scf.yield %scan3A_466 : i32
    }
    %scan3A_164 = arith.constant 23 : i32
    %dma_wait3A_165 = arith.constant 117 : i32
    %dma_wait3A_166 = arith.constant 0 : i32
    %dma_wait3A_167 = tpu.memref_slice %arg6[%dma_wait3A_165, %dma_wait3A_166] : memref<125x80xi32, #tpu.memory_space<vmem>> -> memref<1x80xi32, #tpu.memory_space<vmem>>
    %dma_wait3A_168 = tpu.memref_squeeze %dma_wait3A_167 : memref<1x80xi32, #tpu.memory_space<vmem>> -> memref<80xi32, #tpu.memory_space<vmem>>
    %dma_wait3A_169 = arith.constant 0 : i32
    %dma_wait3A_170 = arith.constant 0 : i32
    %dma_wait3A_171 = tpu.memref_slice %arg12[%dma_wait3A_169, %dma_wait3A_170] : memref<10240x48xf32, #tpu.memory_space<vmem_shared>> -> memref<10240x48xf32, #tpu.memory_space<vmem_shared>>
    tpu.wait_indirect_dma semaphore(%arg20 : memref<!tpu.dma_semaphore, #tpu.memory_space<semaphore_mem>>) src(%arg9 : memref<80x48xf32, #tpu.memory_space<vmem>>) dst(%dma_wait3A_171 : memref<10240x48xf32, #tpu.memory_space<vmem_shared>>)
    %dma_start3A_172 = arith.constant 122 : i32
    %dma_start3A_173 = arith.constant 0 : i32
    %dma_start3A_174 = tpu.memref_slice %arg5[%dma_start3A_172, %dma_start3A_173] : memref<125x80xi32, #tpu.memory_space<vmem>> -> memref<1x80xi32, #tpu.memory_space<vmem>>
    %dma_start3A_175 = tpu.memref_squeeze %dma_start3A_174 : memref<1x80xi32, #tpu.memory_space<vmem>> -> memref<80xi32, #tpu.memory_space<vmem>>
    %dma_start3A_176 = arith.constant 0 : i32
    %dma_start3A_177 = arith.constant 0 : i32
    %dma_start3A_178 = tpu.memref_slice %arg2[%dma_start3A_176, %dma_start3A_177] : memref<10000x48xf32, #tpu.memory_space<hbm>> -> memref<10000x48xf32, #tpu.memory_space<hbm>>
    tpu.enqueue_indirect_dma source(%dma_start3A_178 : memref<10000x48xf32, #tpu.memory_space<hbm>>) target(%arg9 : memref<80x48xf32, #tpu.memory_space<vmem>>) offsets(%dma_start3A_175 : memref<80xi32, #tpu.memory_space<vmem>>) semaphore(%arg15 : memref<!tpu.dma_semaphore, #tpu.memory_space<semaphore_mem>>)
    %dma_wait3A_179 = arith.constant 120 : i32
    %dma_wait3A_180 = arith.constant 0 : i32
    %dma_wait3A_181 = tpu.memref_slice %arg5[%dma_wait3A_179, %dma_wait3A_180] : memref<125x80xi32, #tpu.memory_space<vmem>> -> memref<1x80xi32, #tpu.memory_space<vmem>>
    %dma_wait3A_182 = tpu.memref_squeeze %dma_wait3A_181 : memref<1x80xi32, #tpu.memory_space<vmem>> -> memref<80xi32, #tpu.memory_space<vmem>>
    %dma_wait3A_183 = arith.constant 0 : i32
    %dma_wait3A_184 = arith.constant 0 : i32
    %dma_wait3A_185 = tpu.memref_slice %arg2[%dma_wait3A_183, %dma_wait3A_184] : memref<10000x48xf32, #tpu.memory_space<hbm>> -> memref<10000x48xf32, #tpu.memory_space<hbm>>
    tpu.wait_indirect_dma semaphore(%arg13 : memref<!tpu.dma_semaphore, #tpu.memory_space<semaphore_mem>>) src(%dma_wait3A_185 : memref<10000x48xf32, #tpu.memory_space<hbm>>) dst(%arg7 : memref<80x48xf32, #tpu.memory_space<vmem>>)
    %dma_start3A_186 = arith.constant 120 : i32
    %dma_start3A_187 = arith.constant 0 : i32
    %dma_start3A_188 = tpu.memref_slice %arg6[%dma_start3A_186, %dma_start3A_187] : memref<125x80xi32, #tpu.memory_space<vmem>> -> memref<1x80xi32, #tpu.memory_space<vmem>>
    %dma_start3A_189 = tpu.memref_squeeze %dma_start3A_188 : memref<1x80xi32, #tpu.memory_space<vmem>> -> memref<80xi32, #tpu.memory_space<vmem>>
    %dma_start3A_190 = arith.constant 0 : i32
    %dma_start3A_191 = arith.constant 0 : i32
    %dma_start3A_192 = tpu.memref_slice %arg12[%dma_start3A_190, %dma_start3A_191] : memref<10240x48xf32, #tpu.memory_space<vmem_shared>> -> memref<10240x48xf32, #tpu.memory_space<vmem_shared>>
    tpu.enqueue_indirect_dma source(%arg7 : memref<80x48xf32, #tpu.memory_space<vmem>>) target(%dma_start3A_192 : memref<10240x48xf32, #tpu.memory_space<vmem_shared>>) offsets(%dma_start3A_189 : memref<80xi32, #tpu.memory_space<vmem>>) semaphore(%arg18 : memref<!tpu.dma_semaphore, #tpu.memory_space<semaphore_mem>>) {add = true}
    %dma_wait3A_193 = arith.constant 118 : i32
    %dma_wait3A_194 = arith.constant 0 : i32
    %dma_wait3A_195 = tpu.memref_slice %arg6[%dma_wait3A_193, %dma_wait3A_194] : memref<125x80xi32, #tpu.memory_space<vmem>> -> memref<1x80xi32, #tpu.memory_space<vmem>>
    %dma_wait3A_196 = tpu.memref_squeeze %dma_wait3A_195 : memref<1x80xi32, #tpu.memory_space<vmem>> -> memref<80xi32, #tpu.memory_space<vmem>>
    %dma_wait3A_197 = arith.constant 0 : i32
    %dma_wait3A_198 = arith.constant 0 : i32
    %dma_wait3A_199 = tpu.memref_slice %arg12[%dma_wait3A_197, %dma_wait3A_198] : memref<10240x48xf32, #tpu.memory_space<vmem_shared>> -> memref<10240x48xf32, #tpu.memory_space<vmem_shared>>
    tpu.wait_indirect_dma semaphore(%arg21 : memref<!tpu.dma_semaphore, #tpu.memory_space<semaphore_mem>>) src(%arg10 : memref<80x48xf32, #tpu.memory_space<vmem>>) dst(%dma_wait3A_199 : memref<10240x48xf32, #tpu.memory_space<vmem_shared>>)
    %dma_start3A_200 = arith.constant 123 : i32
    %dma_start3A_201 = arith.constant 0 : i32
    %dma_start3A_202 = tpu.memref_slice %arg5[%dma_start3A_200, %dma_start3A_201] : memref<125x80xi32, #tpu.memory_space<vmem>> -> memref<1x80xi32, #tpu.memory_space<vmem>>
    %dma_start3A_203 = tpu.memref_squeeze %dma_start3A_202 : memref<1x80xi32, #tpu.memory_space<vmem>> -> memref<80xi32, #tpu.memory_space<vmem>>
    %dma_start3A_204 = arith.constant 0 : i32
    %dma_start3A_205 = arith.constant 0 : i32
    %dma_start3A_206 = tpu.memref_slice %arg2[%dma_start3A_204, %dma_start3A_205] : memref<10000x48xf32, #tpu.memory_space<hbm>> -> memref<10000x48xf32, #tpu.memory_space<hbm>>
    tpu.enqueue_indirect_dma source(%dma_start3A_206 : memref<10000x48xf32, #tpu.memory_space<hbm>>) target(%arg10 : memref<80x48xf32, #tpu.memory_space<vmem>>) offsets(%dma_start3A_203 : memref<80xi32, #tpu.memory_space<vmem>>) semaphore(%arg16 : memref<!tpu.dma_semaphore, #tpu.memory_space<semaphore_mem>>)
    %dma_wait3A_207 = arith.constant 121 : i32
    %dma_wait3A_208 = arith.constant 0 : i32
    %dma_wait3A_209 = tpu.memref_slice %arg5[%dma_wait3A_207, %dma_wait3A_208] : memref<125x80xi32, #tpu.memory_space<vmem>> -> memref<1x80xi32, #tpu.memory_space<vmem>>
    %dma_wait3A_210 = tpu.memref_squeeze %dma_wait3A_209 : memref<1x80xi32, #tpu.memory_space<vmem>> -> memref<80xi32, #tpu.memory_space<vmem>>
    %dma_wait3A_211 = arith.constant 0 : i32
    %dma_wait3A_212 = arith.constant 0 : i32
    %dma_wait3A_213 = tpu.memref_slice %arg2[%dma_wait3A_211, %dma_wait3A_212] : memref<10000x48xf32, #tpu.memory_space<hbm>> -> memref<10000x48xf32, #tpu.memory_space<hbm>>
    tpu.wait_indirect_dma semaphore(%arg14 : memref<!tpu.dma_semaphore, #tpu.memory_space<semaphore_mem>>) src(%dma_wait3A_213 : memref<10000x48xf32, #tpu.memory_space<hbm>>) dst(%arg8 : memref<80x48xf32, #tpu.memory_space<vmem>>)
    %dma_start3A_214 = arith.constant 121 : i32
    %dma_start3A_215 = arith.constant 0 : i32
    %dma_start3A_216 = tpu.memref_slice %arg6[%dma_start3A_214, %dma_start3A_215] : memref<125x80xi32, #tpu.memory_space<vmem>> -> memref<1x80xi32, #tpu.memory_space<vmem>>
    %dma_start3A_217 = tpu.memref_squeeze %dma_start3A_216 : memref<1x80xi32, #tpu.memory_space<vmem>> -> memref<80xi32, #tpu.memory_space<vmem>>
    %dma_start3A_218 = arith.constant 0 : i32
    %dma_start3A_219 = arith.constant 0 : i32
    %dma_start3A_220 = tpu.memref_slice %arg12[%dma_start3A_218, %dma_start3A_219] : memref<10240x48xf32, #tpu.memory_space<vmem_shared>> -> memref<10240x48xf32, #tpu.memory_space<vmem_shared>>
    tpu.enqueue_indirect_dma source(%arg8 : memref<80x48xf32, #tpu.memory_space<vmem>>) target(%dma_start3A_220 : memref<10240x48xf32, #tpu.memory_space<vmem_shared>>) offsets(%dma_start3A_217 : memref<80xi32, #tpu.memory_space<vmem>>) semaphore(%arg19 : memref<!tpu.dma_semaphore, #tpu.memory_space<semaphore_mem>>) {add = true}
    %dma_wait3A_221 = arith.constant 119 : i32
    %dma_wait3A_222 = arith.constant 0 : i32
    %dma_wait3A_223 = tpu.memref_slice %arg6[%dma_wait3A_221, %dma_wait3A_222] : memref<125x80xi32, #tpu.memory_space<vmem>> -> memref<1x80xi32, #tpu.memory_space<vmem>>
    %dma_wait3A_224 = tpu.memref_squeeze %dma_wait3A_223 : memref<1x80xi32, #tpu.memory_space<vmem>> -> memref<80xi32, #tpu.memory_space<vmem>>
    %dma_wait3A_225 = arith.constant 0 : i32
    %dma_wait3A_226 = arith.constant 0 : i32
    %dma_wait3A_227 = tpu.memref_slice %arg12[%dma_wait3A_225, %dma_wait3A_226] : memref<10240x48xf32, #tpu.memory_space<vmem_shared>> -> memref<10240x48xf32, #tpu.memory_space<vmem_shared>>
    tpu.wait_indirect_dma semaphore(%arg22 : memref<!tpu.dma_semaphore, #tpu.memory_space<semaphore_mem>>) src(%arg11 : memref<80x48xf32, #tpu.memory_space<vmem>>) dst(%dma_wait3A_227 : memref<10240x48xf32, #tpu.memory_space<vmem_shared>>)
    %dma_start3A_228 = arith.constant 124 : i32
    %dma_start3A_229 = arith.constant 0 : i32
    %dma_start3A_230 = tpu.memref_slice %arg5[%dma_start3A_228, %dma_start3A_229] : memref<125x80xi32, #tpu.memory_space<vmem>> -> memref<1x80xi32, #tpu.memory_space<vmem>>
    %dma_start3A_231 = tpu.memref_squeeze %dma_start3A_230 : memref<1x80xi32, #tpu.memory_space<vmem>> -> memref<80xi32, #tpu.memory_space<vmem>>
    %dma_start3A_232 = arith.constant 0 : i32
    %dma_start3A_233 = arith.constant 0 : i32
    %dma_start3A_234 = tpu.memref_slice %arg2[%dma_start3A_232, %dma_start3A_233] : memref<10000x48xf32, #tpu.memory_space<hbm>> -> memref<10000x48xf32, #tpu.memory_space<hbm>>
    tpu.enqueue_indirect_dma source(%dma_start3A_234 : memref<10000x48xf32, #tpu.memory_space<hbm>>) target(%arg11 : memref<80x48xf32, #tpu.memory_space<vmem>>) offsets(%dma_start3A_231 : memref<80xi32, #tpu.memory_space<vmem>>) semaphore(%arg17 : memref<!tpu.dma_semaphore, #tpu.memory_space<semaphore_mem>>)
    %dma_wait3A_235 = arith.constant 122 : i32
    %dma_wait3A_236 = arith.constant 0 : i32
    %dma_wait3A_237 = tpu.memref_slice %arg5[%dma_wait3A_235, %dma_wait3A_236] : memref<125x80xi32, #tpu.memory_space<vmem>> -> memref<1x80xi32, #tpu.memory_space<vmem>>
    %dma_wait3A_238 = tpu.memref_squeeze %dma_wait3A_237 : memref<1x80xi32, #tpu.memory_space<vmem>> -> memref<80xi32, #tpu.memory_space<vmem>>
    %dma_wait3A_239 = arith.constant 0 : i32
    %dma_wait3A_240 = arith.constant 0 : i32
    %dma_wait3A_241 = tpu.memref_slice %arg2[%dma_wait3A_239, %dma_wait3A_240] : memref<10000x48xf32, #tpu.memory_space<hbm>> -> memref<10000x48xf32, #tpu.memory_space<hbm>>
    tpu.wait_indirect_dma semaphore(%arg15 : memref<!tpu.dma_semaphore, #tpu.memory_space<semaphore_mem>>) src(%dma_wait3A_241 : memref<10000x48xf32, #tpu.memory_space<hbm>>) dst(%arg9 : memref<80x48xf32, #tpu.memory_space<vmem>>)
    %dma_start3A_242 = arith.constant 122 : i32
    %dma_start3A_243 = arith.constant 0 : i32
    %dma_start3A_244 = tpu.memref_slice %arg6[%dma_start3A_242, %dma_start3A_243] : memref<125x80xi32, #tpu.memory_space<vmem>> -> memref<1x80xi32, #tpu.memory_space<vmem>>
    %dma_start3A_245 = tpu.memref_squeeze %dma_start3A_244 : memref<1x80xi32, #tpu.memory_space<vmem>> -> memref<80xi32, #tpu.memory_space<vmem>>
    %dma_start3A_246 = arith.constant 0 : i32
    %dma_start3A_247 = arith.constant 0 : i32
    %dma_start3A_248 = tpu.memref_slice %arg12[%dma_start3A_246, %dma_start3A_247] : memref<10240x48xf32, #tpu.memory_space<vmem_shared>> -> memref<10240x48xf32, #tpu.memory_space<vmem_shared>>
    tpu.enqueue_indirect_dma source(%arg9 : memref<80x48xf32, #tpu.memory_space<vmem>>) target(%dma_start3A_248 : memref<10240x48xf32, #tpu.memory_space<vmem_shared>>) offsets(%dma_start3A_245 : memref<80xi32, #tpu.memory_space<vmem>>) semaphore(%arg20 : memref<!tpu.dma_semaphore, #tpu.memory_space<semaphore_mem>>) {add = true}
    %dma_wait3A_249 = arith.constant 120 : i32
    %dma_wait3A_250 = arith.constant 0 : i32
    %dma_wait3A_251 = tpu.memref_slice %arg6[%dma_wait3A_249, %dma_wait3A_250] : memref<125x80xi32, #tpu.memory_space<vmem>> -> memref<1x80xi32, #tpu.memory_space<vmem>>
    %dma_wait3A_252 = tpu.memref_squeeze %dma_wait3A_251 : memref<1x80xi32, #tpu.memory_space<vmem>> -> memref<80xi32, #tpu.memory_space<vmem>>
    %dma_wait3A_253 = arith.constant 0 : i32
    %dma_wait3A_254 = arith.constant 0 : i32
    %dma_wait3A_255 = tpu.memref_slice %arg12[%dma_wait3A_253, %dma_wait3A_254] : memref<10240x48xf32, #tpu.memory_space<vmem_shared>> -> memref<10240x48xf32, #tpu.memory_space<vmem_shared>>
    tpu.wait_indirect_dma semaphore(%arg18 : memref<!tpu.dma_semaphore, #tpu.memory_space<semaphore_mem>>) src(%arg7 : memref<80x48xf32, #tpu.memory_space<vmem>>) dst(%dma_wait3A_255 : memref<10240x48xf32, #tpu.memory_space<vmem_shared>>)
    %dma_wait3A_256 = arith.constant 123 : i32
    %dma_wait3A_257 = arith.constant 0 : i32
    %dma_wait3A_258 = tpu.memref_slice %arg5[%dma_wait3A_256, %dma_wait3A_257] : memref<125x80xi32, #tpu.memory_space<vmem>> -> memref<1x80xi32, #tpu.memory_space<vmem>>
    %dma_wait3A_259 = tpu.memref_squeeze %dma_wait3A_258 : memref<1x80xi32, #tpu.memory_space<vmem>> -> memref<80xi32, #tpu.memory_space<vmem>>
    %dma_wait3A_260 = arith.constant 0 : i32
    %dma_wait3A_261 = arith.constant 0 : i32
    %dma_wait3A_262 = tpu.memref_slice %arg2[%dma_wait3A_260, %dma_wait3A_261] : memref<10000x48xf32, #tpu.memory_space<hbm>> -> memref<10000x48xf32, #tpu.memory_space<hbm>>
    tpu.wait_indirect_dma semaphore(%arg16 : memref<!tpu.dma_semaphore, #tpu.memory_space<semaphore_mem>>) src(%dma_wait3A_262 : memref<10000x48xf32, #tpu.memory_space<hbm>>) dst(%arg10 : memref<80x48xf32, #tpu.memory_space<vmem>>)
    %dma_start3A_263 = arith.constant 123 : i32
    %dma_start3A_264 = arith.constant 0 : i32
    %dma_start3A_265 = tpu.memref_slice %arg6[%dma_start3A_263, %dma_start3A_264] : memref<125x80xi32, #tpu.memory_space<vmem>> -> memref<1x80xi32, #tpu.memory_space<vmem>>
    %dma_start3A_266 = tpu.memref_squeeze %dma_start3A_265 : memref<1x80xi32, #tpu.memory_space<vmem>> -> memref<80xi32, #tpu.memory_space<vmem>>
    %dma_start3A_267 = arith.constant 0 : i32
    %dma_start3A_268 = arith.constant 0 : i32
    %dma_start3A_269 = tpu.memref_slice %arg12[%dma_start3A_267, %dma_start3A_268] : memref<10240x48xf32, #tpu.memory_space<vmem_shared>> -> memref<10240x48xf32, #tpu.memory_space<vmem_shared>>
    tpu.enqueue_indirect_dma source(%arg10 : memref<80x48xf32, #tpu.memory_space<vmem>>) target(%dma_start3A_269 : memref<10240x48xf32, #tpu.memory_space<vmem_shared>>) offsets(%dma_start3A_266 : memref<80xi32, #tpu.memory_space<vmem>>) semaphore(%arg21 : memref<!tpu.dma_semaphore, #tpu.memory_space<semaphore_mem>>) {add = true}
    %dma_wait3A_270 = arith.constant 121 : i32
    %dma_wait3A_271 = arith.constant 0 : i32
    %dma_wait3A_272 = tpu.memref_slice %arg6[%dma_wait3A_270, %dma_wait3A_271] : memref<125x80xi32, #tpu.memory_space<vmem>> -> memref<1x80xi32, #tpu.memory_space<vmem>>
    %dma_wait3A_273 = tpu.memref_squeeze %dma_wait3A_272 : memref<1x80xi32, #tpu.memory_space<vmem>> -> memref<80xi32, #tpu.memory_space<vmem>>
    %dma_wait3A_274 = arith.constant 0 : i32
    %dma_wait3A_275 = arith.constant 0 : i32
    %dma_wait3A_276 = tpu.memref_slice %arg12[%dma_wait3A_274, %dma_wait3A_275] : memref<10240x48xf32, #tpu.memory_space<vmem_shared>> -> memref<10240x48xf32, #tpu.memory_space<vmem_shared>>
    tpu.wait_indirect_dma semaphore(%arg19 : memref<!tpu.dma_semaphore, #tpu.memory_space<semaphore_mem>>) src(%arg8 : memref<80x48xf32, #tpu.memory_space<vmem>>) dst(%dma_wait3A_276 : memref<10240x48xf32, #tpu.memory_space<vmem_shared>>)
    %dma_wait3A_277 = arith.constant 124 : i32
    %dma_wait3A_278 = arith.constant 0 : i32
    %dma_wait3A_279 = tpu.memref_slice %arg5[%dma_wait3A_277, %dma_wait3A_278] : memref<125x80xi32, #tpu.memory_space<vmem>> -> memref<1x80xi32, #tpu.memory_space<vmem>>
    %dma_wait3A_280 = tpu.memref_squeeze %dma_wait3A_279 : memref<1x80xi32, #tpu.memory_space<vmem>> -> memref<80xi32, #tpu.memory_space<vmem>>
    %dma_wait3A_281 = arith.constant 0 : i32
    %dma_wait3A_282 = arith.constant 0 : i32
    %dma_wait3A_283 = tpu.memref_slice %arg2[%dma_wait3A_281, %dma_wait3A_282] : memref<10000x48xf32, #tpu.memory_space<hbm>> -> memref<10000x48xf32, #tpu.memory_space<hbm>>
    tpu.wait_indirect_dma semaphore(%arg17 : memref<!tpu.dma_semaphore, #tpu.memory_space<semaphore_mem>>) src(%dma_wait3A_283 : memref<10000x48xf32, #tpu.memory_space<hbm>>) dst(%arg11 : memref<80x48xf32, #tpu.memory_space<vmem>>)
    %dma_start3A_284 = arith.constant 124 : i32
    %dma_start3A_285 = arith.constant 0 : i32
    %dma_start3A_286 = tpu.memref_slice %arg6[%dma_start3A_284, %dma_start3A_285] : memref<125x80xi32, #tpu.memory_space<vmem>> -> memref<1x80xi32, #tpu.memory_space<vmem>>
    %dma_start3A_287 = tpu.memref_squeeze %dma_start3A_286 : memref<1x80xi32, #tpu.memory_space<vmem>> -> memref<80xi32, #tpu.memory_space<vmem>>
    %dma_start3A_288 = arith.constant 0 : i32
    %dma_start3A_289 = arith.constant 0 : i32
    %dma_start3A_290 = tpu.memref_slice %arg12[%dma_start3A_288, %dma_start3A_289] : memref<10240x48xf32, #tpu.memory_space<vmem_shared>> -> memref<10240x48xf32, #tpu.memory_space<vmem_shared>>
    tpu.enqueue_indirect_dma source(%arg11 : memref<80x48xf32, #tpu.memory_space<vmem>>) target(%dma_start3A_290 : memref<10240x48xf32, #tpu.memory_space<vmem_shared>>) offsets(%dma_start3A_287 : memref<80xi32, #tpu.memory_space<vmem>>) semaphore(%arg22 : memref<!tpu.dma_semaphore, #tpu.memory_space<semaphore_mem>>) {add = true}
    %dma_wait3A_291 = arith.constant 122 : i32
    %dma_wait3A_292 = arith.constant 0 : i32
    %dma_wait3A_293 = tpu.memref_slice %arg6[%dma_wait3A_291, %dma_wait3A_292] : memref<125x80xi32, #tpu.memory_space<vmem>> -> memref<1x80xi32, #tpu.memory_space<vmem>>
    %dma_wait3A_294 = tpu.memref_squeeze %dma_wait3A_293 : memref<1x80xi32, #tpu.memory_space<vmem>> -> memref<80xi32, #tpu.memory_space<vmem>>
    %dma_wait3A_295 = arith.constant 0 : i32
    %dma_wait3A_296 = arith.constant 0 : i32
    %dma_wait3A_297 = tpu.memref_slice %arg12[%dma_wait3A_295, %dma_wait3A_296] : memref<10240x48xf32, #tpu.memory_space<vmem_shared>> -> memref<10240x48xf32, #tpu.memory_space<vmem_shared>>
    tpu.wait_indirect_dma semaphore(%arg20 : memref<!tpu.dma_semaphore, #tpu.memory_space<semaphore_mem>>) src(%arg9 : memref<80x48xf32, #tpu.memory_space<vmem>>) dst(%dma_wait3A_297 : memref<10240x48xf32, #tpu.memory_space<vmem_shared>>)
    %dma_wait3A_298 = arith.constant 123 : i32
    %dma_wait3A_299 = arith.constant 0 : i32
    %dma_wait3A_300 = tpu.memref_slice %arg6[%dma_wait3A_298, %dma_wait3A_299] : memref<125x80xi32, #tpu.memory_space<vmem>> -> memref<1x80xi32, #tpu.memory_space<vmem>>
    %dma_wait3A_301 = tpu.memref_squeeze %dma_wait3A_300 : memref<1x80xi32, #tpu.memory_space<vmem>> -> memref<80xi32, #tpu.memory_space<vmem>>
    %dma_wait3A_302 = arith.constant 0 : i32
    %dma_wait3A_303 = arith.constant 0 : i32
    %dma_wait3A_304 = tpu.memref_slice %arg12[%dma_wait3A_302, %dma_wait3A_303] : memref<10240x48xf32, #tpu.memory_space<vmem_shared>> -> memref<10240x48xf32, #tpu.memory_space<vmem_shared>>
    tpu.wait_indirect_dma semaphore(%arg21 : memref<!tpu.dma_semaphore, #tpu.memory_space<semaphore_mem>>) src(%arg10 : memref<80x48xf32, #tpu.memory_space<vmem>>) dst(%dma_wait3A_304 : memref<10240x48xf32, #tpu.memory_space<vmem_shared>>)
    %dma_wait3A_305 = arith.constant 124 : i32
    %dma_wait3A_306 = arith.constant 0 : i32
    %dma_wait3A_307 = tpu.memref_slice %arg6[%dma_wait3A_305, %dma_wait3A_306] : memref<125x80xi32, #tpu.memory_space<vmem>> -> memref<1x80xi32, #tpu.memory_space<vmem>>
    %dma_wait3A_308 = tpu.memref_squeeze %dma_wait3A_307 : memref<1x80xi32, #tpu.memory_space<vmem>> -> memref<80xi32, #tpu.memory_space<vmem>>
    %dma_wait3A_309 = arith.constant 0 : i32
    %dma_wait3A_310 = arith.constant 0 : i32
    %dma_wait3A_311 = tpu.memref_slice %arg12[%dma_wait3A_309, %dma_wait3A_310] : memref<10240x48xf32, #tpu.memory_space<vmem_shared>> -> memref<10240x48xf32, #tpu.memory_space<vmem_shared>>
    tpu.wait_indirect_dma semaphore(%arg22 : memref<!tpu.dma_semaphore, #tpu.memory_space<semaphore_mem>>) src(%arg11 : memref<80x48xf32, #tpu.memory_space<vmem>>) dst(%dma_wait3A_311 : memref<10240x48xf32, #tpu.memory_space<vmem_shared>>)
    %barrier3A_312 = arith.constant 0 : index
    tpu.barrier barrier_id(%barrier3A_312)
    "tpu.region"() ({
      %run_scoped3A_313 = tpu.sem_alloc : memref<!tpu.dma_semaphore, #tpu.memory_space<semaphore_mem>>
      %dma_start3A_314 = arith.constant 0 : i32
      %dma_start3A_315 = tpu.memref_slice %arg4[%arg0, %mul3A_0, %dma_start3A_314] : memref<2x10240x48xf32, #tpu.memory_space<hbm>> -> memref<1x640x48xf32, #tpu.memory_space<hbm>>
      %dma_start3A_316 = tpu.memref_squeeze %dma_start3A_315 : memref<1x640x48xf32, #tpu.memory_space<hbm>> -> memref<640x48xf32, #tpu.memory_space<hbm>>
      %dma_start3A_317 = arith.constant 0 : i32
      %dma_start3A_318 = tpu.memref_slice %arg12[%mul3A_0, %dma_start3A_317] : memref<10240x48xf32, #tpu.memory_space<vmem_shared>> -> memref<640x48xf32, #tpu.memory_space<vmem_shared>>
      tpu.enqueue_dma source(%dma_start3A_318 : memref<640x48xf32, #tpu.memory_space<vmem_shared>>) target(%dma_start3A_316 : memref<640x48xf32, #tpu.memory_space<hbm>>) target_semaphore(%run_scoped3A_313 : memref<!tpu.dma_semaphore, #tpu.memory_space<semaphore_mem>>)
      %dma_wait3A_319 = arith.constant 0 : i32
      %dma_wait3A_320 = tpu.memref_slice %arg4[%arg0, %mul3A_0, %dma_wait3A_319] : memref<2x10240x48xf32, #tpu.memory_space<hbm>> -> memref<1x640x48xf32, #tpu.memory_space<hbm>>
      %dma_wait3A_321 = tpu.memref_squeeze %dma_wait3A_320 : memref<1x640x48xf32, #tpu.memory_space<hbm>> -> memref<640x48xf32, #tpu.memory_space<hbm>>
      %dma_wait3A_322 = arith.constant 0 : i32
      %dma_wait3A_323 = tpu.memref_slice %arg12[%mul3A_0, %dma_wait3A_322] : memref<10240x48xf32, #tpu.memory_space<vmem_shared>> -> memref<640x48xf32, #tpu.memory_space<vmem_shared>>
      tpu.wait_dma2 semaphore(%run_scoped3A_313 : memref<!tpu.dma_semaphore, #tpu.memory_space<semaphore_mem>>) src(%dma_wait3A_323 : memref<640x48xf32, #tpu.memory_space<vmem_shared>>) dst(%dma_wait3A_321 : memref<640x48xf32, #tpu.memory_space<hbm>>)
      tpu.yield
    }) : () -> ()
    return
  }
}

#map = affine_map<(d0, d1) -> (0, 0)>
#map1 = affine_map<(d0, d1) -> (0, 0, 0, 0)>
#map2 = affine_map<(d0, d1) -> (0, 0, 0)>
module attributes {stable_mosaic.version = 14 : i64} {
  func.func @body(%arg0: i32, %arg1: i32, %arg2: memref<20000x64xf32, #tpu.memory_space<hbm>>, %arg3: memref<2x16x250x80xi32, #tpu.memory_space<hbm>>, %arg4: memref<2x10240x64xf32, #tpu.memory_space<hbm>>, %arg5: memref<250x80xi32, #tpu.memory_space<vmem>>, %arg6: memref<250x80xi32, #tpu.memory_space<vmem>>, %arg7: memref<80x64xf32, #tpu.memory_space<vmem>>, %arg8: memref<80x64xf32, #tpu.memory_space<vmem>>, %arg9: memref<80x64xf32, #tpu.memory_space<vmem>>, %arg10: memref<80x64xf32, #tpu.memory_space<vmem>>, %arg11: memref<80x64xf32, #tpu.memory_space<vmem>>, %arg12: memref<10240x64xf32, #tpu.memory_space<vmem_shared>>, %arg13: memref<!tpu.dma_semaphore, #tpu.memory_space<semaphore_mem>>, %arg14: memref<!tpu.dma_semaphore, #tpu.memory_space<semaphore_mem>>, %arg15: memref<!tpu.dma_semaphore, #tpu.memory_space<semaphore_mem>>, %arg16: memref<!tpu.dma_semaphore, #tpu.memory_space<semaphore_mem>>, %arg17: memref<!tpu.dma_semaphore, #tpu.memory_space<semaphore_mem>>, %arg18: memref<!tpu.dma_semaphore, #tpu.memory_space<semaphore_mem>>, %arg19: memref<!tpu.dma_semaphore, #tpu.memory_space<semaphore_mem>>, %arg20: memref<!tpu.dma_semaphore, #tpu.memory_space<semaphore_mem>>, %arg21: memref<!tpu.dma_semaphore, #tpu.memory_space<semaphore_mem>>, %arg22: memref<!tpu.dma_semaphore, #tpu.memory_space<semaphore_mem>>) attributes {dimension_semantics = [#tpu.dimension_semantics<core_parallel>, #tpu.dimension_semantics<subcore_parallel>], iteration_bounds = array<i64: 2, 16>, scalar_prefetch = 0 : i64, scratch_operands = 18 : i64, tpu.core_type = #tpu.core_type<sc_vector_subcore>, window_params = [{transform_indices = #map}, {transform_indices = #map1}, {transform_indices = #map2}]} {
    %mul3A = arith.constant 640 : i32
    %mul3A_0 = arith.muli %arg1, %mul3A : i32
    %run_scoped3A = arith.constant 0 : i32
    "tpu.region"() ({
      %run_scoped3A_317 = tpu.sem_alloc : memref<!tpu.dma_semaphore, #tpu.memory_space<semaphore_mem>>
      %dma_start3A_318 = arith.constant 0 : i32
      %dma_start3A_319 = arith.constant 0 : i32
      %dma_start3A_320 = tpu.memref_slice %arg3[%run_scoped3A, %arg1, %dma_start3A_318, %dma_start3A_319] : memref<2x16x250x80xi32, #tpu.memory_space<hbm>> -> memref<1x1x250x80xi32, #tpu.memory_space<hbm>>
      %dma_start3A_321 = tpu.memref_squeeze %dma_start3A_320 : memref<1x1x250x80xi32, #tpu.memory_space<hbm>> -> memref<250x80xi32, #tpu.memory_space<hbm>>
      %dma_start3A_322 = arith.constant 0 : i32
      %dma_start3A_323 = arith.constant 0 : i32
      %dma_start3A_324 = tpu.memref_slice %arg3[%run_scoped3A, %arg1, %dma_start3A_322, %dma_start3A_323] : memref<2x16x250x80xi32, #tpu.memory_space<hbm>> -> memref<1x1x250x80xi32, #tpu.memory_space<hbm>>
      %dma_start3A_325 = tpu.memref_squeeze %dma_start3A_324 : memref<1x1x250x80xi32, #tpu.memory_space<hbm>> -> memref<250x80xi32, #tpu.memory_space<hbm>>
      tpu.enqueue_dma source(%dma_start3A_325 : memref<250x80xi32, #tpu.memory_space<hbm>>) target(%arg5 : memref<250x80xi32, #tpu.memory_space<vmem>>) target_semaphore(%run_scoped3A_317 : memref<!tpu.dma_semaphore, #tpu.memory_space<semaphore_mem>>)
      %dma_wait3A_326 = arith.constant 0 : i32
      %dma_wait3A_327 = arith.constant 0 : i32
      %dma_wait3A_328 = tpu.memref_slice %arg3[%run_scoped3A, %arg1, %dma_wait3A_326, %dma_wait3A_327] : memref<2x16x250x80xi32, #tpu.memory_space<hbm>> -> memref<1x1x250x80xi32, #tpu.memory_space<hbm>>
      %dma_wait3A_329 = tpu.memref_squeeze %dma_wait3A_328 : memref<1x1x250x80xi32, #tpu.memory_space<hbm>> -> memref<250x80xi32, #tpu.memory_space<hbm>>
      %dma_wait3A_330 = arith.constant 0 : i32
      %dma_wait3A_331 = arith.constant 0 : i32
      %dma_wait3A_332 = tpu.memref_slice %arg3[%run_scoped3A, %arg1, %dma_wait3A_330, %dma_wait3A_331] : memref<2x16x250x80xi32, #tpu.memory_space<hbm>> -> memref<1x1x250x80xi32, #tpu.memory_space<hbm>>
      %dma_wait3A_333 = tpu.memref_squeeze %dma_wait3A_332 : memref<1x1x250x80xi32, #tpu.memory_space<hbm>> -> memref<250x80xi32, #tpu.memory_space<hbm>>
      tpu.wait_dma2 semaphore(%run_scoped3A_317 : memref<!tpu.dma_semaphore, #tpu.memory_space<semaphore_mem>>) src(%dma_wait3A_333 : memref<250x80xi32, #tpu.memory_space<hbm>>) dst(%arg5 : memref<250x80xi32, #tpu.memory_space<vmem>>)
      tpu.yield
    }) : () -> ()
    %run_scoped3A_1 = arith.constant 1 : i32
    "tpu.region"() ({
      %run_scoped3A_317 = tpu.sem_alloc : memref<!tpu.dma_semaphore, #tpu.memory_space<semaphore_mem>>
      %dma_start3A_318 = arith.constant 0 : i32
      %dma_start3A_319 = arith.constant 0 : i32
      %dma_start3A_320 = tpu.memref_slice %arg3[%run_scoped3A_1, %arg1, %dma_start3A_318, %dma_start3A_319] : memref<2x16x250x80xi32, #tpu.memory_space<hbm>> -> memref<1x1x250x80xi32, #tpu.memory_space<hbm>>
      %dma_start3A_321 = tpu.memref_squeeze %dma_start3A_320 : memref<1x1x250x80xi32, #tpu.memory_space<hbm>> -> memref<250x80xi32, #tpu.memory_space<hbm>>
      %dma_start3A_322 = arith.constant 0 : i32
      %dma_start3A_323 = arith.constant 0 : i32
      %dma_start3A_324 = tpu.memref_slice %arg3[%run_scoped3A_1, %arg1, %dma_start3A_322, %dma_start3A_323] : memref<2x16x250x80xi32, #tpu.memory_space<hbm>> -> memref<1x1x250x80xi32, #tpu.memory_space<hbm>>
      %dma_start3A_325 = tpu.memref_squeeze %dma_start3A_324 : memref<1x1x250x80xi32, #tpu.memory_space<hbm>> -> memref<250x80xi32, #tpu.memory_space<hbm>>
      tpu.enqueue_dma source(%dma_start3A_325 : memref<250x80xi32, #tpu.memory_space<hbm>>) target(%arg6 : memref<250x80xi32, #tpu.memory_space<vmem>>) target_semaphore(%run_scoped3A_317 : memref<!tpu.dma_semaphore, #tpu.memory_space<semaphore_mem>>)
      %dma_wait3A_326 = arith.constant 0 : i32
      %dma_wait3A_327 = arith.constant 0 : i32
      %dma_wait3A_328 = tpu.memref_slice %arg3[%run_scoped3A_1, %arg1, %dma_wait3A_326, %dma_wait3A_327] : memref<2x16x250x80xi32, #tpu.memory_space<hbm>> -> memref<1x1x250x80xi32, #tpu.memory_space<hbm>>
      %dma_wait3A_329 = tpu.memref_squeeze %dma_wait3A_328 : memref<1x1x250x80xi32, #tpu.memory_space<hbm>> -> memref<250x80xi32, #tpu.memory_space<hbm>>
      %dma_wait3A_330 = arith.constant 0 : i32
      %dma_wait3A_331 = arith.constant 0 : i32
      %dma_wait3A_332 = tpu.memref_slice %arg3[%run_scoped3A_1, %arg1, %dma_wait3A_330, %dma_wait3A_331] : memref<2x16x250x80xi32, #tpu.memory_space<hbm>> -> memref<1x1x250x80xi32, #tpu.memory_space<hbm>>
      %dma_wait3A_333 = tpu.memref_squeeze %dma_wait3A_332 : memref<1x1x250x80xi32, #tpu.memory_space<hbm>> -> memref<250x80xi32, #tpu.memory_space<hbm>>
      tpu.wait_dma2 semaphore(%run_scoped3A_317 : memref<!tpu.dma_semaphore, #tpu.memory_space<semaphore_mem>>) src(%dma_wait3A_333 : memref<250x80xi32, #tpu.memory_space<hbm>>) dst(%arg6 : memref<250x80xi32, #tpu.memory_space<vmem>>)
      tpu.yield
    }) : () -> ()
    %scan3A = arith.constant 0 : i32
    %scan3A_2 = arith.constant 0 : i32
    %scan3A_3 = arith.constant 250 : i32
    %scan3A_4 = arith.addi %scan3A_2, %scan3A_3 : i32
    %scan3A_5 = arith.constant 1 : i32
    %scan3A_6 = scf.for %scan3A_317 = %scan3A_2 to %scan3A_4 step %scan3A_5 iter_args(%scan3A_318 = %scan3A) -> (i32)  : i32 {
      %scan3A_319 = arith.constant 0 : i32
      %scan3A_320 = arith.constant 0 : i32
      %scan3A_321 = arith.constant 5 : i32
      %scan3A_322 = arith.addi %scan3A_320, %scan3A_321 : i32
      %scan3A_323 = arith.constant 1 : i32
      %scan3A_324 = scf.for %scan3A_326 = %scan3A_320 to %scan3A_322 step %scan3A_323 iter_args(%scan3A_327 = %scan3A_319) -> (i32)  : i32 {
        %mul3A_328 = arith.constant 16 : i32
        %mul3A_329 = arith.muli %scan3A_326, %mul3A_328 : i32
        %get3A = arith.index_cast %scan3A_317 : i32 to index
        %get3A_330 = arith.index_cast %mul3A_329 : i32 to index
        %get3A_331 = tpu.vector_load %arg5[%get3A, %get3A_330] {strides = array<i32>} : memref<250x80xi32, #tpu.memory_space<vmem>>, vector<1x16xi32>,
        %get3A_332 = vector.shape_cast %get3A_331 : vector<1x16xi32> to vector<16xi32>
        %mul3A_333 = arith.constant 2 : i32
        %mul3A_334 = vector.broadcast %mul3A_333 : i32 to vector<16xi32>
        %mul3A_335 = arith.muli %get3A_332, %mul3A_334 : vector<16xi32>
        %add3A_336 = vector.broadcast %arg0 : i32 to vector<16xi32>
        %add3A_337 = arith.addi %mul3A_335, %add3A_336 : vector<16xi32>
        %mul3A_338 = arith.constant 16 : i32
        %mul3A_339 = arith.muli %scan3A_326, %mul3A_338 : i32
        %swap3A = arith.index_cast %scan3A_317 : i32 to index
        %swap3A_340 = arith.index_cast %mul3A_339 : i32 to index
        %swap3A_341 = tpu.vector_load %arg5[%swap3A, %swap3A_340] {strides = array<i32>} : memref<250x80xi32, #tpu.memory_space<vmem>>, vector<1x16xi32>,
        %swap3A_342 = vector.shape_cast %swap3A_341 : vector<1x16xi32> to vector<16xi32>
        %swap3A_343 = vector.shape_cast %add3A_337 : vector<16xi32> to vector<1x16xi32>
        tpu.vector_store %arg5[%swap3A, %swap3A_340], %swap3A_343 {strides = array<i32>} : memref<250x80xi32, #tpu.memory_space<vmem>>, vector<1x16xi32>,
        %scan3A_344 = arith.constant 0 : i32
        scf.yield %scan3A_344 : i32
      }
      %scan3A_325 = arith.constant 5 : i32
      scf.yield %scan3A_324 : i32
    }
    %scan3A_7 = arith.constant 250 : i32
    %broadcast_in_dim3A = arith.constant 0.000000e+00 : f32
    %broadcast_in_dim3A_8 = vector.broadcast %broadcast_in_dim3A : f32 to vector<16xf32>
    %scan3A_9 = arith.constant 0 : i32
    %scan3A_10 = arith.constant 0 : i32
    %scan3A_11 = arith.constant 80 : i32
    %scan3A_12 = arith.addi %scan3A_10, %scan3A_11 : i32
    %scan3A_13 = arith.constant 1 : i32
    %scan3A_14 = scf.for %scan3A_317 = %scan3A_10 to %scan3A_12 step %scan3A_13 iter_args(%scan3A_318 = %scan3A_9) -> (i32)  : i32 {
      %scan3A_319 = arith.constant 0 : i32
      %scan3A_320 = arith.constant 0 : i32
      %scan3A_321 = arith.constant 4 : i32
      %scan3A_322 = arith.addi %scan3A_320, %scan3A_321 : i32
      %scan3A_323 = arith.constant 1 : i32
      %scan3A_324 = scf.for %scan3A_326 = %scan3A_320 to %scan3A_322 step %scan3A_323 iter_args(%scan3A_327 = %scan3A_319) -> (i32)  : i32 {
        %mul3A_328 = arith.constant 16 : i32
        %mul3A_329 = arith.muli %scan3A_326, %mul3A_328 : i32
        %swap3A = arith.index_cast %scan3A_317 : i32 to index
        %swap3A_330 = arith.index_cast %mul3A_329 : i32 to index
        %swap3A_331 = tpu.vector_load %arg7[%swap3A, %swap3A_330] {strides = array<i32>} : memref<80x64xf32, #tpu.memory_space<vmem>>, vector<1x16xf32>,
        %swap3A_332 = vector.shape_cast %swap3A_331 : vector<1x16xf32> to vector<16xf32>
        %swap3A_333 = vector.shape_cast %broadcast_in_dim3A_8 : vector<16xf32> to vector<1x16xf32>
        tpu.vector_store %arg7[%swap3A, %swap3A_330], %swap3A_333 {strides = array<i32>} : memref<80x64xf32, #tpu.memory_space<vmem>>, vector<1x16xf32>,
        %scan3A_334 = arith.constant 0 : i32
        scf.yield %scan3A_334 : i32
      }
      %scan3A_325 = arith.constant 4 : i32
      scf.yield %scan3A_324 : i32
    }
    %scan3A_15 = arith.constant 80 : i32
    %add3A = arith.constant 0 : i32
    %add3A_16 = arith.addi %mul3A_0, %add3A : i32
    "tpu.region"() ({
      %run_scoped3A_317 = tpu.sem_alloc : memref<!tpu.dma_semaphore, #tpu.memory_space<semaphore_mem>>
      %dma_start3A_318 = arith.constant 0 : i32
      %dma_start3A_319 = arith.constant 0 : i32
      %dma_start3A_320 = tpu.memref_slice %arg7[%dma_start3A_318, %dma_start3A_319] : memref<80x64xf32, #tpu.memory_space<vmem>> -> memref<80x64xf32, #tpu.memory_space<vmem>>
      %dma_start3A_321 = arith.constant 0 : i32
      %dma_start3A_322 = tpu.memref_slice %arg12[%add3A_16, %dma_start3A_321] : memref<10240x64xf32, #tpu.memory_space<vmem_shared>> -> memref<80x64xf32, #tpu.memory_space<vmem_shared>>
      %dma_start3A_323 = arith.constant 0 : i32
      %dma_start3A_324 = tpu.memref_slice %arg12[%add3A_16, %dma_start3A_323] : memref<10240x64xf32, #tpu.memory_space<vmem_shared>> -> memref<80x64xf32, #tpu.memory_space<vmem_shared>>
      %dma_start3A_325 = arith.constant 0 : i32
      %dma_start3A_326 = arith.constant 0 : i32
      %dma_start3A_327 = tpu.memref_slice %arg7[%dma_start3A_325, %dma_start3A_326] : memref<80x64xf32, #tpu.memory_space<vmem>> -> memref<80x64xf32, #tpu.memory_space<vmem>>
      tpu.enqueue_dma source(%dma_start3A_327 : memref<80x64xf32, #tpu.memory_space<vmem>>) target(%dma_start3A_324 : memref<80x64xf32, #tpu.memory_space<vmem_shared>>) target_semaphore(%run_scoped3A_317 : memref<!tpu.dma_semaphore, #tpu.memory_space<semaphore_mem>>)
      %dma_wait3A_328 = arith.constant 0 : i32
      %dma_wait3A_329 = arith.constant 0 : i32
      %dma_wait3A_330 = tpu.memref_slice %arg7[%dma_wait3A_328, %dma_wait3A_329] : memref<80x64xf32, #tpu.memory_space<vmem>> -> memref<80x64xf32, #tpu.memory_space<vmem>>
      %dma_wait3A_331 = arith.constant 0 : i32
      %dma_wait3A_332 = tpu.memref_slice %arg12[%add3A_16, %dma_wait3A_331] : memref<10240x64xf32, #tpu.memory_space<vmem_shared>> -> memref<80x64xf32, #tpu.memory_space<vmem_shared>>
      %dma_wait3A_333 = arith.constant 0 : i32
      %dma_wait3A_334 = tpu.memref_slice %arg12[%add3A_16, %dma_wait3A_333] : memref<10240x64xf32, #tpu.memory_space<vmem_shared>> -> memref<80x64xf32, #tpu.memory_space<vmem_shared>>
      %dma_wait3A_335 = arith.constant 0 : i32
      %dma_wait3A_336 = arith.constant 0 : i32
      %dma_wait3A_337 = tpu.memref_slice %arg7[%dma_wait3A_335, %dma_wait3A_336] : memref<80x64xf32, #tpu.memory_space<vmem>> -> memref<80x64xf32, #tpu.memory_space<vmem>>
      tpu.wait_dma2 semaphore(%run_scoped3A_317 : memref<!tpu.dma_semaphore, #tpu.memory_space<semaphore_mem>>) src(%dma_wait3A_337 : memref<80x64xf32, #tpu.memory_space<vmem>>) dst(%dma_wait3A_334 : memref<80x64xf32, #tpu.memory_space<vmem_shared>>)
      tpu.yield
    }) : () -> ()
    %add3A_17 = arith.constant 80 : i32
    %add3A_18 = arith.addi %mul3A_0, %add3A_17 : i32
    "tpu.region"() ({
      %run_scoped3A_317 = tpu.sem_alloc : memref<!tpu.dma_semaphore, #tpu.memory_space<semaphore_mem>>
      %dma_start3A_318 = arith.constant 0 : i32
      %dma_start3A_319 = arith.constant 0 : i32
      %dma_start3A_320 = tpu.memref_slice %arg7[%dma_start3A_318, %dma_start3A_319] : memref<80x64xf32, #tpu.memory_space<vmem>> -> memref<80x64xf32, #tpu.memory_space<vmem>>
      %dma_start3A_321 = arith.constant 0 : i32
      %dma_start3A_322 = tpu.memref_slice %arg12[%add3A_18, %dma_start3A_321] : memref<10240x64xf32, #tpu.memory_space<vmem_shared>> -> memref<80x64xf32, #tpu.memory_space<vmem_shared>>
      %dma_start3A_323 = arith.constant 0 : i32
      %dma_start3A_324 = tpu.memref_slice %arg12[%add3A_18, %dma_start3A_323] : memref<10240x64xf32, #tpu.memory_space<vmem_shared>> -> memref<80x64xf32, #tpu.memory_space<vmem_shared>>
      %dma_start3A_325 = arith.constant 0 : i32
      %dma_start3A_326 = arith.constant 0 : i32
      %dma_start3A_327 = tpu.memref_slice %arg7[%dma_start3A_325, %dma_start3A_326] : memref<80x64xf32, #tpu.memory_space<vmem>> -> memref<80x64xf32, #tpu.memory_space<vmem>>
      tpu.enqueue_dma source(%dma_start3A_327 : memref<80x64xf32, #tpu.memory_space<vmem>>) target(%dma_start3A_324 : memref<80x64xf32, #tpu.memory_space<vmem_shared>>) target_semaphore(%run_scoped3A_317 : memref<!tpu.dma_semaphore, #tpu.memory_space<semaphore_mem>>)
      %dma_wait3A_328 = arith.constant 0 : i32
      %dma_wait3A_329 = arith.constant 0 : i32
      %dma_wait3A_330 = tpu.memref_slice %arg7[%dma_wait3A_328, %dma_wait3A_329] : memref<80x64xf32, #tpu.memory_space<vmem>> -> memref<80x64xf32, #tpu.memory_space<vmem>>
      %dma_wait3A_331 = arith.constant 0 : i32
      %dma_wait3A_332 = tpu.memref_slice %arg12[%add3A_18, %dma_wait3A_331] : memref<10240x64xf32, #tpu.memory_space<vmem_shared>> -> memref<80x64xf32, #tpu.memory_space<vmem_shared>>
      %dma_wait3A_333 = arith.constant 0 : i32
      %dma_wait3A_334 = tpu.memref_slice %arg12[%add3A_18, %dma_wait3A_333] : memref<10240x64xf32, #tpu.memory_space<vmem_shared>> -> memref<80x64xf32, #tpu.memory_space<vmem_shared>>
      %dma_wait3A_335 = arith.constant 0 : i32
      %dma_wait3A_336 = arith.constant 0 : i32
      %dma_wait3A_337 = tpu.memref_slice %arg7[%dma_wait3A_335, %dma_wait3A_336] : memref<80x64xf32, #tpu.memory_space<vmem>> -> memref<80x64xf32, #tpu.memory_space<vmem>>
      tpu.wait_dma2 semaphore(%run_scoped3A_317 : memref<!tpu.dma_semaphore, #tpu.memory_space<semaphore_mem>>) src(%dma_wait3A_337 : memref<80x64xf32, #tpu.memory_space<vmem>>) dst(%dma_wait3A_334 : memref<80x64xf32, #tpu.memory_space<vmem_shared>>)
      tpu.yield
    }) : () -> ()
    %add3A_19 = arith.constant 160 : i32
    %add3A_20 = arith.addi %mul3A_0, %add3A_19 : i32
    "tpu.region"() ({
      %run_scoped3A_317 = tpu.sem_alloc : memref<!tpu.dma_semaphore, #tpu.memory_space<semaphore_mem>>
      %dma_start3A_318 = arith.constant 0 : i32
      %dma_start3A_319 = arith.constant 0 : i32
      %dma_start3A_320 = tpu.memref_slice %arg7[%dma_start3A_318, %dma_start3A_319] : memref<80x64xf32, #tpu.memory_space<vmem>> -> memref<80x64xf32, #tpu.memory_space<vmem>>
      %dma_start3A_321 = arith.constant 0 : i32
      %dma_start3A_322 = tpu.memref_slice %arg12[%add3A_20, %dma_start3A_321] : memref<10240x64xf32, #tpu.memory_space<vmem_shared>> -> memref<80x64xf32, #tpu.memory_space<vmem_shared>>
      %dma_start3A_323 = arith.constant 0 : i32
      %dma_start3A_324 = tpu.memref_slice %arg12[%add3A_20, %dma_start3A_323] : memref<10240x64xf32, #tpu.memory_space<vmem_shared>> -> memref<80x64xf32, #tpu.memory_space<vmem_shared>>
      %dma_start3A_325 = arith.constant 0 : i32
      %dma_start3A_326 = arith.constant 0 : i32
      %dma_start3A_327 = tpu.memref_slice %arg7[%dma_start3A_325, %dma_start3A_326] : memref<80x64xf32, #tpu.memory_space<vmem>> -> memref<80x64xf32, #tpu.memory_space<vmem>>
      tpu.enqueue_dma source(%dma_start3A_327 : memref<80x64xf32, #tpu.memory_space<vmem>>) target(%dma_start3A_324 : memref<80x64xf32, #tpu.memory_space<vmem_shared>>) target_semaphore(%run_scoped3A_317 : memref<!tpu.dma_semaphore, #tpu.memory_space<semaphore_mem>>)
      %dma_wait3A_328 = arith.constant 0 : i32
      %dma_wait3A_329 = arith.constant 0 : i32
      %dma_wait3A_330 = tpu.memref_slice %arg7[%dma_wait3A_328, %dma_wait3A_329] : memref<80x64xf32, #tpu.memory_space<vmem>> -> memref<80x64xf32, #tpu.memory_space<vmem>>
      %dma_wait3A_331 = arith.constant 0 : i32
      %dma_wait3A_332 = tpu.memref_slice %arg12[%add3A_20, %dma_wait3A_331] : memref<10240x64xf32, #tpu.memory_space<vmem_shared>> -> memref<80x64xf32, #tpu.memory_space<vmem_shared>>
      %dma_wait3A_333 = arith.constant 0 : i32
      %dma_wait3A_334 = tpu.memref_slice %arg12[%add3A_20, %dma_wait3A_333] : memref<10240x64xf32, #tpu.memory_space<vmem_shared>> -> memref<80x64xf32, #tpu.memory_space<vmem_shared>>
      %dma_wait3A_335 = arith.constant 0 : i32
      %dma_wait3A_336 = arith.constant 0 : i32
      %dma_wait3A_337 = tpu.memref_slice %arg7[%dma_wait3A_335, %dma_wait3A_336] : memref<80x64xf32, #tpu.memory_space<vmem>> -> memref<80x64xf32, #tpu.memory_space<vmem>>
      tpu.wait_dma2 semaphore(%run_scoped3A_317 : memref<!tpu.dma_semaphore, #tpu.memory_space<semaphore_mem>>) src(%dma_wait3A_337 : memref<80x64xf32, #tpu.memory_space<vmem>>) dst(%dma_wait3A_334 : memref<80x64xf32, #tpu.memory_space<vmem_shared>>)
      tpu.yield
    }) : () -> ()
    %add3A_21 = arith.constant 240 : i32
    %add3A_22 = arith.addi %mul3A_0, %add3A_21 : i32
    "tpu.region"() ({
      %run_scoped3A_317 = tpu.sem_alloc : memref<!tpu.dma_semaphore, #tpu.memory_space<semaphore_mem>>
      %dma_start3A_318 = arith.constant 0 : i32
      %dma_start3A_319 = arith.constant 0 : i32
      %dma_start3A_320 = tpu.memref_slice %arg7[%dma_start3A_318, %dma_start3A_319] : memref<80x64xf32, #tpu.memory_space<vmem>> -> memref<80x64xf32, #tpu.memory_space<vmem>>
      %dma_start3A_321 = arith.constant 0 : i32
      %dma_start3A_322 = tpu.memref_slice %arg12[%add3A_22, %dma_start3A_321] : memref<10240x64xf32, #tpu.memory_space<vmem_shared>> -> memref<80x64xf32, #tpu.memory_space<vmem_shared>>
      %dma_start3A_323 = arith.constant 0 : i32
      %dma_start3A_324 = tpu.memref_slice %arg12[%add3A_22, %dma_start3A_323] : memref<10240x64xf32, #tpu.memory_space<vmem_shared>> -> memref<80x64xf32, #tpu.memory_space<vmem_shared>>
      %dma_start3A_325 = arith.constant 0 : i32
      %dma_start3A_326 = arith.constant 0 : i32
      %dma_start3A_327 = tpu.memref_slice %arg7[%dma_start3A_325, %dma_start3A_326] : memref<80x64xf32, #tpu.memory_space<vmem>> -> memref<80x64xf32, #tpu.memory_space<vmem>>
      tpu.enqueue_dma source(%dma_start3A_327 : memref<80x64xf32, #tpu.memory_space<vmem>>) target(%dma_start3A_324 : memref<80x64xf32, #tpu.memory_space<vmem_shared>>) target_semaphore(%run_scoped3A_317 : memref<!tpu.dma_semaphore, #tpu.memory_space<semaphore_mem>>)
      %dma_wait3A_328 = arith.constant 0 : i32
      %dma_wait3A_329 = arith.constant 0 : i32
      %dma_wait3A_330 = tpu.memref_slice %arg7[%dma_wait3A_328, %dma_wait3A_329] : memref<80x64xf32, #tpu.memory_space<vmem>> -> memref<80x64xf32, #tpu.memory_space<vmem>>
      %dma_wait3A_331 = arith.constant 0 : i32
      %dma_wait3A_332 = tpu.memref_slice %arg12[%add3A_22, %dma_wait3A_331] : memref<10240x64xf32, #tpu.memory_space<vmem_shared>> -> memref<80x64xf32, #tpu.memory_space<vmem_shared>>
      %dma_wait3A_333 = arith.constant 0 : i32
      %dma_wait3A_334 = tpu.memref_slice %arg12[%add3A_22, %dma_wait3A_333] : memref<10240x64xf32, #tpu.memory_space<vmem_shared>> -> memref<80x64xf32, #tpu.memory_space<vmem_shared>>
      %dma_wait3A_335 = arith.constant 0 : i32
      %dma_wait3A_336 = arith.constant 0 : i32
      %dma_wait3A_337 = tpu.memref_slice %arg7[%dma_wait3A_335, %dma_wait3A_336] : memref<80x64xf32, #tpu.memory_space<vmem>> -> memref<80x64xf32, #tpu.memory_space<vmem>>
      tpu.wait_dma2 semaphore(%run_scoped3A_317 : memref<!tpu.dma_semaphore, #tpu.memory_space<semaphore_mem>>) src(%dma_wait3A_337 : memref<80x64xf32, #tpu.memory_space<vmem>>) dst(%dma_wait3A_334 : memref<80x64xf32, #tpu.memory_space<vmem_shared>>)
      tpu.yield
    }) : () -> ()
    %add3A_23 = arith.constant 320 : i32
    %add3A_24 = arith.addi %mul3A_0, %add3A_23 : i32
    "tpu.region"() ({
      %run_scoped3A_317 = tpu.sem_alloc : memref<!tpu.dma_semaphore, #tpu.memory_space<semaphore_mem>>
      %dma_start3A_318 = arith.constant 0 : i32
      %dma_start3A_319 = arith.constant 0 : i32
      %dma_start3A_320 = tpu.memref_slice %arg7[%dma_start3A_318, %dma_start3A_319] : memref<80x64xf32, #tpu.memory_space<vmem>> -> memref<80x64xf32, #tpu.memory_space<vmem>>
      %dma_start3A_321 = arith.constant 0 : i32
      %dma_start3A_322 = tpu.memref_slice %arg12[%add3A_24, %dma_start3A_321] : memref<10240x64xf32, #tpu.memory_space<vmem_shared>> -> memref<80x64xf32, #tpu.memory_space<vmem_shared>>
      %dma_start3A_323 = arith.constant 0 : i32
      %dma_start3A_324 = tpu.memref_slice %arg12[%add3A_24, %dma_start3A_323] : memref<10240x64xf32, #tpu.memory_space<vmem_shared>> -> memref<80x64xf32, #tpu.memory_space<vmem_shared>>
      %dma_start3A_325 = arith.constant 0 : i32
      %dma_start3A_326 = arith.constant 0 : i32
      %dma_start3A_327 = tpu.memref_slice %arg7[%dma_start3A_325, %dma_start3A_326] : memref<80x64xf32, #tpu.memory_space<vmem>> -> memref<80x64xf32, #tpu.memory_space<vmem>>
      tpu.enqueue_dma source(%dma_start3A_327 : memref<80x64xf32, #tpu.memory_space<vmem>>) target(%dma_start3A_324 : memref<80x64xf32, #tpu.memory_space<vmem_shared>>) target_semaphore(%run_scoped3A_317 : memref<!tpu.dma_semaphore, #tpu.memory_space<semaphore_mem>>)
      %dma_wait3A_328 = arith.constant 0 : i32
      %dma_wait3A_329 = arith.constant 0 : i32
      %dma_wait3A_330 = tpu.memref_slice %arg7[%dma_wait3A_328, %dma_wait3A_329] : memref<80x64xf32, #tpu.memory_space<vmem>> -> memref<80x64xf32, #tpu.memory_space<vmem>>
      %dma_wait3A_331 = arith.constant 0 : i32
      %dma_wait3A_332 = tpu.memref_slice %arg12[%add3A_24, %dma_wait3A_331] : memref<10240x64xf32, #tpu.memory_space<vmem_shared>> -> memref<80x64xf32, #tpu.memory_space<vmem_shared>>
      %dma_wait3A_333 = arith.constant 0 : i32
      %dma_wait3A_334 = tpu.memref_slice %arg12[%add3A_24, %dma_wait3A_333] : memref<10240x64xf32, #tpu.memory_space<vmem_shared>> -> memref<80x64xf32, #tpu.memory_space<vmem_shared>>
      %dma_wait3A_335 = arith.constant 0 : i32
      %dma_wait3A_336 = arith.constant 0 : i32
      %dma_wait3A_337 = tpu.memref_slice %arg7[%dma_wait3A_335, %dma_wait3A_336] : memref<80x64xf32, #tpu.memory_space<vmem>> -> memref<80x64xf32, #tpu.memory_space<vmem>>
      tpu.wait_dma2 semaphore(%run_scoped3A_317 : memref<!tpu.dma_semaphore, #tpu.memory_space<semaphore_mem>>) src(%dma_wait3A_337 : memref<80x64xf32, #tpu.memory_space<vmem>>) dst(%dma_wait3A_334 : memref<80x64xf32, #tpu.memory_space<vmem_shared>>)
      tpu.yield
    }) : () -> ()
    %add3A_25 = arith.constant 400 : i32
    %add3A_26 = arith.addi %mul3A_0, %add3A_25 : i32
    "tpu.region"() ({
      %run_scoped3A_317 = tpu.sem_alloc : memref<!tpu.dma_semaphore, #tpu.memory_space<semaphore_mem>>
      %dma_start3A_318 = arith.constant 0 : i32
      %dma_start3A_319 = arith.constant 0 : i32
      %dma_start3A_320 = tpu.memref_slice %arg7[%dma_start3A_318, %dma_start3A_319] : memref<80x64xf32, #tpu.memory_space<vmem>> -> memref<80x64xf32, #tpu.memory_space<vmem>>
      %dma_start3A_321 = arith.constant 0 : i32
      %dma_start3A_322 = tpu.memref_slice %arg12[%add3A_26, %dma_start3A_321] : memref<10240x64xf32, #tpu.memory_space<vmem_shared>> -> memref<80x64xf32, #tpu.memory_space<vmem_shared>>
      %dma_start3A_323 = arith.constant 0 : i32
      %dma_start3A_324 = tpu.memref_slice %arg12[%add3A_26, %dma_start3A_323] : memref<10240x64xf32, #tpu.memory_space<vmem_shared>> -> memref<80x64xf32, #tpu.memory_space<vmem_shared>>
      %dma_start3A_325 = arith.constant 0 : i32
      %dma_start3A_326 = arith.constant 0 : i32
      %dma_start3A_327 = tpu.memref_slice %arg7[%dma_start3A_325, %dma_start3A_326] : memref<80x64xf32, #tpu.memory_space<vmem>> -> memref<80x64xf32, #tpu.memory_space<vmem>>
      tpu.enqueue_dma source(%dma_start3A_327 : memref<80x64xf32, #tpu.memory_space<vmem>>) target(%dma_start3A_324 : memref<80x64xf32, #tpu.memory_space<vmem_shared>>) target_semaphore(%run_scoped3A_317 : memref<!tpu.dma_semaphore, #tpu.memory_space<semaphore_mem>>)
      %dma_wait3A_328 = arith.constant 0 : i32
      %dma_wait3A_329 = arith.constant 0 : i32
      %dma_wait3A_330 = tpu.memref_slice %arg7[%dma_wait3A_328, %dma_wait3A_329] : memref<80x64xf32, #tpu.memory_space<vmem>> -> memref<80x64xf32, #tpu.memory_space<vmem>>
      %dma_wait3A_331 = arith.constant 0 : i32
      %dma_wait3A_332 = tpu.memref_slice %arg12[%add3A_26, %dma_wait3A_331] : memref<10240x64xf32, #tpu.memory_space<vmem_shared>> -> memref<80x64xf32, #tpu.memory_space<vmem_shared>>
      %dma_wait3A_333 = arith.constant 0 : i32
      %dma_wait3A_334 = tpu.memref_slice %arg12[%add3A_26, %dma_wait3A_333] : memref<10240x64xf32, #tpu.memory_space<vmem_shared>> -> memref<80x64xf32, #tpu.memory_space<vmem_shared>>
      %dma_wait3A_335 = arith.constant 0 : i32
      %dma_wait3A_336 = arith.constant 0 : i32
      %dma_wait3A_337 = tpu.memref_slice %arg7[%dma_wait3A_335, %dma_wait3A_336] : memref<80x64xf32, #tpu.memory_space<vmem>> -> memref<80x64xf32, #tpu.memory_space<vmem>>
      tpu.wait_dma2 semaphore(%run_scoped3A_317 : memref<!tpu.dma_semaphore, #tpu.memory_space<semaphore_mem>>) src(%dma_wait3A_337 : memref<80x64xf32, #tpu.memory_space<vmem>>) dst(%dma_wait3A_334 : memref<80x64xf32, #tpu.memory_space<vmem_shared>>)
      tpu.yield
    }) : () -> ()
    %add3A_27 = arith.constant 480 : i32
    %add3A_28 = arith.addi %mul3A_0, %add3A_27 : i32
    "tpu.region"() ({
      %run_scoped3A_317 = tpu.sem_alloc : memref<!tpu.dma_semaphore, #tpu.memory_space<semaphore_mem>>
      %dma_start3A_318 = arith.constant 0 : i32
      %dma_start3A_319 = arith.constant 0 : i32
      %dma_start3A_320 = tpu.memref_slice %arg7[%dma_start3A_318, %dma_start3A_319] : memref<80x64xf32, #tpu.memory_space<vmem>> -> memref<80x64xf32, #tpu.memory_space<vmem>>
      %dma_start3A_321 = arith.constant 0 : i32
      %dma_start3A_322 = tpu.memref_slice %arg12[%add3A_28, %dma_start3A_321] : memref<10240x64xf32, #tpu.memory_space<vmem_shared>> -> memref<80x64xf32, #tpu.memory_space<vmem_shared>>
      %dma_start3A_323 = arith.constant 0 : i32
      %dma_start3A_324 = tpu.memref_slice %arg12[%add3A_28, %dma_start3A_323] : memref<10240x64xf32, #tpu.memory_space<vmem_shared>> -> memref<80x64xf32, #tpu.memory_space<vmem_shared>>
      %dma_start3A_325 = arith.constant 0 : i32
      %dma_start3A_326 = arith.constant 0 : i32
      %dma_start3A_327 = tpu.memref_slice %arg7[%dma_start3A_325, %dma_start3A_326] : memref<80x64xf32, #tpu.memory_space<vmem>> -> memref<80x64xf32, #tpu.memory_space<vmem>>
      tpu.enqueue_dma source(%dma_start3A_327 : memref<80x64xf32, #tpu.memory_space<vmem>>) target(%dma_start3A_324 : memref<80x64xf32, #tpu.memory_space<vmem_shared>>) target_semaphore(%run_scoped3A_317 : memref<!tpu.dma_semaphore, #tpu.memory_space<semaphore_mem>>)
      %dma_wait3A_328 = arith.constant 0 : i32
      %dma_wait3A_329 = arith.constant 0 : i32
      %dma_wait3A_330 = tpu.memref_slice %arg7[%dma_wait3A_328, %dma_wait3A_329] : memref<80x64xf32, #tpu.memory_space<vmem>> -> memref<80x64xf32, #tpu.memory_space<vmem>>
      %dma_wait3A_331 = arith.constant 0 : i32
      %dma_wait3A_332 = tpu.memref_slice %arg12[%add3A_28, %dma_wait3A_331] : memref<10240x64xf32, #tpu.memory_space<vmem_shared>> -> memref<80x64xf32, #tpu.memory_space<vmem_shared>>
      %dma_wait3A_333 = arith.constant 0 : i32
      %dma_wait3A_334 = tpu.memref_slice %arg12[%add3A_28, %dma_wait3A_333] : memref<10240x64xf32, #tpu.memory_space<vmem_shared>> -> memref<80x64xf32, #tpu.memory_space<vmem_shared>>
      %dma_wait3A_335 = arith.constant 0 : i32
      %dma_wait3A_336 = arith.constant 0 : i32
      %dma_wait3A_337 = tpu.memref_slice %arg7[%dma_wait3A_335, %dma_wait3A_336] : memref<80x64xf32, #tpu.memory_space<vmem>> -> memref<80x64xf32, #tpu.memory_space<vmem>>
      tpu.wait_dma2 semaphore(%run_scoped3A_317 : memref<!tpu.dma_semaphore, #tpu.memory_space<semaphore_mem>>) src(%dma_wait3A_337 : memref<80x64xf32, #tpu.memory_space<vmem>>) dst(%dma_wait3A_334 : memref<80x64xf32, #tpu.memory_space<vmem_shared>>)
      tpu.yield
    }) : () -> ()
    %add3A_29 = arith.constant 560 : i32
    %add3A_30 = arith.addi %mul3A_0, %add3A_29 : i32
    "tpu.region"() ({
      %run_scoped3A_317 = tpu.sem_alloc : memref<!tpu.dma_semaphore, #tpu.memory_space<semaphore_mem>>
      %dma_start3A_318 = arith.constant 0 : i32
      %dma_start3A_319 = arith.constant 0 : i32
      %dma_start3A_320 = tpu.memref_slice %arg7[%dma_start3A_318, %dma_start3A_319] : memref<80x64xf32, #tpu.memory_space<vmem>> -> memref<80x64xf32, #tpu.memory_space<vmem>>
      %dma_start3A_321 = arith.constant 0 : i32
      %dma_start3A_322 = tpu.memref_slice %arg12[%add3A_30, %dma_start3A_321] : memref<10240x64xf32, #tpu.memory_space<vmem_shared>> -> memref<80x64xf32, #tpu.memory_space<vmem_shared>>
      %dma_start3A_323 = arith.constant 0 : i32
      %dma_start3A_324 = tpu.memref_slice %arg12[%add3A_30, %dma_start3A_323] : memref<10240x64xf32, #tpu.memory_space<vmem_shared>> -> memref<80x64xf32, #tpu.memory_space<vmem_shared>>
      %dma_start3A_325 = arith.constant 0 : i32
      %dma_start3A_326 = arith.constant 0 : i32
      %dma_start3A_327 = tpu.memref_slice %arg7[%dma_start3A_325, %dma_start3A_326] : memref<80x64xf32, #tpu.memory_space<vmem>> -> memref<80x64xf32, #tpu.memory_space<vmem>>
      tpu.enqueue_dma source(%dma_start3A_327 : memref<80x64xf32, #tpu.memory_space<vmem>>) target(%dma_start3A_324 : memref<80x64xf32, #tpu.memory_space<vmem_shared>>) target_semaphore(%run_scoped3A_317 : memref<!tpu.dma_semaphore, #tpu.memory_space<semaphore_mem>>)
      %dma_wait3A_328 = arith.constant 0 : i32
      %dma_wait3A_329 = arith.constant 0 : i32
      %dma_wait3A_330 = tpu.memref_slice %arg7[%dma_wait3A_328, %dma_wait3A_329] : memref<80x64xf32, #tpu.memory_space<vmem>> -> memref<80x64xf32, #tpu.memory_space<vmem>>
      %dma_wait3A_331 = arith.constant 0 : i32
      %dma_wait3A_332 = tpu.memref_slice %arg12[%add3A_30, %dma_wait3A_331] : memref<10240x64xf32, #tpu.memory_space<vmem_shared>> -> memref<80x64xf32, #tpu.memory_space<vmem_shared>>
      %dma_wait3A_333 = arith.constant 0 : i32
      %dma_wait3A_334 = tpu.memref_slice %arg12[%add3A_30, %dma_wait3A_333] : memref<10240x64xf32, #tpu.memory_space<vmem_shared>> -> memref<80x64xf32, #tpu.memory_space<vmem_shared>>
      %dma_wait3A_335 = arith.constant 0 : i32
      %dma_wait3A_336 = arith.constant 0 : i32
      %dma_wait3A_337 = tpu.memref_slice %arg7[%dma_wait3A_335, %dma_wait3A_336] : memref<80x64xf32, #tpu.memory_space<vmem>> -> memref<80x64xf32, #tpu.memory_space<vmem>>
      tpu.wait_dma2 semaphore(%run_scoped3A_317 : memref<!tpu.dma_semaphore, #tpu.memory_space<semaphore_mem>>) src(%dma_wait3A_337 : memref<80x64xf32, #tpu.memory_space<vmem>>) dst(%dma_wait3A_334 : memref<80x64xf32, #tpu.memory_space<vmem_shared>>)
      tpu.yield
    }) : () -> ()
    %barrier3A = arith.constant 0 : index
    tpu.barrier barrier_id(%barrier3A)
    %dma_start3A = arith.constant 0 : i32
    %dma_start3A_31 = arith.constant 0 : i32
    %dma_start3A_32 = tpu.memref_slice %arg5[%dma_start3A, %dma_start3A_31] : memref<250x80xi32, #tpu.memory_space<vmem>> -> memref<1x80xi32, #tpu.memory_space<vmem>>
    %dma_start3A_33 = tpu.memref_squeeze %dma_start3A_32 : memref<1x80xi32, #tpu.memory_space<vmem>> -> memref<80xi32, #tpu.memory_space<vmem>>
    %dma_start3A_34 = arith.constant 0 : i32
    %dma_start3A_35 = arith.constant 0 : i32
    %dma_start3A_36 = tpu.memref_slice %arg2[%dma_start3A_34, %dma_start3A_35] : memref<20000x64xf32, #tpu.memory_space<hbm>> -> memref<20000x64xf32, #tpu.memory_space<hbm>>
    tpu.enqueue_indirect_dma source(%dma_start3A_36 : memref<20000x64xf32, #tpu.memory_space<hbm>>) target(%arg7 : memref<80x64xf32, #tpu.memory_space<vmem>>) offsets(%dma_start3A_33 : memref<80xi32, #tpu.memory_space<vmem>>) semaphore(%arg13 : memref<!tpu.dma_semaphore, #tpu.memory_space<semaphore_mem>>)
    %dma_start3A_37 = arith.constant 1 : i32
    %dma_start3A_38 = arith.constant 0 : i32
    %dma_start3A_39 = tpu.memref_slice %arg5[%dma_start3A_37, %dma_start3A_38] : memref<250x80xi32, #tpu.memory_space<vmem>> -> memref<1x80xi32, #tpu.memory_space<vmem>>
    %dma_start3A_40 = tpu.memref_squeeze %dma_start3A_39 : memref<1x80xi32, #tpu.memory_space<vmem>> -> memref<80xi32, #tpu.memory_space<vmem>>
    %dma_start3A_41 = arith.constant 0 : i32
    %dma_start3A_42 = arith.constant 0 : i32
    %dma_start3A_43 = tpu.memref_slice %arg2[%dma_start3A_41, %dma_start3A_42] : memref<20000x64xf32, #tpu.memory_space<hbm>> -> memref<20000x64xf32, #tpu.memory_space<hbm>>
    tpu.enqueue_indirect_dma source(%dma_start3A_43 : memref<20000x64xf32, #tpu.memory_space<hbm>>) target(%arg8 : memref<80x64xf32, #tpu.memory_space<vmem>>) offsets(%dma_start3A_40 : memref<80xi32, #tpu.memory_space<vmem>>) semaphore(%arg14 : memref<!tpu.dma_semaphore, #tpu.memory_space<semaphore_mem>>)
    %dma_start3A_44 = arith.constant 2 : i32
    %dma_start3A_45 = arith.constant 0 : i32
    %dma_start3A_46 = tpu.memref_slice %arg5[%dma_start3A_44, %dma_start3A_45] : memref<250x80xi32, #tpu.memory_space<vmem>> -> memref<1x80xi32, #tpu.memory_space<vmem>>
    %dma_start3A_47 = tpu.memref_squeeze %dma_start3A_46 : memref<1x80xi32, #tpu.memory_space<vmem>> -> memref<80xi32, #tpu.memory_space<vmem>>
    %dma_start3A_48 = arith.constant 0 : i32
    %dma_start3A_49 = arith.constant 0 : i32
    %dma_start3A_50 = tpu.memref_slice %arg2[%dma_start3A_48, %dma_start3A_49] : memref<20000x64xf32, #tpu.memory_space<hbm>> -> memref<20000x64xf32, #tpu.memory_space<hbm>>
    tpu.enqueue_indirect_dma source(%dma_start3A_50 : memref<20000x64xf32, #tpu.memory_space<hbm>>) target(%arg9 : memref<80x64xf32, #tpu.memory_space<vmem>>) offsets(%dma_start3A_47 : memref<80xi32, #tpu.memory_space<vmem>>) semaphore(%arg15 : memref<!tpu.dma_semaphore, #tpu.memory_space<semaphore_mem>>)
    %dma_wait3A = arith.constant 0 : i32
    %dma_wait3A_51 = arith.constant 0 : i32
    %dma_wait3A_52 = tpu.memref_slice %arg5[%dma_wait3A, %dma_wait3A_51] : memref<250x80xi32, #tpu.memory_space<vmem>> -> memref<1x80xi32, #tpu.memory_space<vmem>>
    %dma_wait3A_53 = tpu.memref_squeeze %dma_wait3A_52 : memref<1x80xi32, #tpu.memory_space<vmem>> -> memref<80xi32, #tpu.memory_space<vmem>>
    %dma_wait3A_54 = arith.constant 0 : i32
    %dma_wait3A_55 = arith.constant 0 : i32
    %dma_wait3A_56 = tpu.memref_slice %arg2[%dma_wait3A_54, %dma_wait3A_55] : memref<20000x64xf32, #tpu.memory_space<hbm>> -> memref<20000x64xf32, #tpu.memory_space<hbm>>
    tpu.wait_indirect_dma semaphore(%arg13 : memref<!tpu.dma_semaphore, #tpu.memory_space<semaphore_mem>>) src(%dma_wait3A_56 : memref<20000x64xf32, #tpu.memory_space<hbm>>) dst(%arg7 : memref<80x64xf32, #tpu.memory_space<vmem>>)
    %dma_start3A_57 = arith.constant 0 : i32
    %dma_start3A_58 = arith.constant 0 : i32
    %dma_start3A_59 = tpu.memref_slice %arg6[%dma_start3A_57, %dma_start3A_58] : memref<250x80xi32, #tpu.memory_space<vmem>> -> memref<1x80xi32, #tpu.memory_space<vmem>>
    %dma_start3A_60 = tpu.memref_squeeze %dma_start3A_59 : memref<1x80xi32, #tpu.memory_space<vmem>> -> memref<80xi32, #tpu.memory_space<vmem>>
    %dma_start3A_61 = arith.constant 0 : i32
    %dma_start3A_62 = arith.constant 0 : i32
    %dma_start3A_63 = tpu.memref_slice %arg12[%dma_start3A_61, %dma_start3A_62] : memref<10240x64xf32, #tpu.memory_space<vmem_shared>> -> memref<10240x64xf32, #tpu.memory_space<vmem_shared>>
    tpu.enqueue_indirect_dma source(%arg7 : memref<80x64xf32, #tpu.memory_space<vmem>>) target(%dma_start3A_63 : memref<10240x64xf32, #tpu.memory_space<vmem_shared>>) offsets(%dma_start3A_60 : memref<80xi32, #tpu.memory_space<vmem>>) semaphore(%arg18 : memref<!tpu.dma_semaphore, #tpu.memory_space<semaphore_mem>>) {add = true}
    %dma_start3A_64 = arith.constant 3 : i32
    %dma_start3A_65 = arith.constant 0 : i32
    %dma_start3A_66 = tpu.memref_slice %arg5[%dma_start3A_64, %dma_start3A_65] : memref<250x80xi32, #tpu.memory_space<vmem>> -> memref<1x80xi32, #tpu.memory_space<vmem>>
    %dma_start3A_67 = tpu.memref_squeeze %dma_start3A_66 : memref<1x80xi32, #tpu.memory_space<vmem>> -> memref<80xi32, #tpu.memory_space<vmem>>
    %dma_start3A_68 = arith.constant 0 : i32
    %dma_start3A_69 = arith.constant 0 : i32
    %dma_start3A_70 = tpu.memref_slice %arg2[%dma_start3A_68, %dma_start3A_69] : memref<20000x64xf32, #tpu.memory_space<hbm>> -> memref<20000x64xf32, #tpu.memory_space<hbm>>
    tpu.enqueue_indirect_dma source(%dma_start3A_70 : memref<20000x64xf32, #tpu.memory_space<hbm>>) target(%arg10 : memref<80x64xf32, #tpu.memory_space<vmem>>) offsets(%dma_start3A_67 : memref<80xi32, #tpu.memory_space<vmem>>) semaphore(%arg16 : memref<!tpu.dma_semaphore, #tpu.memory_space<semaphore_mem>>)
    %dma_wait3A_71 = arith.constant 1 : i32
    %dma_wait3A_72 = arith.constant 0 : i32
    %dma_wait3A_73 = tpu.memref_slice %arg5[%dma_wait3A_71, %dma_wait3A_72] : memref<250x80xi32, #tpu.memory_space<vmem>> -> memref<1x80xi32, #tpu.memory_space<vmem>>
    %dma_wait3A_74 = tpu.memref_squeeze %dma_wait3A_73 : memref<1x80xi32, #tpu.memory_space<vmem>> -> memref<80xi32, #tpu.memory_space<vmem>>
    %dma_wait3A_75 = arith.constant 0 : i32
    %dma_wait3A_76 = arith.constant 0 : i32
    %dma_wait3A_77 = tpu.memref_slice %arg2[%dma_wait3A_75, %dma_wait3A_76] : memref<20000x64xf32, #tpu.memory_space<hbm>> -> memref<20000x64xf32, #tpu.memory_space<hbm>>
    tpu.wait_indirect_dma semaphore(%arg14 : memref<!tpu.dma_semaphore, #tpu.memory_space<semaphore_mem>>) src(%dma_wait3A_77 : memref<20000x64xf32, #tpu.memory_space<hbm>>) dst(%arg8 : memref<80x64xf32, #tpu.memory_space<vmem>>)
    %dma_start3A_78 = arith.constant 1 : i32
    %dma_start3A_79 = arith.constant 0 : i32
    %dma_start3A_80 = tpu.memref_slice %arg6[%dma_start3A_78, %dma_start3A_79] : memref<250x80xi32, #tpu.memory_space<vmem>> -> memref<1x80xi32, #tpu.memory_space<vmem>>
    %dma_start3A_81 = tpu.memref_squeeze %dma_start3A_80 : memref<1x80xi32, #tpu.memory_space<vmem>> -> memref<80xi32, #tpu.memory_space<vmem>>
    %dma_start3A_82 = arith.constant 0 : i32
    %dma_start3A_83 = arith.constant 0 : i32
    %dma_start3A_84 = tpu.memref_slice %arg12[%dma_start3A_82, %dma_start3A_83] : memref<10240x64xf32, #tpu.memory_space<vmem_shared>> -> memref<10240x64xf32, #tpu.memory_space<vmem_shared>>
    tpu.enqueue_indirect_dma source(%arg8 : memref<80x64xf32, #tpu.memory_space<vmem>>) target(%dma_start3A_84 : memref<10240x64xf32, #tpu.memory_space<vmem_shared>>) offsets(%dma_start3A_81 : memref<80xi32, #tpu.memory_space<vmem>>) semaphore(%arg19 : memref<!tpu.dma_semaphore, #tpu.memory_space<semaphore_mem>>) {add = true}
    %dma_start3A_85 = arith.constant 4 : i32
    %dma_start3A_86 = arith.constant 0 : i32
    %dma_start3A_87 = tpu.memref_slice %arg5[%dma_start3A_85, %dma_start3A_86] : memref<250x80xi32, #tpu.memory_space<vmem>> -> memref<1x80xi32, #tpu.memory_space<vmem>>
    %dma_start3A_88 = tpu.memref_squeeze %dma_start3A_87 : memref<1x80xi32, #tpu.memory_space<vmem>> -> memref<80xi32, #tpu.memory_space<vmem>>
    %dma_start3A_89 = arith.constant 0 : i32
    %dma_start3A_90 = arith.constant 0 : i32
    %dma_start3A_91 = tpu.memref_slice %arg2[%dma_start3A_89, %dma_start3A_90] : memref<20000x64xf32, #tpu.memory_space<hbm>> -> memref<20000x64xf32, #tpu.memory_space<hbm>>
    tpu.enqueue_indirect_dma source(%dma_start3A_91 : memref<20000x64xf32, #tpu.memory_space<hbm>>) target(%arg11 : memref<80x64xf32, #tpu.memory_space<vmem>>) offsets(%dma_start3A_88 : memref<80xi32, #tpu.memory_space<vmem>>) semaphore(%arg17 : memref<!tpu.dma_semaphore, #tpu.memory_space<semaphore_mem>>)
    %dma_wait3A_92 = arith.constant 2 : i32
    %dma_wait3A_93 = arith.constant 0 : i32
    %dma_wait3A_94 = tpu.memref_slice %arg5[%dma_wait3A_92, %dma_wait3A_93] : memref<250x80xi32, #tpu.memory_space<vmem>> -> memref<1x80xi32, #tpu.memory_space<vmem>>
    %dma_wait3A_95 = tpu.memref_squeeze %dma_wait3A_94 : memref<1x80xi32, #tpu.memory_space<vmem>> -> memref<80xi32, #tpu.memory_space<vmem>>
    %dma_wait3A_96 = arith.constant 0 : i32
    %dma_wait3A_97 = arith.constant 0 : i32
    %dma_wait3A_98 = tpu.memref_slice %arg2[%dma_wait3A_96, %dma_wait3A_97] : memref<20000x64xf32, #tpu.memory_space<hbm>> -> memref<20000x64xf32, #tpu.memory_space<hbm>>
    tpu.wait_indirect_dma semaphore(%arg15 : memref<!tpu.dma_semaphore, #tpu.memory_space<semaphore_mem>>) src(%dma_wait3A_98 : memref<20000x64xf32, #tpu.memory_space<hbm>>) dst(%arg9 : memref<80x64xf32, #tpu.memory_space<vmem>>)
    %dma_start3A_99 = arith.constant 2 : i32
    %dma_start3A_100 = arith.constant 0 : i32
    %dma_start3A_101 = tpu.memref_slice %arg6[%dma_start3A_99, %dma_start3A_100] : memref<250x80xi32, #tpu.memory_space<vmem>> -> memref<1x80xi32, #tpu.memory_space<vmem>>
    %dma_start3A_102 = tpu.memref_squeeze %dma_start3A_101 : memref<1x80xi32, #tpu.memory_space<vmem>> -> memref<80xi32, #tpu.memory_space<vmem>>
    %dma_start3A_103 = arith.constant 0 : i32
    %dma_start3A_104 = arith.constant 0 : i32
    %dma_start3A_105 = tpu.memref_slice %arg12[%dma_start3A_103, %dma_start3A_104] : memref<10240x64xf32, #tpu.memory_space<vmem_shared>> -> memref<10240x64xf32, #tpu.memory_space<vmem_shared>>
    tpu.enqueue_indirect_dma source(%arg9 : memref<80x64xf32, #tpu.memory_space<vmem>>) target(%dma_start3A_105 : memref<10240x64xf32, #tpu.memory_space<vmem_shared>>) offsets(%dma_start3A_102 : memref<80xi32, #tpu.memory_space<vmem>>) semaphore(%arg20 : memref<!tpu.dma_semaphore, #tpu.memory_space<semaphore_mem>>) {add = true}
    %dma_wait3A_106 = arith.constant 0 : i32
    %dma_wait3A_107 = arith.constant 0 : i32
    %dma_wait3A_108 = tpu.memref_slice %arg6[%dma_wait3A_106, %dma_wait3A_107] : memref<250x80xi32, #tpu.memory_space<vmem>> -> memref<1x80xi32, #tpu.memory_space<vmem>>
    %dma_wait3A_109 = tpu.memref_squeeze %dma_wait3A_108 : memref<1x80xi32, #tpu.memory_space<vmem>> -> memref<80xi32, #tpu.memory_space<vmem>>
    %dma_wait3A_110 = arith.constant 0 : i32
    %dma_wait3A_111 = arith.constant 0 : i32
    %dma_wait3A_112 = tpu.memref_slice %arg12[%dma_wait3A_110, %dma_wait3A_111] : memref<10240x64xf32, #tpu.memory_space<vmem_shared>> -> memref<10240x64xf32, #tpu.memory_space<vmem_shared>>
    tpu.wait_indirect_dma semaphore(%arg18 : memref<!tpu.dma_semaphore, #tpu.memory_space<semaphore_mem>>) src(%arg7 : memref<80x64xf32, #tpu.memory_space<vmem>>) dst(%dma_wait3A_112 : memref<10240x64xf32, #tpu.memory_space<vmem_shared>>)
    %dma_start3A_113 = arith.constant 5 : i32
    %dma_start3A_114 = arith.constant 0 : i32
    %dma_start3A_115 = tpu.memref_slice %arg5[%dma_start3A_113, %dma_start3A_114] : memref<250x80xi32, #tpu.memory_space<vmem>> -> memref<1x80xi32, #tpu.memory_space<vmem>>
    %dma_start3A_116 = tpu.memref_squeeze %dma_start3A_115 : memref<1x80xi32, #tpu.memory_space<vmem>> -> memref<80xi32, #tpu.memory_space<vmem>>
    %dma_start3A_117 = arith.constant 0 : i32
    %dma_start3A_118 = arith.constant 0 : i32
    %dma_start3A_119 = tpu.memref_slice %arg2[%dma_start3A_117, %dma_start3A_118] : memref<20000x64xf32, #tpu.memory_space<hbm>> -> memref<20000x64xf32, #tpu.memory_space<hbm>>
    tpu.enqueue_indirect_dma source(%dma_start3A_119 : memref<20000x64xf32, #tpu.memory_space<hbm>>) target(%arg7 : memref<80x64xf32, #tpu.memory_space<vmem>>) offsets(%dma_start3A_116 : memref<80xi32, #tpu.memory_space<vmem>>) semaphore(%arg13 : memref<!tpu.dma_semaphore, #tpu.memory_space<semaphore_mem>>)
    %dma_wait3A_120 = arith.constant 3 : i32
    %dma_wait3A_121 = arith.constant 0 : i32
    %dma_wait3A_122 = tpu.memref_slice %arg5[%dma_wait3A_120, %dma_wait3A_121] : memref<250x80xi32, #tpu.memory_space<vmem>> -> memref<1x80xi32, #tpu.memory_space<vmem>>
    %dma_wait3A_123 = tpu.memref_squeeze %dma_wait3A_122 : memref<1x80xi32, #tpu.memory_space<vmem>> -> memref<80xi32, #tpu.memory_space<vmem>>
    %dma_wait3A_124 = arith.constant 0 : i32
    %dma_wait3A_125 = arith.constant 0 : i32
    %dma_wait3A_126 = tpu.memref_slice %arg2[%dma_wait3A_124, %dma_wait3A_125] : memref<20000x64xf32, #tpu.memory_space<hbm>> -> memref<20000x64xf32, #tpu.memory_space<hbm>>
    tpu.wait_indirect_dma semaphore(%arg16 : memref<!tpu.dma_semaphore, #tpu.memory_space<semaphore_mem>>) src(%dma_wait3A_126 : memref<20000x64xf32, #tpu.memory_space<hbm>>) dst(%arg10 : memref<80x64xf32, #tpu.memory_space<vmem>>)
    %dma_start3A_127 = arith.constant 3 : i32
    %dma_start3A_128 = arith.constant 0 : i32
    %dma_start3A_129 = tpu.memref_slice %arg6[%dma_start3A_127, %dma_start3A_128] : memref<250x80xi32, #tpu.memory_space<vmem>> -> memref<1x80xi32, #tpu.memory_space<vmem>>
    %dma_start3A_130 = tpu.memref_squeeze %dma_start3A_129 : memref<1x80xi32, #tpu.memory_space<vmem>> -> memref<80xi32, #tpu.memory_space<vmem>>
    %dma_start3A_131 = arith.constant 0 : i32
    %dma_start3A_132 = arith.constant 0 : i32
    %dma_start3A_133 = tpu.memref_slice %arg12[%dma_start3A_131, %dma_start3A_132] : memref<10240x64xf32, #tpu.memory_space<vmem_shared>> -> memref<10240x64xf32, #tpu.memory_space<vmem_shared>>
    tpu.enqueue_indirect_dma source(%arg10 : memref<80x64xf32, #tpu.memory_space<vmem>>) target(%dma_start3A_133 : memref<10240x64xf32, #tpu.memory_space<vmem_shared>>) offsets(%dma_start3A_130 : memref<80xi32, #tpu.memory_space<vmem>>) semaphore(%arg21 : memref<!tpu.dma_semaphore, #tpu.memory_space<semaphore_mem>>) {add = true}
    %dma_wait3A_134 = arith.constant 1 : i32
    %dma_wait3A_135 = arith.constant 0 : i32
    %dma_wait3A_136 = tpu.memref_slice %arg6[%dma_wait3A_134, %dma_wait3A_135] : memref<250x80xi32, #tpu.memory_space<vmem>> -> memref<1x80xi32, #tpu.memory_space<vmem>>
    %dma_wait3A_137 = tpu.memref_squeeze %dma_wait3A_136 : memref<1x80xi32, #tpu.memory_space<vmem>> -> memref<80xi32, #tpu.memory_space<vmem>>
    %dma_wait3A_138 = arith.constant 0 : i32
    %dma_wait3A_139 = arith.constant 0 : i32
    %dma_wait3A_140 = tpu.memref_slice %arg12[%dma_wait3A_138, %dma_wait3A_139] : memref<10240x64xf32, #tpu.memory_space<vmem_shared>> -> memref<10240x64xf32, #tpu.memory_space<vmem_shared>>
    tpu.wait_indirect_dma semaphore(%arg19 : memref<!tpu.dma_semaphore, #tpu.memory_space<semaphore_mem>>) src(%arg8 : memref<80x64xf32, #tpu.memory_space<vmem>>) dst(%dma_wait3A_140 : memref<10240x64xf32, #tpu.memory_space<vmem_shared>>)
    %dma_start3A_141 = arith.constant 6 : i32
    %dma_start3A_142 = arith.constant 0 : i32
    %dma_start3A_143 = tpu.memref_slice %arg5[%dma_start3A_141, %dma_start3A_142] : memref<250x80xi32, #tpu.memory_space<vmem>> -> memref<1x80xi32, #tpu.memory_space<vmem>>
    %dma_start3A_144 = tpu.memref_squeeze %dma_start3A_143 : memref<1x80xi32, #tpu.memory_space<vmem>> -> memref<80xi32, #tpu.memory_space<vmem>>
    %dma_start3A_145 = arith.constant 0 : i32
    %dma_start3A_146 = arith.constant 0 : i32
    %dma_start3A_147 = tpu.memref_slice %arg2[%dma_start3A_145, %dma_start3A_146] : memref<20000x64xf32, #tpu.memory_space<hbm>> -> memref<20000x64xf32, #tpu.memory_space<hbm>>
    tpu.enqueue_indirect_dma source(%dma_start3A_147 : memref<20000x64xf32, #tpu.memory_space<hbm>>) target(%arg8 : memref<80x64xf32, #tpu.memory_space<vmem>>) offsets(%dma_start3A_144 : memref<80xi32, #tpu.memory_space<vmem>>) semaphore(%arg14 : memref<!tpu.dma_semaphore, #tpu.memory_space<semaphore_mem>>)
    %dma_wait3A_148 = arith.constant 4 : i32
    %dma_wait3A_149 = arith.constant 0 : i32
    %dma_wait3A_150 = tpu.memref_slice %arg5[%dma_wait3A_148, %dma_wait3A_149] : memref<250x80xi32, #tpu.memory_space<vmem>> -> memref<1x80xi32, #tpu.memory_space<vmem>>
    %dma_wait3A_151 = tpu.memref_squeeze %dma_wait3A_150 : memref<1x80xi32, #tpu.memory_space<vmem>> -> memref<80xi32, #tpu.memory_space<vmem>>
    %dma_wait3A_152 = arith.constant 0 : i32
    %dma_wait3A_153 = arith.constant 0 : i32
    %dma_wait3A_154 = tpu.memref_slice %arg2[%dma_wait3A_152, %dma_wait3A_153] : memref<20000x64xf32, #tpu.memory_space<hbm>> -> memref<20000x64xf32, #tpu.memory_space<hbm>>
    tpu.wait_indirect_dma semaphore(%arg17 : memref<!tpu.dma_semaphore, #tpu.memory_space<semaphore_mem>>) src(%dma_wait3A_154 : memref<20000x64xf32, #tpu.memory_space<hbm>>) dst(%arg11 : memref<80x64xf32, #tpu.memory_space<vmem>>)
    %dma_start3A_155 = arith.constant 4 : i32
    %dma_start3A_156 = arith.constant 0 : i32
    %dma_start3A_157 = tpu.memref_slice %arg6[%dma_start3A_155, %dma_start3A_156] : memref<250x80xi32, #tpu.memory_space<vmem>> -> memref<1x80xi32, #tpu.memory_space<vmem>>
    %dma_start3A_158 = tpu.memref_squeeze %dma_start3A_157 : memref<1x80xi32, #tpu.memory_space<vmem>> -> memref<80xi32, #tpu.memory_space<vmem>>
    %dma_start3A_159 = arith.constant 0 : i32
    %dma_start3A_160 = arith.constant 0 : i32
    %dma_start3A_161 = tpu.memref_slice %arg12[%dma_start3A_159, %dma_start3A_160] : memref<10240x64xf32, #tpu.memory_space<vmem_shared>> -> memref<10240x64xf32, #tpu.memory_space<vmem_shared>>
    tpu.enqueue_indirect_dma source(%arg11 : memref<80x64xf32, #tpu.memory_space<vmem>>) target(%dma_start3A_161 : memref<10240x64xf32, #tpu.memory_space<vmem_shared>>) offsets(%dma_start3A_158 : memref<80xi32, #tpu.memory_space<vmem>>) semaphore(%arg22 : memref<!tpu.dma_semaphore, #tpu.memory_space<semaphore_mem>>) {add = true}
    %scan3A_162 = arith.constant 0 : i32
    %scan3A_163 = arith.constant 1 : i32
    %scan3A_164 = arith.constant 48 : i32
    %scan3A_165 = arith.addi %scan3A_163, %scan3A_164 : i32
    %scan3A_166 = arith.constant 1 : i32
    %scan3A_167 = scf.for %scan3A_317 = %scan3A_163 to %scan3A_165 step %scan3A_166 iter_args(%scan3A_318 = %scan3A_162) -> (i32)  : i32 {
      %mul3A_319 = arith.constant 5 : i32
      %mul3A_320 = arith.muli %scan3A_317, %mul3A_319 : i32
      %add3A_321 = arith.constant 0 : i32
      %add3A_322 = arith.addi %mul3A_320, %add3A_321 : i32
      %sub3A = arith.constant 3 : i32
      %sub3A_323 = arith.subi %add3A_322, %sub3A : i32
      %dma_wait3A_324 = arith.constant 0 : i32
      %dma_wait3A_325 = tpu.memref_slice %arg6[%sub3A_323, %dma_wait3A_324] : memref<250x80xi32, #tpu.memory_space<vmem>> -> memref<1x80xi32, #tpu.memory_space<vmem>>
      %dma_wait3A_326 = tpu.memref_squeeze %dma_wait3A_325 : memref<1x80xi32, #tpu.memory_space<vmem>> -> memref<80xi32, #tpu.memory_space<vmem>>
      %dma_wait3A_327 = arith.constant 0 : i32
      %dma_wait3A_328 = arith.constant 0 : i32
      %dma_wait3A_329 = tpu.memref_slice %arg12[%dma_wait3A_327, %dma_wait3A_328] : memref<10240x64xf32, #tpu.memory_space<vmem_shared>> -> memref<10240x64xf32, #tpu.memory_space<vmem_shared>>
      tpu.wait_indirect_dma semaphore(%arg20 : memref<!tpu.dma_semaphore, #tpu.memory_space<semaphore_mem>>) src(%arg9 : memref<80x64xf32, #tpu.memory_space<vmem>>) dst(%dma_wait3A_329 : memref<10240x64xf32, #tpu.memory_space<vmem_shared>>)
      %add3A_330 = arith.constant 2 : i32
      %add3A_331 = arith.addi %add3A_322, %add3A_330 : i32
      %dma_start3A_332 = arith.constant 0 : i32
      %dma_start3A_333 = tpu.memref_slice %arg5[%add3A_331, %dma_start3A_332] : memref<250x80xi32, #tpu.memory_space<vmem>> -> memref<1x80xi32, #tpu.memory_space<vmem>>
      %dma_start3A_334 = tpu.memref_squeeze %dma_start3A_333 : memref<1x80xi32, #tpu.memory_space<vmem>> -> memref<80xi32, #tpu.memory_space<vmem>>
      %dma_start3A_335 = arith.constant 0 : i32
      %dma_start3A_336 = arith.constant 0 : i32
      %dma_start3A_337 = tpu.memref_slice %arg2[%dma_start3A_335, %dma_start3A_336] : memref<20000x64xf32, #tpu.memory_space<hbm>> -> memref<20000x64xf32, #tpu.memory_space<hbm>>
      tpu.enqueue_indirect_dma source(%dma_start3A_337 : memref<20000x64xf32, #tpu.memory_space<hbm>>) target(%arg9 : memref<80x64xf32, #tpu.memory_space<vmem>>) offsets(%dma_start3A_334 : memref<80xi32, #tpu.memory_space<vmem>>) semaphore(%arg15 : memref<!tpu.dma_semaphore, #tpu.memory_space<semaphore_mem>>)
      %dma_wait3A_338 = arith.constant 0 : i32
      %dma_wait3A_339 = tpu.memref_slice %arg5[%add3A_322, %dma_wait3A_338] : memref<250x80xi32, #tpu.memory_space<vmem>> -> memref<1x80xi32, #tpu.memory_space<vmem>>
      %dma_wait3A_340 = tpu.memref_squeeze %dma_wait3A_339 : memref<1x80xi32, #tpu.memory_space<vmem>> -> memref<80xi32, #tpu.memory_space<vmem>>
      %dma_wait3A_341 = arith.constant 0 : i32
      %dma_wait3A_342 = arith.constant 0 : i32
      %dma_wait3A_343 = tpu.memref_slice %arg2[%dma_wait3A_341, %dma_wait3A_342] : memref<20000x64xf32, #tpu.memory_space<hbm>> -> memref<20000x64xf32, #tpu.memory_space<hbm>>
      tpu.wait_indirect_dma semaphore(%arg13 : memref<!tpu.dma_semaphore, #tpu.memory_space<semaphore_mem>>) src(%dma_wait3A_343 : memref<20000x64xf32, #tpu.memory_space<hbm>>) dst(%arg7 : memref<80x64xf32, #tpu.memory_space<vmem>>)
      %dma_start3A_344 = arith.constant 0 : i32
      %dma_start3A_345 = tpu.memref_slice %arg6[%add3A_322, %dma_start3A_344] : memref<250x80xi32, #tpu.memory_space<vmem>> -> memref<1x80xi32, #tpu.memory_space<vmem>>
      %dma_start3A_346 = tpu.memref_squeeze %dma_start3A_345 : memref<1x80xi32, #tpu.memory_space<vmem>> -> memref<80xi32, #tpu.memory_space<vmem>>
      %dma_start3A_347 = arith.constant 0 : i32
      %dma_start3A_348 = arith.constant 0 : i32
      %dma_start3A_349 = tpu.memref_slice %arg12[%dma_start3A_347, %dma_start3A_348] : memref<10240x64xf32, #tpu.memory_space<vmem_shared>> -> memref<10240x64xf32, #tpu.memory_space<vmem_shared>>
      tpu.enqueue_indirect_dma source(%arg7 : memref<80x64xf32, #tpu.memory_space<vmem>>) target(%dma_start3A_349 : memref<10240x64xf32, #tpu.memory_space<vmem_shared>>) offsets(%dma_start3A_346 : memref<80xi32, #tpu.memory_space<vmem>>) semaphore(%arg18 : memref<!tpu.dma_semaphore, #tpu.memory_space<semaphore_mem>>) {add = true}
      %add3A_350 = arith.constant 1 : i32
      %add3A_351 = arith.addi %mul3A_320, %add3A_350 : i32
      %sub3A_352 = arith.constant 3 : i32
      %sub3A_353 = arith.subi %add3A_351, %sub3A_352 : i32
      %dma_wait3A_354 = arith.constant 0 : i32
      %dma_wait3A_355 = tpu.memref_slice %arg6[%sub3A_353, %dma_wait3A_354] : memref<250x80xi32, #tpu.memory_space<vmem>> -> memref<1x80xi32, #tpu.memory_space<vmem>>
      %dma_wait3A_356 = tpu.memref_squeeze %dma_wait3A_355 : memref<1x80xi32, #tpu.memory_space<vmem>> -> memref<80xi32, #tpu.memory_space<vmem>>
      %dma_wait3A_357 = arith.constant 0 : i32
      %dma_wait3A_358 = arith.constant 0 : i32
      %dma_wait3A_359 = tpu.memref_slice %arg12[%dma_wait3A_357, %dma_wait3A_358] : memref<10240x64xf32, #tpu.memory_space<vmem_shared>> -> memref<10240x64xf32, #tpu.memory_space<vmem_shared>>
      tpu.wait_indirect_dma semaphore(%arg21 : memref<!tpu.dma_semaphore, #tpu.memory_space<semaphore_mem>>) src(%arg10 : memref<80x64xf32, #tpu.memory_space<vmem>>) dst(%dma_wait3A_359 : memref<10240x64xf32, #tpu.memory_space<vmem_shared>>)
      %add3A_360 = arith.constant 2 : i32
      %add3A_361 = arith.addi %add3A_351, %add3A_360 : i32
      %dma_start3A_362 = arith.constant 0 : i32
      %dma_start3A_363 = tpu.memref_slice %arg5[%add3A_361, %dma_start3A_362] : memref<250x80xi32, #tpu.memory_space<vmem>> -> memref<1x80xi32, #tpu.memory_space<vmem>>
      %dma_start3A_364 = tpu.memref_squeeze %dma_start3A_363 : memref<1x80xi32, #tpu.memory_space<vmem>> -> memref<80xi32, #tpu.memory_space<vmem>>
      %dma_start3A_365 = arith.constant 0 : i32
      %dma_start3A_366 = arith.constant 0 : i32
      %dma_start3A_367 = tpu.memref_slice %arg2[%dma_start3A_365, %dma_start3A_366] : memref<20000x64xf32, #tpu.memory_space<hbm>> -> memref<20000x64xf32, #tpu.memory_space<hbm>>
      tpu.enqueue_indirect_dma source(%dma_start3A_367 : memref<20000x64xf32, #tpu.memory_space<hbm>>) target(%arg10 : memref<80x64xf32, #tpu.memory_space<vmem>>) offsets(%dma_start3A_364 : memref<80xi32, #tpu.memory_space<vmem>>) semaphore(%arg16 : memref<!tpu.dma_semaphore, #tpu.memory_space<semaphore_mem>>)
      %dma_wait3A_368 = arith.constant 0 : i32
      %dma_wait3A_369 = tpu.memref_slice %arg5[%add3A_351, %dma_wait3A_368] : memref<250x80xi32, #tpu.memory_space<vmem>> -> memref<1x80xi32, #tpu.memory_space<vmem>>
      %dma_wait3A_370 = tpu.memref_squeeze %dma_wait3A_369 : memref<1x80xi32, #tpu.memory_space<vmem>> -> memref<80xi32, #tpu.memory_space<vmem>>
      %dma_wait3A_371 = arith.constant 0 : i32
      %dma_wait3A_372 = arith.constant 0 : i32
      %dma_wait3A_373 = tpu.memref_slice %arg2[%dma_wait3A_371, %dma_wait3A_372] : memref<20000x64xf32, #tpu.memory_space<hbm>> -> memref<20000x64xf32, #tpu.memory_space<hbm>>
      tpu.wait_indirect_dma semaphore(%arg14 : memref<!tpu.dma_semaphore, #tpu.memory_space<semaphore_mem>>) src(%dma_wait3A_373 : memref<20000x64xf32, #tpu.memory_space<hbm>>) dst(%arg8 : memref<80x64xf32, #tpu.memory_space<vmem>>)
      %dma_start3A_374 = arith.constant 0 : i32
      %dma_start3A_375 = tpu.memref_slice %arg6[%add3A_351, %dma_start3A_374] : memref<250x80xi32, #tpu.memory_space<vmem>> -> memref<1x80xi32, #tpu.memory_space<vmem>>
      %dma_start3A_376 = tpu.memref_squeeze %dma_start3A_375 : memref<1x80xi32, #tpu.memory_space<vmem>> -> memref<80xi32, #tpu.memory_space<vmem>>
      %dma_start3A_377 = arith.constant 0 : i32
      %dma_start3A_378 = arith.constant 0 : i32
      %dma_start3A_379 = tpu.memref_slice %arg12[%dma_start3A_377, %dma_start3A_378] : memref<10240x64xf32, #tpu.memory_space<vmem_shared>> -> memref<10240x64xf32, #tpu.memory_space<vmem_shared>>
      tpu.enqueue_indirect_dma source(%arg8 : memref<80x64xf32, #tpu.memory_space<vmem>>) target(%dma_start3A_379 : memref<10240x64xf32, #tpu.memory_space<vmem_shared>>) offsets(%dma_start3A_376 : memref<80xi32, #tpu.memory_space<vmem>>) semaphore(%arg19 : memref<!tpu.dma_semaphore, #tpu.memory_space<semaphore_mem>>) {add = true}
      %add3A_380 = arith.constant 2 : i32
      %add3A_381 = arith.addi %mul3A_320, %add3A_380 : i32
      %sub3A_382 = arith.constant 3 : i32
      %sub3A_383 = arith.subi %add3A_381, %sub3A_382 : i32
      %dma_wait3A_384 = arith.constant 0 : i32
      %dma_wait3A_385 = tpu.memref_slice %arg6[%sub3A_383, %dma_wait3A_384] : memref<250x80xi32, #tpu.memory_space<vmem>> -> memref<1x80xi32, #tpu.memory_space<vmem>>
      %dma_wait3A_386 = tpu.memref_squeeze %dma_wait3A_385 : memref<1x80xi32, #tpu.memory_space<vmem>> -> memref<80xi32, #tpu.memory_space<vmem>>
      %dma_wait3A_387 = arith.constant 0 : i32
      %dma_wait3A_388 = arith.constant 0 : i32
      %dma_wait3A_389 = tpu.memref_slice %arg12[%dma_wait3A_387, %dma_wait3A_388] : memref<10240x64xf32, #tpu.memory_space<vmem_shared>> -> memref<10240x64xf32, #tpu.memory_space<vmem_shared>>
      tpu.wait_indirect_dma semaphore(%arg22 : memref<!tpu.dma_semaphore, #tpu.memory_space<semaphore_mem>>) src(%arg11 : memref<80x64xf32, #tpu.memory_space<vmem>>) dst(%dma_wait3A_389 : memref<10240x64xf32, #tpu.memory_space<vmem_shared>>)
      %add3A_390 = arith.constant 2 : i32
      %add3A_391 = arith.addi %add3A_381, %add3A_390 : i32
      %dma_start3A_392 = arith.constant 0 : i32
      %dma_start3A_393 = tpu.memref_slice %arg5[%add3A_391, %dma_start3A_392] : memref<250x80xi32, #tpu.memory_space<vmem>> -> memref<1x80xi32, #tpu.memory_space<vmem>>
      %dma_start3A_394 = tpu.memref_squeeze %dma_start3A_393 : memref<1x80xi32, #tpu.memory_space<vmem>> -> memref<80xi32, #tpu.memory_space<vmem>>
      %dma_start3A_395 = arith.constant 0 : i32
      %dma_start3A_396 = arith.constant 0 : i32
      %dma_start3A_397 = tpu.memref_slice %arg2[%dma_start3A_395, %dma_start3A_396] : memref<20000x64xf32, #tpu.memory_space<hbm>> -> memref<20000x64xf32, #tpu.memory_space<hbm>>
      tpu.enqueue_indirect_dma source(%dma_start3A_397 : memref<20000x64xf32, #tpu.memory_space<hbm>>) target(%arg11 : memref<80x64xf32, #tpu.memory_space<vmem>>) offsets(%dma_start3A_394 : memref<80xi32, #tpu.memory_space<vmem>>) semaphore(%arg17 : memref<!tpu.dma_semaphore, #tpu.memory_space<semaphore_mem>>)
      %dma_wait3A_398 = arith.constant 0 : i32
      %dma_wait3A_399 = tpu.memref_slice %arg5[%add3A_381, %dma_wait3A_398] : memref<250x80xi32, #tpu.memory_space<vmem>> -> memref<1x80xi32, #tpu.memory_space<vmem>>
      %dma_wait3A_400 = tpu.memref_squeeze %dma_wait3A_399 : memref<1x80xi32, #tpu.memory_space<vmem>> -> memref<80xi32, #tpu.memory_space<vmem>>
      %dma_wait3A_401 = arith.constant 0 : i32
      %dma_wait3A_402 = arith.constant 0 : i32
      %dma_wait3A_403 = tpu.memref_slice %arg2[%dma_wait3A_401, %dma_wait3A_402] : memref<20000x64xf32, #tpu.memory_space<hbm>> -> memref<20000x64xf32, #tpu.memory_space<hbm>>
      tpu.wait_indirect_dma semaphore(%arg15 : memref<!tpu.dma_semaphore, #tpu.memory_space<semaphore_mem>>) src(%dma_wait3A_403 : memref<20000x64xf32, #tpu.memory_space<hbm>>) dst(%arg9 : memref<80x64xf32, #tpu.memory_space<vmem>>)
      %dma_start3A_404 = arith.constant 0 : i32
      %dma_start3A_405 = tpu.memref_slice %arg6[%add3A_381, %dma_start3A_404] : memref<250x80xi32, #tpu.memory_space<vmem>> -> memref<1x80xi32, #tpu.memory_space<vmem>>
      %dma_start3A_406 = tpu.memref_squeeze %dma_start3A_405 : memref<1x80xi32, #tpu.memory_space<vmem>> -> memref<80xi32, #tpu.memory_space<vmem>>
      %dma_start3A_407 = arith.constant 0 : i32
      %dma_start3A_408 = arith.constant 0 : i32
      %dma_start3A_409 = tpu.memref_slice %arg12[%dma_start3A_407, %dma_start3A_408] : memref<10240x64xf32, #tpu.memory_space<vmem_shared>> -> memref<10240x64xf32, #tpu.memory_space<vmem_shared>>
      tpu.enqueue_indirect_dma source(%arg9 : memref<80x64xf32, #tpu.memory_space<vmem>>) target(%dma_start3A_409 : memref<10240x64xf32, #tpu.memory_space<vmem_shared>>) offsets(%dma_start3A_406 : memref<80xi32, #tpu.memory_space<vmem>>) semaphore(%arg20 : memref<!tpu.dma_semaphore, #tpu.memory_space<semaphore_mem>>) {add = true}
      %add3A_410 = arith.constant 3 : i32
      %add3A_411 = arith.addi %mul3A_320, %add3A_410 : i32
      %sub3A_412 = arith.constant 3 : i32
      %sub3A_413 = arith.subi %add3A_411, %sub3A_412 : i32
      %dma_wait3A_414 = arith.constant 0 : i32
      %dma_wait3A_415 = tpu.memref_slice %arg6[%sub3A_413, %dma_wait3A_414] : memref<250x80xi32, #tpu.memory_space<vmem>> -> memref<1x80xi32, #tpu.memory_space<vmem>>
      %dma_wait3A_416 = tpu.memref_squeeze %dma_wait3A_415 : memref<1x80xi32, #tpu.memory_space<vmem>> -> memref<80xi32, #tpu.memory_space<vmem>>
      %dma_wait3A_417 = arith.constant 0 : i32
      %dma_wait3A_418 = arith.constant 0 : i32
      %dma_wait3A_419 = tpu.memref_slice %arg12[%dma_wait3A_417, %dma_wait3A_418] : memref<10240x64xf32, #tpu.memory_space<vmem_shared>> -> memref<10240x64xf32, #tpu.memory_space<vmem_shared>>
      tpu.wait_indirect_dma semaphore(%arg18 : memref<!tpu.dma_semaphore, #tpu.memory_space<semaphore_mem>>) src(%arg7 : memref<80x64xf32, #tpu.memory_space<vmem>>) dst(%dma_wait3A_419 : memref<10240x64xf32, #tpu.memory_space<vmem_shared>>)
      %add3A_420 = arith.constant 2 : i32
      %add3A_421 = arith.addi %add3A_411, %add3A_420 : i32
      %dma_start3A_422 = arith.constant 0 : i32
      %dma_start3A_423 = tpu.memref_slice %arg5[%add3A_421, %dma_start3A_422] : memref<250x80xi32, #tpu.memory_space<vmem>> -> memref<1x80xi32, #tpu.memory_space<vmem>>
      %dma_start3A_424 = tpu.memref_squeeze %dma_start3A_423 : memref<1x80xi32, #tpu.memory_space<vmem>> -> memref<80xi32, #tpu.memory_space<vmem>>
      %dma_start3A_425 = arith.constant 0 : i32
      %dma_start3A_426 = arith.constant 0 : i32
      %dma_start3A_427 = tpu.memref_slice %arg2[%dma_start3A_425, %dma_start3A_426] : memref<20000x64xf32, #tpu.memory_space<hbm>> -> memref<20000x64xf32, #tpu.memory_space<hbm>>
      tpu.enqueue_indirect_dma source(%dma_start3A_427 : memref<20000x64xf32, #tpu.memory_space<hbm>>) target(%arg7 : memref<80x64xf32, #tpu.memory_space<vmem>>) offsets(%dma_start3A_424 : memref<80xi32, #tpu.memory_space<vmem>>) semaphore(%arg13 : memref<!tpu.dma_semaphore, #tpu.memory_space<semaphore_mem>>)
      %dma_wait3A_428 = arith.constant 0 : i32
      %dma_wait3A_429 = tpu.memref_slice %arg5[%add3A_411, %dma_wait3A_428] : memref<250x80xi32, #tpu.memory_space<vmem>> -> memref<1x80xi32, #tpu.memory_space<vmem>>
      %dma_wait3A_430 = tpu.memref_squeeze %dma_wait3A_429 : memref<1x80xi32, #tpu.memory_space<vmem>> -> memref<80xi32, #tpu.memory_space<vmem>>
      %dma_wait3A_431 = arith.constant 0 : i32
      %dma_wait3A_432 = arith.constant 0 : i32
      %dma_wait3A_433 = tpu.memref_slice %arg2[%dma_wait3A_431, %dma_wait3A_432] : memref<20000x64xf32, #tpu.memory_space<hbm>> -> memref<20000x64xf32, #tpu.memory_space<hbm>>
      tpu.wait_indirect_dma semaphore(%arg16 : memref<!tpu.dma_semaphore, #tpu.memory_space<semaphore_mem>>) src(%dma_wait3A_433 : memref<20000x64xf32, #tpu.memory_space<hbm>>) dst(%arg10 : memref<80x64xf32, #tpu.memory_space<vmem>>)
      %dma_start3A_434 = arith.constant 0 : i32
      %dma_start3A_435 = tpu.memref_slice %arg6[%add3A_411, %dma_start3A_434] : memref<250x80xi32, #tpu.memory_space<vmem>> -> memref<1x80xi32, #tpu.memory_space<vmem>>
      %dma_start3A_436 = tpu.memref_squeeze %dma_start3A_435 : memref<1x80xi32, #tpu.memory_space<vmem>> -> memref<80xi32, #tpu.memory_space<vmem>>
      %dma_start3A_437 = arith.constant 0 : i32
      %dma_start3A_438 = arith.constant 0 : i32
      %dma_start3A_439 = tpu.memref_slice %arg12[%dma_start3A_437, %dma_start3A_438] : memref<10240x64xf32, #tpu.memory_space<vmem_shared>> -> memref<10240x64xf32, #tpu.memory_space<vmem_shared>>
      tpu.enqueue_indirect_dma source(%arg10 : memref<80x64xf32, #tpu.memory_space<vmem>>) target(%dma_start3A_439 : memref<10240x64xf32, #tpu.memory_space<vmem_shared>>) offsets(%dma_start3A_436 : memref<80xi32, #tpu.memory_space<vmem>>) semaphore(%arg21 : memref<!tpu.dma_semaphore, #tpu.memory_space<semaphore_mem>>) {add = true}
      %add3A_440 = arith.constant 4 : i32
      %add3A_441 = arith.addi %mul3A_320, %add3A_440 : i32
      %sub3A_442 = arith.constant 3 : i32
      %sub3A_443 = arith.subi %add3A_441, %sub3A_442 : i32
      %dma_wait3A_444 = arith.constant 0 : i32
      %dma_wait3A_445 = tpu.memref_slice %arg6[%sub3A_443, %dma_wait3A_444] : memref<250x80xi32, #tpu.memory_space<vmem>> -> memref<1x80xi32, #tpu.memory_space<vmem>>
      %dma_wait3A_446 = tpu.memref_squeeze %dma_wait3A_445 : memref<1x80xi32, #tpu.memory_space<vmem>> -> memref<80xi32, #tpu.memory_space<vmem>>
      %dma_wait3A_447 = arith.constant 0 : i32
      %dma_wait3A_448 = arith.constant 0 : i32
      %dma_wait3A_449 = tpu.memref_slice %arg12[%dma_wait3A_447, %dma_wait3A_448] : memref<10240x64xf32, #tpu.memory_space<vmem_shared>> -> memref<10240x64xf32, #tpu.memory_space<vmem_shared>>
      tpu.wait_indirect_dma semaphore(%arg19 : memref<!tpu.dma_semaphore, #tpu.memory_space<semaphore_mem>>) src(%arg8 : memref<80x64xf32, #tpu.memory_space<vmem>>) dst(%dma_wait3A_449 : memref<10240x64xf32, #tpu.memory_space<vmem_shared>>)
      %add3A_450 = arith.constant 2 : i32
      %add3A_451 = arith.addi %add3A_441, %add3A_450 : i32
      %dma_start3A_452 = arith.constant 0 : i32
      %dma_start3A_453 = tpu.memref_slice %arg5[%add3A_451, %dma_start3A_452] : memref<250x80xi32, #tpu.memory_space<vmem>> -> memref<1x80xi32, #tpu.memory_space<vmem>>
      %dma_start3A_454 = tpu.memref_squeeze %dma_start3A_453 : memref<1x80xi32, #tpu.memory_space<vmem>> -> memref<80xi32, #tpu.memory_space<vmem>>
      %dma_start3A_455 = arith.constant 0 : i32
      %dma_start3A_456 = arith.constant 0 : i32
      %dma_start3A_457 = tpu.memref_slice %arg2[%dma_start3A_455, %dma_start3A_456] : memref<20000x64xf32, #tpu.memory_space<hbm>> -> memref<20000x64xf32, #tpu.memory_space<hbm>>
      tpu.enqueue_indirect_dma source(%dma_start3A_457 : memref<20000x64xf32, #tpu.memory_space<hbm>>) target(%arg8 : memref<80x64xf32, #tpu.memory_space<vmem>>) offsets(%dma_start3A_454 : memref<80xi32, #tpu.memory_space<vmem>>) semaphore(%arg14 : memref<!tpu.dma_semaphore, #tpu.memory_space<semaphore_mem>>)
      %dma_wait3A_458 = arith.constant 0 : i32
      %dma_wait3A_459 = tpu.memref_slice %arg5[%add3A_441, %dma_wait3A_458] : memref<250x80xi32, #tpu.memory_space<vmem>> -> memref<1x80xi32, #tpu.memory_space<vmem>>
      %dma_wait3A_460 = tpu.memref_squeeze %dma_wait3A_459 : memref<1x80xi32, #tpu.memory_space<vmem>> -> memref<80xi32, #tpu.memory_space<vmem>>
      %dma_wait3A_461 = arith.constant 0 : i32
      %dma_wait3A_462 = arith.constant 0 : i32
      %dma_wait3A_463 = tpu.memref_slice %arg2[%dma_wait3A_461, %dma_wait3A_462] : memref<20000x64xf32, #tpu.memory_space<hbm>> -> memref<20000x64xf32, #tpu.memory_space<hbm>>
      tpu.wait_indirect_dma semaphore(%arg17 : memref<!tpu.dma_semaphore, #tpu.memory_space<semaphore_mem>>) src(%dma_wait3A_463 : memref<20000x64xf32, #tpu.memory_space<hbm>>) dst(%arg11 : memref<80x64xf32, #tpu.memory_space<vmem>>)
      %dma_start3A_464 = arith.constant 0 : i32
      %dma_start3A_465 = tpu.memref_slice %arg6[%add3A_441, %dma_start3A_464] : memref<250x80xi32, #tpu.memory_space<vmem>> -> memref<1x80xi32, #tpu.memory_space<vmem>>
      %dma_start3A_466 = tpu.memref_squeeze %dma_start3A_465 : memref<1x80xi32, #tpu.memory_space<vmem>> -> memref<80xi32, #tpu.memory_space<vmem>>
      %dma_start3A_467 = arith.constant 0 : i32
      %dma_start3A_468 = arith.constant 0 : i32
      %dma_start3A_469 = tpu.memref_slice %arg12[%dma_start3A_467, %dma_start3A_468] : memref<10240x64xf32, #tpu.memory_space<vmem_shared>> -> memref<10240x64xf32, #tpu.memory_space<vmem_shared>>
      tpu.enqueue_indirect_dma source(%arg11 : memref<80x64xf32, #tpu.memory_space<vmem>>) target(%dma_start3A_469 : memref<10240x64xf32, #tpu.memory_space<vmem_shared>>) offsets(%dma_start3A_466 : memref<80xi32, #tpu.memory_space<vmem>>) semaphore(%arg22 : memref<!tpu.dma_semaphore, #tpu.memory_space<semaphore_mem>>) {add = true}
      %scan3A_470 = arith.constant 0 : i32
      scf.yield %scan3A_470 : i32
    }
    %scan3A_168 = arith.constant 48 : i32
    %dma_wait3A_169 = arith.constant 242 : i32
    %dma_wait3A_170 = arith.constant 0 : i32
    %dma_wait3A_171 = tpu.memref_slice %arg6[%dma_wait3A_169, %dma_wait3A_170] : memref<250x80xi32, #tpu.memory_space<vmem>> -> memref<1x80xi32, #tpu.memory_space<vmem>>
    %dma_wait3A_172 = tpu.memref_squeeze %dma_wait3A_171 : memref<1x80xi32, #tpu.memory_space<vmem>> -> memref<80xi32, #tpu.memory_space<vmem>>
    %dma_wait3A_173 = arith.constant 0 : i32
    %dma_wait3A_174 = arith.constant 0 : i32
    %dma_wait3A_175 = tpu.memref_slice %arg12[%dma_wait3A_173, %dma_wait3A_174] : memref<10240x64xf32, #tpu.memory_space<vmem_shared>> -> memref<10240x64xf32, #tpu.memory_space<vmem_shared>>
    tpu.wait_indirect_dma semaphore(%arg20 : memref<!tpu.dma_semaphore, #tpu.memory_space<semaphore_mem>>) src(%arg9 : memref<80x64xf32, #tpu.memory_space<vmem>>) dst(%dma_wait3A_175 : memref<10240x64xf32, #tpu.memory_space<vmem_shared>>)
    %dma_start3A_176 = arith.constant 247 : i32
    %dma_start3A_177 = arith.constant 0 : i32
    %dma_start3A_178 = tpu.memref_slice %arg5[%dma_start3A_176, %dma_start3A_177] : memref<250x80xi32, #tpu.memory_space<vmem>> -> memref<1x80xi32, #tpu.memory_space<vmem>>
    %dma_start3A_179 = tpu.memref_squeeze %dma_start3A_178 : memref<1x80xi32, #tpu.memory_space<vmem>> -> memref<80xi32, #tpu.memory_space<vmem>>
    %dma_start3A_180 = arith.constant 0 : i32
    %dma_start3A_181 = arith.constant 0 : i32
    %dma_start3A_182 = tpu.memref_slice %arg2[%dma_start3A_180, %dma_start3A_181] : memref<20000x64xf32, #tpu.memory_space<hbm>> -> memref<20000x64xf32, #tpu.memory_space<hbm>>
    tpu.enqueue_indirect_dma source(%dma_start3A_182 : memref<20000x64xf32, #tpu.memory_space<hbm>>) target(%arg9 : memref<80x64xf32, #tpu.memory_space<vmem>>) offsets(%dma_start3A_179 : memref<80xi32, #tpu.memory_space<vmem>>) semaphore(%arg15 : memref<!tpu.dma_semaphore, #tpu.memory_space<semaphore_mem>>)
    %dma_wait3A_183 = arith.constant 245 : i32
    %dma_wait3A_184 = arith.constant 0 : i32
    %dma_wait3A_185 = tpu.memref_slice %arg5[%dma_wait3A_183, %dma_wait3A_184] : memref<250x80xi32, #tpu.memory_space<vmem>> -> memref<1x80xi32, #tpu.memory_space<vmem>>
    %dma_wait3A_186 = tpu.memref_squeeze %dma_wait3A_185 : memref<1x80xi32, #tpu.memory_space<vmem>> -> memref<80xi32, #tpu.memory_space<vmem>>
    %dma_wait3A_187 = arith.constant 0 : i32
    %dma_wait3A_188 = arith.constant 0 : i32
    %dma_wait3A_189 = tpu.memref_slice %arg2[%dma_wait3A_187, %dma_wait3A_188] : memref<20000x64xf32, #tpu.memory_space<hbm>> -> memref<20000x64xf32, #tpu.memory_space<hbm>>
    tpu.wait_indirect_dma semaphore(%arg13 : memref<!tpu.dma_semaphore, #tpu.memory_space<semaphore_mem>>) src(%dma_wait3A_189 : memref<20000x64xf32, #tpu.memory_space<hbm>>) dst(%arg7 : memref<80x64xf32, #tpu.memory_space<vmem>>)
    %dma_start3A_190 = arith.constant 245 : i32
    %dma_start3A_191 = arith.constant 0 : i32
    %dma_start3A_192 = tpu.memref_slice %arg6[%dma_start3A_190, %dma_start3A_191] : memref<250x80xi32, #tpu.memory_space<vmem>> -> memref<1x80xi32, #tpu.memory_space<vmem>>
    %dma_start3A_193 = tpu.memref_squeeze %dma_start3A_192 : memref<1x80xi32, #tpu.memory_space<vmem>> -> memref<80xi32, #tpu.memory_space<vmem>>
    %dma_start3A_194 = arith.constant 0 : i32
    %dma_start3A_195 = arith.constant 0 : i32
    %dma_start3A_196 = tpu.memref_slice %arg12[%dma_start3A_194, %dma_start3A_195] : memref<10240x64xf32, #tpu.memory_space<vmem_shared>> -> memref<10240x64xf32, #tpu.memory_space<vmem_shared>>
    tpu.enqueue_indirect_dma source(%arg7 : memref<80x64xf32, #tpu.memory_space<vmem>>) target(%dma_start3A_196 : memref<10240x64xf32, #tpu.memory_space<vmem_shared>>) offsets(%dma_start3A_193 : memref<80xi32, #tpu.memory_space<vmem>>) semaphore(%arg18 : memref<!tpu.dma_semaphore, #tpu.memory_space<semaphore_mem>>) {add = true}
    %dma_wait3A_197 = arith.constant 243 : i32
    %dma_wait3A_198 = arith.constant 0 : i32
    %dma_wait3A_199 = tpu.memref_slice %arg6[%dma_wait3A_197, %dma_wait3A_198] : memref<250x80xi32, #tpu.memory_space<vmem>> -> memref<1x80xi32, #tpu.memory_space<vmem>>
    %dma_wait3A_200 = tpu.memref_squeeze %dma_wait3A_199 : memref<1x80xi32, #tpu.memory_space<vmem>> -> memref<80xi32, #tpu.memory_space<vmem>>
    %dma_wait3A_201 = arith.constant 0 : i32
    %dma_wait3A_202 = arith.constant 0 : i32
    %dma_wait3A_203 = tpu.memref_slice %arg12[%dma_wait3A_201, %dma_wait3A_202] : memref<10240x64xf32, #tpu.memory_space<vmem_shared>> -> memref<10240x64xf32, #tpu.memory_space<vmem_shared>>
    tpu.wait_indirect_dma semaphore(%arg21 : memref<!tpu.dma_semaphore, #tpu.memory_space<semaphore_mem>>) src(%arg10 : memref<80x64xf32, #tpu.memory_space<vmem>>) dst(%dma_wait3A_203 : memref<10240x64xf32, #tpu.memory_space<vmem_shared>>)
    %dma_start3A_204 = arith.constant 248 : i32
    %dma_start3A_205 = arith.constant 0 : i32
    %dma_start3A_206 = tpu.memref_slice %arg5[%dma_start3A_204, %dma_start3A_205] : memref<250x80xi32, #tpu.memory_space<vmem>> -> memref<1x80xi32, #tpu.memory_space<vmem>>
    %dma_start3A_207 = tpu.memref_squeeze %dma_start3A_206 : memref<1x80xi32, #tpu.memory_space<vmem>> -> memref<80xi32, #tpu.memory_space<vmem>>
    %dma_start3A_208 = arith.constant 0 : i32
    %dma_start3A_209 = arith.constant 0 : i32
    %dma_start3A_210 = tpu.memref_slice %arg2[%dma_start3A_208, %dma_start3A_209] : memref<20000x64xf32, #tpu.memory_space<hbm>> -> memref<20000x64xf32, #tpu.memory_space<hbm>>
    tpu.enqueue_indirect_dma source(%dma_start3A_210 : memref<20000x64xf32, #tpu.memory_space<hbm>>) target(%arg10 : memref<80x64xf32, #tpu.memory_space<vmem>>) offsets(%dma_start3A_207 : memref<80xi32, #tpu.memory_space<vmem>>) semaphore(%arg16 : memref<!tpu.dma_semaphore, #tpu.memory_space<semaphore_mem>>)
    %dma_wait3A_211 = arith.constant 246 : i32
    %dma_wait3A_212 = arith.constant 0 : i32
    %dma_wait3A_213 = tpu.memref_slice %arg5[%dma_wait3A_211, %dma_wait3A_212] : memref<250x80xi32, #tpu.memory_space<vmem>> -> memref<1x80xi32, #tpu.memory_space<vmem>>
    %dma_wait3A_214 = tpu.memref_squeeze %dma_wait3A_213 : memref<1x80xi32, #tpu.memory_space<vmem>> -> memref<80xi32, #tpu.memory_space<vmem>>
    %dma_wait3A_215 = arith.constant 0 : i32
    %dma_wait3A_216 = arith.constant 0 : i32
    %dma_wait3A_217 = tpu.memref_slice %arg2[%dma_wait3A_215, %dma_wait3A_216] : memref<20000x64xf32, #tpu.memory_space<hbm>> -> memref<20000x64xf32, #tpu.memory_space<hbm>>
    tpu.wait_indirect_dma semaphore(%arg14 : memref<!tpu.dma_semaphore, #tpu.memory_space<semaphore_mem>>) src(%dma_wait3A_217 : memref<20000x64xf32, #tpu.memory_space<hbm>>) dst(%arg8 : memref<80x64xf32, #tpu.memory_space<vmem>>)
    %dma_start3A_218 = arith.constant 246 : i32
    %dma_start3A_219 = arith.constant 0 : i32
    %dma_start3A_220 = tpu.memref_slice %arg6[%dma_start3A_218, %dma_start3A_219] : memref<250x80xi32, #tpu.memory_space<vmem>> -> memref<1x80xi32, #tpu.memory_space<vmem>>
    %dma_start3A_221 = tpu.memref_squeeze %dma_start3A_220 : memref<1x80xi32, #tpu.memory_space<vmem>> -> memref<80xi32, #tpu.memory_space<vmem>>
    %dma_start3A_222 = arith.constant 0 : i32
    %dma_start3A_223 = arith.constant 0 : i32
    %dma_start3A_224 = tpu.memref_slice %arg12[%dma_start3A_222, %dma_start3A_223] : memref<10240x64xf32, #tpu.memory_space<vmem_shared>> -> memref<10240x64xf32, #tpu.memory_space<vmem_shared>>
    tpu.enqueue_indirect_dma source(%arg8 : memref<80x64xf32, #tpu.memory_space<vmem>>) target(%dma_start3A_224 : memref<10240x64xf32, #tpu.memory_space<vmem_shared>>) offsets(%dma_start3A_221 : memref<80xi32, #tpu.memory_space<vmem>>) semaphore(%arg19 : memref<!tpu.dma_semaphore, #tpu.memory_space<semaphore_mem>>) {add = true}
    %dma_wait3A_225 = arith.constant 244 : i32
    %dma_wait3A_226 = arith.constant 0 : i32
    %dma_wait3A_227 = tpu.memref_slice %arg6[%dma_wait3A_225, %dma_wait3A_226] : memref<250x80xi32, #tpu.memory_space<vmem>> -> memref<1x80xi32, #tpu.memory_space<vmem>>
    %dma_wait3A_228 = tpu.memref_squeeze %dma_wait3A_227 : memref<1x80xi32, #tpu.memory_space<vmem>> -> memref<80xi32, #tpu.memory_space<vmem>>
    %dma_wait3A_229 = arith.constant 0 : i32
    %dma_wait3A_230 = arith.constant 0 : i32
    %dma_wait3A_231 = tpu.memref_slice %arg12[%dma_wait3A_229, %dma_wait3A_230] : memref<10240x64xf32, #tpu.memory_space<vmem_shared>> -> memref<10240x64xf32, #tpu.memory_space<vmem_shared>>
    tpu.wait_indirect_dma semaphore(%arg22 : memref<!tpu.dma_semaphore, #tpu.memory_space<semaphore_mem>>) src(%arg11 : memref<80x64xf32, #tpu.memory_space<vmem>>) dst(%dma_wait3A_231 : memref<10240x64xf32, #tpu.memory_space<vmem_shared>>)
    %dma_start3A_232 = arith.constant 249 : i32
    %dma_start3A_233 = arith.constant 0 : i32
    %dma_start3A_234 = tpu.memref_slice %arg5[%dma_start3A_232, %dma_start3A_233] : memref<250x80xi32, #tpu.memory_space<vmem>> -> memref<1x80xi32, #tpu.memory_space<vmem>>
    %dma_start3A_235 = tpu.memref_squeeze %dma_start3A_234 : memref<1x80xi32, #tpu.memory_space<vmem>> -> memref<80xi32, #tpu.memory_space<vmem>>
    %dma_start3A_236 = arith.constant 0 : i32
    %dma_start3A_237 = arith.constant 0 : i32
    %dma_start3A_238 = tpu.memref_slice %arg2[%dma_start3A_236, %dma_start3A_237] : memref<20000x64xf32, #tpu.memory_space<hbm>> -> memref<20000x64xf32, #tpu.memory_space<hbm>>
    tpu.enqueue_indirect_dma source(%dma_start3A_238 : memref<20000x64xf32, #tpu.memory_space<hbm>>) target(%arg11 : memref<80x64xf32, #tpu.memory_space<vmem>>) offsets(%dma_start3A_235 : memref<80xi32, #tpu.memory_space<vmem>>) semaphore(%arg17 : memref<!tpu.dma_semaphore, #tpu.memory_space<semaphore_mem>>)
    %dma_wait3A_239 = arith.constant 247 : i32
    %dma_wait3A_240 = arith.constant 0 : i32
    %dma_wait3A_241 = tpu.memref_slice %arg5[%dma_wait3A_239, %dma_wait3A_240] : memref<250x80xi32, #tpu.memory_space<vmem>> -> memref<1x80xi32, #tpu.memory_space<vmem>>
    %dma_wait3A_242 = tpu.memref_squeeze %dma_wait3A_241 : memref<1x80xi32, #tpu.memory_space<vmem>> -> memref<80xi32, #tpu.memory_space<vmem>>
    %dma_wait3A_243 = arith.constant 0 : i32
    %dma_wait3A_244 = arith.constant 0 : i32
    %dma_wait3A_245 = tpu.memref_slice %arg2[%dma_wait3A_243, %dma_wait3A_244] : memref<20000x64xf32, #tpu.memory_space<hbm>> -> memref<20000x64xf32, #tpu.memory_space<hbm>>
    tpu.wait_indirect_dma semaphore(%arg15 : memref<!tpu.dma_semaphore, #tpu.memory_space<semaphore_mem>>) src(%dma_wait3A_245 : memref<20000x64xf32, #tpu.memory_space<hbm>>) dst(%arg9 : memref<80x64xf32, #tpu.memory_space<vmem>>)
    %dma_start3A_246 = arith.constant 247 : i32
    %dma_start3A_247 = arith.constant 0 : i32
    %dma_start3A_248 = tpu.memref_slice %arg6[%dma_start3A_246, %dma_start3A_247] : memref<250x80xi32, #tpu.memory_space<vmem>> -> memref<1x80xi32, #tpu.memory_space<vmem>>
    %dma_start3A_249 = tpu.memref_squeeze %dma_start3A_248 : memref<1x80xi32, #tpu.memory_space<vmem>> -> memref<80xi32, #tpu.memory_space<vmem>>
    %dma_start3A_250 = arith.constant 0 : i32
    %dma_start3A_251 = arith.constant 0 : i32
    %dma_start3A_252 = tpu.memref_slice %arg12[%dma_start3A_250, %dma_start3A_251] : memref<10240x64xf32, #tpu.memory_space<vmem_shared>> -> memref<10240x64xf32, #tpu.memory_space<vmem_shared>>
    tpu.enqueue_indirect_dma source(%arg9 : memref<80x64xf32, #tpu.memory_space<vmem>>) target(%dma_start3A_252 : memref<10240x64xf32, #tpu.memory_space<vmem_shared>>) offsets(%dma_start3A_249 : memref<80xi32, #tpu.memory_space<vmem>>) semaphore(%arg20 : memref<!tpu.dma_semaphore, #tpu.memory_space<semaphore_mem>>) {add = true}
    %dma_wait3A_253 = arith.constant 245 : i32
    %dma_wait3A_254 = arith.constant 0 : i32
    %dma_wait3A_255 = tpu.memref_slice %arg6[%dma_wait3A_253, %dma_wait3A_254] : memref<250x80xi32, #tpu.memory_space<vmem>> -> memref<1x80xi32, #tpu.memory_space<vmem>>
    %dma_wait3A_256 = tpu.memref_squeeze %dma_wait3A_255 : memref<1x80xi32, #tpu.memory_space<vmem>> -> memref<80xi32, #tpu.memory_space<vmem>>
    %dma_wait3A_257 = arith.constant 0 : i32
    %dma_wait3A_258 = arith.constant 0 : i32
    %dma_wait3A_259 = tpu.memref_slice %arg12[%dma_wait3A_257, %dma_wait3A_258] : memref<10240x64xf32, #tpu.memory_space<vmem_shared>> -> memref<10240x64xf32, #tpu.memory_space<vmem_shared>>
    tpu.wait_indirect_dma semaphore(%arg18 : memref<!tpu.dma_semaphore, #tpu.memory_space<semaphore_mem>>) src(%arg7 : memref<80x64xf32, #tpu.memory_space<vmem>>) dst(%dma_wait3A_259 : memref<10240x64xf32, #tpu.memory_space<vmem_shared>>)
    %dma_wait3A_260 = arith.constant 248 : i32
    %dma_wait3A_261 = arith.constant 0 : i32
    %dma_wait3A_262 = tpu.memref_slice %arg5[%dma_wait3A_260, %dma_wait3A_261] : memref<250x80xi32, #tpu.memory_space<vmem>> -> memref<1x80xi32, #tpu.memory_space<vmem>>
    %dma_wait3A_263 = tpu.memref_squeeze %dma_wait3A_262 : memref<1x80xi32, #tpu.memory_space<vmem>> -> memref<80xi32, #tpu.memory_space<vmem>>
    %dma_wait3A_264 = arith.constant 0 : i32
    %dma_wait3A_265 = arith.constant 0 : i32
    %dma_wait3A_266 = tpu.memref_slice %arg2[%dma_wait3A_264, %dma_wait3A_265] : memref<20000x64xf32, #tpu.memory_space<hbm>> -> memref<20000x64xf32, #tpu.memory_space<hbm>>
    tpu.wait_indirect_dma semaphore(%arg16 : memref<!tpu.dma_semaphore, #tpu.memory_space<semaphore_mem>>) src(%dma_wait3A_266 : memref<20000x64xf32, #tpu.memory_space<hbm>>) dst(%arg10 : memref<80x64xf32, #tpu.memory_space<vmem>>)
    %dma_start3A_267 = arith.constant 248 : i32
    %dma_start3A_268 = arith.constant 0 : i32
    %dma_start3A_269 = tpu.memref_slice %arg6[%dma_start3A_267, %dma_start3A_268] : memref<250x80xi32, #tpu.memory_space<vmem>> -> memref<1x80xi32, #tpu.memory_space<vmem>>
    %dma_start3A_270 = tpu.memref_squeeze %dma_start3A_269 : memref<1x80xi32, #tpu.memory_space<vmem>> -> memref<80xi32, #tpu.memory_space<vmem>>
    %dma_start3A_271 = arith.constant 0 : i32
    %dma_start3A_272 = arith.constant 0 : i32
    %dma_start3A_273 = tpu.memref_slice %arg12[%dma_start3A_271, %dma_start3A_272] : memref<10240x64xf32, #tpu.memory_space<vmem_shared>> -> memref<10240x64xf32, #tpu.memory_space<vmem_shared>>
    tpu.enqueue_indirect_dma source(%arg10 : memref<80x64xf32, #tpu.memory_space<vmem>>) target(%dma_start3A_273 : memref<10240x64xf32, #tpu.memory_space<vmem_shared>>) offsets(%dma_start3A_270 : memref<80xi32, #tpu.memory_space<vmem>>) semaphore(%arg21 : memref<!tpu.dma_semaphore, #tpu.memory_space<semaphore_mem>>) {add = true}
    %dma_wait3A_274 = arith.constant 246 : i32
    %dma_wait3A_275 = arith.constant 0 : i32
    %dma_wait3A_276 = tpu.memref_slice %arg6[%dma_wait3A_274, %dma_wait3A_275] : memref<250x80xi32, #tpu.memory_space<vmem>> -> memref<1x80xi32, #tpu.memory_space<vmem>>
    %dma_wait3A_277 = tpu.memref_squeeze %dma_wait3A_276 : memref<1x80xi32, #tpu.memory_space<vmem>> -> memref<80xi32, #tpu.memory_space<vmem>>
    %dma_wait3A_278 = arith.constant 0 : i32
    %dma_wait3A_279 = arith.constant 0 : i32
    %dma_wait3A_280 = tpu.memref_slice %arg12[%dma_wait3A_278, %dma_wait3A_279] : memref<10240x64xf32, #tpu.memory_space<vmem_shared>> -> memref<10240x64xf32, #tpu.memory_space<vmem_shared>>
    tpu.wait_indirect_dma semaphore(%arg19 : memref<!tpu.dma_semaphore, #tpu.memory_space<semaphore_mem>>) src(%arg8 : memref<80x64xf32, #tpu.memory_space<vmem>>) dst(%dma_wait3A_280 : memref<10240x64xf32, #tpu.memory_space<vmem_shared>>)
    %dma_wait3A_281 = arith.constant 249 : i32
    %dma_wait3A_282 = arith.constant 0 : i32
    %dma_wait3A_283 = tpu.memref_slice %arg5[%dma_wait3A_281, %dma_wait3A_282] : memref<250x80xi32, #tpu.memory_space<vmem>> -> memref<1x80xi32, #tpu.memory_space<vmem>>
    %dma_wait3A_284 = tpu.memref_squeeze %dma_wait3A_283 : memref<1x80xi32, #tpu.memory_space<vmem>> -> memref<80xi32, #tpu.memory_space<vmem>>
    %dma_wait3A_285 = arith.constant 0 : i32
    %dma_wait3A_286 = arith.constant 0 : i32
    %dma_wait3A_287 = tpu.memref_slice %arg2[%dma_wait3A_285, %dma_wait3A_286] : memref<20000x64xf32, #tpu.memory_space<hbm>> -> memref<20000x64xf32, #tpu.memory_space<hbm>>
    tpu.wait_indirect_dma semaphore(%arg17 : memref<!tpu.dma_semaphore, #tpu.memory_space<semaphore_mem>>) src(%dma_wait3A_287 : memref<20000x64xf32, #tpu.memory_space<hbm>>) dst(%arg11 : memref<80x64xf32, #tpu.memory_space<vmem>>)
    %dma_start3A_288 = arith.constant 249 : i32
    %dma_start3A_289 = arith.constant 0 : i32
    %dma_start3A_290 = tpu.memref_slice %arg6[%dma_start3A_288, %dma_start3A_289] : memref<250x80xi32, #tpu.memory_space<vmem>> -> memref<1x80xi32, #tpu.memory_space<vmem>>
    %dma_start3A_291 = tpu.memref_squeeze %dma_start3A_290 : memref<1x80xi32, #tpu.memory_space<vmem>> -> memref<80xi32, #tpu.memory_space<vmem>>
    %dma_start3A_292 = arith.constant 0 : i32
    %dma_start3A_293 = arith.constant 0 : i32
    %dma_start3A_294 = tpu.memref_slice %arg12[%dma_start3A_292, %dma_start3A_293] : memref<10240x64xf32, #tpu.memory_space<vmem_shared>> -> memref<10240x64xf32, #tpu.memory_space<vmem_shared>>
    tpu.enqueue_indirect_dma source(%arg11 : memref<80x64xf32, #tpu.memory_space<vmem>>) target(%dma_start3A_294 : memref<10240x64xf32, #tpu.memory_space<vmem_shared>>) offsets(%dma_start3A_291 : memref<80xi32, #tpu.memory_space<vmem>>) semaphore(%arg22 : memref<!tpu.dma_semaphore, #tpu.memory_space<semaphore_mem>>) {add = true}
    %dma_wait3A_295 = arith.constant 247 : i32
    %dma_wait3A_296 = arith.constant 0 : i32
    %dma_wait3A_297 = tpu.memref_slice %arg6[%dma_wait3A_295, %dma_wait3A_296] : memref<250x80xi32, #tpu.memory_space<vmem>> -> memref<1x80xi32, #tpu.memory_space<vmem>>
    %dma_wait3A_298 = tpu.memref_squeeze %dma_wait3A_297 : memref<1x80xi32, #tpu.memory_space<vmem>> -> memref<80xi32, #tpu.memory_space<vmem>>
    %dma_wait3A_299 = arith.constant 0 : i32
    %dma_wait3A_300 = arith.constant 0 : i32
    %dma_wait3A_301 = tpu.memref_slice %arg12[%dma_wait3A_299, %dma_wait3A_300] : memref<10240x64xf32, #tpu.memory_space<vmem_shared>> -> memref<10240x64xf32, #tpu.memory_space<vmem_shared>>
    tpu.wait_indirect_dma semaphore(%arg20 : memref<!tpu.dma_semaphore, #tpu.memory_space<semaphore_mem>>) src(%arg9 : memref<80x64xf32, #tpu.memory_space<vmem>>) dst(%dma_wait3A_301 : memref<10240x64xf32, #tpu.memory_space<vmem_shared>>)
    %dma_wait3A_302 = arith.constant 248 : i32
    %dma_wait3A_303 = arith.constant 0 : i32
    %dma_wait3A_304 = tpu.memref_slice %arg6[%dma_wait3A_302, %dma_wait3A_303] : memref<250x80xi32, #tpu.memory_space<vmem>> -> memref<1x80xi32, #tpu.memory_space<vmem>>
    %dma_wait3A_305 = tpu.memref_squeeze %dma_wait3A_304 : memref<1x80xi32, #tpu.memory_space<vmem>> -> memref<80xi32, #tpu.memory_space<vmem>>
    %dma_wait3A_306 = arith.constant 0 : i32
    %dma_wait3A_307 = arith.constant 0 : i32
    %dma_wait3A_308 = tpu.memref_slice %arg12[%dma_wait3A_306, %dma_wait3A_307] : memref<10240x64xf32, #tpu.memory_space<vmem_shared>> -> memref<10240x64xf32, #tpu.memory_space<vmem_shared>>
    tpu.wait_indirect_dma semaphore(%arg21 : memref<!tpu.dma_semaphore, #tpu.memory_space<semaphore_mem>>) src(%arg10 : memref<80x64xf32, #tpu.memory_space<vmem>>) dst(%dma_wait3A_308 : memref<10240x64xf32, #tpu.memory_space<vmem_shared>>)
    %dma_wait3A_309 = arith.constant 249 : i32
    %dma_wait3A_310 = arith.constant 0 : i32
    %dma_wait3A_311 = tpu.memref_slice %arg6[%dma_wait3A_309, %dma_wait3A_310] : memref<250x80xi32, #tpu.memory_space<vmem>> -> memref<1x80xi32, #tpu.memory_space<vmem>>
    %dma_wait3A_312 = tpu.memref_squeeze %dma_wait3A_311 : memref<1x80xi32, #tpu.memory_space<vmem>> -> memref<80xi32, #tpu.memory_space<vmem>>
    %dma_wait3A_313 = arith.constant 0 : i32
    %dma_wait3A_314 = arith.constant 0 : i32
    %dma_wait3A_315 = tpu.memref_slice %arg12[%dma_wait3A_313, %dma_wait3A_314] : memref<10240x64xf32, #tpu.memory_space<vmem_shared>> -> memref<10240x64xf32, #tpu.memory_space<vmem_shared>>
    tpu.wait_indirect_dma semaphore(%arg22 : memref<!tpu.dma_semaphore, #tpu.memory_space<semaphore_mem>>) src(%arg11 : memref<80x64xf32, #tpu.memory_space<vmem>>) dst(%dma_wait3A_315 : memref<10240x64xf32, #tpu.memory_space<vmem_shared>>)
    %barrier3A_316 = arith.constant 0 : index
    tpu.barrier barrier_id(%barrier3A_316)
    "tpu.region"() ({
      %run_scoped3A_317 = tpu.sem_alloc : memref<!tpu.dma_semaphore, #tpu.memory_space<semaphore_mem>>
      %dma_start3A_318 = arith.constant 0 : i32
      %dma_start3A_319 = tpu.memref_slice %arg4[%arg0, %mul3A_0, %dma_start3A_318] : memref<2x10240x64xf32, #tpu.memory_space<hbm>> -> memref<1x640x64xf32, #tpu.memory_space<hbm>>
      %dma_start3A_320 = tpu.memref_squeeze %dma_start3A_319 : memref<1x640x64xf32, #tpu.memory_space<hbm>> -> memref<640x64xf32, #tpu.memory_space<hbm>>
      %dma_start3A_321 = arith.constant 0 : i32
      %dma_start3A_322 = tpu.memref_slice %arg12[%mul3A_0, %dma_start3A_321] : memref<10240x64xf32, #tpu.memory_space<vmem_shared>> -> memref<640x64xf32, #tpu.memory_space<vmem_shared>>
      tpu.enqueue_dma source(%dma_start3A_322 : memref<640x64xf32, #tpu.memory_space<vmem_shared>>) target(%dma_start3A_320 : memref<640x64xf32, #tpu.memory_space<hbm>>) target_semaphore(%run_scoped3A_317 : memref<!tpu.dma_semaphore, #tpu.memory_space<semaphore_mem>>)
      %dma_wait3A_323 = arith.constant 0 : i32
      %dma_wait3A_324 = tpu.memref_slice %arg4[%arg0, %mul3A_0, %dma_wait3A_323] : memref<2x10240x64xf32, #tpu.memory_space<hbm>> -> memref<1x640x64xf32, #tpu.memory_space<hbm>>
      %dma_wait3A_325 = tpu.memref_squeeze %dma_wait3A_324 : memref<1x640x64xf32, #tpu.memory_space<hbm>> -> memref<640x64xf32, #tpu.memory_space<hbm>>
      %dma_wait3A_326 = arith.constant 0 : i32
      %dma_wait3A_327 = tpu.memref_slice %arg12[%mul3A_0, %dma_wait3A_326] : memref<10240x64xf32, #tpu.memory_space<vmem_shared>> -> memref<640x64xf32, #tpu.memory_space<vmem_shared>>
      tpu.wait_dma2 semaphore(%run_scoped3A_317 : memref<!tpu.dma_semaphore, #tpu.memory_space<semaphore_mem>>) src(%dma_wait3A_327 : memref<640x64xf32, #tpu.memory_space<vmem_shared>>) dst(%dma_wait3A_325 : memref<640x64xf32, #tpu.memory_space<hbm>>)
      tpu.yield
    }) : () -> ()
    return
  }
}

module attributes {stable_mosaic.version = 14 : i64} {
  func.func @_mm_in_body(%arg0: i32, %arg1: memref<2000x128xf32, #tpu.memory_space<vmem>>, %arg2: memref<128x128xf32, #tpu.memory_space<vmem>>, %arg3: memref<128x128xf32, #tpu.memory_space<vmem>>, %arg4: memref<1x128xf32, #tpu.memory_space<vmem>>, %arg5: memref<2000x128xf32, #tpu.memory_space<vmem>>, %arg6: memref<2000x128xf32, #tpu.memory_space<vmem>>) attributes {dimension_semantics = [#tpu.dimension_semantics<arbitrary>], iteration_bounds = array<i64: 5>, scalar_prefetch = 0 : i64, scratch_operands = 0 : i64, tpu.core_type = #tpu.core_type<tc>, window_params = [{transform_indices = @transform_0, window_bounds = array<i64: 2000, 128>}, {pipeline_mode = #tpu.pipeline_mode<synchronous>, transform_indices = @transform_1, window_bounds = array<i64: 128, 128>}, {pipeline_mode = #tpu.pipeline_mode<synchronous>, transform_indices = @transform_2, window_bounds = array<i64: 128, 128>}, {pipeline_mode = #tpu.pipeline_mode<synchronous>, transform_indices = @transform_3, window_bounds = array<i64: 1, 128>}, {transform_indices = @transform_4, window_bounds = array<i64: 2000, 128>}, {transform_indices = @transform_5, window_bounds = array<i64: 2000, 128>}]} {
    %get3A = arith.constant 0 : index
    %get3A_0 = arith.constant 0 : index
    %get3A_1 = vector.load %arg1[%get3A, %get3A_0] : memref<2000x128xf32, #tpu.memory_space<vmem>>, vector<2000x128xf32>
    %get3A_2 = arith.constant 0 : index
    %get3A_3 = arith.constant 0 : index
    %get3A_4 = vector.load %arg2[%get3A_2, %get3A_3] : memref<128x128xf32, #tpu.memory_space<vmem>>, vector<128x128xf32>
    %dot_general3A = arith.constant dense<0.000000e+00> : vector<2000x128xf32>
    %dot_general3A_5 = tpu.matmul %get3A_1, %get3A_4, %dot_general3A {dimension_numbers = #tpu.dot_dimension_numbers<[1], [0], [0], [1], [0, 0, 1, 1], [], []>, precision = #tpu.contract_precision<fp32>, transpose_lhs_hint = false} : vector<2000x128xf32>, vector<128x128xf32>, vector<2000x128xf32> -> vector<2000x128xf32>
    %swap3A = arith.constant 0 : index
    %swap3A_6 = arith.constant 0 : index
    %swap3A_7 = vector.load %arg5[%swap3A, %swap3A_6] : memref<2000x128xf32, #tpu.memory_space<vmem>>, vector<2000x128xf32>
    tpu.vector_store %arg5[%swap3A, %swap3A_6], %dot_general3A_5 {strides = array<i32>} : memref<2000x128xf32, #tpu.memory_space<vmem>>, vector<2000x128xf32>,
    %get3A_8 = arith.constant 0 : index
    %get3A_9 = arith.constant 0 : index
    %get3A_10 = vector.load %arg3[%get3A_8, %get3A_9] : memref<128x128xf32, #tpu.memory_space<vmem>>, vector<128x128xf32>
    %dot_general3A_11 = arith.constant dense<0.000000e+00> : vector<2000x128xf32>
    %dot_general3A_12 = tpu.matmul %get3A_1, %get3A_10, %dot_general3A_11 {dimension_numbers = #tpu.dot_dimension_numbers<[1], [0], [0], [1], [0, 0, 1, 1], [], []>, precision = #tpu.contract_precision<fp32>, transpose_lhs_hint = false} : vector<2000x128xf32>, vector<128x128xf32>, vector<2000x128xf32> -> vector<2000x128xf32>
    %get3A_13 = arith.constant 0 : index
    %get3A_14 = arith.constant 0 : index
    %get3A_15 = vector.load %arg4[%get3A_13, %get3A_14] : memref<1x128xf32, #tpu.memory_space<vmem>>, vector<1x128xf32>
    %add3A = vector.broadcast %get3A_15 : vector<1x128xf32> to vector<2000x128xf32>
    %add3A_16 = arith.addf %dot_general3A_12, %add3A : vector<2000x128xf32>
    %swap3A_17 = arith.constant 0 : index
    %swap3A_18 = arith.constant 0 : index
    %swap3A_19 = vector.load %arg6[%swap3A_17, %swap3A_18] : memref<2000x128xf32, #tpu.memory_space<vmem>>, vector<2000x128xf32>
    tpu.vector_store %arg6[%swap3A_17, %swap3A_18], %add3A_16 {strides = array<i32>} : memref<2000x128xf32, #tpu.memory_space<vmem>>, vector<2000x128xf32>,
    return
  }
  func.func @transform_0(%arg0: i32) -> (i32, i32) {
    %c0_i32 = arith.constant 0 : i32
    %c0_i32_0 = arith.constant 0 : i32
    return %arg0, %c0_i32 : i32, i32
  }
  func.func @transform_1(%arg0: i32) -> (i32, i32) {
    %c0_i32 = arith.constant 0 : i32
    %c0_i32_0 = arith.constant 0 : i32
    %c0_i32_1 = arith.constant 0 : i32
    return %c0_i32, %c0_i32_0 : i32, i32
  }
  func.func @transform_2(%arg0: i32) -> (i32, i32) {
    %c0_i32 = arith.constant 0 : i32
    %c0_i32_0 = arith.constant 0 : i32
    %c0_i32_1 = arith.constant 0 : i32
    return %c0_i32, %c0_i32_0 : i32, i32
  }
  func.func @transform_3(%arg0: i32) -> (i32, i32) {
    %c0_i32 = arith.constant 0 : i32
    %c0_i32_0 = arith.constant 0 : i32
    %c0_i32_1 = arith.constant 0 : i32
    return %c0_i32, %c0_i32_0 : i32, i32
  }
  func.func @transform_4(%arg0: i32) -> (i32, i32) {
    %c0_i32 = arith.constant 0 : i32
    %c0_i32_0 = arith.constant 0 : i32
    return %arg0, %c0_i32 : i32, i32
  }
  func.func @transform_5(%arg0: i32) -> (i32, i32) {
    %c0_i32 = arith.constant 0 : i32
    %c0_i32_0 = arith.constant 0 : i32
    return %arg0, %c0_i32 : i32, i32
  }
}

module attributes {stable_mosaic.version = 14 : i64} {
  func.func @_mid_body(%arg0: i32, %arg1: memref<2x2000x64xf32, #tpu.memory_space<vmem>>, %arg2: memref<2x2000x16xf32, #tpu.memory_space<vmem>>, %arg3: memref<2000x128xf32, #tpu.memory_space<vmem>>, %arg4: memref<128x48xf32, #tpu.memory_space<vmem>>, %arg5: memref<128x48xf32, #tpu.memory_space<vmem>>, %arg6: memref<1x48xf32, #tpu.memory_space<vmem>>, %arg7: memref<2000x48xf32, #tpu.memory_space<vmem>>, %arg8: memref<2000x48xf32, #tpu.memory_space<vmem>>) attributes {dimension_semantics = [#tpu.dimension_semantics<arbitrary>], iteration_bounds = array<i64: 5>, scalar_prefetch = 0 : i64, scratch_operands = 0 : i64, tpu.core_type = #tpu.core_type<tc>, window_params = [{transform_indices = @transform_0, window_bounds = array<i64: 2, 2000, 64>}, {transform_indices = @transform_1, window_bounds = array<i64: 2, 2000, 16>}, {transform_indices = @transform_2, window_bounds = array<i64: 2000, 128>}, {pipeline_mode = #tpu.pipeline_mode<synchronous>, transform_indices = @transform_3, window_bounds = array<i64: 128, 48>}, {pipeline_mode = #tpu.pipeline_mode<synchronous>, transform_indices = @transform_4, window_bounds = array<i64: 128, 48>}, {pipeline_mode = #tpu.pipeline_mode<synchronous>, transform_indices = @transform_5, window_bounds = array<i64: 1, 48>}, {transform_indices = @transform_6, window_bounds = array<i64: 2000, 48>}, {transform_indices = @transform_7, window_bounds = array<i64: 2000, 48>}]} {
    %get3A = arith.constant 0 : index
    %get3A_0 = arith.constant 0 : index
    %get3A_1 = arith.constant 0 : index
    %get3A_2 = vector.load %arg1[%get3A, %get3A_0, %get3A_1] : memref<2x2000x64xf32, #tpu.memory_space<vmem>>, vector<1x2000x64xf32>
    %get3A_3 = vector.shape_cast %get3A_2 : vector<1x2000x64xf32> to vector<2000x64xf32>
    %get3A_4 = arith.constant 1 : index
    %get3A_5 = arith.constant 0 : index
    %get3A_6 = arith.constant 0 : index
    %get3A_7 = vector.load %arg1[%get3A_4, %get3A_5, %get3A_6] : memref<2x2000x64xf32, #tpu.memory_space<vmem>>, vector<1x2000x64xf32>
    %get3A_8 = vector.shape_cast %get3A_7 : vector<1x2000x64xf32> to vector<2000x64xf32>
    %concatenate3A = tpu.concatenate %get3A_3, %get3A_8 in 1 : vector<2000x64xf32>, vector<2000x64xf32> -> vector<2000x128xf32>
    %get3A_9 = arith.constant 0 : index
    %get3A_10 = arith.constant 0 : index
    %get3A_11 = arith.constant 0 : index
    %get3A_12 = vector.load %arg2[%get3A_9, %get3A_10, %get3A_11] : memref<2x2000x16xf32, #tpu.memory_space<vmem>>, vector<1x2000x1xf32>
    %get3A_13 = vector.shape_cast %get3A_12 : vector<1x2000x1xf32> to vector<2000x1xf32>
    %get3A_14 = arith.constant 1 : index
    %get3A_15 = arith.constant 0 : index
    %get3A_16 = arith.constant 0 : index
    %get3A_17 = vector.load %arg2[%get3A_14, %get3A_15, %get3A_16] : memref<2x2000x16xf32, #tpu.memory_space<vmem>>, vector<1x2000x1xf32>
    %get3A_18 = vector.shape_cast %get3A_17 : vector<1x2000x1xf32> to vector<2000x1xf32>
    %add3A = arith.addf %get3A_13, %get3A_18 : vector<2000x1xf32>
    %max3A = arith.constant 1.000000e+00 : f32
    %max3A_19 = vector.broadcast %max3A : f32 to vector<2000x1xf32>
    %max3A_20 = arith.maximumf %add3A, %max3A_19 : vector<2000x1xf32>
    %div3A = arith.constant 1.000000e+00 : f32
    %div3A_21 = vector.broadcast %div3A : f32 to vector<2000x1xf32>
    %div3A_22 = arith.divf %div3A_21, %max3A_20 : vector<2000x1xf32>
    %mul3A = vector.broadcast %div3A_22 : vector<2000x1xf32> to vector<2000x128xf32>
    %mul3A_23 = arith.mulf %concatenate3A, %mul3A : vector<2000x128xf32>
    %get3A_24 = arith.constant 0 : index
    %get3A_25 = arith.constant 0 : index
    %get3A_26 = vector.load %arg3[%get3A_24, %get3A_25] : memref<2000x128xf32, #tpu.memory_space<vmem>>, vector<2000x128xf32>
    %add3A_27 = arith.addf %mul3A_23, %get3A_26 : vector<2000x128xf32>
    %max3A_28 = arith.constant 0.000000e+00 : f32
    %max3A_29 = vector.broadcast %max3A_28 : f32 to vector<2000x128xf32>
    %max3A_30 = arith.maximumf %add3A_27, %max3A_29 : vector<2000x128xf32>
    %get3A_31 = arith.constant 0 : index
    %get3A_32 = arith.constant 0 : index
    %get3A_33 = vector.load %arg4[%get3A_31, %get3A_32] : memref<128x48xf32, #tpu.memory_space<vmem>>, vector<128x48xf32>
    %dot_general3A = arith.constant dense<0.000000e+00> : vector<2000x48xf32>
    %dot_general3A_34 = tpu.matmul %max3A_30, %get3A_33, %dot_general3A {dimension_numbers = #tpu.dot_dimension_numbers<[1], [0], [0], [1], [0, 0, 1, 1], [], []>, precision = #tpu.contract_precision<fp32>, transpose_lhs_hint = false} : vector<2000x128xf32>, vector<128x48xf32>, vector<2000x48xf32> -> vector<2000x48xf32>
    %swap3A = arith.constant 0 : index
    %swap3A_35 = arith.constant 0 : index
    %swap3A_36 = vector.load %arg7[%swap3A, %swap3A_35] : memref<2000x48xf32, #tpu.memory_space<vmem>>, vector<2000x48xf32>
    tpu.vector_store %arg7[%swap3A, %swap3A_35], %dot_general3A_34 {strides = array<i32>} : memref<2000x48xf32, #tpu.memory_space<vmem>>, vector<2000x48xf32>,
    %get3A_37 = arith.constant 0 : index
    %get3A_38 = arith.constant 0 : index
    %get3A_39 = vector.load %arg5[%get3A_37, %get3A_38] : memref<128x48xf32, #tpu.memory_space<vmem>>, vector<128x48xf32>
    %dot_general3A_40 = arith.constant dense<0.000000e+00> : vector<2000x48xf32>
    %dot_general3A_41 = tpu.matmul %max3A_30, %get3A_39, %dot_general3A_40 {dimension_numbers = #tpu.dot_dimension_numbers<[1], [0], [0], [1], [0, 0, 1, 1], [], []>, precision = #tpu.contract_precision<fp32>, transpose_lhs_hint = false} : vector<2000x128xf32>, vector<128x48xf32>, vector<2000x48xf32> -> vector<2000x48xf32>
    %get3A_42 = arith.constant 0 : index
    %get3A_43 = arith.constant 0 : index
    %get3A_44 = vector.load %arg6[%get3A_42, %get3A_43] : memref<1x48xf32, #tpu.memory_space<vmem>>, vector<1x48xf32>
    %add3A_45 = vector.broadcast %get3A_44 : vector<1x48xf32> to vector<2000x48xf32>
    %add3A_46 = arith.addf %dot_general3A_41, %add3A_45 : vector<2000x48xf32>
    %swap3A_47 = arith.constant 0 : index
    %swap3A_48 = arith.constant 0 : index
    %swap3A_49 = vector.load %arg8[%swap3A_47, %swap3A_48] : memref<2000x48xf32, #tpu.memory_space<vmem>>, vector<2000x48xf32>
    tpu.vector_store %arg8[%swap3A_47, %swap3A_48], %add3A_46 {strides = array<i32>} : memref<2000x48xf32, #tpu.memory_space<vmem>>, vector<2000x48xf32>,
    return
  }
  func.func @transform_0(%arg0: i32) -> (i32, i32, i32) {
    %c0_i32 = arith.constant 0 : i32
    %c0_i32_0 = arith.constant 0 : i32
    %c0_i32_1 = arith.constant 0 : i32
    return %c0_i32, %arg0, %c0_i32_0 : i32, i32, i32
  }
  func.func @transform_1(%arg0: i32) -> (i32, i32, i32) {
    %c0_i32 = arith.constant 0 : i32
    %c0_i32_0 = arith.constant 0 : i32
    %c0_i32_1 = arith.constant 0 : i32
    return %c0_i32, %arg0, %c0_i32_0 : i32, i32, i32
  }
  func.func @transform_2(%arg0: i32) -> (i32, i32) {
    %c0_i32 = arith.constant 0 : i32
    %c0_i32_0 = arith.constant 0 : i32
    return %arg0, %c0_i32 : i32, i32
  }
  func.func @transform_3(%arg0: i32) -> (i32, i32) {
    %c0_i32 = arith.constant 0 : i32
    %c0_i32_0 = arith.constant 0 : i32
    %c0_i32_1 = arith.constant 0 : i32
    return %c0_i32, %c0_i32_0 : i32, i32
  }
  func.func @transform_4(%arg0: i32) -> (i32, i32) {
    %c0_i32 = arith.constant 0 : i32
    %c0_i32_0 = arith.constant 0 : i32
    %c0_i32_1 = arith.constant 0 : i32
    return %c0_i32, %c0_i32_0 : i32, i32
  }
  func.func @transform_5(%arg0: i32) -> (i32, i32) {
    %c0_i32 = arith.constant 0 : i32
    %c0_i32_0 = arith.constant 0 : i32
    %c0_i32_1 = arith.constant 0 : i32
    return %c0_i32, %c0_i32_0 : i32, i32
  }
  func.func @transform_6(%arg0: i32) -> (i32, i32) {
    %c0_i32 = arith.constant 0 : i32
    %c0_i32_0 = arith.constant 0 : i32
    return %arg0, %c0_i32 : i32, i32
  }
  func.func @transform_7(%arg0: i32) -> (i32, i32) {
    %c0_i32 = arith.constant 0 : i32
    %c0_i32_0 = arith.constant 0 : i32
    return %arg0, %c0_i32 : i32, i32
  }
}

module attributes {stable_mosaic.version = 14 : i64} {
  func.func @_out_body(%arg0: i32, %arg1: memref<2x2000x48xf32, #tpu.memory_space<vmem>>, %arg2: memref<2x2000x16xf32, #tpu.memory_space<vmem>>, %arg3: memref<2000x48xf32, #tpu.memory_space<vmem>>, %arg4: memref<2000x41xf32, #tpu.memory_space<vmem>>) attributes {dimension_semantics = [#tpu.dimension_semantics<arbitrary>], iteration_bounds = array<i64: 5>, scalar_prefetch = 0 : i64, scratch_operands = 0 : i64, tpu.core_type = #tpu.core_type<tc>, window_params = [{transform_indices = @transform_0, window_bounds = array<i64: 2, 2000, 48>}, {transform_indices = @transform_1, window_bounds = array<i64: 2, 2000, 16>}, {transform_indices = @transform_2, window_bounds = array<i64: 2000, 48>}, {transform_indices = @transform_3, window_bounds = array<i64: 2000, 41>}]} {
    %get3A = arith.constant 0 : index
    %get3A_0 = arith.constant 0 : index
    %get3A_1 = arith.constant 0 : index
    %get3A_2 = vector.load %arg1[%get3A, %get3A_0, %get3A_1] : memref<2x2000x48xf32, #tpu.memory_space<vmem>>, vector<1x2000x48xf32>
    %get3A_3 = vector.shape_cast %get3A_2 : vector<1x2000x48xf32> to vector<2000x48xf32>
    %get3A_4 = arith.constant 1 : index
    %get3A_5 = arith.constant 0 : index
    %get3A_6 = arith.constant 0 : index
    %get3A_7 = vector.load %arg1[%get3A_4, %get3A_5, %get3A_6] : memref<2x2000x48xf32, #tpu.memory_space<vmem>>, vector<1x2000x48xf32>
    %get3A_8 = vector.shape_cast %get3A_7 : vector<1x2000x48xf32> to vector<2000x48xf32>
    %add3A = arith.addf %get3A_3, %get3A_8 : vector<2000x48xf32>
    %get3A_9 = arith.constant 0 : index
    %get3A_10 = arith.constant 0 : index
    %get3A_11 = arith.constant 0 : index
    %get3A_12 = vector.load %arg2[%get3A_9, %get3A_10, %get3A_11] : memref<2x2000x16xf32, #tpu.memory_space<vmem>>, vector<1x2000x1xf32>
    %get3A_13 = vector.shape_cast %get3A_12 : vector<1x2000x1xf32> to vector<2000x1xf32>
    %get3A_14 = arith.constant 1 : index
    %get3A_15 = arith.constant 0 : index
    %get3A_16 = arith.constant 0 : index
    %get3A_17 = vector.load %arg2[%get3A_14, %get3A_15, %get3A_16] : memref<2x2000x16xf32, #tpu.memory_space<vmem>>, vector<1x2000x1xf32>
    %get3A_18 = vector.shape_cast %get3A_17 : vector<1x2000x1xf32> to vector<2000x1xf32>
    %add3A_19 = arith.addf %get3A_13, %get3A_18 : vector<2000x1xf32>
    %max3A = arith.constant 1.000000e+00 : f32
    %max3A_20 = vector.broadcast %max3A : f32 to vector<2000x1xf32>
    %max3A_21 = arith.maximumf %add3A_19, %max3A_20 : vector<2000x1xf32>
    %div3A = arith.constant 1.000000e+00 : f32
    %div3A_22 = vector.broadcast %div3A : f32 to vector<2000x1xf32>
    %div3A_23 = arith.divf %div3A_22, %max3A_21 : vector<2000x1xf32>
    %mul3A = vector.broadcast %div3A_23 : vector<2000x1xf32> to vector<2000x48xf32>
    %mul3A_24 = arith.mulf %add3A, %mul3A : vector<2000x48xf32>
    %get3A_25 = arith.constant 0 : index
    %get3A_26 = arith.constant 0 : index
    %get3A_27 = vector.load %arg3[%get3A_25, %get3A_26] : memref<2000x48xf32, #tpu.memory_space<vmem>>, vector<2000x48xf32>
    %add3A_28 = arith.addf %mul3A_24, %get3A_27 : vector<2000x48xf32>
    %iota3A = tpu.iota {dimensions = array<i32: 1>} : vector<2000x48xi32>
    %lt3A = arith.constant 41 : i32
    %lt3A_29 = vector.broadcast %lt3A : i32 to vector<2000x48xi32>
    %lt3A_30 = arith.cmpi slt, %iota3A, %lt3A_29 : vector<2000x48xi32>
    %jit3A = arith.constant -1.000000e+30 : f32
    %broadcast_in_dim3A = vector.broadcast %jit3A : f32 to vector<2000x48xf32>
    %select_n3A = arith.select %lt3A_30, %add3A_28, %broadcast_in_dim3A : vector<2000x48xi1>, vector<2000x48xf32>
    %reduce_max3A = arith.constant dense<0xFF800000> : vector<2000xf32>
    %reduce_max3A_31 = vector.multi_reduction <maximumf>, %select_n3A, %reduce_max3A [1] : vector<2000x48xf32> to vector<2000xf32>
    %broadcast_in_dim3A_32 = vector.shape_cast %reduce_max3A_31 : vector<2000xf32> to vector<2000x1xf32>
    %sub3A = vector.broadcast %broadcast_in_dim3A_32 : vector<2000x1xf32> to vector<2000x48xf32>
    %sub3A_33 = arith.subf %select_n3A, %sub3A : vector<2000x48xf32>
    %exp3A = math.exp %sub3A_33 : vector<2000x48xf32>
    %reduce_sum3A = arith.constant dense<0.000000e+00> : vector<2000xf32>
    %reduce_sum3A_34 = vector.multi_reduction <add>, %exp3A, %reduce_sum3A [1] : vector<2000x48xf32> to vector<2000xf32>
    %broadcast_in_dim3A_35 = vector.shape_cast %reduce_sum3A_34 : vector<2000xf32> to vector<2000x1xf32>
    %log3A = math.log %broadcast_in_dim3A_35 : vector<2000x1xf32>
    %add3A_36 = arith.addf %log3A, %broadcast_in_dim3A_32 : vector<2000x1xf32>
    %sub3A_37 = vector.broadcast %add3A_36 : vector<2000x1xf32> to vector<2000x48xf32>
    %sub3A_38 = arith.subf %select_n3A, %sub3A_37 : vector<2000x48xf32>
    %slice3A = vector.extract_strided_slice %sub3A_38 {offsets = [0, 0], sizes = [2000, 41], strides = [1, 1]} : vector<2000x48xf32> to vector<2000x41xf32>
    %swap3A = arith.constant 0 : index
    %swap3A_39 = arith.constant 0 : index
    %swap3A_40 = vector.load %arg4[%swap3A, %swap3A_39] : memref<2000x41xf32, #tpu.memory_space<vmem>>, vector<2000x41xf32>
    tpu.vector_store %arg4[%swap3A, %swap3A_39], %slice3A {strides = array<i32>} : memref<2000x41xf32, #tpu.memory_space<vmem>>, vector<2000x41xf32>,
    return
  }
  func.func @transform_0(%arg0: i32) -> (i32, i32, i32) {
    %c0_i32 = arith.constant 0 : i32
    %c0_i32_0 = arith.constant 0 : i32
    %c0_i32_1 = arith.constant 0 : i32
    return %c0_i32, %arg0, %c0_i32_0 : i32, i32, i32
  }
  func.func @transform_1(%arg0: i32) -> (i32, i32, i32) {
    %c0_i32 = arith.constant 0 : i32
    %c0_i32_0 = arith.constant 0 : i32
    %c0_i32_1 = arith.constant 0 : i32
    return %c0_i32, %arg0, %c0_i32_0 : i32, i32, i32
  }
  func.func @transform_2(%arg0: i32) -> (i32, i32) {
    %c0_i32 = arith.constant 0 : i32
    %c0_i32_0 = arith.constant 0 : i32
    return %arg0, %c0_i32 : i32, i32
  }
  func.func @transform_3(%arg0: i32) -> (i32, i32) {
    %c0_i32 = arith.constant 0 : i32
    %c0_i32_0 = arith.constant 0 : i32
    return %arg0, %c0_i32 : i32, i32
  }
}

</mosaic_0001>

<sc_bundles>
// kernel: kernel.11.cloned.1.call-start
scs
__scs_entry_jumppad:
0x0: {  	(pc) =	sbr.rel $0x88, $3  }
0x1: {  	(tag) =	ssettag $0x0;
	lr =	simm.s32 $0x1  }
0x2: {  	[smem:$0x3F99] =	sst lr;
	_ =	strace $0xD0000000  }
0x3: {  	_ = 	snop  }
0x4: {  	_ = 	snop  }
0x5: {  	_ = 	snop  }
0x6: {  	_ = 	snop  }
0x7: {  	_ = 	snop  }
__scs_overlays_trampoline_lowered:
0x8: {  	[smem:$0x3FA8] =	sst s0  }
0x9: {  	[smem:$0x3FA9] =	sst s1  }
0xa: {  	[smem:$0x3FAA] =	sst s2  }
0xb: {  	[smem:$0x3FAB] =	sst s3  }
0xc: {  	[smem:$0x3FAC] =	sst s4  }
0xd: {  	[smem:$0x3FAD] =	sst s5  }
0xe: {  	[smem:$0x3FAE] =	sst s6  }
0xf: {  	[smem:$0x3FAF] =	sst s7  }
0x10: {  	[smem:$0x3FB0] =	sst s8  }
0x11: {  	[smem:$0x3FB1] =	sst s9;
	s0 =	simm.s32 @!p0 $0x0  }
0x12: {  	s1 =	sld [smem:$0x3F97];
	s0 =	simm.s32 @p0 $0x1  }
0x13: {  	[smem:$0x3FB2] =	sst s0;
	s0 =	simm.s32 @!p1 $0x0  }
0x14: {  	s2 =	sld [smem:$0x3F96];
	s0 =	simm.s32 @p1 $0x1  }
0x15: {  	[smem:$0x3FB3] =	sst s0;
	s0 =	simm.s32 @!p2 $0x0  }
0x16: {  	s3 =	sld [smem:$0x3FDB];
	s0 =	simm.s32 @p2 $0x1  }
0x17: {  	s4 =	simm.s32 $0x1BF5;
	[smem:$0x3FB5] =	sst s0  }
0x18: {  	s0 =	sld [smem:$0x3F98];
	_ =	swait.ge [sflag:s4], $0x0  }
0x19: {  	s7 =	sld [smem:$0x3F99]  }
0x1a: {  	s8 =	sadd.s32 $0xFFFFE003, lr  }
0x1b: {  	s9 =	sadd.s32 $0xFFFFFEF7, lr;
	s5 =	simm.s32 $0xFFFFFFFF;
	p2 =	slt.u32 s8, $0xFFFFF086  }
0x1c: {  	p1 =	slt.u32 s9, $0xF7A;
	s5 =	simm.s32 @!p2 $0x0  }
0x1d: {  	s5 =	simm.s32 @p1 $0x1;
	p0 =	seq.s32 s7, s2  }
0x1e: {  	s7 =	smul.u32 @!p0 $0xF7A, s2;
	p2 =	seq.s32 @!p0 s5, $0x0  }
0x1f: {  	s9 =	smul.u32 $0xF7A, s1;
	s8 =	simm.s32 @!p0 $0x1BF5;
	p2 =	por !p2, p0  }
0x20: {  	[sflag:s8] =	ssyncset.s32 @!p0 $0xFFFFF086;
	s6 =	sadd.s32 @!p0 s3, s7;
	s7 =	simm.s32 @!p0 $0x108  }
0x21: {  	s3 =	sadd.s32 s3, s9;
	s6 =	sadd.s32 @!p0 $0x88, s6;
	s7 =	simm.s32 @p2 $0x1082  }
0x22: {  	[simem:s7], [sflag:s8] =	dma.local @!p0 [hbm:s6], $0xF7A  }
0x23: {  	s9 =	sor.u32 $0xD0000000, s2;
	s6 =	simm.s32 $0x108;
	_ =	swait.ge @!p0 [sflag:s8], $0x0  }
0x24: {  	s3 =	sadd.s32 $0x88, s3;
	s6 =	simm.s32 @!p1 $0x1082;
	[sflag:s4] =	ssyncset.s32 $0xFFFFF086  }
0x25: {  	[simem:s6], [sflag:s4] =	dma.local [hbm:s3], $0xF7A  }
0x26: {  	[smem:$0x3F99] =	sst s1;
	(tag) =	ssettag s2;
	_ =	strace s9  }
0x27: {  	s1 =	sld [smem:$0x3FA9]  }
0x28: {  	s2 =	sld [smem:$0x3FAA]  }
0x29: {  	s4 =	sld [smem:$0x3FAC]  }
0x2a: {  	p0 =	seq.s32 s5, $0x0;
	s5 =	sld [smem:$0x3FAD]  }
0x2b: {  	s6 =	sld [smem:$0x3FAE]  }
0x2c: {  	s7 =	sld [smem:$0x3FAF]  }
0x2d: {  	s3 =	simm.s32 $0x108;
	s8 =	sld [smem:$0x3FB0]  }
0x2e: {  	s3 =	simm.s32 @!p0 $0x1082;
	s9 =	sld [smem:$0x3FB1]  }
0x2f: {  	lr =	sadd.s32 s0, s3;
	s0 =	sld [smem:$0x3FA8]  }
0x30: {  	s3 =	sld [smem:$0x3FAB]  }
0x31: {  	[smem:$0x3FB4] =	sst s10  }
0x32: {  	s10 =	sld [smem:$0x3FB2];
	_ =	sdelay $0x3  }
0x33: {  	p0 =	seq.s32 s10, $0x1;
	s10 =	sld [smem:$0x3FB4];
	_ =	sdelay $0x3  }
0x34: {  	[smem:$0x3FB4] =	sst s10  }
0x35: {  	s10 =	sld [smem:$0x3FB3];
	_ =	sdelay $0x3  }
0x36: {  	p1 =	seq.s32 s10, $0x1;
	s10 =	sld [smem:$0x3FB4];
	_ =	sdelay $0x3  }
0x37: {  	[smem:$0x3FB4] =	sst s10  }
0x38: {  	s10 =	sld [smem:$0x3FB5]  }
0x39: {  	_ = 	snop;
	(pc) =	sbr.ind lr, $3  }
0x3a: {  	_ = 	snop  }
0x3b: {  	_ = 	snop  }
0x3c: {  	p2 =	seq.s32 s10, $0x1;
	s10 =	sld [smem:$0x3FB4]  }
0x3d: {  	_ =	shalt  }
0x3e: {  	_ =	shalt  }
0x3f: {  	_ =	shalt  }
0x40: {  	_ =	shalt  }
0x41: {  	_ =	shalt  }
0x42: {  	_ =	shalt  }
0x43: {  	_ =	shalt  }
0x44: {  	_ =	shalt  }
0x45: {  	_ =	shalt  }
0x46: {  	_ =	shalt  }
0x47: {  	_ =	shalt  }
0x48: {  	_ =	shalt  }
0x49: {  	_ =	shalt  }
0x4a: {  	_ =	shalt  }
0x4b: {  	_ =	shalt  }
0x4c: {  	_ =	shalt  }
0x4d: {  	_ =	shalt  }
0x4e: {  	_ =	shalt  }
0x4f: {  	_ =	shalt  }
0x50: {  	_ =	shalt  }
0x51: {  	_ =	shalt  }
0x52: {  	_ =	shalt  }
0x53: {  	_ =	shalt  }
0x54: {  	_ =	shalt  }
0x55: {  	_ =	shalt  }
0x56: {  	_ =	shalt  }
0x57: {  	_ =	shalt  }
0x58: {  	_ =	shalt  }
0x59: {  	_ =	shalt  }
0x5a: {  	_ =	shalt  }
0x5b: {  	_ =	shalt  }
0x5c: {  	_ =	shalt  }
0x5d: {  	_ =	shalt  }
0x5e: {  	_ =	shalt  }
0x5f: {  	_ =	shalt  }
0x60: {  	_ =	shalt  }
0x61: {  	_ =	shalt  }
0x62: {  	_ =	shalt  }
0x63: {  	_ =	shalt  }
0x64: {  	_ =	shalt  }
0x65: {  	_ =	shalt  }
0x66: {  	_ =	shalt  }
0x67: {  	_ =	shalt  }
0x68: {  	_ =	shalt  }
0x69: {  	_ =	shalt  }
0x6a: {  	_ =	shalt  }
0x6b: {  	_ =	shalt  }
0x6c: {  	_ =	shalt  }
0x6d: {  	_ =	shalt  }
0x6e: {  	_ =	shalt  }
0x6f: {  	_ =	shalt  }
0x70: {  	_ =	shalt  }
0x71: {  	_ =	shalt  }
0x72: {  	_ =	shalt  }
0x73: {  	_ =	shalt  }
0x74: {  	_ =	shalt  }
0x75: {  	_ =	shalt  }
0x76: {  	_ =	shalt  }
0x77: {  	_ =	shalt  }
0x78: {  	_ =	shalt  }
0x79: {  	_ =	shalt  }
0x7a: {  	_ =	shalt  }
0x7b: {  	_ =	shalt  }
0x7c: {  	_ =	shalt  }
0x7d: {  	_ =	shalt  }
0x7e: {  	_ =	shalt  }
0x7f: {  	_ =	shalt  }
0x80: {  	_ =	shalt  }
0x81: {  	_ =	shalt  }
0x82: {  	_ =	shalt  }
0x83: {  	_ =	shalt  }
0x84: {  	_ =	shalt  }
0x85: {  	_ =	shalt  }
0x86: {  	_ =	shalt  }
0x87: {  	_ =	shalt  }
.Lfunc_end0:
.L_simem_size_0:
called_computation.1_lowered:
.L_overlay_start_0:
0x88: {  	s2 =	sld [smem:$0x3FD9]  }
0x89: {  	s3 =	sld [smem:$0x3FFE];
	_ =	sdelay $0x1  }
0x8a: {  	s1 =	srdreg.scid  }
0x8b: {  	s0 =	sand.u32 $0x1, s1  }
0x8c: {  	s17 =	sshll.u32 s0, $0xA;
	s2 =	sadd.s32 s3, s2  }
0x8d: {  	s2 =	sadd.s32 s2, s17  }
0x8e: {  	[smem:$0x3FC0] =	sst s2  }
0x8f: {  	_ = 	snop  }
0x90: {  	(tm) =	ssettm $0x1  }
0x91: {  	s18 =	sld [smem:$0x3FFB];
	_ =	sdelay $0x3  }
0x92: {  	_ =	strace s18  }
0x93: {  	s2 =	sld [smem:$0x3FFC];
	_ =	sdelay $0x3  }
0x94: {  	_ =	strace s2  }
0x95: {  	s2 =	sld [smem:$0x3FFD];
	_ =	sdelay $0x3  }
0x96: {  	_ =	strace s2  }
0x97: {  	_ =	strace $0x8FFFFFFF  }
0x98: {  	s19 =	sld [smem:$0x3FDB];
	_ =	sdelay $0x1  }
0x99: {  	s20 =	simm.s32 $_scs_section_size  }
0x9a: {  	s4 =	simm.s32 $_size__tile_overlayer_lowered;
	s5 =	simm.s32 $_tile_overlayer_lowered  }
0x9b: {  	s6 =	simm.s32 $0x1BFF;
	s21 =	sshll.u32 s5, $0x1;
	s3 =	sadd.s32 s20, s19  }
0x9c: {  	s22 =	simm.s32 $0x0;
	s4 =	sshll.u32 s4, $0x1;
	s5 =	sadd.s32 s21, s3  }
0x9d: {  	[timem:s22], [sflag:s6] =	dma.local [hbm:s5], s4  }
0x9e: {  	_ =	swait.ge [sflag:s6], s4  }
0x9f: {  	s4 =	ssub.s32 $0x0, s4;
	[sflag:s6] =	ssyncset.done $0x0  }
0xa0: {  	[sflag:s6] =	ssyncadd.s32 s4;
	_ =	sdelay $0x1  }
0xa1: {  	s23 =	simm.s32 $0x1B8B  }
0xa2: {  	_ =	swait.ge [sflag:s23], $0x1  }
0xa3: {  	[sflag:s23] =	ssyncset.done $0x0  }
0xa4: {  	[sflag:s23] =	ssyncadd.s32 $0xFFFFFFFF  }
0xa5: {  	s4 =	sld [smem:$0x0]  }
0xa6: {  	s5 =	sand.u32 $0xFFFFFFFE, s1  }
0xa7: {  	p0 =	sne.s32 s1, s5  }
0xa8: {  	s5 =	sshll.u32 @p0 s5, $0xE  }
0xa9: {  	s5 =	sadd.s32 @p0 $0x11B8D, s5;
	s6 =	sshll.u32 @p0 s4, $0x11  }
0xaa: {  	s5 =	sor.u32 @p0 s6, s5  }
0xab: {  	[sflag:s5] =	ssyncadd.remote.s32 @p0 $0x1;
	_ =	sdelay $0x1  }
0xac: {  	s5 =	simm.s32 @p0 $0x1B8D  }
0xad: {  	_ =	swait.eq @p0 [sflag:s5], $0x1  }
0xae: {  	[sflag:s5] =	ssyncadd.s32 @p0 $0xFFFFFFFF  }
0xaf: {  	s6 =	sshll.u32 @!p0 s1, $0xE  }
0xb0: {  	s6 =	sor.u32 @!p0 $0x4000, s6;
	s5 =	simm.s32 @!p0 $0x1B8D  }
0xb1: {  	s4 =	sshll.u32 @!p0 s4, $0x11;
	s6 =	sadd.s32 @!p0 $0x11B8D, s6;
	_ =	swait.eq @!p0 [sflag:s5], $0x1  }
0xb2: {  	s4 =	sor.u32 @!p0 s4, s6;
	[sflag:s5] =	ssyncadd.s32 @!p0 $0xFFFFFFFF  }
0xb3: {  	s25 =	simm.s32 $0x1B8E;
	s24 =	sld [smem:$0x3FFE];
	[sflag:s4] =	ssyncadd.remote.s32 @!p0 $0x1  }
0xb4: {  	s26 =	simm.s32 $execute0_lowered;
	[smem:$0x3FD2] =	sst s25  }
0xb5: {  	s5 =	sshll.u32 s26, $0x1;
	_ =	strace $0x80000049;
	[dreg:$0x1] =	wrdreg $0xFFFFFFFF  }
0xb6: {  	s28 =	simm.s32 $_size_execute0_lowered;
	s3 =	sadd.s32 s3, s5;
	[dreg:$0x0] =	wrdreg $0x0  }
0xb7: {  	s5 =	sshll.u32 s28, $0x1;
	[dreg:$0x2] =	wrdreg s3  }
0xb8: {  	[dreg:$0x3] =	wrdreg s5  }
0xb9: {  	[dreg:$0x4] =	wrdreg $0xC0  }
0xba: {  	_ =	task [dreg:s22], $0x5FFFF  }
0xbb: {  	[dreg:$0x1] =	wrdreg $0xFFFFFFFF  }
0xbc: {  	[dreg:$0x0] =	wrdreg $0x60  }
0xbd: {  	[dreg:$0x2] =	wrdreg s24  }
0xbe: {  	[dreg:$0x3] =	wrdreg $0x100400  }
0xbf: {  	[dreg:$0x4] =	wrdreg $0xA  }
0xc0: {  	_ =	task.clear_ibuf [dreg:s22], $0x5FFFF;
	_ =	strace $0x90000049  }
0xc1: {  	s29 =	simm.s32 $0xA;
	_ =	strace $0x8000004B  }
0xc2: {  	_ =	swait.ge [sflag:s29], $0x1  }
0xc3: {  	[sflag:s29] =	ssyncadd.s32 $0xFFFFFFFF  }
0xc4: {  	_ =	strace $0x9000004B  }
0xc5: {  	_ =	sfence  }
0xc6: {  	s30 =	sld [smem:$0x0];
	_ =	sdelay $0x2  }
0xc7: {  	s31 =	sshll.u32 s1, $0xD;
	s1 =	sshrl.u32 s1, $0x2  }
0xc8: {  	s4 =	sand.u32 $0x4000, s31;
	s1 =	sadd.s32 s1, s30  }
0xc9: {  	s0 =	sor.u32 s4, s0;
	s1 =	sshll.u32 s1, $0x11  }
0xca: {  	s0 =	sor.u32 s1, s0  }
0xcb: {  	s0 =	sadd.s32 $0x8F2B, s0  }
0xcc: {  	[sflag:s0] =	ssyncadd.remote.s32 $0x1  }
0xcd: {  	_ =	sfence.sel $0xFFFF  }
0xce: {  	[dreg:$0x0] =	wrdreg $0xFFFFFFFF;
	(pc) =	sbr.abs _section_cstart, $3  }
0xcf: {  	[dreg:$0x1] =	wrdreg $0xFFFFFFFF  }
0xd0: {  	_ =	task.clear_ibuf [dreg:s22], $0x2FFFF;
	_ =	strace $0x9FFFFFFF  }
0xd1: {  	(tm) =	ssettm $0x7FFFFFFF  }
tec
execute0_lowered:
.L_overlay_start_1:
0x0: {  	(tag) =	ssettag $0x1  }
0x1: {  	s0 =	rddreg [dreg:$0x0]  }
0x2: {  	s2 =	rddreg [dreg:$0x1]  }
0x3: {  	s8 =	stileid.u32;
	s3 =	srdreg.scid;
	s4 =	simm.s32 $0x0  }
0x4: {  	s17 =	simm.s32 $0xB;
	s18 =	simm.s32 $0x4E20;
	s19 =	simm.s32 $0x9C40  }
0x5: {  	s28 =	simm.s32 $0x2;
	s31 =	simm.s32 $0xEC40;
	s1 =	smul.u32 $0x4E20, s8  }
0x6: {  	s30 =	simm.s32 $0x4;
	s29 =	simm.s32 $0x8;
	s20 =	smul.u32 $0xA000, s8  }
0x7: {  	s6 =	sand.u32 $0x1, s3;
	[smem:$0x7FF] =	sst s4;
	s8 =	smul.u32 $0x28000, s8  }
0x8: {  	s4 =	sadd.s32 $0x16000, s0;
	s3 =	simm.s32 $0x9;
	s5 =	smul.u32 $0xA0000, s6  }
0x9: {  	_ =	strace $0x8000004A;
	s7 =	ssub.s32 $0x2, s6;
	v0 =	vmov s6;
	s6 =	simm.s32 $0x0  }
0xa: {  	s1 =	sshrl.u32 s1, $0x3;
	s21 =	sshrl.u32 s7, $0x1;
	s8 =	sshrl.u32 s8, $0x2  }
0xb: {  	s5 =	sadd.s32 s20, s5;
	s1 =	sadd.s32 s1, s0;
	s23 =	sadd.s32 s8, s2  }
0xc: {  	s5 =	sshrl.u32 s5, $0x3;
	s22 =	sadd.s32 $0x2600, s1;
	s1 =	sadd.s32 $0xC240, s1  }
0xd: {  	s24 =	sadd.s32 $0x1400, s23;
	s25 =	sadd.s32 $0x2800, s23;
	s26 =	sadd.s32 $0x3C00, s23  }
0xe: {  	s11 =	sadd.s32 $0x5000, s23;
	s12 =	sadd.s32 $0x6400, s23;
	[dreg:$0x3] =	wrdreg s22  }
0xf: {  	s13 =	sadd.s32 $0x7800, s23;
	s14 =	sadd.s32 $0x8C00, s23;
	[dreg:$0x4] =	wrdreg s1  }
0x10: {  	s23 =	simm.s32 $0xC440;
	s0 =	sadd.s32 s5, s0;
	[dreg:$0x5] =	wrdreg s24  }
0x11: {  	s5 =	ssub.s32 s7, s21;
	s7 =	sadd.s32 s20, s2;
	[dreg:$0x6] =	wrdreg s25  }
0x12: {  	[dreg:$0x7] =	wrdreg s26;
	s20 =	simm.s32 $0x50;
	s21 =	simm.s32 $0xB040  }
0x13: {  	s24 =	simm.s32 $0x1;
	s26 =	simm.s32 $0xD840;
	s25 =	simm.s32 $0x6  }
0x14: {  	s1 =	simm.s32 $0x7;
	s22 =	simm.s32 $0x5;
	s15 =	sadd.s32 $0x3D200, s0  }
0x15: {  	v1 =	vimm.f32 $0.0e+00;
	s16 =	smax.u32 s5, $0x1;
	s0 =	simm.s32 $0x3;
	s5 =	simm.s32 $0xA  }
.LBB2_1:
0x16: {  	s8 =	simm.s32 $0x0;
	s9 =	rddreg [dreg:$0x3]  }
0x17: {  	[tilespmem:s8], [sflag:$0xB] =	stream.linear.gather [hbm4b:s9+s8], $0x4E20, $0x38;
	[tilespmem:$0x1A040] =	vst v63  }
0x18: {  	_ =	swait.ge [sflag:s17], $0x4E20  }
0x19: {  	[sflag:s17] =	ssyncset.done $0x0  }
0x1a: {  	s10 =	rddreg [dreg:$0x4];
	[sflag:s17] =	ssyncadd.s32 $0xFFFFB1E0  }
0x1b: {  	[tilespmem:s18], [sflag:$0xB] =	stream.linear.gather [hbm4b:s10+s8], $0x4E20, $0x38;
	[tilespmem:$0x1A040] =	vst v63  }
0x1c: {  	_ =	swait.ge [sflag:s17], $0x4E20  }
0x1d: {  	[sflag:s17] =	ssyncset.done $0x0  }
0x1e: {  	s8 =	simm.s32 $0x40;
	[sflag:s17] =	ssyncadd.s32 $0xFFFFB1E0  }
0x1f: {  	v2 =	vld [tilespmem:s8+$0xFFFFFFC0]  }
0x20: {  	v3 =	vld [tilespmem:s8+$0xFFFFFFD0]  }
0x21: {  	v4 =	vld [tilespmem:s8+$0xFFFFFFE0]  }
0x22: {  	v5 =	vld [tilespmem:s8+$0x0]  }
0x23: {  	v6 =	vld [tilespmem:s8+$0xFFFFFFF0]  }
0x24: {  	v2 =	vshll.u32 v2, $0x1  }
0x25: {  	v3 =	vshll.u32 v3, $0x1;
	v2 =	vor.u32 v0, v2  }
0x26: {  	s9 =	simm.s32 $0x90;
	v4 =	vshll.u32 v4, $0x1;
	v3 =	vor.u32 v0, v3;
	[tilespmem:s8+$0xFFFFFFC0] =	vst v2  }
0x27: {  	v5 =	vshll.u32 v5, $0x1;
	v4 =	vor.u32 v0, v4;
	v2 =	vld [tilespmem:s9+$0xFFFFFFC0];
	[tilespmem:s8+$0xFFFFFFD0] =	vst v3  }
0x28: {  	v6 =	vshll.u32 v6, $0x1;
	v7 =	vor.u32 v0, v5;
	v3 =	vld [tilespmem:s9+$0xFFFFFFD0];
	[tilespmem:s8+$0xFFFFFFE0] =	vst v4  }
0x29: {  	s10 =	simm.s32 $0x380;
	v5 =	vor.u32 v0, v6;
	v4 =	vld [tilespmem:s9+$0xFFFFFFE0];
	[tilespmem:s8+$0x0] =	vst v7  }
.LBB2_2:
0x2a: {  	p0 =	sne.s32 s10, $0x13840;
	v6 =	vld [tilespmem:s9+$0x0];
	[tilespmem:s8+$0xFFFFFFF0] =	vst v5;
	s8 =	smov.u32 s9  }
0x2b: {  	v5 =	vld [tilespmem:s8+$0xFFFFFFF0]  }
0x2c: {  	v2 =	vshll.u32 v2, $0x1  }
.Ltmp0:
0x2d: {  	v2 =	vor.u32 v0, v2;
	v3 =	vshll.u32 v3, $0x1;
	(pc) =	sbr.rel @p0 .LBB2_2-.Ltmp0, $4  }
0x2e: {  	s9 =	sshra.s32 s10, $0x2;
	[tilespmem:s8+$0xFFFFFFC0] =	vst v2;
	v3 =	vor.u32 v0, v3;
	v4 =	vshll.u32 v4, $0x1  }
0x2f: {  	v2 =	vld [tilespmem:s9+$0xFFFFFFC0];
	[tilespmem:s8+$0xFFFFFFD0] =	vst v3;
	v4 =	vor.u32 v0, v4;
	v6 =	vshll.u32 v6, $0x1  }
0x30: {  	v3 =	vld [tilespmem:s9+$0xFFFFFFD0];
	[tilespmem:s8+$0xFFFFFFE0] =	vst v4;
	v5 =	vshll.u32 v5, $0x1;
	v6 =	vor.u32 v0, v6  }
0x31: {  	s10 =	sadd.s32 $0x140, s10;
	v4 =	vld [tilespmem:s9+$0xFFFFFFE0];
	v5 =	vor.u32 v0, v5;
	[tilespmem:s8+$0x0] =	vst v6  }
0x32: {  	v6 =	vld [tilespmem:s9+$0x0];
	[tilespmem:s8+$0xFFFFFFF0] =	vst v5  }
0x33: {  	v5 =	vld [tilespmem:s9+$0xFFFFFFF0]  }
0x34: {  	v2 =	vshll.u32 v2, $0x1  }
0x35: {  	v2 =	vor.u32 v0, v2;
	v3 =	vshll.u32 v3, $0x1  }
0x36: {  	[tilespmem:s9+$0xFFFFFFC0] =	vst v2;
	v2 =	vor.u32 v0, v3;
	v3 =	vshll.u32 v4, $0x1  }
0x37: {  	[tilespmem:s9+$0xFFFFFFD0] =	vst v2;
	v2 =	vor.u32 v0, v3;
	v3 =	vshll.u32 v6, $0x1  }
0x38: {  	[tilespmem:s9+$0xFFFFFFE0] =	vst v2;
	v2 =	vshll.u32 v5, $0x1;
	v3 =	vor.u32 v0, v3  }
0x39: {  	v2 =	vor.u32 v0, v2;
	[tilespmem:s9+$0x0] =	vst v3  }
0x3a: {  	s8 =	simm.s32 $0x0;
	[tilespmem:s9+$0xFFFFFFF0] =	vst v2;
	s9 =	simm.s32 $0x100  }
.LBB2_4:
0x3b: {  	p0 =	sne.s32 s9, $0x4F00;
	[tilespmem:s8+$0x9C70] =	vst v1;
	s10 =	smov.u32 s9;
	s9 =	sadd.s32 $0x100, s9  }
.Ltmp1:
0x3c: {  	[tilespmem:s8+$0x9C60] =	vst v1;
	(pc) =	sbr.rel @p0 .LBB2_4-.Ltmp1, $3  }
0x3d: {  	[tilespmem:s8+$0x9C40] =	vst v1  }
0x3e: {  	[tilespmem:s8+$0x9C50] =	vst v1;
	_ =	sdelay $0x1  }
0x3f: {  	s8 =	sshra.s32 s10, $0x2  }
0x40: {  	[tilespmem:s8+$0x9C70] =	vst v1  }
0x41: {  	[tilespmem:s8+$0x9C60] =	vst v1  }
0x42: {  	[tilespmem:s8+$0x9C40] =	vst v1  }
0x43: {  	[tilespmem:s8+$0x9C50] =	vst v1  }
0x44: {  	[spmem:s7] =	stream.linear.scatter [tilespmem:s19], [sflag:$0xB], $0x1400, $0x38;
	[tilespmem:$0x1A040] =	vst v63  }
0x45: {  	_ =	swait.ge [sflag:s17], $0x1400  }
0x46: {  	[sflag:s17] =	ssyncset.done $0x0  }
0x47: {  	s9 =	rddreg [dreg:$0x5];
	[sflag:s17] =	ssyncadd.s32 $0xFFFFEC00  }
0x48: {  	[spmem:s9] =	stream.linear.scatter [tilespmem:s19], [sflag:$0xB], $0x1400, $0x38;
	[tilespmem:$0x1A040] =	vst v63  }
0x49: {  	_ =	swait.ge [sflag:s17], $0x1400  }
0x4a: {  	[sflag:s17] =	ssyncset.done $0x0  }
0x4b: {  	s10 =	rddreg [dreg:$0x6];
	[sflag:s17] =	ssyncadd.s32 $0xFFFFEC00  }
0x4c: {  	[spmem:s10] =	stream.linear.scatter [tilespmem:s19], [sflag:$0xB], $0x1400, $0x38;
	[tilespmem:$0x1A040] =	vst v63  }
0x4d: {  	_ =	swait.ge [sflag:s17], $0x1400  }
0x4e: {  	[sflag:s17] =	ssyncset.done $0x0  }
0x4f: {  	s9 =	rddreg [dreg:$0x7];
	[sflag:s17] =	ssyncadd.s32 $0xFFFFEC00  }
0x50: {  	[spmem:s9] =	stream.linear.scatter [tilespmem:s19], [sflag:$0xB], $0x1400, $0x38;
	[tilespmem:$0x1A040] =	vst v63  }
0x51: {  	_ =	swait.ge [sflag:s17], $0x1400  }
0x52: {  	[sflag:s17] =	ssyncset.done $0x0  }
0x53: {  	[sflag:s17] =	ssyncadd.s32 $0xFFFFEC00  }
0x54: {  	[spmem:s11] =	stream.linear.scatter [tilespmem:s19], [sflag:$0xB], $0x1400, $0x38;
	[tilespmem:$0x1A040] =	vst v63  }
0x55: {  	_ =	swait.ge [sflag:s17], $0x1400  }
0x56: {  	[sflag:s17] =	ssyncset.done $0x0  }
0x57: {  	[sflag:s17] =	ssyncadd.s32 $0xFFFFEC00  }
0x58: {  	[spmem:s12] =	stream.linear.scatter [tilespmem:s19], [sflag:$0xB], $0x1400, $0x38;
	[tilespmem:$0x1A040] =	vst v63  }
0x59: {  	_ =	swait.ge [sflag:s17], $0x1400  }
0x5a: {  	[sflag:s17] =	ssyncset.done $0x0  }
0x5b: {  	[sflag:s17] =	ssyncadd.s32 $0xFFFFEC00  }
0x5c: {  	[spmem:s13] =	stream.linear.scatter [tilespmem:s19], [sflag:$0xB], $0x1400, $0x38;
	[tilespmem:$0x1A040] =	vst v63  }
0x5d: {  	_ =	swait.ge [sflag:s17], $0x1400  }
0x5e: {  	[sflag:s17] =	ssyncset.done $0x0  }
0x5f: {  	[sflag:s17] =	ssyncadd.s32 $0xFFFFEC00  }
0x60: {  	[spmem:s14] =	stream.linear.scatter [tilespmem:s19], [sflag:$0xB], $0x1400, $0x38;
	[tilespmem:$0x1A040] =	vst v63  }
0x61: {  	_ =	swait.ge [sflag:s17], $0x1400  }
0x62: {  	[sflag:s17] =	ssyncset.done $0x0  }
0x63: {  	[sflag:s17] =	ssyncadd.s32 $0xFFFFEC00  }
0x64: {  	s10 =	simm.s32 $0x0;
	[bflag:$0x0] =	sbarrier.arrive $0xFFFF  }
0x65: {  	[tilespmem:s19], [sflag:$0x1] =	stream.indirect.gather [hbm4b:s4+s20], $0x40, s10, s20, $0xb8;
	[tilespmem:$0x1A040] =	vst v63  }
0x66: {  	_ = 	snop  }
0x67: {  	[tilespmem:s21], [sflag:$0x2] =	stream.indirect.gather [hbm4b:s4+s20], $0x40, s20, s20, $0xb8;
	[tilespmem:$0x1A040] =	vst v63  }
0x68: {  	s9 =	simm.s32 $0xA0  }
0x69: {  	[tilespmem:s23], [sflag:$0x3] =	stream.indirect.gather [hbm4b:s4+s20], $0x40, s9, s20, $0xb8;
	[tilespmem:$0x1A040] =	vst v63  }
0x6a: {  	_ =	swait.ge [sflag:s24], $0x1400  }
0x6b: {  	[sflag:s24] =	ssyncset.done $0x0  }
0x6c: {  	[sflag:s24] =	ssyncadd.s32 $0xFFFFEC00  }
0x6d: {  	[spmem:s2] =	stream.indirect.scatter.add.f32 [tilespmem:s19], [sflag:$0x6], $0x40, s18, s20, $0xb8;
	[tilespmem:$0x1A040] =	vst v63  }
0x6e: {  	s10 =	simm.s32 $0xF0  }
0x6f: {  	[tilespmem:s26], [sflag:$0x4] =	stream.indirect.gather [hbm4b:s4+s20], $0x40, s10, s20, $0xb8;
	[tilespmem:$0x1A040] =	vst v63  }
0x70: {  	_ =	swait.ge [sflag:s28], $0x1400  }
0x71: {  	[sflag:s28] =	ssyncset.done $0x0  }
0x72: {  	s9 =	simm.s32 $0x4E70;
	[sflag:s28] =	ssyncadd.s32 $0xFFFFEC00  }
0x73: {  	[spmem:s2] =	stream.indirect.scatter.add.f32 [tilespmem:s21], [sflag:$0x7], $0x40, s9, s20, $0xb8;
	[tilespmem:$0x1A040] =	vst v63  }
0x74: {  	s10 =	simm.s32 $0x140  }
0x75: {  	[tilespmem:s31], [sflag:$0x5] =	stream.indirect.gather [hbm4b:s4+s20], $0x40, s10, s20, $0xb8;
	[tilespmem:$0x1A040] =	vst v63  }
0x76: {  	_ =	swait.ge [sflag:s0], $0x1400  }
0x77: {  	[sflag:s0] =	ssyncset.done $0x0  }
0x78: {  	s9 =	simm.s32 $0x4EC0;
	[sflag:s0] =	ssyncadd.s32 $0xFFFFEC00  }
0x79: {  	[spmem:s2] =	stream.indirect.scatter.add.f32 [tilespmem:s23], [sflag:$0x8], $0x40, s9, s20, $0xb8;
	[tilespmem:$0x1A040] =	vst v63  }
0x7a: {  	_ =	swait.ge [sflag:s25], $0x1400  }
0x7b: {  	[sflag:s25] =	ssyncset.done $0x0  }
0x7c: {  	s10 =	simm.s32 $0x190;
	[sflag:s25] =	ssyncadd.s32 $0xFFFFEC00  }
0x7d: {  	[tilespmem:s19], [sflag:$0x1] =	stream.indirect.gather [hbm4b:s4+s20], $0x40, s10, s20, $0xb8;
	[tilespmem:$0x1A040] =	vst v63  }
0x7e: {  	_ =	swait.ge [sflag:s30], $0x1400  }
0x7f: {  	[sflag:s30] =	ssyncset.done $0x0  }
0x80: {  	s9 =	simm.s32 $0x4F10;
	[sflag:s30] =	ssyncadd.s32 $0xFFFFEC00  }
0x81: {  	[spmem:s2] =	stream.indirect.scatter.add.f32 [tilespmem:s26], [sflag:$0x9], $0x40, s9, s20, $0xb8;
	[tilespmem:$0x1A040] =	vst v63  }
0x82: {  	_ =	swait.ge [sflag:s1], $0x1400  }
0x83: {  	[sflag:s1] =	ssyncset.done $0x0  }
0x84: {  	s10 =	simm.s32 $0x1E0;
	[sflag:s1] =	ssyncadd.s32 $0xFFFFEC00  }
0x85: {  	[tilespmem:s21], [sflag:$0x2] =	stream.indirect.gather [hbm4b:s4+s20], $0x40, s10, s20, $0xb8;
	[tilespmem:$0x1A040] =	vst v63  }
0x86: {  	_ =	swait.ge [sflag:s22], $0x1400  }
0x87: {  	[sflag:s22] =	ssyncset.done $0x0  }
0x88: {  	s9 =	simm.s32 $0x4F60;
	[sflag:s22] =	ssyncadd.s32 $0xFFFFEC00  }
0x89: {  	[spmem:s2] =	stream.indirect.scatter.add.f32 [tilespmem:s31], [sflag:$0xA], $0x40, s9, s20, $0xb8;
	[tilespmem:$0x1A040] =	vst v63  }
0x8a: {  	_ =	swait.ge [sflag:s29], $0x1400  }
0x8b: {  	[sflag:s29] =	ssyncset.done $0x0  }
0x8c: {  	s10 =	simm.s32 $0x230;
	[sflag:s29] =	ssyncadd.s32 $0xFFFFEC00  }
0x8d: {  	[tilespmem:s23], [sflag:$0x3] =	stream.indirect.gather [hbm4b:s4+s20], $0x40, s10, s20, $0xb8;
	[tilespmem:$0x1A040] =	vst v63  }
0x8e: {  	_ =	swait.ge [sflag:s24], $0x1400  }
0x8f: {  	[sflag:s24] =	ssyncset.done $0x0  }
0x90: {  	s9 =	simm.s32 $0x4FB0;
	[sflag:s24] =	ssyncadd.s32 $0xFFFFEC00  }
0x91: {  	[spmem:s2] =	stream.indirect.scatter.add.f32 [tilespmem:s19], [sflag:$0x6], $0x40, s9, s20, $0xb8;
	[tilespmem:$0x1A040] =	vst v63  }
0x92: {  	_ =	swait.ge [sflag:s3], $0x1400  }
0x93: {  	[sflag:s3] =	ssyncset.done $0x0  }
0x94: {  	s10 =	simm.s32 $0x280;
	[sflag:s3] =	ssyncadd.s32 $0xFFFFEC00  }
0x95: {  	[tilespmem:s26], [sflag:$0x4] =	stream.indirect.gather [hbm4b:s4+s20], $0x40, s10, s20, $0xb8;
	[tilespmem:$0x1A040] =	vst v63  }
0x96: {  	_ =	swait.ge [sflag:s28], $0x1400  }
0x97: {  	[sflag:s28] =	ssyncset.done $0x0  }
0x98: {  	s9 =	simm.s32 $0x5000;
	[sflag:s28] =	ssyncadd.s32 $0xFFFFEC00  }
0x99: {  	[spmem:s2] =	stream.indirect.scatter.add.f32 [tilespmem:s21], [sflag:$0x7], $0x40, s9, s20, $0xb8;
	[tilespmem:$0x1A040] =	vst v63  }
0x9a: {  	_ =	swait.ge [sflag:s5], $0x1400  }
0x9b: {  	[sflag:s5] =	ssyncset.done $0x0  }
0x9c: {  	s10 =	simm.s32 $0x2D0;
	[sflag:s5] =	ssyncadd.s32 $0xFFFFEC00  }
0x9d: {  	[tilespmem:s31], [sflag:$0x5] =	stream.indirect.gather [hbm4b:s4+s20], $0x40, s10, s20, $0xb8;
	[tilespmem:$0x1A040] =	vst v63  }
0x9e: {  	_ =	swait.ge [sflag:s0], $0x1400  }
0x9f: {  	[sflag:s0] =	ssyncset.done $0x0  }
0xa0: {  	s9 =	simm.s32 $0x5050;
	[sflag:s0] =	ssyncadd.s32 $0xFFFFEC00  }
0xa1: {  	[spmem:s2] =	stream.indirect.scatter.add.f32 [tilespmem:s23], [sflag:$0x8], $0x40, s9, s20, $0xb8;
	[tilespmem:$0x1A040] =	vst v63  }
0xa2: {  	_ =	swait.ge [sflag:s25], $0x1400  }
0xa3: {  	[sflag:s25] =	ssyncset.done $0x0  }
0xa4: {  	s10 =	simm.s32 $0x320;
	[sflag:s25] =	ssyncadd.s32 $0xFFFFEC00  }
0xa5: {  	[tilespmem:s19], [sflag:$0x1] =	stream.indirect.gather [hbm4b:s4+s20], $0x40, s10, s20, $0xb8;
	[tilespmem:$0x1A040] =	vst v63  }
0xa6: {  	_ =	swait.ge [sflag:s30], $0x1400  }
0xa7: {  	[sflag:s30] =	ssyncset.done $0x0  }
0xa8: {  	s9 =	simm.s32 $0x50A0;
	[sflag:s30] =	ssyncadd.s32 $0xFFFFEC00  }
0xa9: {  	[spmem:s2] =	stream.indirect.scatter.add.f32 [tilespmem:s26], [sflag:$0x9], $0x40, s9, s20, $0xb8;
	[tilespmem:$0x1A040] =	vst v63  }
0xaa: {  	_ =	swait.ge [sflag:s1], $0x1400  }
0xab: {  	[sflag:s1] =	ssyncset.done $0x0  }
0xac: {  	s10 =	simm.s32 $0x370;
	[sflag:s1] =	ssyncadd.s32 $0xFFFFEC00  }
0xad: {  	[tilespmem:s21], [sflag:$0x2] =	stream.indirect.gather [hbm4b:s4+s20], $0x40, s10, s20, $0xb8;
	[tilespmem:$0x1A040] =	vst v63  }
0xae: {  	_ =	swait.ge [sflag:s22], $0x1400  }
0xaf: {  	[sflag:s22] =	ssyncset.done $0x0  }
0xb0: {  	s8 =	simm.s32 $0x640;
	s9 =	simm.s32 $0x50F0;
	[sflag:s22] =	ssyncadd.s32 $0xFFFFEC00  }
.LBB2_6:
0xb1: {  	[spmem:s2] =	stream.indirect.scatter.add.f32 [tilespmem:s31], [sflag:$0xA], $0x40, s9, s20, $0xb8;
	[tilespmem:$0x1A040] =	vst v63  }
0xb2: {  	s9 =	smov.u32 s8  }
0xb3: {  	p0 =	sne.s32 s8, $0x125C0;
	s8 =	sadd.s32 $0x640, s8;
	_ =	swait.ge [sflag:s29], $0x1400  }
0xb4: {  	s9 =	sshra.s32 s9, $0x2;
	[sflag:s29] =	ssyncset.done $0x0  }
0xb5: {  	s10 =	sadd.s32 $0x230, s9;
	[sflag:s29] =	ssyncadd.s32 $0xFFFFEC00  }
0xb6: {  	[tilespmem:s23], [sflag:$0x3] =	stream.indirect.gather [hbm4b:s4+s20], $0x40, s10, s20, $0xb8;
	[tilespmem:$0x1A040] =	vst v63  }
0xb7: {  	_ =	swait.ge [sflag:s24], $0x1400  }
0xb8: {  	[sflag:s24] =	ssyncset.done $0x0  }
0xb9: {  	s10 =	sadd.s32 $0x4FB0, s9;
	[sflag:s24] =	ssyncadd.s32 $0xFFFFEC00  }
0xba: {  	[spmem:s2] =	stream.indirect.scatter.add.f32 [tilespmem:s19], [sflag:$0x6], $0x40, s10, s20, $0xb8;
	[tilespmem:$0x1A040] =	vst v63  }
0xbb: {  	_ =	swait.ge [sflag:s3], $0x1400  }
0xbc: {  	[sflag:s3] =	ssyncset.done $0x0  }
0xbd: {  	s10 =	sadd.s32 $0x280, s9;
	[sflag:s3] =	ssyncadd.s32 $0xFFFFEC00  }
0xbe: {  	[tilespmem:s26], [sflag:$0x4] =	stream.indirect.gather [hbm4b:s4+s20], $0x40, s10, s20, $0xb8;
	[tilespmem:$0x1A040] =	vst v63  }
0xbf: {  	_ =	swait.ge [sflag:s28], $0x1400  }
0xc0: {  	[sflag:s28] =	ssyncset.done $0x0  }
0xc1: {  	s10 =	sadd.s32 $0x5000, s9;
	[sflag:s28] =	ssyncadd.s32 $0xFFFFEC00  }
0xc2: {  	[spmem:s2] =	stream.indirect.scatter.add.f32 [tilespmem:s21], [sflag:$0x7], $0x40, s10, s20, $0xb8;
	[tilespmem:$0x1A040] =	vst v63  }
0xc3: {  	_ =	swait.ge [sflag:s5], $0x1400  }
0xc4: {  	[sflag:s5] =	ssyncset.done $0x0  }
0xc5: {  	s10 =	sadd.s32 $0x2D0, s9;
	[sflag:s5] =	ssyncadd.s32 $0xFFFFEC00  }
0xc6: {  	[tilespmem:s31], [sflag:$0x5] =	stream.indirect.gather [hbm4b:s4+s20], $0x40, s10, s20, $0xb8;
	[tilespmem:$0x1A040] =	vst v63  }
0xc7: {  	_ =	swait.ge [sflag:s0], $0x1400  }
0xc8: {  	[sflag:s0] =	ssyncset.done $0x0  }
0xc9: {  	s10 =	sadd.s32 $0x5050, s9;
	[sflag:s0] =	ssyncadd.s32 $0xFFFFEC00  }
0xca: {  	[spmem:s2] =	stream.indirect.scatter.add.f32 [tilespmem:s23], [sflag:$0x8], $0x40, s10, s20, $0xb8;
	[tilespmem:$0x1A040] =	vst v63  }
0xcb: {  	_ =	swait.ge [sflag:s25], $0x1400  }
0xcc: {  	[sflag:s25] =	ssyncset.done $0x0  }
0xcd: {  	s10 =	sadd.s32 $0x320, s9;
	[sflag:s25] =	ssyncadd.s32 $0xFFFFEC00  }
0xce: {  	[tilespmem:s19], [sflag:$0x1] =	stream.indirect.gather [hbm4b:s4+s20], $0x40, s10, s20, $0xb8;
	[tilespmem:$0x1A040] =	vst v63  }
0xcf: {  	_ =	swait.ge [sflag:s30], $0x1400  }
0xd0: {  	[sflag:s30] =	ssyncset.done $0x0  }
0xd1: {  	s10 =	sadd.s32 $0x50A0, s9;
	[sflag:s30] =	ssyncadd.s32 $0xFFFFEC00  }
0xd2: {  	[spmem:s2] =	stream.indirect.scatter.add.f32 [tilespmem:s26], [sflag:$0x9], $0x40, s10, s20, $0xb8;
	[tilespmem:$0x1A040] =	vst v63  }
0xd3: {  	_ =	swait.ge [sflag:s1], $0x1400  }
0xd4: {  	[sflag:s1] =	ssyncset.done $0x0  }
.Ltmp2:
0xd5: {  	s10 =	sadd.s32 $0x370, s9;
	[sflag:s1] =	ssyncadd.s32 $0xFFFFEC00;
	(pc) =	sbr.rel @p0 .LBB2_6-.Ltmp2, $4  }
0xd6: {  	[tilespmem:s21], [sflag:$0x2] =	stream.indirect.gather [hbm4b:s4+s20], $0x40, s10, s20, $0xb8;
	[tilespmem:$0x1A040] =	vst v63  }
0xd7: {  	_ =	swait.ge [sflag:s22], $0x1400  }
0xd8: {  	[sflag:s22] =	ssyncset.done $0x0  }
0xd9: {  	s9 =	sadd.s32 $0x50F0, s9;
	[sflag:s22] =	ssyncadd.s32 $0xFFFFEC00  }
0xda: {  	[spmem:s2] =	stream.indirect.scatter.add.f32 [tilespmem:s31], [sflag:$0xA], $0x40, s9, s20, $0xb8;
	[tilespmem:$0x1A040] =	vst v63  }
0xdb: {  	_ =	swait.ge [sflag:s29], $0x1400  }
0xdc: {  	[sflag:s29] =	ssyncset.done $0x0  }
0xdd: {  	s8 =	simm.s32 $0x4D30;
	[sflag:s29] =	ssyncadd.s32 $0xFFFFEC00  }
0xde: {  	[tilespmem:s23], [sflag:$0x3] =	stream.indirect.gather [hbm4b:s4+s20], $0x40, s8, s20, $0xb8;
	[tilespmem:$0x1A040] =	vst v63  }
0xdf: {  	_ =	swait.ge [sflag:s24], $0x1400  }
0xe0: {  	[sflag:s24] =	ssyncset.done $0x0  }
0xe1: {  	s10 =	simm.s32 $0x9AB0;
	[sflag:s24] =	ssyncadd.s32 $0xFFFFEC00  }
0xe2: {  	[spmem:s2] =	stream.indirect.scatter.add.f32 [tilespmem:s19], [sflag:$0x6], $0x40, s10, s20, $0xb8;
	[tilespmem:$0x1A040] =	vst v63  }
0xe3: {  	_ =	swait.ge [sflag:s3], $0x1400  }
0xe4: {  	[sflag:s3] =	ssyncset.done $0x0  }
0xe5: {  	s9 =	simm.s32 $0x4D80;
	[sflag:s3] =	ssyncadd.s32 $0xFFFFEC00  }
0xe6: {  	[tilespmem:s26], [sflag:$0x4] =	stream.indirect.gather [hbm4b:s4+s20], $0x40, s9, s20, $0xb8;
	[tilespmem:$0x1A040] =	vst v63  }
0xe7: {  	_ =	swait.ge [sflag:s28], $0x1400  }
0xe8: {  	[sflag:s28] =	ssyncset.done $0x0  }
0xe9: {  	s10 =	simm.s32 $0x9B00;
	[sflag:s28] =	ssyncadd.s32 $0xFFFFEC00  }
0xea: {  	[spmem:s2] =	stream.indirect.scatter.add.f32 [tilespmem:s21], [sflag:$0x7], $0x40, s10, s20, $0xb8;
	[tilespmem:$0x1A040] =	vst v63  }
0xeb: {  	_ =	swait.ge [sflag:s5], $0x1400  }
0xec: {  	[sflag:s5] =	ssyncset.done $0x0  }
0xed: {  	s9 =	simm.s32 $0x4DD0;
	[sflag:s5] =	ssyncadd.s32 $0xFFFFEC00  }
0xee: {  	[tilespmem:s31], [sflag:$0x5] =	stream.indirect.gather [hbm4b:s4+s20], $0x40, s9, s20, $0xb8;
	[tilespmem:$0x1A040] =	vst v63  }
0xef: {  	_ =	swait.ge [sflag:s0], $0x1400  }
0xf0: {  	[sflag:s0] =	ssyncset.done $0x0  }
0xf1: {  	s10 =	simm.s32 $0x9B50;
	[sflag:s0] =	ssyncadd.s32 $0xFFFFEC00  }
0xf2: {  	[spmem:s2] =	stream.indirect.scatter.add.f32 [tilespmem:s23], [sflag:$0x8], $0x40, s10, s20, $0xb8;
	[tilespmem:$0x1A040] =	vst v63  }
0xf3: {  	_ =	swait.ge [sflag:s25], $0x1400  }
0xf4: {  	[sflag:s25] =	ssyncset.done $0x0  }
0xf5: {  	[sflag:s25] =	ssyncadd.s32 $0xFFFFEC00  }
0xf6: {  	_ =	swait.ge [sflag:s30], $0x1400  }
0xf7: {  	[sflag:s30] =	ssyncset.done $0x0  }
0xf8: {  	s9 =	simm.s32 $0x9BA0;
	[sflag:s30] =	ssyncadd.s32 $0xFFFFEC00  }
0xf9: {  	[spmem:s2] =	stream.indirect.scatter.add.f32 [tilespmem:s26], [sflag:$0x9], $0x40, s9, s20, $0xb8;
	[tilespmem:$0x1A040] =	vst v63  }
0xfa: {  	_ =	swait.ge [sflag:s1], $0x1400  }
0xfb: {  	[sflag:s1] =	ssyncset.done $0x0  }
0xfc: {  	[sflag:s1] =	ssyncadd.s32 $0xFFFFEC00  }
0xfd: {  	_ =	swait.ge [sflag:s22], $0x1400  }
0xfe: {  	[sflag:s22] =	ssyncset.done $0x0  }
0xff: {  	s10 =	simm.s32 $0x9BF0;
	[sflag:s22] =	ssyncadd.s32 $0xFFFFEC00  }
0x100: {  	[spmem:s2] =	stream.indirect.scatter.add.f32 [tilespmem:s31], [sflag:$0xA], $0x40, s10, s20, $0xb8;
	[tilespmem:$0x1A040] =	vst v63  }
0x101: {  	_ =	swait.ge [sflag:s29], $0x1400  }
0x102: {  	[sflag:s29] =	ssyncset.done $0x0  }
0x103: {  	[sflag:s29] =	ssyncadd.s32 $0xFFFFEC00  }
0x104: {  	_ =	swait.ge [sflag:s3], $0x1400  }
0x105: {  	[sflag:s3] =	ssyncset.done $0x0  }
0x106: {  	[sflag:s3] =	ssyncadd.s32 $0xFFFFEC00  }
0x107: {  	s9 =	stileid.u32;
	_ =	swait.ge [sflag:s5], $0x1400  }
0x108: {  	s6 =	sadd.s32 $0x1, s6;
	s8 =	sshll.u32 s9, $0x6;
	[sflag:s5] =	ssyncset.done $0x0  }
0x109: {  	p0 =	sne.s32 s6, s16;
	s8 =	sor.u32 $0x1C0B, s8;
	[sflag:s5] =	ssyncadd.s32 $0xFFFFEC00  }
.Ltmp3:
0x10a: {  	s10 =	sshrl.u32 s7, $0x3;
	[bflag:$0x0] =	sbarrier.arrive $0xFFFF;
	(pc) =	sbr.rel @p0 .LBB2_1-.Ltmp3, $4  }
0x10b: {  	[hbm:s15], [sflag:s8] =	dma.local [spmem:s10], $0x1400  }
0x10c: {  	_ =	swait.ge [sflag:s17], $0x1400  }
0x10d: {  	[sflag:s17] =	ssyncset.done $0x0  }
0x10e: {  	[sflag:s17] =	ssyncadd.s32 $0xFFFFEC00  }
0x10f: {  	_ =	sfence.sel $0x180000  }
0x110: {  	[bflag:$0x0] =	sbarrier.arrive $0xFFFF  }
0x111: {  	_ =	strace $0x9000004A  }
0x112: {  	s0 =	stileid.u32;
	[bflag:$0x2] =	sbarrier.arrive $0xFFFF  }
0x113: {  	p0 =	sne.s32 s0, $0x0;
	s0 =	rddreg [dreg:$0x2]  }
0x114: {  	s0 =	sadd.s32 @!p0 $0x100000, s0  }
0x115: {  	[sflag:s0] =	ssyncadd.tile.s32 @!p0 $0x1;
	_ =	shalt  }
.Lfunc_end2:
_tile_overlayer_lowered:
.L_overlay_start_2:
0x116: {  	(tag) =	ssettag $0x2  }
0x117: {  	s0 =	rddreg [dreg:$0x0];
	s2 =	stileid.u32  }
0x118: {  	s1 =	rddreg [dreg:$0x1];
	p0 =	sne.s32 s2, $0x0  }
0x119: {  	s3 =	rddreg [dreg:$0x2];
	[bflag:$0x3] =	sbarrier.arrive $0xFFFF;
	s2 =	simm.s32 @!p0 $0x1C0B  }
0x11a: {  	[timem:s3], [sflag:s2] =	dma.local @!p0 [hbm:s0], s1  }
0x11b: {  	s0 =	simm.s32 @!p0 $0xB  }
0x11c: {  	_ =	swait.ge @!p0 [sflag:s0], s1  }
0x11d: {  	s1 =	ssub.s32 @!p0 $0x0, s1;
	[sflag:s0] =	ssyncset.done @!p0 $0x0  }
0x11e: {  	[sflag:s0] =	ssyncadd.s32 @!p0 s1  }
0x11f: {  	[bflag:$0x3] =	sbarrier.arrive $0xFFFF  }
0x120: {  	_ =	shalt  }

// kernel: kernel.14.cloned.1.call-start
scs
__scs_entry_jumppad:
0x0: {  	(pc) =	sbr.rel $0x88, $3  }
0x1: {  	(tag) =	ssettag $0x0;
	lr =	simm.s32 $0x1  }
0x2: {  	[smem:$0x3F99] =	sst lr;
	_ =	strace $0xD0000000  }
0x3: {  	_ = 	snop  }
0x4: {  	_ = 	snop  }
0x5: {  	_ = 	snop  }
0x6: {  	_ = 	snop  }
0x7: {  	_ = 	snop  }
__scs_overlays_trampoline_lowered:
0x8: {  	[smem:$0x3FA8] =	sst s0  }
0x9: {  	[smem:$0x3FA9] =	sst s1  }
0xa: {  	[smem:$0x3FAA] =	sst s2  }
0xb: {  	[smem:$0x3FAB] =	sst s3  }
0xc: {  	[smem:$0x3FAC] =	sst s4  }
0xd: {  	[smem:$0x3FAD] =	sst s5  }
0xe: {  	[smem:$0x3FAE] =	sst s6  }
0xf: {  	[smem:$0x3FAF] =	sst s7  }
0x10: {  	[smem:$0x3FB0] =	sst s8  }
0x11: {  	[smem:$0x3FB1] =	sst s9;
	s0 =	simm.s32 @!p0 $0x0  }
0x12: {  	s1 =	sld [smem:$0x3F97];
	s0 =	simm.s32 @p0 $0x1  }
0x13: {  	[smem:$0x3FB2] =	sst s0;
	s0 =	simm.s32 @!p1 $0x0  }
0x14: {  	s2 =	sld [smem:$0x3F96];
	s0 =	simm.s32 @p1 $0x1  }
0x15: {  	[smem:$0x3FB3] =	sst s0;
	s0 =	simm.s32 @!p2 $0x0  }
0x16: {  	s3 =	sld [smem:$0x3FDB];
	s0 =	simm.s32 @p2 $0x1  }
0x17: {  	s4 =	simm.s32 $0x1BF5;
	[smem:$0x3FB5] =	sst s0  }
0x18: {  	s0 =	sld [smem:$0x3F98];
	_ =	swait.ge [sflag:s4], $0x0  }
0x19: {  	s7 =	sld [smem:$0x3F99]  }
0x1a: {  	s8 =	sadd.s32 $0xFFFFE003, lr  }
0x1b: {  	s9 =	sadd.s32 $0xFFFFFEF7, lr;
	s5 =	simm.s32 $0xFFFFFFFF;
	p2 =	slt.u32 s8, $0xFFFFF086  }
0x1c: {  	p1 =	slt.u32 s9, $0xF7A;
	s5 =	simm.s32 @!p2 $0x0  }
0x1d: {  	s5 =	simm.s32 @p1 $0x1;
	p0 =	seq.s32 s7, s2  }
0x1e: {  	s7 =	smul.u32 @!p0 $0xF7A, s2;
	p2 =	seq.s32 @!p0 s5, $0x0  }
0x1f: {  	s9 =	smul.u32 $0xF7A, s1;
	s8 =	simm.s32 @!p0 $0x1BF5;
	p2 =	por !p2, p0  }
0x20: {  	[sflag:s8] =	ssyncset.s32 @!p0 $0xFFFFF086;
	s6 =	sadd.s32 @!p0 s3, s7;
	s7 =	simm.s32 @!p0 $0x108  }
0x21: {  	s3 =	sadd.s32 s3, s9;
	s6 =	sadd.s32 @!p0 $0x88, s6;
	s7 =	simm.s32 @p2 $0x1082  }
0x22: {  	[simem:s7], [sflag:s8] =	dma.local @!p0 [hbm:s6], $0xF7A  }
0x23: {  	s9 =	sor.u32 $0xD0000000, s2;
	s6 =	simm.s32 $0x108;
	_ =	swait.ge @!p0 [sflag:s8], $0x0  }
0x24: {  	s3 =	sadd.s32 $0x88, s3;
	s6 =	simm.s32 @!p1 $0x1082;
	[sflag:s4] =	ssyncset.s32 $0xFFFFF086  }
0x25: {  	[simem:s6], [sflag:s4] =	dma.local [hbm:s3], $0xF7A  }
0x26: {  	[smem:$0x3F99] =	sst s1;
	(tag) =	ssettag s2;
	_ =	strace s9  }
0x27: {  	s1 =	sld [smem:$0x3FA9]  }
0x28: {  	s2 =	sld [smem:$0x3FAA]  }
0x29: {  	s4 =	sld [smem:$0x3FAC]  }
0x2a: {  	p0 =	seq.s32 s5, $0x0;
	s5 =	sld [smem:$0x3FAD]  }
0x2b: {  	s6 =	sld [smem:$0x3FAE]  }
0x2c: {  	s7 =	sld [smem:$0x3FAF]  }
0x2d: {  	s3 =	simm.s32 $0x108;
	s8 =	sld [smem:$0x3FB0]  }
0x2e: {  	s3 =	simm.s32 @!p0 $0x1082;
	s9 =	sld [smem:$0x3FB1]  }
0x2f: {  	lr =	sadd.s32 s0, s3;
	s0 =	sld [smem:$0x3FA8]  }
0x30: {  	s3 =	sld [smem:$0x3FAB]  }
0x31: {  	[smem:$0x3FB4] =	sst s10  }
0x32: {  	s10 =	sld [smem:$0x3FB2];
	_ =	sdelay $0x3  }
0x33: {  	p0 =	seq.s32 s10, $0x1;
	s10 =	sld [smem:$0x3FB4];
	_ =	sdelay $0x3  }
0x34: {  	[smem:$0x3FB4] =	sst s10  }
0x35: {  	s10 =	sld [smem:$0x3FB3];
	_ =	sdelay $0x3  }
0x36: {  	p1 =	seq.s32 s10, $0x1;
	s10 =	sld [smem:$0x3FB4];
	_ =	sdelay $0x3  }
0x37: {  	[smem:$0x3FB4] =	sst s10  }
0x38: {  	s10 =	sld [smem:$0x3FB5]  }
0x39: {  	_ = 	snop;
	(pc) =	sbr.ind lr, $3  }
0x3a: {  	_ = 	snop  }
0x3b: {  	_ = 	snop  }
0x3c: {  	p2 =	seq.s32 s10, $0x1;
	s10 =	sld [smem:$0x3FB4]  }
0x3d: {  	_ =	shalt  }
0x3e: {  	_ =	shalt  }
0x3f: {  	_ =	shalt  }
0x40: {  	_ =	shalt  }
0x41: {  	_ =	shalt  }
0x42: {  	_ =	shalt  }
0x43: {  	_ =	shalt  }
0x44: {  	_ =	shalt  }
0x45: {  	_ =	shalt  }
0x46: {  	_ =	shalt  }
0x47: {  	_ =	shalt  }
0x48: {  	_ =	shalt  }
0x49: {  	_ =	shalt  }
0x4a: {  	_ =	shalt  }
0x4b: {  	_ =	shalt  }
0x4c: {  	_ =	shalt  }
0x4d: {  	_ =	shalt  }
0x4e: {  	_ =	shalt  }
0x4f: {  	_ =	shalt  }
0x50: {  	_ =	shalt  }
0x51: {  	_ =	shalt  }
0x52: {  	_ =	shalt  }
0x53: {  	_ =	shalt  }
0x54: {  	_ =	shalt  }
0x55: {  	_ =	shalt  }
0x56: {  	_ =	shalt  }
0x57: {  	_ =	shalt  }
0x58: {  	_ =	shalt  }
0x59: {  	_ =	shalt  }
0x5a: {  	_ =	shalt  }
0x5b: {  	_ =	shalt  }
0x5c: {  	_ =	shalt  }
0x5d: {  	_ =	shalt  }
0x5e: {  	_ =	shalt  }
0x5f: {  	_ =	shalt  }
0x60: {  	_ =	shalt  }
0x61: {  	_ =	shalt  }
0x62: {  	_ =	shalt  }
0x63: {  	_ =	shalt  }
0x64: {  	_ =	shalt  }
0x65: {  	_ =	shalt  }
0x66: {  	_ =	shalt  }
0x67: {  	_ =	shalt  }
0x68: {  	_ =	shalt  }
0x69: {  	_ =	shalt  }
0x6a: {  	_ =	shalt  }
0x6b: {  	_ =	shalt  }
0x6c: {  	_ =	shalt  }
0x6d: {  	_ =	shalt  }
0x6e: {  	_ =	shalt  }
0x6f: {  	_ =	shalt  }
0x70: {  	_ =	shalt  }
0x71: {  	_ =	shalt  }
0x72: {  	_ =	shalt  }
0x73: {  	_ =	shalt  }
0x74: {  	_ =	shalt  }
0x75: {  	_ =	shalt  }
0x76: {  	_ =	shalt  }
0x77: {  	_ =	shalt  }
0x78: {  	_ =	shalt  }
0x79: {  	_ =	shalt  }
0x7a: {  	_ =	shalt  }
0x7b: {  	_ =	shalt  }
0x7c: {  	_ =	shalt  }
0x7d: {  	_ =	shalt  }
0x7e: {  	_ =	shalt  }
0x7f: {  	_ =	shalt  }
0x80: {  	_ =	shalt  }
0x81: {  	_ =	shalt  }
0x82: {  	_ =	shalt  }
0x83: {  	_ =	shalt  }
0x84: {  	_ =	shalt  }
0x85: {  	_ =	shalt  }
0x86: {  	_ =	shalt  }
0x87: {  	_ =	shalt  }
.Lfunc_end0:
.L_simem_size_0:
called_computation.2_lowered:
.L_overlay_start_0:
0x88: {  	s2 =	sld [smem:$0x3FD9]  }
0x89: {  	s3 =	sld [smem:$0x3FFE];
	_ =	sdelay $0x1  }
0x8a: {  	s1 =	srdreg.scid  }
0x8b: {  	s0 =	sand.u32 $0x1, s1  }
0x8c: {  	s17 =	sshll.u32 s0, $0xA;
	s2 =	sadd.s32 s3, s2  }
0x8d: {  	s2 =	sadd.s32 s2, s17  }
0x8e: {  	[smem:$0x3FC0] =	sst s2  }
0x8f: {  	_ = 	snop  }
0x90: {  	s2 =	sld [smem:$0x3FD0];
	(tm) =	ssettm $0x1  }
0x91: {  	s18 =	sld [smem:$0x3FFB];
	_ =	sdelay $0x3  }
0x92: {  	_ =	strace s18  }
0x93: {  	s3 =	sld [smem:$0x3FFC];
	_ =	sdelay $0x3  }
0x94: {  	_ =	strace s3  }
0x95: {  	s3 =	sld [smem:$0x3FFD];
	_ =	sdelay $0x3  }
0x96: {  	_ =	strace s3  }
0x97: {  	_ =	strace $0x8FFFFFFF  }
0x98: {  	s19 =	sld [smem:$0x3FDB];
	_ =	sdelay $0x1  }
0x99: {  	s4 =	simm.s32 $_scs_section_size  }
0x9a: {  	s5 =	simm.s32 $_size__tile_overlayer_lowered;
	s6 =	simm.s32 $_tile_overlayer_lowered  }
0x9b: {  	s22 =	simm.s32 $0x1BFF;
	s21 =	sshll.u32 s6, $0x1;
	s3 =	sadd.s32 s4, s19  }
0x9c: {  	s7 =	simm.s32 $0x0;
	s20 =	sshll.u32 s5, $0x1;
	s5 =	sadd.s32 s21, s3  }
0x9d: {  	[timem:s7], [sflag:s22] =	dma.local [hbm:s5], s20  }
0x9e: {  	_ =	swait.ge [sflag:s22], s20  }
0x9f: {  	s4 =	ssub.s32 $0x0, s20;
	[sflag:s22] =	ssyncset.done $0x0  }
0xa0: {  	[sflag:s22] =	ssyncadd.s32 s4;
	_ =	sdelay $0x1  }
0xa1: {  	s23 =	simm.s32 $0x1B8B  }
0xa2: {  	_ =	swait.ge [sflag:s23], $0x1  }
0xa3: {  	[sflag:s23] =	ssyncset.done $0x0  }
0xa4: {  	s25 =	simm.s32 $0x1B8E;
	s24 =	sld [smem:$0x3FFE];
	[sflag:s23] =	ssyncadd.s32 $0xFFFFFFFF  }
0xa5: {  	s26 =	simm.s32 $execute0_lowered;
	[smem:$0x3FD2] =	sst s25  }
0xa6: {  	s5 =	sshll.u32 s26, $0x1;
	_ =	strace $0x8000004C;
	[dreg:$0x1] =	wrdreg $0xFFFFFFFF  }
0xa7: {  	s28 =	simm.s32 $_size_execute0_lowered;
	s3 =	sadd.s32 s3, s5;
	[dreg:$0x0] =	wrdreg $0x0  }
0xa8: {  	s5 =	sshll.u32 s28, $0x1;
	[dreg:$0x2] =	wrdreg s3  }
0xa9: {  	[dreg:$0x3] =	wrdreg s5  }
0xaa: {  	[dreg:$0x4] =	wrdreg $0xC0  }
0xab: {  	_ =	task [dreg:s7], $0x5FFFF  }
0xac: {  	[dreg:$0x1] =	wrdreg $0xFFFFFFFF  }
0xad: {  	[dreg:$0x0] =	wrdreg $0x60  }
0xae: {  	[dreg:$0x2] =	wrdreg s2  }
0xaf: {  	[dreg:$0x3] =	wrdreg s24  }
0xb0: {  	[dreg:$0x4] =	wrdreg $0x99200  }
0xb1: {  	[dreg:$0x5] =	wrdreg $0x9  }
0xb2: {  	_ =	task.clear_ibuf [dreg:s7], $0x6FFFF;
	_ =	strace $0x9000004C  }
0xb3: {  	s29 =	simm.s32 $0x9;
	_ =	strace $0x8000004E  }
0xb4: {  	_ =	swait.ge [sflag:s29], $0x1  }
0xb5: {  	[sflag:s29] =	ssyncadd.s32 $0xFFFFFFFF  }
0xb6: {  	_ =	strace $0x9000004E  }
0xb7: {  	_ =	sfence  }
0xb8: {  	s30 =	sld [smem:$0x0];
	_ =	sdelay $0x2  }
0xb9: {  	s31 =	sshll.u32 s1, $0xD;
	s1 =	sshrl.u32 s1, $0x2  }
0xba: {  	s3 =	sand.u32 $0x4000, s31;
	s1 =	sadd.s32 s1, s30  }
0xbb: {  	s0 =	sor.u32 s3, s0;
	s1 =	sshll.u32 s1, $0x11  }
0xbc: {  	s0 =	sor.u32 s1, s0  }
0xbd: {  	s0 =	sadd.s32 $0x8F2B, s0  }
0xbe: {  	[sflag:s0] =	ssyncadd.remote.s32 $0x1  }
0xbf: {  	_ =	sfence.sel $0xFFFF  }
0xc0: {  	[dreg:$0x0] =	wrdreg $0xFFFFFFFF;
	(pc) =	sbr.abs _section_cstart, $3  }
0xc1: {  	[dreg:$0x1] =	wrdreg $0xFFFFFFFF  }
0xc2: {  	_ =	task.clear_ibuf [dreg:s7], $0x2FFFF;
	_ =	strace $0x9FFFFFFF  }
0xc3: {  	(tm) =	ssettm $0x7FFFFFFF  }
tec
execute0_lowered:
.L_overlay_start_1:
0x0: {  	(tag) =	ssettag $0x1  }
0x1: {  	s0 =	srdreg.scid;
	s2 =	rddreg [dreg:$0x0]  }
0x2: {  	s7 =	stileid.u32;
	s4 =	rddreg [dreg:$0x1]  }
0x3: {  	s3 =	rddreg [dreg:$0x2];
	s8 =	simm.s32 $0x0;
	s17 =	simm.s32 $0xB  }
0x4: {  	s18 =	simm.s32 $0x2710;
	s19 =	simm.s32 $0x4E20;
	s28 =	simm.s32 $0x2  }
0x5: {  	s31 =	simm.s32 $0x8A20;
	s29 =	simm.s32 $0x4;
	s30 =	simm.s32 $0x5  }
0x6: {  	s0 =	sand.u32 $0x1, s0;
	s5 =	smul.u32 $0x7800, s7;
	[smem:$0x7FF] =	sst s8  }
0x7: {  	s1 =	sshll.u32 s0, $0x4;
	s6 =	smul.u32 $0x78000, s0;
	_ =	strace $0x8000004D  }
0x8: {  	s0 =	ssub.s32 $0x2, s0;
	s1 =	sor.u32 s7, s1;
	s7 =	smul.u32 $0x1E000, s7  }
0x9: {  	s20 =	sshrl.u32 s0, $0x1;
	s1 =	smul.u32 $0x2710, s1;
	s6 =	sadd.s32 s5, s6  }
0xa: {  	s0 =	ssub.s32 s0, s20;
	s20 =	simm.s32 $0x50;
	s6 =	sshrl.u32 s6, $0x3  }
0xb: {  	s22 =	sshrl.u32 s7, $0x2;
	s7 =	sadd.s32 s5, s3;
	s16 =	smax.u32 s0, $0x1  }
0xc: {  	s0 =	simm.s32 $0x7;
	s5 =	simm.s32 $0xA;
	s1 =	sshrl.u32 s1, $0x3  }
0xd: {  	s23 =	sadd.s32 s22, s3;
	s22 =	simm.s32 $0x6;
	s1 =	sadd.s32 s1, s4  }
0xe: {  	s4 =	sadd.s32 s6, s4;
	s24 =	sadd.s32 $0xF00, s23;
	s25 =	sadd.s32 $0x1E00, s23  }
0xf: {  	s26 =	sadd.s32 $0x2D00, s23;
	s11 =	sadd.s32 $0x3C00, s23;
	s12 =	sadd.s32 $0x4B00, s23  }
0x10: {  	s13 =	sadd.s32 $0x5A00, s23;
	s14 =	sadd.s32 $0x6900, s23;
	[dreg:$0x6] =	wrdreg s24  }
0x11: {  	s23 =	simm.s32 $0x6C20;
	s6 =	simm.s32 $0x0;
	[dreg:$0x7] =	wrdreg s25  }
0x12: {  	s21 =	sadd.s32 $0x2600, s1;
	s1 =	sadd.s32 $0xC240, s1;
	[dreg:$0x8] =	wrdreg s26  }
0x13: {  	s15 =	sadd.s32 $0x16000, s4;
	s24 =	simm.s32 $0x1;
	s26 =	simm.s32 $0x7B20  }
0x14: {  	s25 =	simm.s32 $0x8;
	s4 =	simm.s32 $0x9;
	[dreg:$0x4] =	wrdreg s21  }
0x15: {  	v0 =	vimm.f32 $0.0e+00;
	[dreg:$0x5] =	wrdreg s1;
	s21 =	simm.s32 $0x5D20;
	s1 =	simm.s32 $0x3  }
.LBB2_1:
0x16: {  	s8 =	simm.s32 $0x0;
	s9 =	rddreg [dreg:$0x4]  }
0x17: {  	[tilespmem:s8], [sflag:$0xB] =	stream.linear.gather [hbm4b:s9+s8], $0x2710, $0x38;
	[tilespmem:$0x11120] =	vst v63  }
0x18: {  	_ =	swait.ge [sflag:s17], $0x2710  }
0x19: {  	[sflag:s17] =	ssyncset.done $0x0  }
0x1a: {  	s10 =	rddreg [dreg:$0x5];
	[sflag:s17] =	ssyncadd.s32 $0xFFFFD8F0  }
0x1b: {  	[tilespmem:s18], [sflag:$0xB] =	stream.linear.gather [hbm4b:s10+s8], $0x2710, $0x38;
	[tilespmem:$0x11120] =	vst v63  }
0x1c: {  	_ =	swait.ge [sflag:s17], $0x2710  }
0x1d: {  	[sflag:s17] =	ssyncset.done $0x0  }
0x1e: {  	s9 =	simm.s32 $0x0;
	s8 =	simm.s32 $0xC0;
	[sflag:s17] =	ssyncadd.s32 $0xFFFFD8F0  }
.LBB2_2:
0x1f: {  	p0 =	sne.s32 s8, $0x3B40;
	[tilespmem:s9+$0x4E40] =	vst v0;
	s10 =	smov.u32 s8;
	s8 =	sadd.s32 $0xC0, s8  }
.Ltmp0:
0x20: {  	[tilespmem:s9+$0x4E20] =	vst v0;
	(pc) =	sbr.rel @p0 .LBB2_2-.Ltmp0, $2  }
0x21: {  	[tilespmem:s9+$0x4E30] =	vst v0;
	_ =	sdelay $0x2  }
0x22: {  	s9 =	sshra.s32 s10, $0x2  }
0x23: {  	[tilespmem:s9+$0x4E40] =	vst v0  }
0x24: {  	[tilespmem:s9+$0x4E20] =	vst v0  }
0x25: {  	[tilespmem:s9+$0x4E30] =	vst v0  }
0x26: {  	[spmem:s7] =	stream.linear.scatter [tilespmem:s19], [sflag:$0xB], $0xF00, $0x38;
	[tilespmem:$0x11120] =	vst v63  }
0x27: {  	_ =	swait.ge [sflag:s17], $0xF00  }
0x28: {  	[sflag:s17] =	ssyncset.done $0x0  }
0x29: {  	s8 =	rddreg [dreg:$0x6];
	[sflag:s17] =	ssyncadd.s32 $0xFFFFF100  }
0x2a: {  	[spmem:s8] =	stream.linear.scatter [tilespmem:s19], [sflag:$0xB], $0xF00, $0x38;
	[tilespmem:$0x11120] =	vst v63  }
0x2b: {  	_ =	swait.ge [sflag:s17], $0xF00  }
0x2c: {  	[sflag:s17] =	ssyncset.done $0x0  }
0x2d: {  	s10 =	rddreg [dreg:$0x7];
	[sflag:s17] =	ssyncadd.s32 $0xFFFFF100  }
0x2e: {  	[spmem:s10] =	stream.linear.scatter [tilespmem:s19], [sflag:$0xB], $0xF00, $0x38;
	[tilespmem:$0x11120] =	vst v63  }
0x2f: {  	_ =	swait.ge [sflag:s17], $0xF00  }
0x30: {  	[sflag:s17] =	ssyncset.done $0x0  }
0x31: {  	s9 =	rddreg [dreg:$0x8];
	[sflag:s17] =	ssyncadd.s32 $0xFFFFF100  }
0x32: {  	[spmem:s9] =	stream.linear.scatter [tilespmem:s19], [sflag:$0xB], $0xF00, $0x38;
	[tilespmem:$0x11120] =	vst v63  }
0x33: {  	_ =	swait.ge [sflag:s17], $0xF00  }
0x34: {  	[sflag:s17] =	ssyncset.done $0x0  }
0x35: {  	[sflag:s17] =	ssyncadd.s32 $0xFFFFF100  }
0x36: {  	[spmem:s11] =	stream.linear.scatter [tilespmem:s19], [sflag:$0xB], $0xF00, $0x38;
	[tilespmem:$0x11120] =	vst v63  }
0x37: {  	_ =	swait.ge [sflag:s17], $0xF00  }
0x38: {  	[sflag:s17] =	ssyncset.done $0x0  }
0x39: {  	[sflag:s17] =	ssyncadd.s32 $0xFFFFF100  }
0x3a: {  	[spmem:s12] =	stream.linear.scatter [tilespmem:s19], [sflag:$0xB], $0xF00, $0x38;
	[tilespmem:$0x11120] =	vst v63  }
0x3b: {  	_ =	swait.ge [sflag:s17], $0xF00  }
0x3c: {  	[sflag:s17] =	ssyncset.done $0x0  }
0x3d: {  	[sflag:s17] =	ssyncadd.s32 $0xFFFFF100  }
0x3e: {  	[spmem:s13] =	stream.linear.scatter [tilespmem:s19], [sflag:$0xB], $0xF00, $0x38;
	[tilespmem:$0x11120] =	vst v63  }
0x3f: {  	_ =	swait.ge [sflag:s17], $0xF00  }
0x40: {  	[sflag:s17] =	ssyncset.done $0x0  }
0x41: {  	[sflag:s17] =	ssyncadd.s32 $0xFFFFF100  }
0x42: {  	[spmem:s14] =	stream.linear.scatter [tilespmem:s19], [sflag:$0xB], $0xF00, $0x38;
	[tilespmem:$0x11120] =	vst v63  }
0x43: {  	_ =	swait.ge [sflag:s17], $0xF00  }
0x44: {  	[sflag:s17] =	ssyncset.done $0x0  }
0x45: {  	[sflag:s17] =	ssyncadd.s32 $0xFFFFF100  }
0x46: {  	s10 =	simm.s32 $0x0;
	[bflag:$0x0] =	sbarrier.arrive $0xFFFF  }
0x47: {  	[tilespmem:s19], [sflag:$0x1] =	stream.indirect.gather [hbm4b:s2+s20], $0x30, s10, s20, $0xb8;
	[tilespmem:$0x11120] =	vst v63  }
0x48: {  	_ = 	snop  }
0x49: {  	[tilespmem:s21], [sflag:$0x2] =	stream.indirect.gather [hbm4b:s2+s20], $0x30, s20, s20, $0xb8;
	[tilespmem:$0x11120] =	vst v63  }
0x4a: {  	s9 =	simm.s32 $0xA0  }
0x4b: {  	[tilespmem:s23], [sflag:$0x3] =	stream.indirect.gather [hbm4b:s2+s20], $0x30, s9, s20, $0xb8;
	[tilespmem:$0x11120] =	vst v63  }
0x4c: {  	_ =	swait.ge [sflag:s24], $0xF00  }
0x4d: {  	[sflag:s24] =	ssyncset.done $0x0  }
0x4e: {  	[sflag:s24] =	ssyncadd.s32 $0xFFFFF100  }
0x4f: {  	[spmem:s3] =	stream.indirect.scatter.add.f32 [tilespmem:s19], [sflag:$0x6], $0x30, s18, s20, $0xb8;
	[tilespmem:$0x11120] =	vst v63  }
0x50: {  	s10 =	simm.s32 $0xF0  }
0x51: {  	[tilespmem:s26], [sflag:$0x4] =	stream.indirect.gather [hbm4b:s2+s20], $0x30, s10, s20, $0xb8;
	[tilespmem:$0x11120] =	vst v63  }
0x52: {  	_ =	swait.ge [sflag:s28], $0xF00  }
0x53: {  	[sflag:s28] =	ssyncset.done $0x0  }
0x54: {  	s9 =	simm.s32 $0x2760;
	[sflag:s28] =	ssyncadd.s32 $0xFFFFF100  }
0x55: {  	[spmem:s3] =	stream.indirect.scatter.add.f32 [tilespmem:s21], [sflag:$0x7], $0x30, s9, s20, $0xb8;
	[tilespmem:$0x11120] =	vst v63  }
0x56: {  	s10 =	simm.s32 $0x140  }
0x57: {  	[tilespmem:s31], [sflag:$0x5] =	stream.indirect.gather [hbm4b:s2+s20], $0x30, s10, s20, $0xb8;
	[tilespmem:$0x11120] =	vst v63  }
0x58: {  	_ =	swait.ge [sflag:s1], $0xF00  }
0x59: {  	[sflag:s1] =	ssyncset.done $0x0  }
0x5a: {  	s9 =	simm.s32 $0x27B0;
	[sflag:s1] =	ssyncadd.s32 $0xFFFFF100  }
0x5b: {  	[spmem:s3] =	stream.indirect.scatter.add.f32 [tilespmem:s23], [sflag:$0x8], $0x30, s9, s20, $0xb8;
	[tilespmem:$0x11120] =	vst v63  }
0x5c: {  	_ =	swait.ge [sflag:s22], $0xF00  }
0x5d: {  	[sflag:s22] =	ssyncset.done $0x0  }
0x5e: {  	s10 =	simm.s32 $0x190;
	[sflag:s22] =	ssyncadd.s32 $0xFFFFF100  }
0x5f: {  	[tilespmem:s19], [sflag:$0x1] =	stream.indirect.gather [hbm4b:s2+s20], $0x30, s10, s20, $0xb8;
	[tilespmem:$0x11120] =	vst v63  }
0x60: {  	_ =	swait.ge [sflag:s29], $0xF00  }
0x61: {  	[sflag:s29] =	ssyncset.done $0x0  }
0x62: {  	s9 =	simm.s32 $0x2800;
	[sflag:s29] =	ssyncadd.s32 $0xFFFFF100  }
0x63: {  	[spmem:s3] =	stream.indirect.scatter.add.f32 [tilespmem:s26], [sflag:$0x9], $0x30, s9, s20, $0xb8;
	[tilespmem:$0x11120] =	vst v63  }
0x64: {  	_ =	swait.ge [sflag:s0], $0xF00  }
0x65: {  	[sflag:s0] =	ssyncset.done $0x0  }
0x66: {  	s10 =	simm.s32 $0x1E0;
	[sflag:s0] =	ssyncadd.s32 $0xFFFFF100  }
0x67: {  	[tilespmem:s21], [sflag:$0x2] =	stream.indirect.gather [hbm4b:s2+s20], $0x30, s10, s20, $0xb8;
	[tilespmem:$0x11120] =	vst v63  }
0x68: {  	_ =	swait.ge [sflag:s30], $0xF00  }
0x69: {  	[sflag:s30] =	ssyncset.done $0x0  }
0x6a: {  	s9 =	simm.s32 $0x2850;
	[sflag:s30] =	ssyncadd.s32 $0xFFFFF100  }
0x6b: {  	[spmem:s3] =	stream.indirect.scatter.add.f32 [tilespmem:s31], [sflag:$0xA], $0x30, s9, s20, $0xb8;
	[tilespmem:$0x11120] =	vst v63  }
0x6c: {  	_ =	swait.ge [sflag:s25], $0xF00  }
0x6d: {  	[sflag:s25] =	ssyncset.done $0x0  }
0x6e: {  	s10 =	simm.s32 $0x230;
	[sflag:s25] =	ssyncadd.s32 $0xFFFFF100  }
0x6f: {  	[tilespmem:s23], [sflag:$0x3] =	stream.indirect.gather [hbm4b:s2+s20], $0x30, s10, s20, $0xb8;
	[tilespmem:$0x11120] =	vst v63  }
0x70: {  	_ =	swait.ge [sflag:s24], $0xF00  }
0x71: {  	[sflag:s24] =	ssyncset.done $0x0  }
0x72: {  	s9 =	simm.s32 $0x28A0;
	[sflag:s24] =	ssyncadd.s32 $0xFFFFF100  }
0x73: {  	[spmem:s3] =	stream.indirect.scatter.add.f32 [tilespmem:s19], [sflag:$0x6], $0x30, s9, s20, $0xb8;
	[tilespmem:$0x11120] =	vst v63  }
0x74: {  	_ =	swait.ge [sflag:s4], $0xF00  }
0x75: {  	[sflag:s4] =	ssyncset.done $0x0  }
0x76: {  	s10 =	simm.s32 $0x280;
	[sflag:s4] =	ssyncadd.s32 $0xFFFFF100  }
0x77: {  	[tilespmem:s26], [sflag:$0x4] =	stream.indirect.gather [hbm4b:s2+s20], $0x30, s10, s20, $0xb8;
	[tilespmem:$0x11120] =	vst v63  }
0x78: {  	_ =	swait.ge [sflag:s28], $0xF00  }
0x79: {  	[sflag:s28] =	ssyncset.done $0x0  }
0x7a: {  	s9 =	simm.s32 $0x28F0;
	[sflag:s28] =	ssyncadd.s32 $0xFFFFF100  }
0x7b: {  	[spmem:s3] =	stream.indirect.scatter.add.f32 [tilespmem:s21], [sflag:$0x7], $0x30, s9, s20, $0xb8;
	[tilespmem:$0x11120] =	vst v63  }
0x7c: {  	_ =	swait.ge [sflag:s5], $0xF00  }
0x7d: {  	[sflag:s5] =	ssyncset.done $0x0  }
0x7e: {  	s10 =	simm.s32 $0x2D0;
	[sflag:s5] =	ssyncadd.s32 $0xFFFFF100  }
0x7f: {  	[tilespmem:s31], [sflag:$0x5] =	stream.indirect.gather [hbm4b:s2+s20], $0x30, s10, s20, $0xb8;
	[tilespmem:$0x11120] =	vst v63  }
0x80: {  	_ =	swait.ge [sflag:s1], $0xF00  }
0x81: {  	[sflag:s1] =	ssyncset.done $0x0  }
0x82: {  	s9 =	simm.s32 $0x2940;
	[sflag:s1] =	ssyncadd.s32 $0xFFFFF100  }
0x83: {  	[spmem:s3] =	stream.indirect.scatter.add.f32 [tilespmem:s23], [sflag:$0x8], $0x30, s9, s20, $0xb8;
	[tilespmem:$0x11120] =	vst v63  }
0x84: {  	_ =	swait.ge [sflag:s22], $0xF00  }
0x85: {  	[sflag:s22] =	ssyncset.done $0x0  }
0x86: {  	s10 =	simm.s32 $0x320;
	[sflag:s22] =	ssyncadd.s32 $0xFFFFF100  }
0x87: {  	[tilespmem:s19], [sflag:$0x1] =	stream.indirect.gather [hbm4b:s2+s20], $0x30, s10, s20, $0xb8;
	[tilespmem:$0x11120] =	vst v63  }
0x88: {  	_ =	swait.ge [sflag:s29], $0xF00  }
0x89: {  	[sflag:s29] =	ssyncset.done $0x0  }
0x8a: {  	s9 =	simm.s32 $0x2990;
	[sflag:s29] =	ssyncadd.s32 $0xFFFFF100  }
0x8b: {  	[spmem:s3] =	stream.indirect.scatter.add.f32 [tilespmem:s26], [sflag:$0x9], $0x30, s9, s20, $0xb8;
	[tilespmem:$0x11120] =	vst v63  }
0x8c: {  	_ =	swait.ge [sflag:s0], $0xF00  }
0x8d: {  	[sflag:s0] =	ssyncset.done $0x0  }
0x8e: {  	s10 =	simm.s32 $0x370;
	[sflag:s0] =	ssyncadd.s32 $0xFFFFF100  }
0x8f: {  	[tilespmem:s21], [sflag:$0x2] =	stream.indirect.gather [hbm4b:s2+s20], $0x30, s10, s20, $0xb8;
	[tilespmem:$0x11120] =	vst v63  }
0x90: {  	_ =	swait.ge [sflag:s30], $0xF00  }
0x91: {  	[sflag:s30] =	ssyncset.done $0x0  }
0x92: {  	s8 =	simm.s32 $0x640;
	s9 =	simm.s32 $0x29E0;
	[sflag:s30] =	ssyncadd.s32 $0xFFFFF100  }
.LBB2_4:
0x93: {  	[spmem:s3] =	stream.indirect.scatter.add.f32 [tilespmem:s31], [sflag:$0xA], $0x30, s9, s20, $0xb8;
	[tilespmem:$0x11120] =	vst v63  }
0x94: {  	s9 =	smov.u32 s8  }
0x95: {  	p0 =	sne.s32 s8, $0x8980;
	s8 =	sadd.s32 $0x640, s8;
	_ =	swait.ge [sflag:s25], $0xF00  }
0x96: {  	s9 =	sshra.s32 s9, $0x2;
	[sflag:s25] =	ssyncset.done $0x0  }
0x97: {  	s10 =	sadd.s32 $0x230, s9;
	[sflag:s25] =	ssyncadd.s32 $0xFFFFF100  }
0x98: {  	[tilespmem:s23], [sflag:$0x3] =	stream.indirect.gather [hbm4b:s2+s20], $0x30, s10, s20, $0xb8;
	[tilespmem:$0x11120] =	vst v63  }
0x99: {  	_ =	swait.ge [sflag:s24], $0xF00  }
0x9a: {  	[sflag:s24] =	ssyncset.done $0x0  }
0x9b: {  	s10 =	sadd.s32 $0x28A0, s9;
	[sflag:s24] =	ssyncadd.s32 $0xFFFFF100  }
0x9c: {  	[spmem:s3] =	stream.indirect.scatter.add.f32 [tilespmem:s19], [sflag:$0x6], $0x30, s10, s20, $0xb8;
	[tilespmem:$0x11120] =	vst v63  }
0x9d: {  	_ =	swait.ge [sflag:s4], $0xF00  }
0x9e: {  	[sflag:s4] =	ssyncset.done $0x0  }
0x9f: {  	s10 =	sadd.s32 $0x280, s9;
	[sflag:s4] =	ssyncadd.s32 $0xFFFFF100  }
0xa0: {  	[tilespmem:s26], [sflag:$0x4] =	stream.indirect.gather [hbm4b:s2+s20], $0x30, s10, s20, $0xb8;
	[tilespmem:$0x11120] =	vst v63  }
0xa1: {  	_ =	swait.ge [sflag:s28], $0xF00  }
0xa2: {  	[sflag:s28] =	ssyncset.done $0x0  }
0xa3: {  	s10 =	sadd.s32 $0x28F0, s9;
	[sflag:s28] =	ssyncadd.s32 $0xFFFFF100  }
0xa4: {  	[spmem:s3] =	stream.indirect.scatter.add.f32 [tilespmem:s21], [sflag:$0x7], $0x30, s10, s20, $0xb8;
	[tilespmem:$0x11120] =	vst v63  }
0xa5: {  	_ =	swait.ge [sflag:s5], $0xF00  }
0xa6: {  	[sflag:s5] =	ssyncset.done $0x0  }
0xa7: {  	s10 =	sadd.s32 $0x2D0, s9;
	[sflag:s5] =	ssyncadd.s32 $0xFFFFF100  }
0xa8: {  	[tilespmem:s31], [sflag:$0x5] =	stream.indirect.gather [hbm4b:s2+s20], $0x30, s10, s20, $0xb8;
	[tilespmem:$0x11120] =	vst v63  }
0xa9: {  	_ =	swait.ge [sflag:s1], $0xF00  }
0xaa: {  	[sflag:s1] =	ssyncset.done $0x0  }
0xab: {  	s10 =	sadd.s32 $0x2940, s9;
	[sflag:s1] =	ssyncadd.s32 $0xFFFFF100  }
0xac: {  	[spmem:s3] =	stream.indirect.scatter.add.f32 [tilespmem:s23], [sflag:$0x8], $0x30, s10, s20, $0xb8;
	[tilespmem:$0x11120] =	vst v63  }
0xad: {  	_ =	swait.ge [sflag:s22], $0xF00  }
0xae: {  	[sflag:s22] =	ssyncset.done $0x0  }
0xaf: {  	s10 =	sadd.s32 $0x320, s9;
	[sflag:s22] =	ssyncadd.s32 $0xFFFFF100  }
0xb0: {  	[tilespmem:s19], [sflag:$0x1] =	stream.indirect.gather [hbm4b:s2+s20], $0x30, s10, s20, $0xb8;
	[tilespmem:$0x11120] =	vst v63  }
0xb1: {  	_ =	swait.ge [sflag:s29], $0xF00  }
0xb2: {  	[sflag:s29] =	ssyncset.done $0x0  }
0xb3: {  	s10 =	sadd.s32 $0x2990, s9;
	[sflag:s29] =	ssyncadd.s32 $0xFFFFF100  }
0xb4: {  	[spmem:s3] =	stream.indirect.scatter.add.f32 [tilespmem:s26], [sflag:$0x9], $0x30, s10, s20, $0xb8;
	[tilespmem:$0x11120] =	vst v63  }
0xb5: {  	_ =	swait.ge [sflag:s0], $0xF00  }
0xb6: {  	[sflag:s0] =	ssyncset.done $0x0  }
.Ltmp1:
0xb7: {  	s10 =	sadd.s32 $0x370, s9;
	[sflag:s0] =	ssyncadd.s32 $0xFFFFF100;
	(pc) =	sbr.rel @p0 .LBB2_4-.Ltmp1, $4  }
0xb8: {  	[tilespmem:s21], [sflag:$0x2] =	stream.indirect.gather [hbm4b:s2+s20], $0x30, s10, s20, $0xb8;
	[tilespmem:$0x11120] =	vst v63  }
0xb9: {  	_ =	swait.ge [sflag:s30], $0xF00  }
0xba: {  	[sflag:s30] =	ssyncset.done $0x0  }
0xbb: {  	s9 =	sadd.s32 $0x29E0, s9;
	[sflag:s30] =	ssyncadd.s32 $0xFFFFF100  }
0xbc: {  	[spmem:s3] =	stream.indirect.scatter.add.f32 [tilespmem:s31], [sflag:$0xA], $0x30, s9, s20, $0xb8;
	[tilespmem:$0x11120] =	vst v63  }
0xbd: {  	_ =	swait.ge [sflag:s25], $0xF00  }
0xbe: {  	[sflag:s25] =	ssyncset.done $0x0  }
0xbf: {  	s8 =	simm.s32 $0x2620;
	[sflag:s25] =	ssyncadd.s32 $0xFFFFF100  }
0xc0: {  	[tilespmem:s23], [sflag:$0x3] =	stream.indirect.gather [hbm4b:s2+s20], $0x30, s8, s20, $0xb8;
	[tilespmem:$0x11120] =	vst v63  }
0xc1: {  	_ =	swait.ge [sflag:s24], $0xF00  }
0xc2: {  	[sflag:s24] =	ssyncset.done $0x0  }
0xc3: {  	s10 =	simm.s32 $0x4C90;
	[sflag:s24] =	ssyncadd.s32 $0xFFFFF100  }
0xc4: {  	[spmem:s3] =	stream.indirect.scatter.add.f32 [tilespmem:s19], [sflag:$0x6], $0x30, s10, s20, $0xb8;
	[tilespmem:$0x11120] =	vst v63  }
0xc5: {  	_ =	swait.ge [sflag:s4], $0xF00  }
0xc6: {  	[sflag:s4] =	ssyncset.done $0x0  }
0xc7: {  	s9 =	simm.s32 $0x2670;
	[sflag:s4] =	ssyncadd.s32 $0xFFFFF100  }
0xc8: {  	[tilespmem:s26], [sflag:$0x4] =	stream.indirect.gather [hbm4b:s2+s20], $0x30, s9, s20, $0xb8;
	[tilespmem:$0x11120] =	vst v63  }
0xc9: {  	_ =	swait.ge [sflag:s28], $0xF00  }
0xca: {  	[sflag:s28] =	ssyncset.done $0x0  }
0xcb: {  	s10 =	simm.s32 $0x4CE0;
	[sflag:s28] =	ssyncadd.s32 $0xFFFFF100  }
0xcc: {  	[spmem:s3] =	stream.indirect.scatter.add.f32 [tilespmem:s21], [sflag:$0x7], $0x30, s10, s20, $0xb8;
	[tilespmem:$0x11120] =	vst v63  }
0xcd: {  	_ =	swait.ge [sflag:s5], $0xF00  }
0xce: {  	[sflag:s5] =	ssyncset.done $0x0  }
0xcf: {  	s9 =	simm.s32 $0x26C0;
	[sflag:s5] =	ssyncadd.s32 $0xFFFFF100  }
0xd0: {  	[tilespmem:s31], [sflag:$0x5] =	stream.indirect.gather [hbm4b:s2+s20], $0x30, s9, s20, $0xb8;
	[tilespmem:$0x11120] =	vst v63  }
0xd1: {  	_ =	swait.ge [sflag:s1], $0xF00  }
0xd2: {  	[sflag:s1] =	ssyncset.done $0x0  }
0xd3: {  	s10 =	simm.s32 $0x4D30;
	[sflag:s1] =	ssyncadd.s32 $0xFFFFF100  }
0xd4: {  	[spmem:s3] =	stream.indirect.scatter.add.f32 [tilespmem:s23], [sflag:$0x8], $0x30, s10, s20, $0xb8;
	[tilespmem:$0x11120] =	vst v63  }
0xd5: {  	_ =	swait.ge [sflag:s22], $0xF00  }
0xd6: {  	[sflag:s22] =	ssyncset.done $0x0  }
0xd7: {  	[sflag:s22] =	ssyncadd.s32 $0xFFFFF100  }
0xd8: {  	_ =	swait.ge [sflag:s29], $0xF00  }
0xd9: {  	[sflag:s29] =	ssyncset.done $0x0  }
0xda: {  	s9 =	simm.s32 $0x4D80;
	[sflag:s29] =	ssyncadd.s32 $0xFFFFF100  }
0xdb: {  	[spmem:s3] =	stream.indirect.scatter.add.f32 [tilespmem:s26], [sflag:$0x9], $0x30, s9, s20, $0xb8;
	[tilespmem:$0x11120] =	vst v63  }
0xdc: {  	_ =	swait.ge [sflag:s0], $0xF00  }
0xdd: {  	[sflag:s0] =	ssyncset.done $0x0  }
0xde: {  	[sflag:s0] =	ssyncadd.s32 $0xFFFFF100  }
0xdf: {  	_ =	swait.ge [sflag:s30], $0xF00  }
0xe0: {  	[sflag:s30] =	ssyncset.done $0x0  }
0xe1: {  	s10 =	simm.s32 $0x4DD0;
	[sflag:s30] =	ssyncadd.s32 $0xFFFFF100  }
0xe2: {  	[spmem:s3] =	stream.indirect.scatter.add.f32 [tilespmem:s31], [sflag:$0xA], $0x30, s10, s20, $0xb8;
	[tilespmem:$0x11120] =	vst v63  }
0xe3: {  	_ =	swait.ge [sflag:s25], $0xF00  }
0xe4: {  	[sflag:s25] =	ssyncset.done $0x0  }
0xe5: {  	[sflag:s25] =	ssyncadd.s32 $0xFFFFF100  }
0xe6: {  	_ =	swait.ge [sflag:s4], $0xF00  }
0xe7: {  	[sflag:s4] =	ssyncset.done $0x0  }
0xe8: {  	[sflag:s4] =	ssyncadd.s32 $0xFFFFF100  }
0xe9: {  	s9 =	stileid.u32;
	_ =	swait.ge [sflag:s5], $0xF00  }
0xea: {  	s6 =	sadd.s32 $0x1, s6;
	s8 =	sshll.u32 s9, $0x6;
	[sflag:s5] =	ssyncset.done $0x0  }
0xeb: {  	p0 =	sne.s32 s6, s16;
	s8 =	sor.u32 $0x1C0B, s8;
	[sflag:s5] =	ssyncadd.s32 $0xFFFFF100  }
.Ltmp2:
0xec: {  	s10 =	sshrl.u32 s7, $0x3;
	[bflag:$0x0] =	sbarrier.arrive $0xFFFF;
	(pc) =	sbr.rel @p0 .LBB2_1-.Ltmp2, $4  }
0xed: {  	[hbm:s15], [sflag:s8] =	dma.local [spmem:s10], $0xF00  }
0xee: {  	_ =	swait.ge [sflag:s17], $0xF00  }
0xef: {  	[sflag:s17] =	ssyncset.done $0x0  }
0xf0: {  	[sflag:s17] =	ssyncadd.s32 $0xFFFFF100  }
0xf1: {  	_ =	sfence.sel $0x180000  }
0xf2: {  	[bflag:$0x0] =	sbarrier.arrive $0xFFFF  }
0xf3: {  	_ =	strace $0x9000004D  }
0xf4: {  	s0 =	stileid.u32;
	[bflag:$0x2] =	sbarrier.arrive $0xFFFF  }
0xf5: {  	p0 =	sne.s32 s0, $0x0;
	s0 =	rddreg [dreg:$0x3]  }
0xf6: {  	s0 =	sadd.s32 @!p0 $0x100000, s0  }
0xf7: {  	[sflag:s0] =	ssyncadd.tile.s32 @!p0 $0x1;
	_ =	shalt  }
.Lfunc_end2:
_tile_overlayer_lowered:
.L_overlay_start_2:
0xf8: {  	(tag) =	ssettag $0x2  }
0xf9: {  	s0 =	rddreg [dreg:$0x0];
	s2 =	stileid.u32  }
0xfa: {  	s1 =	rddreg [dreg:$0x1];
	p0 =	sne.s32 s2, $0x0  }
0xfb: {  	s3 =	rddreg [dreg:$0x2];
	[bflag:$0x3] =	sbarrier.arrive $0xFFFF;
	s2 =	simm.s32 @!p0 $0x1C0B  }
0xfc: {  	[timem:s3], [sflag:s2] =	dma.local @!p0 [hbm:s0], s1  }
0xfd: {  	s0 =	simm.s32 @!p0 $0xB  }
0xfe: {  	_ =	swait.ge @!p0 [sflag:s0], s1  }
0xff: {  	s1 =	ssub.s32 @!p0 $0x0, s1;
	[sflag:s0] =	ssyncset.done @!p0 $0x0  }
0x100: {  	[sflag:s0] =	ssyncadd.s32 @!p0 s1  }
0x101: {  	[bflag:$0x3] =	sbarrier.arrive $0xFFFF  }
0x102: {  	_ =	shalt  }

// kernel: kernel.8.cloned.1.call-start
scs
__scs_entry_jumppad:
0x0: {  	(pc) =	sbr.rel $0x88, $3  }
0x1: {  	(tag) =	ssettag $0x0;
	lr =	simm.s32 $0x1  }
0x2: {  	[smem:$0x3F99] =	sst lr;
	_ =	strace $0xD0000000  }
0x3: {  	_ = 	snop  }
0x4: {  	_ = 	snop  }
0x5: {  	_ = 	snop  }
0x6: {  	_ = 	snop  }
0x7: {  	_ = 	snop  }
__scs_overlays_trampoline_lowered:
0x8: {  	[smem:$0x3FA8] =	sst s0  }
0x9: {  	[smem:$0x3FA9] =	sst s1  }
0xa: {  	[smem:$0x3FAA] =	sst s2  }
0xb: {  	[smem:$0x3FAB] =	sst s3  }
0xc: {  	[smem:$0x3FAC] =	sst s4  }
0xd: {  	[smem:$0x3FAD] =	sst s5  }
0xe: {  	[smem:$0x3FAE] =	sst s6  }
0xf: {  	[smem:$0x3FAF] =	sst s7  }
0x10: {  	[smem:$0x3FB0] =	sst s8  }
0x11: {  	[smem:$0x3FB1] =	sst s9;
	s0 =	simm.s32 @!p0 $0x0  }
0x12: {  	s1 =	sld [smem:$0x3F97];
	s0 =	simm.s32 @p0 $0x1  }
0x13: {  	[smem:$0x3FB2] =	sst s0;
	s0 =	simm.s32 @!p1 $0x0  }
0x14: {  	s2 =	sld [smem:$0x3F96];
	s0 =	simm.s32 @p1 $0x1  }
0x15: {  	[smem:$0x3FB3] =	sst s0;
	s0 =	simm.s32 @!p2 $0x0  }
0x16: {  	s3 =	sld [smem:$0x3FDB];
	s0 =	simm.s32 @p2 $0x1  }
0x17: {  	s4 =	simm.s32 $0x1BF5;
	[smem:$0x3FB5] =	sst s0  }
0x18: {  	s0 =	sld [smem:$0x3F98];
	_ =	swait.ge [sflag:s4], $0x0  }
0x19: {  	s7 =	sld [smem:$0x3F99]  }
0x1a: {  	s8 =	sadd.s32 $0xFFFFE003, lr  }
0x1b: {  	s9 =	sadd.s32 $0xFFFFFEF7, lr;
	s5 =	simm.s32 $0xFFFFFFFF;
	p2 =	slt.u32 s8, $0xFFFFF086  }
0x1c: {  	p1 =	slt.u32 s9, $0xF7A;
	s5 =	simm.s32 @!p2 $0x0  }
0x1d: {  	s5 =	simm.s32 @p1 $0x1;
	p0 =	seq.s32 s7, s2  }
0x1e: {  	s7 =	smul.u32 @!p0 $0xF7A, s2;
	p2 =	seq.s32 @!p0 s5, $0x0  }
0x1f: {  	s9 =	smul.u32 $0xF7A, s1;
	s8 =	simm.s32 @!p0 $0x1BF5;
	p2 =	por !p2, p0  }
0x20: {  	[sflag:s8] =	ssyncset.s32 @!p0 $0xFFFFF086;
	s6 =	sadd.s32 @!p0 s3, s7;
	s7 =	simm.s32 @!p0 $0x108  }
0x21: {  	s3 =	sadd.s32 s3, s9;
	s6 =	sadd.s32 @!p0 $0x88, s6;
	s7 =	simm.s32 @p2 $0x1082  }
0x22: {  	[simem:s7], [sflag:s8] =	dma.local @!p0 [hbm:s6], $0xF7A  }
0x23: {  	s9 =	sor.u32 $0xD0000000, s2;
	s6 =	simm.s32 $0x108;
	_ =	swait.ge @!p0 [sflag:s8], $0x0  }
0x24: {  	s3 =	sadd.s32 $0x88, s3;
	s6 =	simm.s32 @!p1 $0x1082;
	[sflag:s4] =	ssyncset.s32 $0xFFFFF086  }
0x25: {  	[simem:s6], [sflag:s4] =	dma.local [hbm:s3], $0xF7A  }
0x26: {  	[smem:$0x3F99] =	sst s1;
	(tag) =	ssettag s2;
	_ =	strace s9  }
0x27: {  	s1 =	sld [smem:$0x3FA9]  }
0x28: {  	s2 =	sld [smem:$0x3FAA]  }
0x29: {  	s4 =	sld [smem:$0x3FAC]  }
0x2a: {  	p0 =	seq.s32 s5, $0x0;
	s5 =	sld [smem:$0x3FAD]  }
0x2b: {  	s6 =	sld [smem:$0x3FAE]  }
0x2c: {  	s7 =	sld [smem:$0x3FAF]  }
0x2d: {  	s3 =	simm.s32 $0x108;
	s8 =	sld [smem:$0x3FB0]  }
0x2e: {  	s3 =	simm.s32 @!p0 $0x1082;
	s9 =	sld [smem:$0x3FB1]  }
0x2f: {  	lr =	sadd.s32 s0, s3;
	s0 =	sld [smem:$0x3FA8]  }
0x30: {  	s3 =	sld [smem:$0x3FAB]  }
0x31: {  	[smem:$0x3FB4] =	sst s10  }
0x32: {  	s10 =	sld [smem:$0x3FB2];
	_ =	sdelay $0x3  }
0x33: {  	p0 =	seq.s32 s10, $0x1;
	s10 =	sld [smem:$0x3FB4];
	_ =	sdelay $0x3  }
0x34: {  	[smem:$0x3FB4] =	sst s10  }
0x35: {  	s10 =	sld [smem:$0x3FB3];
	_ =	sdelay $0x3  }
0x36: {  	p1 =	seq.s32 s10, $0x1;
	s10 =	sld [smem:$0x3FB4];
	_ =	sdelay $0x3  }
0x37: {  	[smem:$0x3FB4] =	sst s10  }
0x38: {  	s10 =	sld [smem:$0x3FB5]  }
0x39: {  	_ = 	snop;
	(pc) =	sbr.ind lr, $3  }
0x3a: {  	_ = 	snop  }
0x3b: {  	_ = 	snop  }
0x3c: {  	p2 =	seq.s32 s10, $0x1;
	s10 =	sld [smem:$0x3FB4]  }
0x3d: {  	_ =	shalt  }
0x3e: {  	_ =	shalt  }
0x3f: {  	_ =	shalt  }
0x40: {  	_ =	shalt  }
0x41: {  	_ =	shalt  }
0x42: {  	_ =	shalt  }
0x43: {  	_ =	shalt  }
0x44: {  	_ =	shalt  }
0x45: {  	_ =	shalt  }
0x46: {  	_ =	shalt  }
0x47: {  	_ =	shalt  }
0x48: {  	_ =	shalt  }
0x49: {  	_ =	shalt  }
0x4a: {  	_ =	shalt  }
0x4b: {  	_ =	shalt  }
0x4c: {  	_ =	shalt  }
0x4d: {  	_ =	shalt  }
0x4e: {  	_ =	shalt  }
0x4f: {  	_ =	shalt  }
0x50: {  	_ =	shalt  }
0x51: {  	_ =	shalt  }
0x52: {  	_ =	shalt  }
0x53: {  	_ =	shalt  }
0x54: {  	_ =	shalt  }
0x55: {  	_ =	shalt  }
0x56: {  	_ =	shalt  }
0x57: {  	_ =	shalt  }
0x58: {  	_ =	shalt  }
0x59: {  	_ =	shalt  }
0x5a: {  	_ =	shalt  }
0x5b: {  	_ =	shalt  }
0x5c: {  	_ =	shalt  }
0x5d: {  	_ =	shalt  }
0x5e: {  	_ =	shalt  }
0x5f: {  	_ =	shalt  }
0x60: {  	_ =	shalt  }
0x61: {  	_ =	shalt  }
0x62: {  	_ =	shalt  }
0x63: {  	_ =	shalt  }
0x64: {  	_ =	shalt  }
0x65: {  	_ =	shalt  }
0x66: {  	_ =	shalt  }
0x67: {  	_ =	shalt  }
0x68: {  	_ =	shalt  }
0x69: {  	_ =	shalt  }
0x6a: {  	_ =	shalt  }
0x6b: {  	_ =	shalt  }
0x6c: {  	_ =	shalt  }
0x6d: {  	_ =	shalt  }
0x6e: {  	_ =	shalt  }
0x6f: {  	_ =	shalt  }
0x70: {  	_ =	shalt  }
0x71: {  	_ =	shalt  }
0x72: {  	_ =	shalt  }
0x73: {  	_ =	shalt  }
0x74: {  	_ =	shalt  }
0x75: {  	_ =	shalt  }
0x76: {  	_ =	shalt  }
0x77: {  	_ =	shalt  }
0x78: {  	_ =	shalt  }
0x79: {  	_ =	shalt  }
0x7a: {  	_ =	shalt  }
0x7b: {  	_ =	shalt  }
0x7c: {  	_ =	shalt  }
0x7d: {  	_ =	shalt  }
0x7e: {  	_ =	shalt  }
0x7f: {  	_ =	shalt  }
0x80: {  	_ =	shalt  }
0x81: {  	_ =	shalt  }
0x82: {  	_ =	shalt  }
0x83: {  	_ =	shalt  }
0x84: {  	_ =	shalt  }
0x85: {  	_ =	shalt  }
0x86: {  	_ =	shalt  }
0x87: {  	_ =	shalt  }
.Lfunc_end0:
.L_simem_size_0:
called_computation_lowered:
.L_overlay_start_0:
0x88: {  	s2 =	sld [smem:$0x3FD9]  }
0x89: {  	s3 =	sld [smem:$0x3FFE];
	_ =	sdelay $0x1  }
0x8a: {  	s1 =	srdreg.scid  }
0x8b: {  	s0 =	sand.u32 $0x1, s1  }
0x8c: {  	s17 =	sshll.u32 s0, $0xA;
	s2 =	sadd.s32 s3, s2  }
0x8d: {  	s2 =	sadd.s32 s2, s17  }
0x8e: {  	[smem:$0x3FC0] =	sst s2  }
0x8f: {  	_ = 	snop  }
0x90: {  	s2 =	sld [smem:$0x3FD0];
	(tm) =	ssettm $0x1  }
0x91: {  	s18 =	sld [smem:$0x3FFB];
	_ =	sdelay $0x3  }
0x92: {  	_ =	strace s18  }
0x93: {  	s3 =	sld [smem:$0x3FFC];
	_ =	sdelay $0x3  }
0x94: {  	_ =	strace s3  }
0x95: {  	s3 =	sld [smem:$0x3FFD];
	_ =	sdelay $0x3  }
0x96: {  	_ =	strace s3  }
0x97: {  	_ =	strace $0x8FFFFFFF  }
0x98: {  	s19 =	sld [smem:$0x3FDB];
	_ =	sdelay $0x1  }
0x99: {  	s4 =	simm.s32 $_scs_section_size  }
0x9a: {  	s5 =	simm.s32 $_size__tile_overlayer_lowered;
	s6 =	simm.s32 $_tile_overlayer_lowered  }
0x9b: {  	s22 =	simm.s32 $0x1BFF;
	s21 =	sshll.u32 s6, $0x1;
	s3 =	sadd.s32 s4, s19  }
0x9c: {  	s7 =	simm.s32 $0x0;
	s20 =	sshll.u32 s5, $0x1;
	s5 =	sadd.s32 s21, s3  }
0x9d: {  	[timem:s7], [sflag:s22] =	dma.local [hbm:s5], s20  }
0x9e: {  	_ =	swait.ge [sflag:s22], s20  }
0x9f: {  	s4 =	ssub.s32 $0x0, s20;
	[sflag:s22] =	ssyncset.done $0x0  }
0xa0: {  	[sflag:s22] =	ssyncadd.s32 s4;
	_ =	sdelay $0x1  }
0xa1: {  	s23 =	simm.s32 $0x1B8B  }
0xa2: {  	_ =	swait.ge [sflag:s23], $0x1  }
0xa3: {  	[sflag:s23] =	ssyncset.done $0x0  }
0xa4: {  	s25 =	simm.s32 $0x1B8E;
	s24 =	sld [smem:$0x3FFE];
	[sflag:s23] =	ssyncadd.s32 $0xFFFFFFFF  }
0xa5: {  	s26 =	simm.s32 $execute0_lowered;
	[smem:$0x3FD2] =	sst s25  }
0xa6: {  	s5 =	sshll.u32 s26, $0x1;
	_ =	strace $0x80000046;
	[dreg:$0x1] =	wrdreg $0xFFFFFFFF  }
0xa7: {  	s28 =	simm.s32 $_size_execute0_lowered;
	s3 =	sadd.s32 s3, s5;
	[dreg:$0x0] =	wrdreg $0x0  }
0xa8: {  	s5 =	sshll.u32 s28, $0x1;
	[dreg:$0x2] =	wrdreg s3  }
0xa9: {  	[dreg:$0x3] =	wrdreg s5  }
0xaa: {  	[dreg:$0x4] =	wrdreg $0xC0  }
0xab: {  	_ =	task [dreg:s7], $0x5FFFF  }
0xac: {  	[dreg:$0x1] =	wrdreg $0xFFFFFFFF  }
0xad: {  	[dreg:$0x0] =	wrdreg $0x60  }
0xae: {  	[dreg:$0x2] =	wrdreg s24  }
0xaf: {  	[dreg:$0x3] =	wrdreg s2  }
0xb0: {  	[dreg:$0x4] =	wrdreg $0x2C100  }
0xb1: {  	[dreg:$0x5] =	wrdreg $0x9  }
0xb2: {  	_ =	task.clear_ibuf [dreg:s7], $0x6FFFF;
	_ =	strace $0x90000046  }
0xb3: {  	s29 =	simm.s32 $0x9;
	_ =	strace $0x80000048  }
0xb4: {  	_ =	swait.ge [sflag:s29], $0x1  }
0xb5: {  	[sflag:s29] =	ssyncadd.s32 $0xFFFFFFFF  }
0xb6: {  	_ =	strace $0x90000048  }
0xb7: {  	_ =	sfence  }
0xb8: {  	s30 =	sld [smem:$0x0];
	_ =	sdelay $0x2  }
0xb9: {  	s31 =	sshll.u32 s1, $0xD;
	s1 =	sshrl.u32 s1, $0x2  }
0xba: {  	s3 =	sand.u32 $0x4000, s31;
	s1 =	sadd.s32 s1, s30  }
0xbb: {  	s0 =	sor.u32 s3, s0;
	s1 =	sshll.u32 s1, $0x11  }
0xbc: {  	s0 =	sor.u32 s1, s0  }
0xbd: {  	s0 =	sadd.s32 $0x8F2B, s0  }
0xbe: {  	[sflag:s0] =	ssyncadd.remote.s32 $0x1  }
0xbf: {  	_ =	sfence.sel $0xFFFF  }
0xc0: {  	[dreg:$0x0] =	wrdreg $0xFFFFFFFF;
	(pc) =	sbr.abs _section_cstart, $3  }
0xc1: {  	[dreg:$0x1] =	wrdreg $0xFFFFFFFF  }
0xc2: {  	_ =	task.clear_ibuf [dreg:s7], $0x2FFFF;
	_ =	strace $0x9FFFFFFF  }
0xc3: {  	(tm) =	ssettm $0x7FFFFFFF  }
tec
execute0_lowered:
.L_overlay_start_1:
0x0: {  	(tag) =	ssettag $0x1  }
0x1: {  	s4 =	rddreg [dreg:$0x0]  }
0x2: {  	s0 =	srdreg.scid;
	s13 =	rddreg [dreg:$0x1]  }
0x3: {  	s2 =	rddreg [dreg:$0x2];
	s1 =	stileid.u32  }
0x4: {  	s16 =	simm.s32 $0x2710;
	s17 =	simm.s32 $0x50;
	s18 =	simm.s32 $0x1  }
0x5: {  	s21 =	simm.s32 $0x0;
	s5 =	sand.u32 $0x1, s0;
	s9 =	smul.u32 $0xA000, s1  }
0x6: {  	s0 =	rddreg [dreg:$0x3];
	s10 =	smul.u32 $0x2800, s1;
	s19 =	sshll.u32 s1, $0x6  }
0x7: {  	s3 =	sshll.u32 s5, $0x4;
	s7 =	ssub.s32 $0x2, s5;
	s31 =	smul.u32 $0x28000, s5  }
0x8: {  	s19 =	sor.u32 $0x1C02, s19;
	s6 =	sor.u32 s1, s3;
	s3 =	simm.s32 $0x0  }
0x9: {  	s8 =	sshrl.u32 s7, $0x1;
	s30 =	sshrl.u32 s9, $0x2;
	s5 =	sadd.s32 s10, s2  }
0xa: {  	s6 =	smul.u32 $0x2710, s6;
	[smem:$0x7FF] =	sst s3;
	s14 =	ssub.s32 s7, s8  }
0xb: {  	s12 =	sadd.s32 s30, s2;
	s11 =	sadd.s32 s10, s31;
	s20 =	sshrl.u32 s5, $0x3  }
0xc: {  	_ =	strace $0x80000047;
	s7 =	sadd.s32 $0xA00, s12;
	s8 =	sadd.s32 $0xF00, s12  }
0xd: {  	s9 =	sadd.s32 $0x1400, s12;
	s10 =	sadd.s32 $0x1900, s12;
	s15 =	sshrl.u32 s11, $0x3  }
0xe: {  	s11 =	sadd.s32 $0x1E00, s12;
	s14 =	smax.u32 s14, $0x1;
	s6 =	sshrl.u32 s6, $0x3  }
0xf: {  	s13 =	sadd.s32 s13, s15;
	s15 =	simm.s32 $0x2;
	s4 =	sadd.s32 s4, s6  }
0x10: {  	v0 =	vimm.f32 $0.0e+00;
	v1 =	vimm.f32 $1.000000000e+00;
	s6 =	sadd.s32 $0x500, s12;
	s12 =	sadd.s32 $0x2300, s12;
	s4 =	sadd.s32 $0xC240, s4  }
.LBB2_1:
0x11: {  	[tilespmem:s3], [sflag:$0x2] =	stream.linear.gather [hbm4b:s4+s3], $0x2710, $0x38;
	[tilespmem:$0x5410] =	vst v63  }
0x12: {  	_ =	swait.ge [sflag:s15], $0x2710  }
0x13: {  	[sflag:s15] =	ssyncset.done $0x0  }
0x14: {  	s22 =	simm.s32 $0x40;
	s23 =	simm.s32 $0x0;
	[sflag:s15] =	ssyncadd.s32 $0xFFFFD8F0  }
.LBB2_2:
0x15: {  	p0 =	sne.s32 s22, $0x13C0;
	[tilespmem:s23+$0x2710] =	vst v0;
	s23 =	smov.u32 s22;
	s22 =	sadd.s32 $0x40, s22  }
.Ltmp0:
0x16: {  	(pc) =	sbr.rel @p0 .LBB2_2-.Ltmp0, $2  }
0x17: {  	_ =	sdelay $0x2  }
0x18: {  	s23 =	sshra.s32 s23, $0x2  }
0x19: {  	[tilespmem:s23+$0x2710] =	vst v0  }
0x1a: {  	[spmem:s5] =	stream.linear.scatter [tilespmem:s16], [sflag:$0x2], $0x500, $0x38;
	[tilespmem:$0x5410] =	vst v63  }
0x1b: {  	_ =	swait.ge [sflag:s15], $0x500  }
0x1c: {  	[sflag:s15] =	ssyncset.done $0x0  }
0x1d: {  	[sflag:s15] =	ssyncadd.s32 $0xFFFFFB00  }
0x1e: {  	[spmem:s6] =	stream.linear.scatter [tilespmem:s16], [sflag:$0x2], $0x500, $0x38;
	[tilespmem:$0x5410] =	vst v63  }
0x1f: {  	_ =	swait.ge [sflag:s15], $0x500  }
0x20: {  	[sflag:s15] =	ssyncset.done $0x0  }
0x21: {  	[sflag:s15] =	ssyncadd.s32 $0xFFFFFB00  }
0x22: {  	[spmem:s7] =	stream.linear.scatter [tilespmem:s16], [sflag:$0x2], $0x500, $0x38;
	[tilespmem:$0x5410] =	vst v63  }
0x23: {  	_ =	swait.ge [sflag:s15], $0x500  }
0x24: {  	[sflag:s15] =	ssyncset.done $0x0  }
0x25: {  	[sflag:s15] =	ssyncadd.s32 $0xFFFFFB00  }
0x26: {  	[spmem:s8] =	stream.linear.scatter [tilespmem:s16], [sflag:$0x2], $0x500, $0x38;
	[tilespmem:$0x5410] =	vst v63  }
0x27: {  	_ =	swait.ge [sflag:s15], $0x500  }
0x28: {  	[sflag:s15] =	ssyncset.done $0x0  }
0x29: {  	[sflag:s15] =	ssyncadd.s32 $0xFFFFFB00  }
0x2a: {  	[spmem:s9] =	stream.linear.scatter [tilespmem:s16], [sflag:$0x2], $0x500, $0x38;
	[tilespmem:$0x5410] =	vst v63  }
0x2b: {  	_ =	swait.ge [sflag:s15], $0x500  }
0x2c: {  	[sflag:s15] =	ssyncset.done $0x0  }
0x2d: {  	[sflag:s15] =	ssyncadd.s32 $0xFFFFFB00  }
0x2e: {  	[spmem:s10] =	stream.linear.scatter [tilespmem:s16], [sflag:$0x2], $0x500, $0x38;
	[tilespmem:$0x5410] =	vst v63  }
0x2f: {  	_ =	swait.ge [sflag:s15], $0x500  }
0x30: {  	[sflag:s15] =	ssyncset.done $0x0  }
0x31: {  	[sflag:s15] =	ssyncadd.s32 $0xFFFFFB00  }
0x32: {  	[spmem:s11] =	stream.linear.scatter [tilespmem:s16], [sflag:$0x2], $0x500, $0x38;
	[tilespmem:$0x5410] =	vst v63  }
0x33: {  	_ =	swait.ge [sflag:s15], $0x500  }
0x34: {  	[sflag:s15] =	ssyncset.done $0x0  }
0x35: {  	[sflag:s15] =	ssyncadd.s32 $0xFFFFFB00  }
0x36: {  	[spmem:s12] =	stream.linear.scatter [tilespmem:s16], [sflag:$0x2], $0x500, $0x38;
	[tilespmem:$0x5410] =	vst v63  }
0x37: {  	_ =	swait.ge [sflag:s15], $0x500  }
0x38: {  	[sflag:s15] =	ssyncset.done $0x0  }
0x39: {  	s22 =	simm.s32 $0x40;
	s23 =	simm.s32 $0x0;
	[sflag:s15] =	ssyncadd.s32 $0xFFFFFB00  }
.LBB2_4:
0x3a: {  	p0 =	sne.s32 s22, $0x13C0;
	[tilespmem:s23+$0x2710] =	vst v1;
	s23 =	smov.u32 s22;
	s22 =	sadd.s32 $0x40, s22  }
.Ltmp1:
0x3b: {  	(pc) =	sbr.rel @p0 .LBB2_4-.Ltmp1, $2  }
0x3c: {  	_ =	sdelay $0x2  }
0x3d: {  	s23 =	sshra.s32 s23, $0x2  }
0x3e: {  	[tilespmem:s23+$0x2710] =	vst v1  }
0x3f: {  	s22 =	simm.s32 $0x0;
	[bflag:$0x0] =	sbarrier.arrive $0xFFFF  }
.LBB2_6:
0x40: {  	p0 =	sne.s32 s22, $0x9B00  }
.Ltmp2:
0x41: {  	_ = 	snop;
	(pc) =	sbr.rel @p0 .LBB2_6-.Ltmp2, $3  }
0x42: {  	_ =	sdelay $0x1  }
0x43: {  	s23 =	sshra.s32 s22, $0x2;
	s22 =	sadd.s32 $0x140, s22  }
0x44: {  	[spmem:s2] =	stream.indirect.scatter.add.f32 [tilespmem:s16], [sflag:$0x1], $0x10, s23, s17, $0xb8;
	[tilespmem:$0x5410] =	vst v63  }
0x45: {  	_ =	swait.ge [sflag:s18], $0x500  }
0x46: {  	s22 =	simm.s32 $0x7C;
	[sflag:s18] =	ssyncset.done $0x0  }
.LBB2_8:
0x47: {  	p0 =	sne.s32 s22, $0x1;
	s22 =	sadd.s32 $0xFFFFFFFF, s22;
	[sflag:s18] =	ssyncadd.s32 $0xFFFFFB00  }
.Ltmp3:
0x48: {  	(pc) =	sbr.rel @p0 .LBB2_8-.Ltmp3, $3  }
0x49: {  	_ =	sdelay $0x1  }
0x4a: {  	_ =	swait.ge [sflag:s18], $0x500  }
0x4b: {  	[sflag:s18] =	ssyncset.done $0x0  }
0x4c: {  	s21 =	sadd.s32 $0x1, s21  }
0x4d: {  	[sflag:s18] =	ssyncadd.s32 $0xFFFFFB00;
	p0 =	sne.s32 s21, s14  }
.Ltmp4:
0x4e: {  	[bflag:$0x0] =	sbarrier.arrive $0xFFFF;
	(pc) =	sbr.rel @p0 .LBB2_1-.Ltmp4, $4  }
0x4f: {  	[hbm:s13], [sflag:s19] =	dma.local [spmem:s20], $0x500  }
0x50: {  	_ =	swait.ge [sflag:s15], $0x500  }
0x51: {  	[sflag:s15] =	ssyncset.done $0x0  }
0x52: {  	[sflag:s15] =	ssyncadd.s32 $0xFFFFFB00  }
0x53: {  	_ =	sfence.sel $0x180000  }
0x54: {  	[bflag:$0x0] =	sbarrier.arrive $0xFFFF  }
0x55: {  	p0 =	sne.s32 s1, $0x0;
	_ =	strace $0x90000047  }
0x56: {  	s0 =	sadd.s32 @!p0 $0x100000, s0;
	[bflag:$0x2] =	sbarrier.arrive $0xFFFF  }
0x57: {  	[sflag:s0] =	ssyncadd.tile.s32 @!p0 $0x1;
	_ =	shalt  }
.Lfunc_end2:
_tile_overlayer_lowered:
.L_overlay_start_2:
0x58: {  	(tag) =	ssettag $0x2  }
0x59: {  	s0 =	rddreg [dreg:$0x0];
	s2 =	stileid.u32  }
0x5a: {  	s1 =	rddreg [dreg:$0x1];
	p0 =	sne.s32 s2, $0x0  }
0x5b: {  	s3 =	rddreg [dreg:$0x2];
	[bflag:$0x3] =	sbarrier.arrive $0xFFFF;
	s2 =	simm.s32 @!p0 $0x1C02  }
0x5c: {  	[timem:s3], [sflag:s2] =	dma.local @!p0 [hbm:s0], s1  }
0x5d: {  	s0 =	simm.s32 @!p0 $0x2  }
0x5e: {  	_ =	swait.ge @!p0 [sflag:s0], s1  }
0x5f: {  	s1 =	ssub.s32 @!p0 $0x0, s1;
	[sflag:s0] =	ssyncset.done @!p0 $0x0  }
0x60: {  	[sflag:s0] =	ssyncadd.s32 @!p0 s1  }
0x61: {  	[bflag:$0x3] =	sbarrier.arrive $0xFFFF  }
0x62: {  	_ =	shalt  }

</sc_bundles>
